<compile_context>
chip_gen: v7x
topology: tpu7x:2x2x1
jax: 0.10.2.dev20260603
libtpu: 0.0.44.dev20260713+nightly
codegen_flags: <defaults>
</compile_context>

<pallas_src>
import functools

import jax
import jax.numpy as jnp
from jax import lax
from jax.experimental import pallas as pl
from jax.experimental.pallas import tpu as pltpu
from jax.experimental.pallas import tpu_sc as plsc

_B = 8
_C = 3
_H = 224
_W = 224
_T = 16
_F = _C * _H * _W
_ROWS = _C * _H
_NQ = 4
_QROWS = _ROWS // _NQ
_Q = _QROWS * _W
_NP = 21
_P = _Q // _NP
_PROWS = _P // _W
_L = 16
_WVEC = _W // _L
_NVEC = _P // _L


def _quarter_segments(qq):
    segs = []
    r = qq * _QROWS
    end = r + _QROWS
    while r < end:
        c = r // _H
        h0 = r - c * _H
        n = min(_H - h0, end - r)
        segs.append((c, h0, n, r - qq * _QROWS))
        r += n
    return segs


def _spike_body(data_hbm, out_hbm, in_big, fire_v, out_v, sin, sout):
    wid = lax.axis_index("s") * 2 + lax.axis_index("c")
    b = wid >> 2
    q = wid & 3
    qbase = q * _Q
    lanes = lax.iota(jnp.int32, _L)
    zeros = jnp.zeros((_L,), jnp.float32)
    ones = jnp.full((_L,), 1.0, jnp.float32)

    for qq in range(_NQ):
        @pl.when(q == qq)
        def _issue(qq=qq):
            for s, (c, h0, n, lr) in enumerate(_quarter_segments(qq)):
                pltpu.async_copy(
                    data_hbm.at[b, c, pl.ds(h0, n), :],
                    in_big.at[pl.ds(lr, n), :], sin[s])

    for buf in out_v:
        def _zero(i, _, buf=buf):
            for t in range(_T):
                buf[t, pl.ds(i * _L, _L)] = zeros
            return None
        lax.fori_loop(0, _NVEC, _zero, None, unroll=8)

    for qq in range(_NQ):
        @pl.when(q == qq)
        def _drain(qq=qq):
            for s, (c, h0, n, lr) in enumerate(_quarter_segments(qq)):
                pltpu.make_async_copy(
                    data_hbm.at[b, c, pl.ds(h0, n), :],
                    in_big.at[pl.ds(lr, n), :], sin[s]).wait()

    def out_piece(k):
        off = pl.multiple_of(qbase + k * _P, 128)
        return out_hbm.at[b, :, pl.ds(off, _P)]

    def run_piece(k, j, rezero):

        def _vec(i, _):
            col = i * _L + lanes
            if rezero:
                ft_old = fire_v[j][pl.ds(i * _L, _L)]
                plsc.store_scatter(out_v[j], [ft_old, col], zeros)
            r = i // _WVEC
            c16 = i - r * _WVEC
            x = in_big[k * _PROWS + r, pl.ds(c16 * _L, _L)]
            ft = ((1.0 - x) * float(_T - 1)).astype(jnp.int32)
            plsc.store_scatter(out_v[j], [ft, col], ones)
            fire_v[j][pl.ds(i * _L, _L)] = ft
            return None

        lax.fori_loop(0, _NVEC, _vec, None, unroll=7)
        pltpu.async_copy(out_v[j], out_piece(k), sout[j])

    def wait_piece(k, j):
        pltpu.make_async_copy(out_v[j], out_piece(k), sout[j]).wait()

    run_piece(0, 0, rezero=False)
    run_piece(1, 1, rezero=False)

    @pl.loop(1, _NP // 2)
    def _pair(m):
        k = 2 * m
        wait_piece(k - 2, 0)
        run_piece(k, 0, rezero=True)
        wait_piece(k - 1, 1)
        run_piece(k + 1, 1, rezero=True)

    wait_piece(_NP - 3, 0)
    run_piece(_NP - 1, 0, rezero=True)
    wait_piece(_NP - 2, 1)
    wait_piece(_NP - 1, 0)


_spike_kernel = functools.partial(
    pl.kernel,
    out_type=jax.ShapeDtypeStruct((_B, _T, _F), jnp.float32),
    mesh=plsc.VectorSubcoreMesh(core_axis_name="c", subcore_axis_name="s"),
    scratch_types=[
        pltpu.VMEM((_QROWS, _W), jnp.float32),
        [pltpu.VMEM((_P,), jnp.int32) for _ in range(2)],
        [pltpu.VMEM((_T, _P), jnp.float32) for _ in range(2)],
        [pltpu.SemaphoreType.DMA for _ in range(2)],
        [pltpu.SemaphoreType.DMA for _ in range(2)],
    ],
    compiler_params=pltpu.CompilerParams(needs_layout_passes=False),
)(_spike_body)


@jax.jit
def kernel(data):
    return _spike_kernel(data)

# --- scband reference (transcript-rebuilt; emitter-appended) ---
"""Pipeline reference for scband-universal-spike-encoder-41274635715352 (READ-ONLY COPY).

The authoritative reference and input builder live on the scoring server;
editing this copy changes nothing except your own understanding.
"""

import jax, jax.numpy as jnp
import numpy as np

TIME_STEPS = 16


def setup_inputs(seed: int = 0) -> dict:
    key = jax.random.key(seed)
    data = jax.random.uniform(key, (8, 3, 224, 224), dtype=jnp.float32)
    return {"data": data}


def reference(data):
    # UniversalSpikeEncoder.encode(data, modality='image', method='latency')
    B = data.shape[0]
    flat = data.reshape(B, -1)
    # if flat.max() > 1.0: flat = flat / (flat.max() + 1e-8)
    mx = jnp.max(flat)
    flat = jnp.where(mx > 1.0, flat / (mx + 1e-8), flat)
    T = TIME_STEPS
    F = flat.shape[1]
    fire_times = ((1.0 - flat) * (T - 1)).astype(jnp.int32)
    fire_times = jnp.clip(fire_times, 0, T - 1)
    batch_indices = jnp.broadcast_to(jnp.arange(B, dtype=jnp.int32)[:, None], (B, F))
    feature_indices = jnp.broadcast_to(jnp.arange(F, dtype=jnp.int32)[None, :], (B, F))
    spikes = jnp.zeros((B, T, F), dtype=jnp.float32)
    # scatter-overwrite: spikes[batch_indices, fire_times, feature_indices] = 1.0
    spikes = spikes.at[batch_indices, fire_times, feature_indices].set(1.0)
    return spikes

if __name__ == "__main__":
    import jax
    _d = setup_inputs()
    print(jax.jit(kernel)(*tuple(_d.values())))

</pallas_src>

<mosaic_0001>
#map = affine_map<(d0, d1) -> (0, 0, 0, 0)>
#map1 = affine_map<(d0, d1) -> (0, 0, 0)>
module attributes {stable_mosaic.version = 14 : i64} {
  func.func @_spike_body(%arg0: i32, %arg1: i32, %arg2: memref<8x3x224x224xf32, #tpu.memory_space<hbm>>, %arg3: memref<8x16x150528xf32, #tpu.memory_space<hbm>>, %arg4: memref<168x224xf32, #tpu.memory_space<vmem>>, %arg5: memref<1792xi32, #tpu.memory_space<vmem>>, %arg6: memref<1792xi32, #tpu.memory_space<vmem>>, %arg7: memref<16x1792xf32, #tpu.memory_space<vmem>>, %arg8: memref<16x1792xf32, #tpu.memory_space<vmem>>, %arg9: memref<!tpu.dma_semaphore, #tpu.memory_space<semaphore_mem>>, %arg10: memref<!tpu.dma_semaphore, #tpu.memory_space<semaphore_mem>>, %arg11: memref<!tpu.dma_semaphore, #tpu.memory_space<semaphore_mem>>, %arg12: memref<!tpu.dma_semaphore, #tpu.memory_space<semaphore_mem>>) attributes {dimension_semantics = [#tpu.dimension_semantics<core_parallel>, #tpu.dimension_semantics<subcore_parallel>], iteration_bounds = array<i64: 2, 16>, scalar_prefetch = 0 : i64, scratch_operands = 9 : i64, tpu.core_type = #tpu.core_type<sc_vector_subcore>, window_params = [{transform_indices = #map}, {transform_indices = #map1}]} {
    %mul3A = arith.constant 2 : i32
    %mul3A_0 = arith.muli %arg1, %mul3A : i32
    %add3A = arith.addi %mul3A_0, %arg0 : i32
    %shift_right_arithmetic3A = arith.constant 2 : i32
    %shift_right_arithmetic3A_1 = arith.shrsi %add3A, %shift_right_arithmetic3A : i32
    %and3A = arith.constant 3 : i32
    %and3A_2 = arith.andi %add3A, %and3A : i32
    %mul3A_3 = arith.constant 37632 : i32
    %mul3A_4 = arith.muli %and3A_2, %mul3A_3 : i32
    %iota3A = tpu.iota {dimensions = array<i32: 0>} : vector<16xi32>
    %broadcast_in_dim3A = arith.constant 0.000000e+00 : f32
    %broadcast_in_dim3A_5 = vector.broadcast %broadcast_in_dim3A : f32 to vector<16xf32>
    %broadcast_in_dim3A_6 = arith.constant 1.000000e+00 : f32
    %broadcast_in_dim3A_7 = vector.broadcast %broadcast_in_dim3A_6 : f32 to vector<16xf32>
    %eq3A = arith.constant 0 : i32
    %eq3A_8 = arith.cmpi eq, %and3A_2, %eq3A : i32
    %convert_element_type3A = arith.extui %eq3A_8 : i1 to i32
    %cond3A = arith.constant 0 : i32
    %cond3A_9 = arith.cmpi ne, %convert_element_type3A, %cond3A : i32
    scf.if %cond3A_9 {
      %dma_start3A_125 = arith.constant 0 : i32
      %dma_start3A_126 = arith.constant 0 : i32
      %dma_start3A_127 = arith.constant 0 : i32
      %dma_start3A_128 = tpu.memref_slice %arg4[%dma_start3A_126, %dma_start3A_127] : memref<168x224xf32, #tpu.memory_space<vmem>> -> memref<168x224xf32, #tpu.memory_space<vmem>>
      %dma_start3A_129 = arith.constant 0 : i32
      %dma_start3A_130 = arith.constant 0 : i32
      %dma_start3A_131 = tpu.memref_slice %arg2[%shift_right_arithmetic3A_1, %dma_start3A_125, %dma_start3A_129, %dma_start3A_130] : memref<8x3x224x224xf32, #tpu.memory_space<hbm>> -> memref<1x1x168x224xf32, #tpu.memory_space<hbm>>
      %dma_start3A_132 = tpu.memref_squeeze %dma_start3A_131 : memref<1x1x168x224xf32, #tpu.memory_space<hbm>> -> memref<168x224xf32, #tpu.memory_space<hbm>>
      %dma_start3A_133 = arith.constant 0 : i32
      %dma_start3A_134 = arith.constant 0 : i32
      %dma_start3A_135 = tpu.memref_slice %arg4[%dma_start3A_133, %dma_start3A_134] : memref<168x224xf32, #tpu.memory_space<vmem>> -> memref<168x224xf32, #tpu.memory_space<vmem>>
      %dma_start3A_136 = arith.constant 0 : i32
      %dma_start3A_137 = arith.constant 0 : i32
      %dma_start3A_138 = tpu.memref_slice %arg2[%shift_right_arithmetic3A_1, %dma_start3A_125, %dma_start3A_136, %dma_start3A_137] : memref<8x3x224x224xf32, #tpu.memory_space<hbm>> -> memref<1x1x168x224xf32, #tpu.memory_space<hbm>>
      %dma_start3A_139 = tpu.memref_squeeze %dma_start3A_138 : memref<1x1x168x224xf32, #tpu.memory_space<hbm>> -> memref<168x224xf32, #tpu.memory_space<hbm>>
      tpu.enqueue_dma source(%dma_start3A_139 : memref<168x224xf32, #tpu.memory_space<hbm>>) target(%dma_start3A_135 : memref<168x224xf32, #tpu.memory_space<vmem>>) target_semaphore(%arg9 : memref<!tpu.dma_semaphore, #tpu.memory_space<semaphore_mem>>)
    } else {
    }
    %eq3A_10 = arith.constant 1 : i32
    %eq3A_11 = arith.cmpi eq, %and3A_2, %eq3A_10 : i32
    %convert_element_type3A_12 = arith.extui %eq3A_11 : i1 to i32
    %cond3A_13 = arith.constant 0 : i32
    %cond3A_14 = arith.cmpi ne, %convert_element_type3A_12, %cond3A_13 : i32
    scf.if %cond3A_14 {
      %dma_start3A_125 = arith.constant 0 : i32
      %dma_start3A_126 = arith.constant 0 : i32
      %dma_start3A_127 = arith.constant 0 : i32
      %dma_start3A_128 = tpu.memref_slice %arg4[%dma_start3A_126, %dma_start3A_127] : memref<168x224xf32, #tpu.memory_space<vmem>> -> memref<56x224xf32, #tpu.memory_space<vmem>>
      %dma_start3A_129 = arith.constant 168 : i32
      %dma_start3A_130 = arith.constant 0 : i32
      %dma_start3A_131 = tpu.memref_slice %arg2[%shift_right_arithmetic3A_1, %dma_start3A_125, %dma_start3A_129, %dma_start3A_130] : memref<8x3x224x224xf32, #tpu.memory_space<hbm>> -> memref<1x1x56x224xf32, #tpu.memory_space<hbm>>
      %dma_start3A_132 = tpu.memref_squeeze %dma_start3A_131 : memref<1x1x56x224xf32, #tpu.memory_space<hbm>> -> memref<56x224xf32, #tpu.memory_space<hbm>>
      %dma_start3A_133 = arith.constant 0 : i32
      %dma_start3A_134 = arith.constant 0 : i32
      %dma_start3A_135 = tpu.memref_slice %arg4[%dma_start3A_133, %dma_start3A_134] : memref<168x224xf32, #tpu.memory_space<vmem>> -> memref<56x224xf32, #tpu.memory_space<vmem>>
      %dma_start3A_136 = arith.constant 168 : i32
      %dma_start3A_137 = arith.constant 0 : i32
      %dma_start3A_138 = tpu.memref_slice %arg2[%shift_right_arithmetic3A_1, %dma_start3A_125, %dma_start3A_136, %dma_start3A_137] : memref<8x3x224x224xf32, #tpu.memory_space<hbm>> -> memref<1x1x56x224xf32, #tpu.memory_space<hbm>>
      %dma_start3A_139 = tpu.memref_squeeze %dma_start3A_138 : memref<1x1x56x224xf32, #tpu.memory_space<hbm>> -> memref<56x224xf32, #tpu.memory_space<hbm>>
      tpu.enqueue_dma source(%dma_start3A_139 : memref<56x224xf32, #tpu.memory_space<hbm>>) target(%dma_start3A_135 : memref<56x224xf32, #tpu.memory_space<vmem>>) target_semaphore(%arg9 : memref<!tpu.dma_semaphore, #tpu.memory_space<semaphore_mem>>)
      %dma_start3A_140 = arith.constant 1 : i32
      %dma_start3A_141 = arith.constant 56 : i32
      %dma_start3A_142 = arith.constant 0 : i32
      %dma_start3A_143 = tpu.memref_slice %arg4[%dma_start3A_141, %dma_start3A_142] : memref<168x224xf32, #tpu.memory_space<vmem>> -> memref<112x224xf32, #tpu.memory_space<vmem>>
      %dma_start3A_144 = arith.constant 0 : i32
      %dma_start3A_145 = arith.constant 0 : i32
      %dma_start3A_146 = tpu.memref_slice %arg2[%shift_right_arithmetic3A_1, %dma_start3A_140, %dma_start3A_144, %dma_start3A_145] : memref<8x3x224x224xf32, #tpu.memory_space<hbm>> -> memref<1x1x112x224xf32, #tpu.memory_space<hbm>>
      %dma_start3A_147 = tpu.memref_squeeze %dma_start3A_146 : memref<1x1x112x224xf32, #tpu.memory_space<hbm>> -> memref<112x224xf32, #tpu.memory_space<hbm>>
      %dma_start3A_148 = arith.constant 56 : i32
      %dma_start3A_149 = arith.constant 0 : i32
      %dma_start3A_150 = tpu.memref_slice %arg4[%dma_start3A_148, %dma_start3A_149] : memref<168x224xf32, #tpu.memory_space<vmem>> -> memref<112x224xf32, #tpu.memory_space<vmem>>
      %dma_start3A_151 = arith.constant 0 : i32
      %dma_start3A_152 = arith.constant 0 : i32
      %dma_start3A_153 = tpu.memref_slice %arg2[%shift_right_arithmetic3A_1, %dma_start3A_140, %dma_start3A_151, %dma_start3A_152] : memref<8x3x224x224xf32, #tpu.memory_space<hbm>> -> memref<1x1x112x224xf32, #tpu.memory_space<hbm>>
      %dma_start3A_154 = tpu.memref_squeeze %dma_start3A_153 : memref<1x1x112x224xf32, #tpu.memory_space<hbm>> -> memref<112x224xf32, #tpu.memory_space<hbm>>
      tpu.enqueue_dma source(%dma_start3A_154 : memref<112x224xf32, #tpu.memory_space<hbm>>) target(%dma_start3A_150 : memref<112x224xf32, #tpu.memory_space<vmem>>) target_semaphore(%arg10 : memref<!tpu.dma_semaphore, #tpu.memory_space<semaphore_mem>>)
    } else {
    }
    %eq3A_15 = arith.constant 2 : i32
    %eq3A_16 = arith.cmpi eq, %and3A_2, %eq3A_15 : i32
    %convert_element_type3A_17 = arith.extui %eq3A_16 : i1 to i32
    %cond3A_18 = arith.constant 0 : i32
    %cond3A_19 = arith.cmpi ne, %convert_element_type3A_17, %cond3A_18 : i32
    scf.if %cond3A_19 {
      %dma_start3A_125 = arith.constant 1 : i32
      %dma_start3A_126 = arith.constant 0 : i32
      %dma_start3A_127 = arith.constant 0 : i32
      %dma_start3A_128 = tpu.memref_slice %arg4[%dma_start3A_126, %dma_start3A_127] : memref<168x224xf32, #tpu.memory_space<vmem>> -> memref<112x224xf32, #tpu.memory_space<vmem>>
      %dma_start3A_129 = arith.constant 112 : i32
      %dma_start3A_130 = arith.constant 0 : i32
      %dma_start3A_131 = tpu.memref_slice %arg2[%shift_right_arithmetic3A_1, %dma_start3A_125, %dma_start3A_129, %dma_start3A_130] : memref<8x3x224x224xf32, #tpu.memory_space<hbm>> -> memref<1x1x112x224xf32, #tpu.memory_space<hbm>>
      %dma_start3A_132 = tpu.memref_squeeze %dma_start3A_131 : memref<1x1x112x224xf32, #tpu.memory_space<hbm>> -> memref<112x224xf32, #tpu.memory_space<hbm>>
      %dma_start3A_133 = arith.constant 0 : i32
      %dma_start3A_134 = arith.constant 0 : i32
      %dma_start3A_135 = tpu.memref_slice %arg4[%dma_start3A_133, %dma_start3A_134] : memref<168x224xf32, #tpu.memory_space<vmem>> -> memref<112x224xf32, #tpu.memory_space<vmem>>
      %dma_start3A_136 = arith.constant 112 : i32
      %dma_start3A_137 = arith.constant 0 : i32
      %dma_start3A_138 = tpu.memref_slice %arg2[%shift_right_arithmetic3A_1, %dma_start3A_125, %dma_start3A_136, %dma_start3A_137] : memref<8x3x224x224xf32, #tpu.memory_space<hbm>> -> memref<1x1x112x224xf32, #tpu.memory_space<hbm>>
      %dma_start3A_139 = tpu.memref_squeeze %dma_start3A_138 : memref<1x1x112x224xf32, #tpu.memory_space<hbm>> -> memref<112x224xf32, #tpu.memory_space<hbm>>
      tpu.enqueue_dma source(%dma_start3A_139 : memref<112x224xf32, #tpu.memory_space<hbm>>) target(%dma_start3A_135 : memref<112x224xf32, #tpu.memory_space<vmem>>) target_semaphore(%arg9 : memref<!tpu.dma_semaphore, #tpu.memory_space<semaphore_mem>>)
      %dma_start3A_140 = arith.constant 2 : i32
      %dma_start3A_141 = arith.constant 112 : i32
      %dma_start3A_142 = arith.constant 0 : i32
      %dma_start3A_143 = tpu.memref_slice %arg4[%dma_start3A_141, %dma_start3A_142] : memref<168x224xf32, #tpu.memory_space<vmem>> -> memref<56x224xf32, #tpu.memory_space<vmem>>
      %dma_start3A_144 = arith.constant 0 : i32
      %dma_start3A_145 = arith.constant 0 : i32
      %dma_start3A_146 = tpu.memref_slice %arg2[%shift_right_arithmetic3A_1, %dma_start3A_140, %dma_start3A_144, %dma_start3A_145] : memref<8x3x224x224xf32, #tpu.memory_space<hbm>> -> memref<1x1x56x224xf32, #tpu.memory_space<hbm>>
      %dma_start3A_147 = tpu.memref_squeeze %dma_start3A_146 : memref<1x1x56x224xf32, #tpu.memory_space<hbm>> -> memref<56x224xf32, #tpu.memory_space<hbm>>
      %dma_start3A_148 = arith.constant 112 : i32
      %dma_start3A_149 = arith.constant 0 : i32
      %dma_start3A_150 = tpu.memref_slice %arg4[%dma_start3A_148, %dma_start3A_149] : memref<168x224xf32, #tpu.memory_space<vmem>> -> memref<56x224xf32, #tpu.memory_space<vmem>>
      %dma_start3A_151 = arith.constant 0 : i32
      %dma_start3A_152 = arith.constant 0 : i32
      %dma_start3A_153 = tpu.memref_slice %arg2[%shift_right_arithmetic3A_1, %dma_start3A_140, %dma_start3A_151, %dma_start3A_152] : memref<8x3x224x224xf32, #tpu.memory_space<hbm>> -> memref<1x1x56x224xf32, #tpu.memory_space<hbm>>
      %dma_start3A_154 = tpu.memref_squeeze %dma_start3A_153 : memref<1x1x56x224xf32, #tpu.memory_space<hbm>> -> memref<56x224xf32, #tpu.memory_space<hbm>>
      tpu.enqueue_dma source(%dma_start3A_154 : memref<56x224xf32, #tpu.memory_space<hbm>>) target(%dma_start3A_150 : memref<56x224xf32, #tpu.memory_space<vmem>>) target_semaphore(%arg10 : memref<!tpu.dma_semaphore, #tpu.memory_space<semaphore_mem>>)
    } else {
    }
    %eq3A_20 = arith.constant 3 : i32
    %eq3A_21 = arith.cmpi eq, %and3A_2, %eq3A_20 : i32
    %convert_element_type3A_22 = arith.extui %eq3A_21 : i1 to i32
    %cond3A_23 = arith.constant 0 : i32
    %cond3A_24 = arith.cmpi ne, %convert_element_type3A_22, %cond3A_23 : i32
    scf.if %cond3A_24 {
      %dma_start3A_125 = arith.constant 2 : i32
      %dma_start3A_126 = arith.constant 0 : i32
      %dma_start3A_127 = arith.constant 0 : i32
      %dma_start3A_128 = tpu.memref_slice %arg4[%dma_start3A_126, %dma_start3A_127] : memref<168x224xf32, #tpu.memory_space<vmem>> -> memref<168x224xf32, #tpu.memory_space<vmem>>
      %dma_start3A_129 = arith.constant 56 : i32
      %dma_start3A_130 = arith.constant 0 : i32
      %dma_start3A_131 = tpu.memref_slice %arg2[%shift_right_arithmetic3A_1, %dma_start3A_125, %dma_start3A_129, %dma_start3A_130] : memref<8x3x224x224xf32, #tpu.memory_space<hbm>> -> memref<1x1x168x224xf32, #tpu.memory_space<hbm>>
      %dma_start3A_132 = tpu.memref_squeeze %dma_start3A_131 : memref<1x1x168x224xf32, #tpu.memory_space<hbm>> -> memref<168x224xf32, #tpu.memory_space<hbm>>
      %dma_start3A_133 = arith.constant 0 : i32
      %dma_start3A_134 = arith.constant 0 : i32
      %dma_start3A_135 = tpu.memref_slice %arg4[%dma_start3A_133, %dma_start3A_134] : memref<168x224xf32, #tpu.memory_space<vmem>> -> memref<168x224xf32, #tpu.memory_space<vmem>>
      %dma_start3A_136 = arith.constant 56 : i32
      %dma_start3A_137 = arith.constant 0 : i32
      %dma_start3A_138 = tpu.memref_slice %arg2[%shift_right_arithmetic3A_1, %dma_start3A_125, %dma_start3A_136, %dma_start3A_137] : memref<8x3x224x224xf32, #tpu.memory_space<hbm>> -> memref<1x1x168x224xf32, #tpu.memory_space<hbm>>
      %dma_start3A_139 = tpu.memref_squeeze %dma_start3A_138 : memref<1x1x168x224xf32, #tpu.memory_space<hbm>> -> memref<168x224xf32, #tpu.memory_space<hbm>>
      tpu.enqueue_dma source(%dma_start3A_139 : memref<168x224xf32, #tpu.memory_space<hbm>>) target(%dma_start3A_135 : memref<168x224xf32, #tpu.memory_space<vmem>>) target_semaphore(%arg9 : memref<!tpu.dma_semaphore, #tpu.memory_space<semaphore_mem>>)
    } else {
    }
    %scan3A = arith.constant 0 : i32
    %scan3A_25 = arith.constant 112 : i32
    %scan3A_26 = arith.addi %scan3A, %scan3A_25 : i32
    %scan3A_27 = arith.constant 8 : i32
    scf.for %scan3A_125 = %scan3A to %scan3A_26 step %scan3A_27  : i32 {
      %mul3A_126 = arith.constant 16 : i32
      %mul3A_127 = arith.muli %scan3A_125, %mul3A_126 : i32
      %swap3A = arith.constant 0 : i32
      %swap3A_128 = arith.index_cast %swap3A : i32 to index
      %swap3A_129 = arith.index_cast %mul3A_127 : i32 to index
      %swap3A_130 = tpu.vector_load %arg7[%swap3A_128, %swap3A_129] {strides = array<i32>} : memref<16x1792xf32, #tpu.memory_space<vmem>>, vector<16xf32>,
      tpu.vector_store %arg7[%swap3A_128, %swap3A_129], %broadcast_in_dim3A_5 {strides = array<i32>} : memref<16x1792xf32, #tpu.memory_space<vmem>>, vector<16xf32>,
      %mul3A_131 = arith.constant 16 : i32
      %mul3A_132 = arith.muli %scan3A_125, %mul3A_131 : i32
      %swap3A_133 = arith.constant 1 : i32
      %swap3A_134 = arith.index_cast %swap3A_133 : i32 to index
      %swap3A_135 = arith.index_cast %mul3A_132 : i32 to index
      %swap3A_136 = tpu.vector_load %arg7[%swap3A_134, %swap3A_135] {strides = array<i32>} : memref<16x1792xf32, #tpu.memory_space<vmem>>, vector<16xf32>,
      tpu.vector_store %arg7[%swap3A_134, %swap3A_135], %broadcast_in_dim3A_5 {strides = array<i32>} : memref<16x1792xf32, #tpu.memory_space<vmem>>, vector<16xf32>,
      %mul3A_137 = arith.constant 16 : i32
      %mul3A_138 = arith.muli %scan3A_125, %mul3A_137 : i32
      %swap3A_139 = arith.constant 2 : i32
      %swap3A_140 = arith.index_cast %swap3A_139 : i32 to index
      %swap3A_141 = arith.index_cast %mul3A_138 : i32 to index
      %swap3A_142 = tpu.vector_load %arg7[%swap3A_140, %swap3A_141] {strides = array<i32>} : memref<16x1792xf32, #tpu.memory_space<vmem>>, vector<16xf32>,
      tpu.vector_store %arg7[%swap3A_140, %swap3A_141], %broadcast_in_dim3A_5 {strides = array<i32>} : memref<16x1792xf32, #tpu.memory_space<vmem>>, vector<16xf32>,
      %mul3A_143 = arith.constant 16 : i32
      %mul3A_144 = arith.muli %scan3A_125, %mul3A_143 : i32
      %swap3A_145 = arith.constant 3 : i32
      %swap3A_146 = arith.index_cast %swap3A_145 : i32 to index
      %swap3A_147 = arith.index_cast %mul3A_144 : i32 to index
      %swap3A_148 = tpu.vector_load %arg7[%swap3A_146, %swap3A_147] {strides = array<i32>} : memref<16x1792xf32, #tpu.memory_space<vmem>>, vector<16xf32>,
      tpu.vector_store %arg7[%swap3A_146, %swap3A_147], %broadcast_in_dim3A_5 {strides = array<i32>} : memref<16x1792xf32, #tpu.memory_space<vmem>>, vector<16xf32>,
      %mul3A_149 = arith.constant 16 : i32
      %mul3A_150 = arith.muli %scan3A_125, %mul3A_149 : i32
      %swap3A_151 = arith.constant 4 : i32
      %swap3A_152 = arith.index_cast %swap3A_151 : i32 to index
      %swap3A_153 = arith.index_cast %mul3A_150 : i32 to index
      %swap3A_154 = tpu.vector_load %arg7[%swap3A_152, %swap3A_153] {strides = array<i32>} : memref<16x1792xf32, #tpu.memory_space<vmem>>, vector<16xf32>,
      tpu.vector_store %arg7[%swap3A_152, %swap3A_153], %broadcast_in_dim3A_5 {strides = array<i32>} : memref<16x1792xf32, #tpu.memory_space<vmem>>, vector<16xf32>,
      %mul3A_155 = arith.constant 16 : i32
      %mul3A_156 = arith.muli %scan3A_125, %mul3A_155 : i32
      %swap3A_157 = arith.constant 5 : i32
      %swap3A_158 = arith.index_cast %swap3A_157 : i32 to index
      %swap3A_159 = arith.index_cast %mul3A_156 : i32 to index
      %swap3A_160 = tpu.vector_load %arg7[%swap3A_158, %swap3A_159] {strides = array<i32>} : memref<16x1792xf32, #tpu.memory_space<vmem>>, vector<16xf32>,
      tpu.vector_store %arg7[%swap3A_158, %swap3A_159], %broadcast_in_dim3A_5 {strides = array<i32>} : memref<16x1792xf32, #tpu.memory_space<vmem>>, vector<16xf32>,
      %mul3A_161 = arith.constant 16 : i32
      %mul3A_162 = arith.muli %scan3A_125, %mul3A_161 : i32
      %swap3A_163 = arith.constant 6 : i32
      %swap3A_164 = arith.index_cast %swap3A_163 : i32 to index
      %swap3A_165 = arith.index_cast %mul3A_162 : i32 to index
      %swap3A_166 = tpu.vector_load %arg7[%swap3A_164, %swap3A_165] {strides = array<i32>} : memref<16x1792xf32, #tpu.memory_space<vmem>>, vector<16xf32>,
      tpu.vector_store %arg7[%swap3A_164, %swap3A_165], %broadcast_in_dim3A_5 {strides = array<i32>} : memref<16x1792xf32, #tpu.memory_space<vmem>>, vector<16xf32>,
      %mul3A_167 = arith.constant 16 : i32
      %mul3A_168 = arith.muli %scan3A_125, %mul3A_167 : i32
      %swap3A_169 = arith.constant 7 : i32
      %swap3A_170 = arith.index_cast %swap3A_169 : i32 to index
      %swap3A_171 = arith.index_cast %mul3A_168 : i32 to index
      %swap3A_172 = tpu.vector_load %arg7[%swap3A_170, %swap3A_171] {strides = array<i32>} : memref<16x1792xf32, #tpu.memory_space<vmem>>, vector<16xf32>,
      tpu.vector_store %arg7[%swap3A_170, %swap3A_171], %broadcast_in_dim3A_5 {strides = array<i32>} : memref<16x1792xf32, #tpu.memory_space<vmem>>, vector<16xf32>,
      %mul3A_173 = arith.constant 16 : i32
      %mul3A_174 = arith.muli %scan3A_125, %mul3A_173 : i32
      %swap3A_175 = arith.constant 8 : i32
      %swap3A_176 = arith.index_cast %swap3A_175 : i32 to index
      %swap3A_177 = arith.index_cast %mul3A_174 : i32 to index
      %swap3A_178 = tpu.vector_load %arg7[%swap3A_176, %swap3A_177] {strides = array<i32>} : memref<16x1792xf32, #tpu.memory_space<vmem>>, vector<16xf32>,
      tpu.vector_store %arg7[%swap3A_176, %swap3A_177], %broadcast_in_dim3A_5 {strides = array<i32>} : memref<16x1792xf32, #tpu.memory_space<vmem>>, vector<16xf32>,
      %mul3A_179 = arith.constant 16 : i32
      %mul3A_180 = arith.muli %scan3A_125, %mul3A_179 : i32
      %swap3A_181 = arith.constant 9 : i32
      %swap3A_182 = arith.index_cast %swap3A_181 : i32 to index
      %swap3A_183 = arith.index_cast %mul3A_180 : i32 to index
      %swap3A_184 = tpu.vector_load %arg7[%swap3A_182, %swap3A_183] {strides = array<i32>} : memref<16x1792xf32, #tpu.memory_space<vmem>>, vector<16xf32>,
      tpu.vector_store %arg7[%swap3A_182, %swap3A_183], %broadcast_in_dim3A_5 {strides = array<i32>} : memref<16x1792xf32, #tpu.memory_space<vmem>>, vector<16xf32>,
      %mul3A_185 = arith.constant 16 : i32
      %mul3A_186 = arith.muli %scan3A_125, %mul3A_185 : i32
      %swap3A_187 = arith.constant 10 : i32
      %swap3A_188 = arith.index_cast %swap3A_187 : i32 to index
      %swap3A_189 = arith.index_cast %mul3A_186 : i32 to index
      %swap3A_190 = tpu.vector_load %arg7[%swap3A_188, %swap3A_189] {strides = array<i32>} : memref<16x1792xf32, #tpu.memory_space<vmem>>, vector<16xf32>,
      tpu.vector_store %arg7[%swap3A_188, %swap3A_189], %broadcast_in_dim3A_5 {strides = array<i32>} : memref<16x1792xf32, #tpu.memory_space<vmem>>, vector<16xf32>,
      %mul3A_191 = arith.constant 16 : i32
      %mul3A_192 = arith.muli %scan3A_125, %mul3A_191 : i32
      %swap3A_193 = arith.constant 11 : i32
      %swap3A_194 = arith.index_cast %swap3A_193 : i32 to index
      %swap3A_195 = arith.index_cast %mul3A_192 : i32 to index
      %swap3A_196 = tpu.vector_load %arg7[%swap3A_194, %swap3A_195] {strides = array<i32>} : memref<16x1792xf32, #tpu.memory_space<vmem>>, vector<16xf32>,
      tpu.vector_store %arg7[%swap3A_194, %swap3A_195], %broadcast_in_dim3A_5 {strides = array<i32>} : memref<16x1792xf32, #tpu.memory_space<vmem>>, vector<16xf32>,
      %mul3A_197 = arith.constant 16 : i32
      %mul3A_198 = arith.muli %scan3A_125, %mul3A_197 : i32
      %swap3A_199 = arith.constant 12 : i32
      %swap3A_200 = arith.index_cast %swap3A_199 : i32 to index
      %swap3A_201 = arith.index_cast %mul3A_198 : i32 to index
      %swap3A_202 = tpu.vector_load %arg7[%swap3A_200, %swap3A_201] {strides = array<i32>} : memref<16x1792xf32, #tpu.memory_space<vmem>>, vector<16xf32>,
      tpu.vector_store %arg7[%swap3A_200, %swap3A_201], %broadcast_in_dim3A_5 {strides = array<i32>} : memref<16x1792xf32, #tpu.memory_space<vmem>>, vector<16xf32>,
      %mul3A_203 = arith.constant 16 : i32
      %mul3A_204 = arith.muli %scan3A_125, %mul3A_203 : i32
      %swap3A_205 = arith.constant 13 : i32
      %swap3A_206 = arith.index_cast %swap3A_205 : i32 to index
      %swap3A_207 = arith.index_cast %mul3A_204 : i32 to index
      %swap3A_208 = tpu.vector_load %arg7[%swap3A_206, %swap3A_207] {strides = array<i32>} : memref<16x1792xf32, #tpu.memory_space<vmem>>, vector<16xf32>,
      tpu.vector_store %arg7[%swap3A_206, %swap3A_207], %broadcast_in_dim3A_5 {strides = array<i32>} : memref<16x1792xf32, #tpu.memory_space<vmem>>, vector<16xf32>,
      %mul3A_209 = arith.constant 16 : i32
      %mul3A_210 = arith.muli %scan3A_125, %mul3A_209 : i32
      %swap3A_211 = arith.constant 14 : i32
      %swap3A_212 = arith.index_cast %swap3A_211 : i32 to index
      %swap3A_213 = arith.index_cast %mul3A_210 : i32 to index
      %swap3A_214 = tpu.vector_load %arg7[%swap3A_212, %swap3A_213] {strides = array<i32>} : memref<16x1792xf32, #tpu.memory_space<vmem>>, vector<16xf32>,
      tpu.vector_store %arg7[%swap3A_212, %swap3A_213], %broadcast_in_dim3A_5 {strides = array<i32>} : memref<16x1792xf32, #tpu.memory_space<vmem>>, vector<16xf32>,
      %mul3A_215 = arith.constant 16 : i32
      %mul3A_216 = arith.muli %scan3A_125, %mul3A_215 : i32
      %swap3A_217 = arith.constant 15 : i32
      %swap3A_218 = arith.index_cast %swap3A_217 : i32 to index
      %swap3A_219 = arith.index_cast %mul3A_216 : i32 to index
      %swap3A_220 = tpu.vector_load %arg7[%swap3A_218, %swap3A_219] {strides = array<i32>} : memref<16x1792xf32, #tpu.memory_space<vmem>>, vector<16xf32>,
      tpu.vector_store %arg7[%swap3A_218, %swap3A_219], %broadcast_in_dim3A_5 {strides = array<i32>} : memref<16x1792xf32, #tpu.memory_space<vmem>>, vector<16xf32>,
      %scan3A_221 = arith.constant 1 : i32
      %scan3A_222 = arith.addi %scan3A_125, %scan3A_221 : i32
      %mul3A_223 = arith.constant 16 : i32
      %mul3A_224 = arith.muli %scan3A_222, %mul3A_223 : i32
      %swap3A_225 = arith.constant 0 : i32
      %swap3A_226 = arith.index_cast %swap3A_225 : i32 to index
      %swap3A_227 = arith.index_cast %mul3A_224 : i32 to index
      %swap3A_228 = tpu.vector_load %arg7[%swap3A_226, %swap3A_227] {strides = array<i32>} : memref<16x1792xf32, #tpu.memory_space<vmem>>, vector<16xf32>,
      tpu.vector_store %arg7[%swap3A_226, %swap3A_227], %broadcast_in_dim3A_5 {strides = array<i32>} : memref<16x1792xf32, #tpu.memory_space<vmem>>, vector<16xf32>,
      %mul3A_229 = arith.constant 16 : i32
      %mul3A_230 = arith.muli %scan3A_222, %mul3A_229 : i32
      %swap3A_231 = arith.constant 1 : i32
      %swap3A_232 = arith.index_cast %swap3A_231 : i32 to index
      %swap3A_233 = arith.index_cast %mul3A_230 : i32 to index
      %swap3A_234 = tpu.vector_load %arg7[%swap3A_232, %swap3A_233] {strides = array<i32>} : memref<16x1792xf32, #tpu.memory_space<vmem>>, vector<16xf32>,
      tpu.vector_store %arg7[%swap3A_232, %swap3A_233], %broadcast_in_dim3A_5 {strides = array<i32>} : memref<16x1792xf32, #tpu.memory_space<vmem>>, vector<16xf32>,
      %mul3A_235 = arith.constant 16 : i32
      %mul3A_236 = arith.muli %scan3A_222, %mul3A_235 : i32
      %swap3A_237 = arith.constant 2 : i32
      %swap3A_238 = arith.index_cast %swap3A_237 : i32 to index
      %swap3A_239 = arith.index_cast %mul3A_236 : i32 to index
      %swap3A_240 = tpu.vector_load %arg7[%swap3A_238, %swap3A_239] {strides = array<i32>} : memref<16x1792xf32, #tpu.memory_space<vmem>>, vector<16xf32>,
      tpu.vector_store %arg7[%swap3A_238, %swap3A_239], %broadcast_in_dim3A_5 {strides = array<i32>} : memref<16x1792xf32, #tpu.memory_space<vmem>>, vector<16xf32>,
      %mul3A_241 = arith.constant 16 : i32
      %mul3A_242 = arith.muli %scan3A_222, %mul3A_241 : i32
      %swap3A_243 = arith.constant 3 : i32
      %swap3A_244 = arith.index_cast %swap3A_243 : i32 to index
      %swap3A_245 = arith.index_cast %mul3A_242 : i32 to index
      %swap3A_246 = tpu.vector_load %arg7[%swap3A_244, %swap3A_245] {strides = array<i32>} : memref<16x1792xf32, #tpu.memory_space<vmem>>, vector<16xf32>,
      tpu.vector_store %arg7[%swap3A_244, %swap3A_245], %broadcast_in_dim3A_5 {strides = array<i32>} : memref<16x1792xf32, #tpu.memory_space<vmem>>, vector<16xf32>,
      %mul3A_247 = arith.constant 16 : i32
      %mul3A_248 = arith.muli %scan3A_222, %mul3A_247 : i32
      %swap3A_249 = arith.constant 4 : i32
      %swap3A_250 = arith.index_cast %swap3A_249 : i32 to index
      %swap3A_251 = arith.index_cast %mul3A_248 : i32 to index
      %swap3A_252 = tpu.vector_load %arg7[%swap3A_250, %swap3A_251] {strides = array<i32>} : memref<16x1792xf32, #tpu.memory_space<vmem>>, vector<16xf32>,
      tpu.vector_store %arg7[%swap3A_250, %swap3A_251], %broadcast_in_dim3A_5 {strides = array<i32>} : memref<16x1792xf32, #tpu.memory_space<vmem>>, vector<16xf32>,
      %mul3A_253 = arith.constant 16 : i32
      %mul3A_254 = arith.muli %scan3A_222, %mul3A_253 : i32
      %swap3A_255 = arith.constant 5 : i32
      %swap3A_256 = arith.index_cast %swap3A_255 : i32 to index
      %swap3A_257 = arith.index_cast %mul3A_254 : i32 to index
      %swap3A_258 = tpu.vector_load %arg7[%swap3A_256, %swap3A_257] {strides = array<i32>} : memref<16x1792xf32, #tpu.memory_space<vmem>>, vector<16xf32>,
      tpu.vector_store %arg7[%swap3A_256, %swap3A_257], %broadcast_in_dim3A_5 {strides = array<i32>} : memref<16x1792xf32, #tpu.memory_space<vmem>>, vector<16xf32>,
      %mul3A_259 = arith.constant 16 : i32
      %mul3A_260 = arith.muli %scan3A_222, %mul3A_259 : i32
      %swap3A_261 = arith.constant 6 : i32
      %swap3A_262 = arith.index_cast %swap3A_261 : i32 to index
      %swap3A_263 = arith.index_cast %mul3A_260 : i32 to index
      %swap3A_264 = tpu.vector_load %arg7[%swap3A_262, %swap3A_263] {strides = array<i32>} : memref<16x1792xf32, #tpu.memory_space<vmem>>, vector<16xf32>,
      tpu.vector_store %arg7[%swap3A_262, %swap3A_263], %broadcast_in_dim3A_5 {strides = array<i32>} : memref<16x1792xf32, #tpu.memory_space<vmem>>, vector<16xf32>,
      %mul3A_265 = arith.constant 16 : i32
      %mul3A_266 = arith.muli %scan3A_222, %mul3A_265 : i32
      %swap3A_267 = arith.constant 7 : i32
      %swap3A_268 = arith.index_cast %swap3A_267 : i32 to index
      %swap3A_269 = arith.index_cast %mul3A_266 : i32 to index
      %swap3A_270 = tpu.vector_load %arg7[%swap3A_268, %swap3A_269] {strides = array<i32>} : memref<16x1792xf32, #tpu.memory_space<vmem>>, vector<16xf32>,
      tpu.vector_store %arg7[%swap3A_268, %swap3A_269], %broadcast_in_dim3A_5 {strides = array<i32>} : memref<16x1792xf32, #tpu.memory_space<vmem>>, vector<16xf32>,
      %mul3A_271 = arith.constant 16 : i32
      %mul3A_272 = arith.muli %scan3A_222, %mul3A_271 : i32
      %swap3A_273 = arith.constant 8 : i32
      %swap3A_274 = arith.index_cast %swap3A_273 : i32 to index
      %swap3A_275 = arith.index_cast %mul3A_272 : i32 to index
      %swap3A_276 = tpu.vector_load %arg7[%swap3A_274, %swap3A_275] {strides = array<i32>} : memref<16x1792xf32, #tpu.memory_space<vmem>>, vector<16xf32>,
      tpu.vector_store %arg7[%swap3A_274, %swap3A_275], %broadcast_in_dim3A_5 {strides = array<i32>} : memref<16x1792xf32, #tpu.memory_space<vmem>>, vector<16xf32>,
      %mul3A_277 = arith.constant 16 : i32
      %mul3A_278 = arith.muli %scan3A_222, %mul3A_277 : i32
      %swap3A_279 = arith.constant 9 : i32
      %swap3A_280 = arith.index_cast %swap3A_279 : i32 to index
      %swap3A_281 = arith.index_cast %mul3A_278 : i32 to index
      %swap3A_282 = tpu.vector_load %arg7[%swap3A_280, %swap3A_281] {strides = array<i32>} : memref<16x1792xf32, #tpu.memory_space<vmem>>, vector<16xf32>,
      tpu.vector_store %arg7[%swap3A_280, %swap3A_281], %broadcast_in_dim3A_5 {strides = array<i32>} : memref<16x1792xf32, #tpu.memory_space<vmem>>, vector<16xf32>,
      %mul3A_283 = arith.constant 16 : i32
      %mul3A_284 = arith.muli %scan3A_222, %mul3A_283 : i32
      %swap3A_285 = arith.constant 10 : i32
      %swap3A_286 = arith.index_cast %swap3A_285 : i32 to index
      %swap3A_287 = arith.index_cast %mul3A_284 : i32 to index
      %swap3A_288 = tpu.vector_load %arg7[%swap3A_286, %swap3A_287] {strides = array<i32>} : memref<16x1792xf32, #tpu.memory_space<vmem>>, vector<16xf32>,
      tpu.vector_store %arg7[%swap3A_286, %swap3A_287], %broadcast_in_dim3A_5 {strides = array<i32>} : memref<16x1792xf32, #tpu.memory_space<vmem>>, vector<16xf32>,
      %mul3A_289 = arith.constant 16 : i32
      %mul3A_290 = arith.muli %scan3A_222, %mul3A_289 : i32
      %swap3A_291 = arith.constant 11 : i32
      %swap3A_292 = arith.index_cast %swap3A_291 : i32 to index
      %swap3A_293 = arith.index_cast %mul3A_290 : i32 to index
      %swap3A_294 = tpu.vector_load %arg7[%swap3A_292, %swap3A_293] {strides = array<i32>} : memref<16x1792xf32, #tpu.memory_space<vmem>>, vector<16xf32>,
      tpu.vector_store %arg7[%swap3A_292, %swap3A_293], %broadcast_in_dim3A_5 {strides = array<i32>} : memref<16x1792xf32, #tpu.memory_space<vmem>>, vector<16xf32>,
      %mul3A_295 = arith.constant 16 : i32
      %mul3A_296 = arith.muli %scan3A_222, %mul3A_295 : i32
      %swap3A_297 = arith.constant 12 : i32
      %swap3A_298 = arith.index_cast %swap3A_297 : i32 to index
      %swap3A_299 = arith.index_cast %mul3A_296 : i32 to index
      %swap3A_300 = tpu.vector_load %arg7[%swap3A_298, %swap3A_299] {strides = array<i32>} : memref<16x1792xf32, #tpu.memory_space<vmem>>, vector<16xf32>,
      tpu.vector_store %arg7[%swap3A_298, %swap3A_299], %broadcast_in_dim3A_5 {strides = array<i32>} : memref<16x1792xf32, #tpu.memory_space<vmem>>, vector<16xf32>,
      %mul3A_301 = arith.constant 16 : i32
      %mul3A_302 = arith.muli %scan3A_222, %mul3A_301 : i32
      %swap3A_303 = arith.constant 13 : i32
      %swap3A_304 = arith.index_cast %swap3A_303 : i32 to index
      %swap3A_305 = arith.index_cast %mul3A_302 : i32 to index
      %swap3A_306 = tpu.vector_load %arg7[%swap3A_304, %swap3A_305] {strides = array<i32>} : memref<16x1792xf32, #tpu.memory_space<vmem>>, vector<16xf32>,
      tpu.vector_store %arg7[%swap3A_304, %swap3A_305], %broadcast_in_dim3A_5 {strides = array<i32>} : memref<16x1792xf32, #tpu.memory_space<vmem>>, vector<16xf32>,
      %mul3A_307 = arith.constant 16 : i32
      %mul3A_308 = arith.muli %scan3A_222, %mul3A_307 : i32
      %swap3A_309 = arith.constant 14 : i32
      %swap3A_310 = arith.index_cast %swap3A_309 : i32 to index
      %swap3A_311 = arith.index_cast %mul3A_308 : i32 to index
      %swap3A_312 = tpu.vector_load %arg7[%swap3A_310, %swap3A_311] {strides = array<i32>} : memref<16x1792xf32, #tpu.memory_space<vmem>>, vector<16xf32>,
      tpu.vector_store %arg7[%swap3A_310, %swap3A_311], %broadcast_in_dim3A_5 {strides = array<i32>} : memref<16x1792xf32, #tpu.memory_space<vmem>>, vector<16xf32>,
      %mul3A_313 = arith.constant 16 : i32
      %mul3A_314 = arith.muli %scan3A_222, %mul3A_313 : i32
      %swap3A_315 = arith.constant 15 : i32
      %swap3A_316 = arith.index_cast %swap3A_315 : i32 to index
      %swap3A_317 = arith.index_cast %mul3A_314 : i32 to index
      %swap3A_318 = tpu.vector_load %arg7[%swap3A_316, %swap3A_317] {strides = array<i32>} : memref<16x1792xf32, #tpu.memory_space<vmem>>, vector<16xf32>,
      tpu.vector_store %arg7[%swap3A_316, %swap3A_317], %broadcast_in_dim3A_5 {strides = array<i32>} : memref<16x1792xf32, #tpu.memory_space<vmem>>, vector<16xf32>,
      %scan3A_319 = arith.constant 2 : i32
      %scan3A_320 = arith.addi %scan3A_125, %scan3A_319 : i32
      %mul3A_321 = arith.constant 16 : i32
      %mul3A_322 = arith.muli %scan3A_320, %mul3A_321 : i32
      %swap3A_323 = arith.constant 0 : i32
      %swap3A_324 = arith.index_cast %swap3A_323 : i32 to index
      %swap3A_325 = arith.index_cast %mul3A_322 : i32 to index
      %swap3A_326 = tpu.vector_load %arg7[%swap3A_324, %swap3A_325] {strides = array<i32>} : memref<16x1792xf32, #tpu.memory_space<vmem>>, vector<16xf32>,
      tpu.vector_store %arg7[%swap3A_324, %swap3A_325], %broadcast_in_dim3A_5 {strides = array<i32>} : memref<16x1792xf32, #tpu.memory_space<vmem>>, vector<16xf32>,
      %mul3A_327 = arith.constant 16 : i32
      %mul3A_328 = arith.muli %scan3A_320, %mul3A_327 : i32
      %swap3A_329 = arith.constant 1 : i32
      %swap3A_330 = arith.index_cast %swap3A_329 : i32 to index
      %swap3A_331 = arith.index_cast %mul3A_328 : i32 to index
      %swap3A_332 = tpu.vector_load %arg7[%swap3A_330, %swap3A_331] {strides = array<i32>} : memref<16x1792xf32, #tpu.memory_space<vmem>>, vector<16xf32>,
      tpu.vector_store %arg7[%swap3A_330, %swap3A_331], %broadcast_in_dim3A_5 {strides = array<i32>} : memref<16x1792xf32, #tpu.memory_space<vmem>>, vector<16xf32>,
      %mul3A_333 = arith.constant 16 : i32
      %mul3A_334 = arith.muli %scan3A_320, %mul3A_333 : i32
      %swap3A_335 = arith.constant 2 : i32
      %swap3A_336 = arith.index_cast %swap3A_335 : i32 to index
      %swap3A_337 = arith.index_cast %mul3A_334 : i32 to index
      %swap3A_338 = tpu.vector_load %arg7[%swap3A_336, %swap3A_337] {strides = array<i32>} : memref<16x1792xf32, #tpu.memory_space<vmem>>, vector<16xf32>,
      tpu.vector_store %arg7[%swap3A_336, %swap3A_337], %broadcast_in_dim3A_5 {strides = array<i32>} : memref<16x1792xf32, #tpu.memory_space<vmem>>, vector<16xf32>,
      %mul3A_339 = arith.constant 16 : i32
      %mul3A_340 = arith.muli %scan3A_320, %mul3A_339 : i32
      %swap3A_341 = arith.constant 3 : i32
      %swap3A_342 = arith.index_cast %swap3A_341 : i32 to index
      %swap3A_343 = arith.index_cast %mul3A_340 : i32 to index
      %swap3A_344 = tpu.vector_load %arg7[%swap3A_342, %swap3A_343] {strides = array<i32>} : memref<16x1792xf32, #tpu.memory_space<vmem>>, vector<16xf32>,
      tpu.vector_store %arg7[%swap3A_342, %swap3A_343], %broadcast_in_dim3A_5 {strides = array<i32>} : memref<16x1792xf32, #tpu.memory_space<vmem>>, vector<16xf32>,
      %mul3A_345 = arith.constant 16 : i32
      %mul3A_346 = arith.muli %scan3A_320, %mul3A_345 : i32
      %swap3A_347 = arith.constant 4 : i32
      %swap3A_348 = arith.index_cast %swap3A_347 : i32 to index
      %swap3A_349 = arith.index_cast %mul3A_346 : i32 to index
      %swap3A_350 = tpu.vector_load %arg7[%swap3A_348, %swap3A_349] {strides = array<i32>} : memref<16x1792xf32, #tpu.memory_space<vmem>>, vector<16xf32>,
      tpu.vector_store %arg7[%swap3A_348, %swap3A_349], %broadcast_in_dim3A_5 {strides = array<i32>} : memref<16x1792xf32, #tpu.memory_space<vmem>>, vector<16xf32>,
      %mul3A_351 = arith.constant 16 : i32
      %mul3A_352 = arith.muli %scan3A_320, %mul3A_351 : i32
      %swap3A_353 = arith.constant 5 : i32
      %swap3A_354 = arith.index_cast %swap3A_353 : i32 to index
      %swap3A_355 = arith.index_cast %mul3A_352 : i32 to index
      %swap3A_356 = tpu.vector_load %arg7[%swap3A_354, %swap3A_355] {strides = array<i32>} : memref<16x1792xf32, #tpu.memory_space<vmem>>, vector<16xf32>,
      tpu.vector_store %arg7[%swap3A_354, %swap3A_355], %broadcast_in_dim3A_5 {strides = array<i32>} : memref<16x1792xf32, #tpu.memory_space<vmem>>, vector<16xf32>,
      %mul3A_357 = arith.constant 16 : i32
      %mul3A_358 = arith.muli %scan3A_320, %mul3A_357 : i32
      %swap3A_359 = arith.constant 6 : i32
      %swap3A_360 = arith.index_cast %swap3A_359 : i32 to index
      %swap3A_361 = arith.index_cast %mul3A_358 : i32 to index
      %swap3A_362 = tpu.vector_load %arg7[%swap3A_360, %swap3A_361] {strides = array<i32>} : memref<16x1792xf32, #tpu.memory_space<vmem>>, vector<16xf32>,
      tpu.vector_store %arg7[%swap3A_360, %swap3A_361], %broadcast_in_dim3A_5 {strides = array<i32>} : memref<16x1792xf32, #tpu.memory_space<vmem>>, vector<16xf32>,
      %mul3A_363 = arith.constant 16 : i32
      %mul3A_364 = arith.muli %scan3A_320, %mul3A_363 : i32
      %swap3A_365 = arith.constant 7 : i32
      %swap3A_366 = arith.index_cast %swap3A_365 : i32 to index
      %swap3A_367 = arith.index_cast %mul3A_364 : i32 to index
      %swap3A_368 = tpu.vector_load %arg7[%swap3A_366, %swap3A_367] {strides = array<i32>} : memref<16x1792xf32, #tpu.memory_space<vmem>>, vector<16xf32>,
      tpu.vector_store %arg7[%swap3A_366, %swap3A_367], %broadcast_in_dim3A_5 {strides = array<i32>} : memref<16x1792xf32, #tpu.memory_space<vmem>>, vector<16xf32>,
      %mul3A_369 = arith.constant 16 : i32
      %mul3A_370 = arith.muli %scan3A_320, %mul3A_369 : i32
      %swap3A_371 = arith.constant 8 : i32
      %swap3A_372 = arith.index_cast %swap3A_371 : i32 to index
      %swap3A_373 = arith.index_cast %mul3A_370 : i32 to index
      %swap3A_374 = tpu.vector_load %arg7[%swap3A_372, %swap3A_373] {strides = array<i32>} : memref<16x1792xf32, #tpu.memory_space<vmem>>, vector<16xf32>,
      tpu.vector_store %arg7[%swap3A_372, %swap3A_373], %broadcast_in_dim3A_5 {strides = array<i32>} : memref<16x1792xf32, #tpu.memory_space<vmem>>, vector<16xf32>,
      %mul3A_375 = arith.constant 16 : i32
      %mul3A_376 = arith.muli %scan3A_320, %mul3A_375 : i32
      %swap3A_377 = arith.constant 9 : i32
      %swap3A_378 = arith.index_cast %swap3A_377 : i32 to index
      %swap3A_379 = arith.index_cast %mul3A_376 : i32 to index
      %swap3A_380 = tpu.vector_load %arg7[%swap3A_378, %swap3A_379] {strides = array<i32>} : memref<16x1792xf32, #tpu.memory_space<vmem>>, vector<16xf32>,
      tpu.vector_store %arg7[%swap3A_378, %swap3A_379], %broadcast_in_dim3A_5 {strides = array<i32>} : memref<16x1792xf32, #tpu.memory_space<vmem>>, vector<16xf32>,
      %mul3A_381 = arith.constant 16 : i32
      %mul3A_382 = arith.muli %scan3A_320, %mul3A_381 : i32
      %swap3A_383 = arith.constant 10 : i32
      %swap3A_384 = arith.index_cast %swap3A_383 : i32 to index
      %swap3A_385 = arith.index_cast %mul3A_382 : i32 to index
      %swap3A_386 = tpu.vector_load %arg7[%swap3A_384, %swap3A_385] {strides = array<i32>} : memref<16x1792xf32, #tpu.memory_space<vmem>>, vector<16xf32>,
      tpu.vector_store %arg7[%swap3A_384, %swap3A_385], %broadcast_in_dim3A_5 {strides = array<i32>} : memref<16x1792xf32, #tpu.memory_space<vmem>>, vector<16xf32>,
      %mul3A_387 = arith.constant 16 : i32
      %mul3A_388 = arith.muli %scan3A_320, %mul3A_387 : i32
      %swap3A_389 = arith.constant 11 : i32
      %swap3A_390 = arith.index_cast %swap3A_389 : i32 to index
      %swap3A_391 = arith.index_cast %mul3A_388 : i32 to index
      %swap3A_392 = tpu.vector_load %arg7[%swap3A_390, %swap3A_391] {strides = array<i32>} : memref<16x1792xf32, #tpu.memory_space<vmem>>, vector<16xf32>,
      tpu.vector_store %arg7[%swap3A_390, %swap3A_391], %broadcast_in_dim3A_5 {strides = array<i32>} : memref<16x1792xf32, #tpu.memory_space<vmem>>, vector<16xf32>,
      %mul3A_393 = arith.constant 16 : i32
      %mul3A_394 = arith.muli %scan3A_320, %mul3A_393 : i32
      %swap3A_395 = arith.constant 12 : i32
      %swap3A_396 = arith.index_cast %swap3A_395 : i32 to index
      %swap3A_397 = arith.index_cast %mul3A_394 : i32 to index
      %swap3A_398 = tpu.vector_load %arg7[%swap3A_396, %swap3A_397] {strides = array<i32>} : memref<16x1792xf32, #tpu.memory_space<vmem>>, vector<16xf32>,
      tpu.vector_store %arg7[%swap3A_396, %swap3A_397], %broadcast_in_dim3A_5 {strides = array<i32>} : memref<16x1792xf32, #tpu.memory_space<vmem>>, vector<16xf32>,
      %mul3A_399 = arith.constant 16 : i32
      %mul3A_400 = arith.muli %scan3A_320, %mul3A_399 : i32
      %swap3A_401 = arith.constant 13 : i32
      %swap3A_402 = arith.index_cast %swap3A_401 : i32 to index
      %swap3A_403 = arith.index_cast %mul3A_400 : i32 to index
      %swap3A_404 = tpu.vector_load %arg7[%swap3A_402, %swap3A_403] {strides = array<i32>} : memref<16x1792xf32, #tpu.memory_space<vmem>>, vector<16xf32>,
      tpu.vector_store %arg7[%swap3A_402, %swap3A_403], %broadcast_in_dim3A_5 {strides = array<i32>} : memref<16x1792xf32, #tpu.memory_space<vmem>>, vector<16xf32>,
      %mul3A_405 = arith.constant 16 : i32
      %mul3A_406 = arith.muli %scan3A_320, %mul3A_405 : i32
      %swap3A_407 = arith.constant 14 : i32
      %swap3A_408 = arith.index_cast %swap3A_407 : i32 to index
      %swap3A_409 = arith.index_cast %mul3A_406 : i32 to index
      %swap3A_410 = tpu.vector_load %arg7[%swap3A_408, %swap3A_409] {strides = array<i32>} : memref<16x1792xf32, #tpu.memory_space<vmem>>, vector<16xf32>,
      tpu.vector_store %arg7[%swap3A_408, %swap3A_409], %broadcast_in_dim3A_5 {strides = array<i32>} : memref<16x1792xf32, #tpu.memory_space<vmem>>, vector<16xf32>,
      %mul3A_411 = arith.constant 16 : i32
      %mul3A_412 = arith.muli %scan3A_320, %mul3A_411 : i32
      %swap3A_413 = arith.constant 15 : i32
      %swap3A_414 = arith.index_cast %swap3A_413 : i32 to index
      %swap3A_415 = arith.index_cast %mul3A_412 : i32 to index
      %swap3A_416 = tpu.vector_load %arg7[%swap3A_414, %swap3A_415] {strides = array<i32>} : memref<16x1792xf32, #tpu.memory_space<vmem>>, vector<16xf32>,
      tpu.vector_store %arg7[%swap3A_414, %swap3A_415], %broadcast_in_dim3A_5 {strides = array<i32>} : memref<16x1792xf32, #tpu.memory_space<vmem>>, vector<16xf32>,
      %scan3A_417 = arith.constant 3 : i32
      %scan3A_418 = arith.addi %scan3A_125, %scan3A_417 : i32
      %mul3A_419 = arith.constant 16 : i32
      %mul3A_420 = arith.muli %scan3A_418, %mul3A_419 : i32
      %swap3A_421 = arith.constant 0 : i32
      %swap3A_422 = arith.index_cast %swap3A_421 : i32 to index
      %swap3A_423 = arith.index_cast %mul3A_420 : i32 to index
      %swap3A_424 = tpu.vector_load %arg7[%swap3A_422, %swap3A_423] {strides = array<i32>} : memref<16x1792xf32, #tpu.memory_space<vmem>>, vector<16xf32>,
      tpu.vector_store %arg7[%swap3A_422, %swap3A_423], %broadcast_in_dim3A_5 {strides = array<i32>} : memref<16x1792xf32, #tpu.memory_space<vmem>>, vector<16xf32>,
      %mul3A_425 = arith.constant 16 : i32
      %mul3A_426 = arith.muli %scan3A_418, %mul3A_425 : i32
      %swap3A_427 = arith.constant 1 : i32
      %swap3A_428 = arith.index_cast %swap3A_427 : i32 to index
      %swap3A_429 = arith.index_cast %mul3A_426 : i32 to index
      %swap3A_430 = tpu.vector_load %arg7[%swap3A_428, %swap3A_429] {strides = array<i32>} : memref<16x1792xf32, #tpu.memory_space<vmem>>, vector<16xf32>,
      tpu.vector_store %arg7[%swap3A_428, %swap3A_429], %broadcast_in_dim3A_5 {strides = array<i32>} : memref<16x1792xf32, #tpu.memory_space<vmem>>, vector<16xf32>,
      %mul3A_431 = arith.constant 16 : i32
      %mul3A_432 = arith.muli %scan3A_418, %mul3A_431 : i32
      %swap3A_433 = arith.constant 2 : i32
      %swap3A_434 = arith.index_cast %swap3A_433 : i32 to index
      %swap3A_435 = arith.index_cast %mul3A_432 : i32 to index
      %swap3A_436 = tpu.vector_load %arg7[%swap3A_434, %swap3A_435] {strides = array<i32>} : memref<16x1792xf32, #tpu.memory_space<vmem>>, vector<16xf32>,
      tpu.vector_store %arg7[%swap3A_434, %swap3A_435], %broadcast_in_dim3A_5 {strides = array<i32>} : memref<16x1792xf32, #tpu.memory_space<vmem>>, vector<16xf32>,
      %mul3A_437 = arith.constant 16 : i32
      %mul3A_438 = arith.muli %scan3A_418, %mul3A_437 : i32
      %swap3A_439 = arith.constant 3 : i32
      %swap3A_440 = arith.index_cast %swap3A_439 : i32 to index
      %swap3A_441 = arith.index_cast %mul3A_438 : i32 to index
      %swap3A_442 = tpu.vector_load %arg7[%swap3A_440, %swap3A_441] {strides = array<i32>} : memref<16x1792xf32, #tpu.memory_space<vmem>>, vector<16xf32>,
      tpu.vector_store %arg7[%swap3A_440, %swap3A_441], %broadcast_in_dim3A_5 {strides = array<i32>} : memref<16x1792xf32, #tpu.memory_space<vmem>>, vector<16xf32>,
      %mul3A_443 = arith.constant 16 : i32
      %mul3A_444 = arith.muli %scan3A_418, %mul3A_443 : i32
      %swap3A_445 = arith.constant 4 : i32
      %swap3A_446 = arith.index_cast %swap3A_445 : i32 to index
      %swap3A_447 = arith.index_cast %mul3A_444 : i32 to index
      %swap3A_448 = tpu.vector_load %arg7[%swap3A_446, %swap3A_447] {strides = array<i32>} : memref<16x1792xf32, #tpu.memory_space<vmem>>, vector<16xf32>,
      tpu.vector_store %arg7[%swap3A_446, %swap3A_447], %broadcast_in_dim3A_5 {strides = array<i32>} : memref<16x1792xf32, #tpu.memory_space<vmem>>, vector<16xf32>,
      %mul3A_449 = arith.constant 16 : i32
      %mul3A_450 = arith.muli %scan3A_418, %mul3A_449 : i32
      %swap3A_451 = arith.constant 5 : i32
      %swap3A_452 = arith.index_cast %swap3A_451 : i32 to index
      %swap3A_453 = arith.index_cast %mul3A_450 : i32 to index
      %swap3A_454 = tpu.vector_load %arg7[%swap3A_452, %swap3A_453] {strides = array<i32>} : memref<16x1792xf32, #tpu.memory_space<vmem>>, vector<16xf32>,
      tpu.vector_store %arg7[%swap3A_452, %swap3A_453], %broadcast_in_dim3A_5 {strides = array<i32>} : memref<16x1792xf32, #tpu.memory_space<vmem>>, vector<16xf32>,
      %mul3A_455 = arith.constant 16 : i32
      %mul3A_456 = arith.muli %scan3A_418, %mul3A_455 : i32
      %swap3A_457 = arith.constant 6 : i32
      %swap3A_458 = arith.index_cast %swap3A_457 : i32 to index
      %swap3A_459 = arith.index_cast %mul3A_456 : i32 to index
      %swap3A_460 = tpu.vector_load %arg7[%swap3A_458, %swap3A_459] {strides = array<i32>} : memref<16x1792xf32, #tpu.memory_space<vmem>>, vector<16xf32>,
      tpu.vector_store %arg7[%swap3A_458, %swap3A_459], %broadcast_in_dim3A_5 {strides = array<i32>} : memref<16x1792xf32, #tpu.memory_space<vmem>>, vector<16xf32>,
      %mul3A_461 = arith.constant 16 : i32
      %mul3A_462 = arith.muli %scan3A_418, %mul3A_461 : i32
      %swap3A_463 = arith.constant 7 : i32
      %swap3A_464 = arith.index_cast %swap3A_463 : i32 to index
      %swap3A_465 = arith.index_cast %mul3A_462 : i32 to index
      %swap3A_466 = tpu.vector_load %arg7[%swap3A_464, %swap3A_465] {strides = array<i32>} : memref<16x1792xf32, #tpu.memory_space<vmem>>, vector<16xf32>,
      tpu.vector_store %arg7[%swap3A_464, %swap3A_465], %broadcast_in_dim3A_5 {strides = array<i32>} : memref<16x1792xf32, #tpu.memory_space<vmem>>, vector<16xf32>,
      %mul3A_467 = arith.constant 16 : i32
      %mul3A_468 = arith.muli %scan3A_418, %mul3A_467 : i32
      %swap3A_469 = arith.constant 8 : i32
      %swap3A_470 = arith.index_cast %swap3A_469 : i32 to index
      %swap3A_471 = arith.index_cast %mul3A_468 : i32 to index
      %swap3A_472 = tpu.vector_load %arg7[%swap3A_470, %swap3A_471] {strides = array<i32>} : memref<16x1792xf32, #tpu.memory_space<vmem>>, vector<16xf32>,
      tpu.vector_store %arg7[%swap3A_470, %swap3A_471], %broadcast_in_dim3A_5 {strides = array<i32>} : memref<16x1792xf32, #tpu.memory_space<vmem>>, vector<16xf32>,
      %mul3A_473 = arith.constant 16 : i32
      %mul3A_474 = arith.muli %scan3A_418, %mul3A_473 : i32
      %swap3A_475 = arith.constant 9 : i32
      %swap3A_476 = arith.index_cast %swap3A_475 : i32 to index
      %swap3A_477 = arith.index_cast %mul3A_474 : i32 to index
      %swap3A_478 = tpu.vector_load %arg7[%swap3A_476, %swap3A_477] {strides = array<i32>} : memref<16x1792xf32, #tpu.memory_space<vmem>>, vector<16xf32>,
      tpu.vector_store %arg7[%swap3A_476, %swap3A_477], %broadcast_in_dim3A_5 {strides = array<i32>} : memref<16x1792xf32, #tpu.memory_space<vmem>>, vector<16xf32>,
      %mul3A_479 = arith.constant 16 : i32
      %mul3A_480 = arith.muli %scan3A_418, %mul3A_479 : i32
      %swap3A_481 = arith.constant 10 : i32
      %swap3A_482 = arith.index_cast %swap3A_481 : i32 to index
      %swap3A_483 = arith.index_cast %mul3A_480 : i32 to index
      %swap3A_484 = tpu.vector_load %arg7[%swap3A_482, %swap3A_483] {strides = array<i32>} : memref<16x1792xf32, #tpu.memory_space<vmem>>, vector<16xf32>,
      tpu.vector_store %arg7[%swap3A_482, %swap3A_483], %broadcast_in_dim3A_5 {strides = array<i32>} : memref<16x1792xf32, #tpu.memory_space<vmem>>, vector<16xf32>,
      %mul3A_485 = arith.constant 16 : i32
      %mul3A_486 = arith.muli %scan3A_418, %mul3A_485 : i32
      %swap3A_487 = arith.constant 11 : i32
      %swap3A_488 = arith.index_cast %swap3A_487 : i32 to index
      %swap3A_489 = arith.index_cast %mul3A_486 : i32 to index
      %swap3A_490 = tpu.vector_load %arg7[%swap3A_488, %swap3A_489] {strides = array<i32>} : memref<16x1792xf32, #tpu.memory_space<vmem>>, vector<16xf32>,
      tpu.vector_store %arg7[%swap3A_488, %swap3A_489], %broadcast_in_dim3A_5 {strides = array<i32>} : memref<16x1792xf32, #tpu.memory_space<vmem>>, vector<16xf32>,
      %mul3A_491 = arith.constant 16 : i32
      %mul3A_492 = arith.muli %scan3A_418, %mul3A_491 : i32
      %swap3A_493 = arith.constant 12 : i32
      %swap3A_494 = arith.index_cast %swap3A_493 : i32 to index
      %swap3A_495 = arith.index_cast %mul3A_492 : i32 to index
      %swap3A_496 = tpu.vector_load %arg7[%swap3A_494, %swap3A_495] {strides = array<i32>} : memref<16x1792xf32, #tpu.memory_space<vmem>>, vector<16xf32>,
      tpu.vector_store %arg7[%swap3A_494, %swap3A_495], %broadcast_in_dim3A_5 {strides = array<i32>} : memref<16x1792xf32, #tpu.memory_space<vmem>>, vector<16xf32>,
      %mul3A_497 = arith.constant 16 : i32
      %mul3A_498 = arith.muli %scan3A_418, %mul3A_497 : i32
      %swap3A_499 = arith.constant 13 : i32
      %swap3A_500 = arith.index_cast %swap3A_499 : i32 to index
      %swap3A_501 = arith.index_cast %mul3A_498 : i32 to index
      %swap3A_502 = tpu.vector_load %arg7[%swap3A_500, %swap3A_501] {strides = array<i32>} : memref<16x1792xf32, #tpu.memory_space<vmem>>, vector<16xf32>,
      tpu.vector_store %arg7[%swap3A_500, %swap3A_501], %broadcast_in_dim3A_5 {strides = array<i32>} : memref<16x1792xf32, #tpu.memory_space<vmem>>, vector<16xf32>,
      %mul3A_503 = arith.constant 16 : i32
      %mul3A_504 = arith.muli %scan3A_418, %mul3A_503 : i32
      %swap3A_505 = arith.constant 14 : i32
      %swap3A_506 = arith.index_cast %swap3A_505 : i32 to index
      %swap3A_507 = arith.index_cast %mul3A_504 : i32 to index
      %swap3A_508 = tpu.vector_load %arg7[%swap3A_506, %swap3A_507] {strides = array<i32>} : memref<16x1792xf32, #tpu.memory_space<vmem>>, vector<16xf32>,
      tpu.vector_store %arg7[%swap3A_506, %swap3A_507], %broadcast_in_dim3A_5 {strides = array<i32>} : memref<16x1792xf32, #tpu.memory_space<vmem>>, vector<16xf32>,
      %mul3A_509 = arith.constant 16 : i32
      %mul3A_510 = arith.muli %scan3A_418, %mul3A_509 : i32
      %swap3A_511 = arith.constant 15 : i32
      %swap3A_512 = arith.index_cast %swap3A_511 : i32 to index
      %swap3A_513 = arith.index_cast %mul3A_510 : i32 to index
      %swap3A_514 = tpu.vector_load %arg7[%swap3A_512, %swap3A_513] {strides = array<i32>} : memref<16x1792xf32, #tpu.memory_space<vmem>>, vector<16xf32>,
      tpu.vector_store %arg7[%swap3A_512, %swap3A_513], %broadcast_in_dim3A_5 {strides = array<i32>} : memref<16x1792xf32, #tpu.memory_space<vmem>>, vector<16xf32>,
      %scan3A_515 = arith.constant 4 : i32
      %scan3A_516 = arith.addi %scan3A_125, %scan3A_515 : i32
      %mul3A_517 = arith.constant 16 : i32
      %mul3A_518 = arith.muli %scan3A_516, %mul3A_517 : i32
      %swap3A_519 = arith.constant 0 : i32
      %swap3A_520 = arith.index_cast %swap3A_519 : i32 to index
      %swap3A_521 = arith.index_cast %mul3A_518 : i32 to index
      %swap3A_522 = tpu.vector_load %arg7[%swap3A_520, %swap3A_521] {strides = array<i32>} : memref<16x1792xf32, #tpu.memory_space<vmem>>, vector<16xf32>,
      tpu.vector_store %arg7[%swap3A_520, %swap3A_521], %broadcast_in_dim3A_5 {strides = array<i32>} : memref<16x1792xf32, #tpu.memory_space<vmem>>, vector<16xf32>,
      %mul3A_523 = arith.constant 16 : i32
      %mul3A_524 = arith.muli %scan3A_516, %mul3A_523 : i32
      %swap3A_525 = arith.constant 1 : i32
      %swap3A_526 = arith.index_cast %swap3A_525 : i32 to index
      %swap3A_527 = arith.index_cast %mul3A_524 : i32 to index
      %swap3A_528 = tpu.vector_load %arg7[%swap3A_526, %swap3A_527] {strides = array<i32>} : memref<16x1792xf32, #tpu.memory_space<vmem>>, vector<16xf32>,
      tpu.vector_store %arg7[%swap3A_526, %swap3A_527], %broadcast_in_dim3A_5 {strides = array<i32>} : memref<16x1792xf32, #tpu.memory_space<vmem>>, vector<16xf32>,
      %mul3A_529 = arith.constant 16 : i32
      %mul3A_530 = arith.muli %scan3A_516, %mul3A_529 : i32
      %swap3A_531 = arith.constant 2 : i32
      %swap3A_532 = arith.index_cast %swap3A_531 : i32 to index
      %swap3A_533 = arith.index_cast %mul3A_530 : i32 to index
      %swap3A_534 = tpu.vector_load %arg7[%swap3A_532, %swap3A_533] {strides = array<i32>} : memref<16x1792xf32, #tpu.memory_space<vmem>>, vector<16xf32>,
      tpu.vector_store %arg7[%swap3A_532, %swap3A_533], %broadcast_in_dim3A_5 {strides = array<i32>} : memref<16x1792xf32, #tpu.memory_space<vmem>>, vector<16xf32>,
      %mul3A_535 = arith.constant 16 : i32
      %mul3A_536 = arith.muli %scan3A_516, %mul3A_535 : i32
      %swap3A_537 = arith.constant 3 : i32
      %swap3A_538 = arith.index_cast %swap3A_537 : i32 to index
      %swap3A_539 = arith.index_cast %mul3A_536 : i32 to index
      %swap3A_540 = tpu.vector_load %arg7[%swap3A_538, %swap3A_539] {strides = array<i32>} : memref<16x1792xf32, #tpu.memory_space<vmem>>, vector<16xf32>,
      tpu.vector_store %arg7[%swap3A_538, %swap3A_539], %broadcast_in_dim3A_5 {strides = array<i32>} : memref<16x1792xf32, #tpu.memory_space<vmem>>, vector<16xf32>,
      %mul3A_541 = arith.constant 16 : i32
      %mul3A_542 = arith.muli %scan3A_516, %mul3A_541 : i32
      %swap3A_543 = arith.constant 4 : i32
      %swap3A_544 = arith.index_cast %swap3A_543 : i32 to index
      %swap3A_545 = arith.index_cast %mul3A_542 : i32 to index
      %swap3A_546 = tpu.vector_load %arg7[%swap3A_544, %swap3A_545] {strides = array<i32>} : memref<16x1792xf32, #tpu.memory_space<vmem>>, vector<16xf32>,
      tpu.vector_store %arg7[%swap3A_544, %swap3A_545], %broadcast_in_dim3A_5 {strides = array<i32>} : memref<16x1792xf32, #tpu.memory_space<vmem>>, vector<16xf32>,
      %mul3A_547 = arith.constant 16 : i32
      %mul3A_548 = arith.muli %scan3A_516, %mul3A_547 : i32
      %swap3A_549 = arith.constant 5 : i32
      %swap3A_550 = arith.index_cast %swap3A_549 : i32 to index
      %swap3A_551 = arith.index_cast %mul3A_548 : i32 to index
      %swap3A_552 = tpu.vector_load %arg7[%swap3A_550, %swap3A_551] {strides = array<i32>} : memref<16x1792xf32, #tpu.memory_space<vmem>>, vector<16xf32>,
      tpu.vector_store %arg7[%swap3A_550, %swap3A_551], %broadcast_in_dim3A_5 {strides = array<i32>} : memref<16x1792xf32, #tpu.memory_space<vmem>>, vector<16xf32>,
      %mul3A_553 = arith.constant 16 : i32
      %mul3A_554 = arith.muli %scan3A_516, %mul3A_553 : i32
      %swap3A_555 = arith.constant 6 : i32
      %swap3A_556 = arith.index_cast %swap3A_555 : i32 to index
      %swap3A_557 = arith.index_cast %mul3A_554 : i32 to index
      %swap3A_558 = tpu.vector_load %arg7[%swap3A_556, %swap3A_557] {strides = array<i32>} : memref<16x1792xf32, #tpu.memory_space<vmem>>, vector<16xf32>,
      tpu.vector_store %arg7[%swap3A_556, %swap3A_557], %broadcast_in_dim3A_5 {strides = array<i32>} : memref<16x1792xf32, #tpu.memory_space<vmem>>, vector<16xf32>,
      %mul3A_559 = arith.constant 16 : i32
      %mul3A_560 = arith.muli %scan3A_516, %mul3A_559 : i32
      %swap3A_561 = arith.constant 7 : i32
      %swap3A_562 = arith.index_cast %swap3A_561 : i32 to index
      %swap3A_563 = arith.index_cast %mul3A_560 : i32 to index
      %swap3A_564 = tpu.vector_load %arg7[%swap3A_562, %swap3A_563] {strides = array<i32>} : memref<16x1792xf32, #tpu.memory_space<vmem>>, vector<16xf32>,
      tpu.vector_store %arg7[%swap3A_562, %swap3A_563], %broadcast_in_dim3A_5 {strides = array<i32>} : memref<16x1792xf32, #tpu.memory_space<vmem>>, vector<16xf32>,
      %mul3A_565 = arith.constant 16 : i32
      %mul3A_566 = arith.muli %scan3A_516, %mul3A_565 : i32
      %swap3A_567 = arith.constant 8 : i32
      %swap3A_568 = arith.index_cast %swap3A_567 : i32 to index
      %swap3A_569 = arith.index_cast %mul3A_566 : i32 to index
      %swap3A_570 = tpu.vector_load %arg7[%swap3A_568, %swap3A_569] {strides = array<i32>} : memref<16x1792xf32, #tpu.memory_space<vmem>>, vector<16xf32>,
      tpu.vector_store %arg7[%swap3A_568, %swap3A_569], %broadcast_in_dim3A_5 {strides = array<i32>} : memref<16x1792xf32, #tpu.memory_space<vmem>>, vector<16xf32>,
      %mul3A_571 = arith.constant 16 : i32
      %mul3A_572 = arith.muli %scan3A_516, %mul3A_571 : i32
      %swap3A_573 = arith.constant 9 : i32
      %swap3A_574 = arith.index_cast %swap3A_573 : i32 to index
      %swap3A_575 = arith.index_cast %mul3A_572 : i32 to index
      %swap3A_576 = tpu.vector_load %arg7[%swap3A_574, %swap3A_575] {strides = array<i32>} : memref<16x1792xf32, #tpu.memory_space<vmem>>, vector<16xf32>,
      tpu.vector_store %arg7[%swap3A_574, %swap3A_575], %broadcast_in_dim3A_5 {strides = array<i32>} : memref<16x1792xf32, #tpu.memory_space<vmem>>, vector<16xf32>,
      %mul3A_577 = arith.constant 16 : i32
      %mul3A_578 = arith.muli %scan3A_516, %mul3A_577 : i32
      %swap3A_579 = arith.constant 10 : i32
      %swap3A_580 = arith.index_cast %swap3A_579 : i32 to index
      %swap3A_581 = arith.index_cast %mul3A_578 : i32 to index
      %swap3A_582 = tpu.vector_load %arg7[%swap3A_580, %swap3A_581] {strides = array<i32>} : memref<16x1792xf32, #tpu.memory_space<vmem>>, vector<16xf32>,
      tpu.vector_store %arg7[%swap3A_580, %swap3A_581], %broadcast_in_dim3A_5 {strides = array<i32>} : memref<16x1792xf32, #tpu.memory_space<vmem>>, vector<16xf32>,
      %mul3A_583 = arith.constant 16 : i32
      %mul3A_584 = arith.muli %scan3A_516, %mul3A_583 : i32
      %swap3A_585 = arith.constant 11 : i32
      %swap3A_586 = arith.index_cast %swap3A_585 : i32 to index
      %swap3A_587 = arith.index_cast %mul3A_584 : i32 to index
      %swap3A_588 = tpu.vector_load %arg7[%swap3A_586, %swap3A_587] {strides = array<i32>} : memref<16x1792xf32, #tpu.memory_space<vmem>>, vector<16xf32>,
      tpu.vector_store %arg7[%swap3A_586, %swap3A_587], %broadcast_in_dim3A_5 {strides = array<i32>} : memref<16x1792xf32, #tpu.memory_space<vmem>>, vector<16xf32>,
      %mul3A_589 = arith.constant 16 : i32
      %mul3A_590 = arith.muli %scan3A_516, %mul3A_589 : i32
      %swap3A_591 = arith.constant 12 : i32
      %swap3A_592 = arith.index_cast %swap3A_591 : i32 to index
      %swap3A_593 = arith.index_cast %mul3A_590 : i32 to index
      %swap3A_594 = tpu.vector_load %arg7[%swap3A_592, %swap3A_593] {strides = array<i32>} : memref<16x1792xf32, #tpu.memory_space<vmem>>, vector<16xf32>,
      tpu.vector_store %arg7[%swap3A_592, %swap3A_593], %broadcast_in_dim3A_5 {strides = array<i32>} : memref<16x1792xf32, #tpu.memory_space<vmem>>, vector<16xf32>,
      %mul3A_595 = arith.constant 16 : i32
      %mul3A_596 = arith.muli %scan3A_516, %mul3A_595 : i32
      %swap3A_597 = arith.constant 13 : i32
      %swap3A_598 = arith.index_cast %swap3A_597 : i32 to index
      %swap3A_599 = arith.index_cast %mul3A_596 : i32 to index
      %swap3A_600 = tpu.vector_load %arg7[%swap3A_598, %swap3A_599] {strides = array<i32>} : memref<16x1792xf32, #tpu.memory_space<vmem>>, vector<16xf32>,
      tpu.vector_store %arg7[%swap3A_598, %swap3A_599], %broadcast_in_dim3A_5 {strides = array<i32>} : memref<16x1792xf32, #tpu.memory_space<vmem>>, vector<16xf32>,
      %mul3A_601 = arith.constant 16 : i32
      %mul3A_602 = arith.muli %scan3A_516, %mul3A_601 : i32
      %swap3A_603 = arith.constant 14 : i32
      %swap3A_604 = arith.index_cast %swap3A_603 : i32 to index
      %swap3A_605 = arith.index_cast %mul3A_602 : i32 to index
      %swap3A_606 = tpu.vector_load %arg7[%swap3A_604, %swap3A_605] {strides = array<i32>} : memref<16x1792xf32, #tpu.memory_space<vmem>>, vector<16xf32>,
      tpu.vector_store %arg7[%swap3A_604, %swap3A_605], %broadcast_in_dim3A_5 {strides = array<i32>} : memref<16x1792xf32, #tpu.memory_space<vmem>>, vector<16xf32>,
      %mul3A_607 = arith.constant 16 : i32
      %mul3A_608 = arith.muli %scan3A_516, %mul3A_607 : i32
      %swap3A_609 = arith.constant 15 : i32
      %swap3A_610 = arith.index_cast %swap3A_609 : i32 to index
      %swap3A_611 = arith.index_cast %mul3A_608 : i32 to index
      %swap3A_612 = tpu.vector_load %arg7[%swap3A_610, %swap3A_611] {strides = array<i32>} : memref<16x1792xf32, #tpu.memory_space<vmem>>, vector<16xf32>,
      tpu.vector_store %arg7[%swap3A_610, %swap3A_611], %broadcast_in_dim3A_5 {strides = array<i32>} : memref<16x1792xf32, #tpu.memory_space<vmem>>, vector<16xf32>,
      %scan3A_613 = arith.constant 5 : i32
      %scan3A_614 = arith.addi %scan3A_125, %scan3A_613 : i32
      %mul3A_615 = arith.constant 16 : i32
      %mul3A_616 = arith.muli %scan3A_614, %mul3A_615 : i32
      %swap3A_617 = arith.constant 0 : i32
      %swap3A_618 = arith.index_cast %swap3A_617 : i32 to index
      %swap3A_619 = arith.index_cast %mul3A_616 : i32 to index
      %swap3A_620 = tpu.vector_load %arg7[%swap3A_618, %swap3A_619] {strides = array<i32>} : memref<16x1792xf32, #tpu.memory_space<vmem>>, vector<16xf32>,
      tpu.vector_store %arg7[%swap3A_618, %swap3A_619], %broadcast_in_dim3A_5 {strides = array<i32>} : memref<16x1792xf32, #tpu.memory_space<vmem>>, vector<16xf32>,
      %mul3A_621 = arith.constant 16 : i32
      %mul3A_622 = arith.muli %scan3A_614, %mul3A_621 : i32
      %swap3A_623 = arith.constant 1 : i32
      %swap3A_624 = arith.index_cast %swap3A_623 : i32 to index
      %swap3A_625 = arith.index_cast %mul3A_622 : i32 to index
      %swap3A_626 = tpu.vector_load %arg7[%swap3A_624, %swap3A_625] {strides = array<i32>} : memref<16x1792xf32, #tpu.memory_space<vmem>>, vector<16xf32>,
      tpu.vector_store %arg7[%swap3A_624, %swap3A_625], %broadcast_in_dim3A_5 {strides = array<i32>} : memref<16x1792xf32, #tpu.memory_space<vmem>>, vector<16xf32>,
      %mul3A_627 = arith.constant 16 : i32
      %mul3A_628 = arith.muli %scan3A_614, %mul3A_627 : i32
      %swap3A_629 = arith.constant 2 : i32
      %swap3A_630 = arith.index_cast %swap3A_629 : i32 to index
      %swap3A_631 = arith.index_cast %mul3A_628 : i32 to index
      %swap3A_632 = tpu.vector_load %arg7[%swap3A_630, %swap3A_631] {strides = array<i32>} : memref<16x1792xf32, #tpu.memory_space<vmem>>, vector<16xf32>,
      tpu.vector_store %arg7[%swap3A_630, %swap3A_631], %broadcast_in_dim3A_5 {strides = array<i32>} : memref<16x1792xf32, #tpu.memory_space<vmem>>, vector<16xf32>,
      %mul3A_633 = arith.constant 16 : i32
      %mul3A_634 = arith.muli %scan3A_614, %mul3A_633 : i32
      %swap3A_635 = arith.constant 3 : i32
      %swap3A_636 = arith.index_cast %swap3A_635 : i32 to index
      %swap3A_637 = arith.index_cast %mul3A_634 : i32 to index
      %swap3A_638 = tpu.vector_load %arg7[%swap3A_636, %swap3A_637] {strides = array<i32>} : memref<16x1792xf32, #tpu.memory_space<vmem>>, vector<16xf32>,
      tpu.vector_store %arg7[%swap3A_636, %swap3A_637], %broadcast_in_dim3A_5 {strides = array<i32>} : memref<16x1792xf32, #tpu.memory_space<vmem>>, vector<16xf32>,
      %mul3A_639 = arith.constant 16 : i32
      %mul3A_640 = arith.muli %scan3A_614, %mul3A_639 : i32
      %swap3A_641 = arith.constant 4 : i32
      %swap3A_642 = arith.index_cast %swap3A_641 : i32 to index
      %swap3A_643 = arith.index_cast %mul3A_640 : i32 to index
      %swap3A_644 = tpu.vector_load %arg7[%swap3A_642, %swap3A_643] {strides = array<i32>} : memref<16x1792xf32, #tpu.memory_space<vmem>>, vector<16xf32>,
      tpu.vector_store %arg7[%swap3A_642, %swap3A_643], %broadcast_in_dim3A_5 {strides = array<i32>} : memref<16x1792xf32, #tpu.memory_space<vmem>>, vector<16xf32>,
      %mul3A_645 = arith.constant 16 : i32
      %mul3A_646 = arith.muli %scan3A_614, %mul3A_645 : i32
      %swap3A_647 = arith.constant 5 : i32
      %swap3A_648 = arith.index_cast %swap3A_647 : i32 to index
      %swap3A_649 = arith.index_cast %mul3A_646 : i32 to index
      %swap3A_650 = tpu.vector_load %arg7[%swap3A_648, %swap3A_649] {strides = array<i32>} : memref<16x1792xf32, #tpu.memory_space<vmem>>, vector<16xf32>,
      tpu.vector_store %arg7[%swap3A_648, %swap3A_649], %broadcast_in_dim3A_5 {strides = array<i32>} : memref<16x1792xf32, #tpu.memory_space<vmem>>, vector<16xf32>,
      %mul3A_651 = arith.constant 16 : i32
      %mul3A_652 = arith.muli %scan3A_614, %mul3A_651 : i32
      %swap3A_653 = arith.constant 6 : i32
      %swap3A_654 = arith.index_cast %swap3A_653 : i32 to index
      %swap3A_655 = arith.index_cast %mul3A_652 : i32 to index
      %swap3A_656 = tpu.vector_load %arg7[%swap3A_654, %swap3A_655] {strides = array<i32>} : memref<16x1792xf32, #tpu.memory_space<vmem>>, vector<16xf32>,
      tpu.vector_store %arg7[%swap3A_654, %swap3A_655], %broadcast_in_dim3A_5 {strides = array<i32>} : memref<16x1792xf32, #tpu.memory_space<vmem>>, vector<16xf32>,
      %mul3A_657 = arith.constant 16 : i32
      %mul3A_658 = arith.muli %scan3A_614, %mul3A_657 : i32
      %swap3A_659 = arith.constant 7 : i32
      %swap3A_660 = arith.index_cast %swap3A_659 : i32 to index
      %swap3A_661 = arith.index_cast %mul3A_658 : i32 to index
      %swap3A_662 = tpu.vector_load %arg7[%swap3A_660, %swap3A_661] {strides = array<i32>} : memref<16x1792xf32, #tpu.memory_space<vmem>>, vector<16xf32>,
      tpu.vector_store %arg7[%swap3A_660, %swap3A_661], %broadcast_in_dim3A_5 {strides = array<i32>} : memref<16x1792xf32, #tpu.memory_space<vmem>>, vector<16xf32>,
      %mul3A_663 = arith.constant 16 : i32
      %mul3A_664 = arith.muli %scan3A_614, %mul3A_663 : i32
      %swap3A_665 = arith.constant 8 : i32
      %swap3A_666 = arith.index_cast %swap3A_665 : i32 to index
      %swap3A_667 = arith.index_cast %mul3A_664 : i32 to index
      %swap3A_668 = tpu.vector_load %arg7[%swap3A_666, %swap3A_667] {strides = array<i32>} : memref<16x1792xf32, #tpu.memory_space<vmem>>, vector<16xf32>,
      tpu.vector_store %arg7[%swap3A_666, %swap3A_667], %broadcast_in_dim3A_5 {strides = array<i32>} : memref<16x1792xf32, #tpu.memory_space<vmem>>, vector<16xf32>,
      %mul3A_669 = arith.constant 16 : i32
      %mul3A_670 = arith.muli %scan3A_614, %mul3A_669 : i32
      %swap3A_671 = arith.constant 9 : i32
      %swap3A_672 = arith.index_cast %swap3A_671 : i32 to index
      %swap3A_673 = arith.index_cast %mul3A_670 : i32 to index
      %swap3A_674 = tpu.vector_load %arg7[%swap3A_672, %swap3A_673] {strides = array<i32>} : memref<16x1792xf32, #tpu.memory_space<vmem>>, vector<16xf32>,
      tpu.vector_store %arg7[%swap3A_672, %swap3A_673], %broadcast_in_dim3A_5 {strides = array<i32>} : memref<16x1792xf32, #tpu.memory_space<vmem>>, vector<16xf32>,
      %mul3A_675 = arith.constant 16 : i32
      %mul3A_676 = arith.muli %scan3A_614, %mul3A_675 : i32
      %swap3A_677 = arith.constant 10 : i32
      %swap3A_678 = arith.index_cast %swap3A_677 : i32 to index
      %swap3A_679 = arith.index_cast %mul3A_676 : i32 to index
      %swap3A_680 = tpu.vector_load %arg7[%swap3A_678, %swap3A_679] {strides = array<i32>} : memref<16x1792xf32, #tpu.memory_space<vmem>>, vector<16xf32>,
      tpu.vector_store %arg7[%swap3A_678, %swap3A_679], %broadcast_in_dim3A_5 {strides = array<i32>} : memref<16x1792xf32, #tpu.memory_space<vmem>>, vector<16xf32>,
      %mul3A_681 = arith.constant 16 : i32
      %mul3A_682 = arith.muli %scan3A_614, %mul3A_681 : i32
      %swap3A_683 = arith.constant 11 : i32
      %swap3A_684 = arith.index_cast %swap3A_683 : i32 to index
      %swap3A_685 = arith.index_cast %mul3A_682 : i32 to index
      %swap3A_686 = tpu.vector_load %arg7[%swap3A_684, %swap3A_685] {strides = array<i32>} : memref<16x1792xf32, #tpu.memory_space<vmem>>, vector<16xf32>,
      tpu.vector_store %arg7[%swap3A_684, %swap3A_685], %broadcast_in_dim3A_5 {strides = array<i32>} : memref<16x1792xf32, #tpu.memory_space<vmem>>, vector<16xf32>,
      %mul3A_687 = arith.constant 16 : i32
      %mul3A_688 = arith.muli %scan3A_614, %mul3A_687 : i32
      %swap3A_689 = arith.constant 12 : i32
      %swap3A_690 = arith.index_cast %swap3A_689 : i32 to index
      %swap3A_691 = arith.index_cast %mul3A_688 : i32 to index
      %swap3A_692 = tpu.vector_load %arg7[%swap3A_690, %swap3A_691] {strides = array<i32>} : memref<16x1792xf32, #tpu.memory_space<vmem>>, vector<16xf32>,
      tpu.vector_store %arg7[%swap3A_690, %swap3A_691], %broadcast_in_dim3A_5 {strides = array<i32>} : memref<16x1792xf32, #tpu.memory_space<vmem>>, vector<16xf32>,
      %mul3A_693 = arith.constant 16 : i32
      %mul3A_694 = arith.muli %scan3A_614, %mul3A_693 : i32
      %swap3A_695 = arith.constant 13 : i32
      %swap3A_696 = arith.index_cast %swap3A_695 : i32 to index
      %swap3A_697 = arith.index_cast %mul3A_694 : i32 to index
      %swap3A_698 = tpu.vector_load %arg7[%swap3A_696, %swap3A_697] {strides = array<i32>} : memref<16x1792xf32, #tpu.memory_space<vmem>>, vector<16xf32>,
      tpu.vector_store %arg7[%swap3A_696, %swap3A_697], %broadcast_in_dim3A_5 {strides = array<i32>} : memref<16x1792xf32, #tpu.memory_space<vmem>>, vector<16xf32>,
      %mul3A_699 = arith.constant 16 : i32
      %mul3A_700 = arith.muli %scan3A_614, %mul3A_699 : i32
      %swap3A_701 = arith.constant 14 : i32
      %swap3A_702 = arith.index_cast %swap3A_701 : i32 to index
      %swap3A_703 = arith.index_cast %mul3A_700 : i32 to index
      %swap3A_704 = tpu.vector_load %arg7[%swap3A_702, %swap3A_703] {strides = array<i32>} : memref<16x1792xf32, #tpu.memory_space<vmem>>, vector<16xf32>,
      tpu.vector_store %arg7[%swap3A_702, %swap3A_703], %broadcast_in_dim3A_5 {strides = array<i32>} : memref<16x1792xf32, #tpu.memory_space<vmem>>, vector<16xf32>,
      %mul3A_705 = arith.constant 16 : i32
      %mul3A_706 = arith.muli %scan3A_614, %mul3A_705 : i32
      %swap3A_707 = arith.constant 15 : i32
      %swap3A_708 = arith.index_cast %swap3A_707 : i32 to index
      %swap3A_709 = arith.index_cast %mul3A_706 : i32 to index
      %swap3A_710 = tpu.vector_load %arg7[%swap3A_708, %swap3A_709] {strides = array<i32>} : memref<16x1792xf32, #tpu.memory_space<vmem>>, vector<16xf32>,
      tpu.vector_store %arg7[%swap3A_708, %swap3A_709], %broadcast_in_dim3A_5 {strides = array<i32>} : memref<16x1792xf32, #tpu.memory_space<vmem>>, vector<16xf32>,
      %scan3A_711 = arith.constant 6 : i32
      %scan3A_712 = arith.addi %scan3A_125, %scan3A_711 : i32
      %mul3A_713 = arith.constant 16 : i32
      %mul3A_714 = arith.muli %scan3A_712, %mul3A_713 : i32
      %swap3A_715 = arith.constant 0 : i32
      %swap3A_716 = arith.index_cast %swap3A_715 : i32 to index
      %swap3A_717 = arith.index_cast %mul3A_714 : i32 to index
      %swap3A_718 = tpu.vector_load %arg7[%swap3A_716, %swap3A_717] {strides = array<i32>} : memref<16x1792xf32, #tpu.memory_space<vmem>>, vector<16xf32>,
      tpu.vector_store %arg7[%swap3A_716, %swap3A_717], %broadcast_in_dim3A_5 {strides = array<i32>} : memref<16x1792xf32, #tpu.memory_space<vmem>>, vector<16xf32>,
      %mul3A_719 = arith.constant 16 : i32
      %mul3A_720 = arith.muli %scan3A_712, %mul3A_719 : i32
      %swap3A_721 = arith.constant 1 : i32
      %swap3A_722 = arith.index_cast %swap3A_721 : i32 to index
      %swap3A_723 = arith.index_cast %mul3A_720 : i32 to index
      %swap3A_724 = tpu.vector_load %arg7[%swap3A_722, %swap3A_723] {strides = array<i32>} : memref<16x1792xf32, #tpu.memory_space<vmem>>, vector<16xf32>,
      tpu.vector_store %arg7[%swap3A_722, %swap3A_723], %broadcast_in_dim3A_5 {strides = array<i32>} : memref<16x1792xf32, #tpu.memory_space<vmem>>, vector<16xf32>,
      %mul3A_725 = arith.constant 16 : i32
      %mul3A_726 = arith.muli %scan3A_712, %mul3A_725 : i32
      %swap3A_727 = arith.constant 2 : i32
      %swap3A_728 = arith.index_cast %swap3A_727 : i32 to index
      %swap3A_729 = arith.index_cast %mul3A_726 : i32 to index
      %swap3A_730 = tpu.vector_load %arg7[%swap3A_728, %swap3A_729] {strides = array<i32>} : memref<16x1792xf32, #tpu.memory_space<vmem>>, vector<16xf32>,
      tpu.vector_store %arg7[%swap3A_728, %swap3A_729], %broadcast_in_dim3A_5 {strides = array<i32>} : memref<16x1792xf32, #tpu.memory_space<vmem>>, vector<16xf32>,
      %mul3A_731 = arith.constant 16 : i32
      %mul3A_732 = arith.muli %scan3A_712, %mul3A_731 : i32
      %swap3A_733 = arith.constant 3 : i32
      %swap3A_734 = arith.index_cast %swap3A_733 : i32 to index
      %swap3A_735 = arith.index_cast %mul3A_732 : i32 to index
      %swap3A_736 = tpu.vector_load %arg7[%swap3A_734, %swap3A_735] {strides = array<i32>} : memref<16x1792xf32, #tpu.memory_space<vmem>>, vector<16xf32>,
      tpu.vector_store %arg7[%swap3A_734, %swap3A_735], %broadcast_in_dim3A_5 {strides = array<i32>} : memref<16x1792xf32, #tpu.memory_space<vmem>>, vector<16xf32>,
      %mul3A_737 = arith.constant 16 : i32
      %mul3A_738 = arith.muli %scan3A_712, %mul3A_737 : i32
      %swap3A_739 = arith.constant 4 : i32
      %swap3A_740 = arith.index_cast %swap3A_739 : i32 to index
      %swap3A_741 = arith.index_cast %mul3A_738 : i32 to index
      %swap3A_742 = tpu.vector_load %arg7[%swap3A_740, %swap3A_741] {strides = array<i32>} : memref<16x1792xf32, #tpu.memory_space<vmem>>, vector<16xf32>,
      tpu.vector_store %arg7[%swap3A_740, %swap3A_741], %broadcast_in_dim3A_5 {strides = array<i32>} : memref<16x1792xf32, #tpu.memory_space<vmem>>, vector<16xf32>,
      %mul3A_743 = arith.constant 16 : i32
      %mul3A_744 = arith.muli %scan3A_712, %mul3A_743 : i32
      %swap3A_745 = arith.constant 5 : i32
      %swap3A_746 = arith.index_cast %swap3A_745 : i32 to index
      %swap3A_747 = arith.index_cast %mul3A_744 : i32 to index
      %swap3A_748 = tpu.vector_load %arg7[%swap3A_746, %swap3A_747] {strides = array<i32>} : memref<16x1792xf32, #tpu.memory_space<vmem>>, vector<16xf32>,
      tpu.vector_store %arg7[%swap3A_746, %swap3A_747], %broadcast_in_dim3A_5 {strides = array<i32>} : memref<16x1792xf32, #tpu.memory_space<vmem>>, vector<16xf32>,
      %mul3A_749 = arith.constant 16 : i32
      %mul3A_750 = arith.muli %scan3A_712, %mul3A_749 : i32
      %swap3A_751 = arith.constant 6 : i32
      %swap3A_752 = arith.index_cast %swap3A_751 : i32 to index
      %swap3A_753 = arith.index_cast %mul3A_750 : i32 to index
      %swap3A_754 = tpu.vector_load %arg7[%swap3A_752, %swap3A_753] {strides = array<i32>} : memref<16x1792xf32, #tpu.memory_space<vmem>>, vector<16xf32>,
      tpu.vector_store %arg7[%swap3A_752, %swap3A_753], %broadcast_in_dim3A_5 {strides = array<i32>} : memref<16x1792xf32, #tpu.memory_space<vmem>>, vector<16xf32>,
      %mul3A_755 = arith.constant 16 : i32
      %mul3A_756 = arith.muli %scan3A_712, %mul3A_755 : i32
      %swap3A_757 = arith.constant 7 : i32
      %swap3A_758 = arith.index_cast %swap3A_757 : i32 to index
      %swap3A_759 = arith.index_cast %mul3A_756 : i32 to index
      %swap3A_760 = tpu.vector_load %arg7[%swap3A_758, %swap3A_759] {strides = array<i32>} : memref<16x1792xf32, #tpu.memory_space<vmem>>, vector<16xf32>,
      tpu.vector_store %arg7[%swap3A_758, %swap3A_759], %broadcast_in_dim3A_5 {strides = array<i32>} : memref<16x1792xf32, #tpu.memory_space<vmem>>, vector<16xf32>,
      %mul3A_761 = arith.constant 16 : i32
      %mul3A_762 = arith.muli %scan3A_712, %mul3A_761 : i32
      %swap3A_763 = arith.constant 8 : i32
      %swap3A_764 = arith.index_cast %swap3A_763 : i32 to index
      %swap3A_765 = arith.index_cast %mul3A_762 : i32 to index
      %swap3A_766 = tpu.vector_load %arg7[%swap3A_764, %swap3A_765] {strides = array<i32>} : memref<16x1792xf32, #tpu.memory_space<vmem>>, vector<16xf32>,
      tpu.vector_store %arg7[%swap3A_764, %swap3A_765], %broadcast_in_dim3A_5 {strides = array<i32>} : memref<16x1792xf32, #tpu.memory_space<vmem>>, vector<16xf32>,
      %mul3A_767 = arith.constant 16 : i32
      %mul3A_768 = arith.muli %scan3A_712, %mul3A_767 : i32
      %swap3A_769 = arith.constant 9 : i32
      %swap3A_770 = arith.index_cast %swap3A_769 : i32 to index
      %swap3A_771 = arith.index_cast %mul3A_768 : i32 to index
      %swap3A_772 = tpu.vector_load %arg7[%swap3A_770, %swap3A_771] {strides = array<i32>} : memref<16x1792xf32, #tpu.memory_space<vmem>>, vector<16xf32>,
      tpu.vector_store %arg7[%swap3A_770, %swap3A_771], %broadcast_in_dim3A_5 {strides = array<i32>} : memref<16x1792xf32, #tpu.memory_space<vmem>>, vector<16xf32>,
      %mul3A_773 = arith.constant 16 : i32
      %mul3A_774 = arith.muli %scan3A_712, %mul3A_773 : i32
      %swap3A_775 = arith.constant 10 : i32
      %swap3A_776 = arith.index_cast %swap3A_775 : i32 to index
      %swap3A_777 = arith.index_cast %mul3A_774 : i32 to index
      %swap3A_778 = tpu.vector_load %arg7[%swap3A_776, %swap3A_777] {strides = array<i32>} : memref<16x1792xf32, #tpu.memory_space<vmem>>, vector<16xf32>,
      tpu.vector_store %arg7[%swap3A_776, %swap3A_777], %broadcast_in_dim3A_5 {strides = array<i32>} : memref<16x1792xf32, #tpu.memory_space<vmem>>, vector<16xf32>,
      %mul3A_779 = arith.constant 16 : i32
      %mul3A_780 = arith.muli %scan3A_712, %mul3A_779 : i32
      %swap3A_781 = arith.constant 11 : i32
      %swap3A_782 = arith.index_cast %swap3A_781 : i32 to index
      %swap3A_783 = arith.index_cast %mul3A_780 : i32 to index
      %swap3A_784 = tpu.vector_load %arg7[%swap3A_782, %swap3A_783] {strides = array<i32>} : memref<16x1792xf32, #tpu.memory_space<vmem>>, vector<16xf32>,
      tpu.vector_store %arg7[%swap3A_782, %swap3A_783], %broadcast_in_dim3A_5 {strides = array<i32>} : memref<16x1792xf32, #tpu.memory_space<vmem>>, vector<16xf32>,
      %mul3A_785 = arith.constant 16 : i32
      %mul3A_786 = arith.muli %scan3A_712, %mul3A_785 : i32
      %swap3A_787 = arith.constant 12 : i32
      %swap3A_788 = arith.index_cast %swap3A_787 : i32 to index
      %swap3A_789 = arith.index_cast %mul3A_786 : i32 to index
      %swap3A_790 = tpu.vector_load %arg7[%swap3A_788, %swap3A_789] {strides = array<i32>} : memref<16x1792xf32, #tpu.memory_space<vmem>>, vector<16xf32>,
      tpu.vector_store %arg7[%swap3A_788, %swap3A_789], %broadcast_in_dim3A_5 {strides = array<i32>} : memref<16x1792xf32, #tpu.memory_space<vmem>>, vector<16xf32>,
      %mul3A_791 = arith.constant 16 : i32
      %mul3A_792 = arith.muli %scan3A_712, %mul3A_791 : i32
      %swap3A_793 = arith.constant 13 : i32
      %swap3A_794 = arith.index_cast %swap3A_793 : i32 to index
      %swap3A_795 = arith.index_cast %mul3A_792 : i32 to index
      %swap3A_796 = tpu.vector_load %arg7[%swap3A_794, %swap3A_795] {strides = array<i32>} : memref<16x1792xf32, #tpu.memory_space<vmem>>, vector<16xf32>,
      tpu.vector_store %arg7[%swap3A_794, %swap3A_795], %broadcast_in_dim3A_5 {strides = array<i32>} : memref<16x1792xf32, #tpu.memory_space<vmem>>, vector<16xf32>,
      %mul3A_797 = arith.constant 16 : i32
      %mul3A_798 = arith.muli %scan3A_712, %mul3A_797 : i32
      %swap3A_799 = arith.constant 14 : i32
      %swap3A_800 = arith.index_cast %swap3A_799 : i32 to index
      %swap3A_801 = arith.index_cast %mul3A_798 : i32 to index
      %swap3A_802 = tpu.vector_load %arg7[%swap3A_800, %swap3A_801] {strides = array<i32>} : memref<16x1792xf32, #tpu.memory_space<vmem>>, vector<16xf32>,
      tpu.vector_store %arg7[%swap3A_800, %swap3A_801], %broadcast_in_dim3A_5 {strides = array<i32>} : memref<16x1792xf32, #tpu.memory_space<vmem>>, vector<16xf32>,
      %mul3A_803 = arith.constant 16 : i32
      %mul3A_804 = arith.muli %scan3A_712, %mul3A_803 : i32
      %swap3A_805 = arith.constant 15 : i32
      %swap3A_806 = arith.index_cast %swap3A_805 : i32 to index
      %swap3A_807 = arith.index_cast %mul3A_804 : i32 to index
      %swap3A_808 = tpu.vector_load %arg7[%swap3A_806, %swap3A_807] {strides = array<i32>} : memref<16x1792xf32, #tpu.memory_space<vmem>>, vector<16xf32>,
      tpu.vector_store %arg7[%swap3A_806, %swap3A_807], %broadcast_in_dim3A_5 {strides = array<i32>} : memref<16x1792xf32, #tpu.memory_space<vmem>>, vector<16xf32>,
      %scan3A_809 = arith.constant 7 : i32
      %scan3A_810 = arith.addi %scan3A_125, %scan3A_809 : i32
      %mul3A_811 = arith.constant 16 : i32
      %mul3A_812 = arith.muli %scan3A_810, %mul3A_811 : i32
      %swap3A_813 = arith.constant 0 : i32
      %swap3A_814 = arith.index_cast %swap3A_813 : i32 to index
      %swap3A_815 = arith.index_cast %mul3A_812 : i32 to index
      %swap3A_816 = tpu.vector_load %arg7[%swap3A_814, %swap3A_815] {strides = array<i32>} : memref<16x1792xf32, #tpu.memory_space<vmem>>, vector<16xf32>,
      tpu.vector_store %arg7[%swap3A_814, %swap3A_815], %broadcast_in_dim3A_5 {strides = array<i32>} : memref<16x1792xf32, #tpu.memory_space<vmem>>, vector<16xf32>,
      %mul3A_817 = arith.constant 16 : i32
      %mul3A_818 = arith.muli %scan3A_810, %mul3A_817 : i32
      %swap3A_819 = arith.constant 1 : i32
      %swap3A_820 = arith.index_cast %swap3A_819 : i32 to index
      %swap3A_821 = arith.index_cast %mul3A_818 : i32 to index
      %swap3A_822 = tpu.vector_load %arg7[%swap3A_820, %swap3A_821] {strides = array<i32>} : memref<16x1792xf32, #tpu.memory_space<vmem>>, vector<16xf32>,
      tpu.vector_store %arg7[%swap3A_820, %swap3A_821], %broadcast_in_dim3A_5 {strides = array<i32>} : memref<16x1792xf32, #tpu.memory_space<vmem>>, vector<16xf32>,
      %mul3A_823 = arith.constant 16 : i32
      %mul3A_824 = arith.muli %scan3A_810, %mul3A_823 : i32
      %swap3A_825 = arith.constant 2 : i32
      %swap3A_826 = arith.index_cast %swap3A_825 : i32 to index
      %swap3A_827 = arith.index_cast %mul3A_824 : i32 to index
      %swap3A_828 = tpu.vector_load %arg7[%swap3A_826, %swap3A_827] {strides = array<i32>} : memref<16x1792xf32, #tpu.memory_space<vmem>>, vector<16xf32>,
      tpu.vector_store %arg7[%swap3A_826, %swap3A_827], %broadcast_in_dim3A_5 {strides = array<i32>} : memref<16x1792xf32, #tpu.memory_space<vmem>>, vector<16xf32>,
      %mul3A_829 = arith.constant 16 : i32
      %mul3A_830 = arith.muli %scan3A_810, %mul3A_829 : i32
      %swap3A_831 = arith.constant 3 : i32
      %swap3A_832 = arith.index_cast %swap3A_831 : i32 to index
      %swap3A_833 = arith.index_cast %mul3A_830 : i32 to index
      %swap3A_834 = tpu.vector_load %arg7[%swap3A_832, %swap3A_833] {strides = array<i32>} : memref<16x1792xf32, #tpu.memory_space<vmem>>, vector<16xf32>,
      tpu.vector_store %arg7[%swap3A_832, %swap3A_833], %broadcast_in_dim3A_5 {strides = array<i32>} : memref<16x1792xf32, #tpu.memory_space<vmem>>, vector<16xf32>,
      %mul3A_835 = arith.constant 16 : i32
      %mul3A_836 = arith.muli %scan3A_810, %mul3A_835 : i32
      %swap3A_837 = arith.constant 4 : i32
      %swap3A_838 = arith.index_cast %swap3A_837 : i32 to index
      %swap3A_839 = arith.index_cast %mul3A_836 : i32 to index
      %swap3A_840 = tpu.vector_load %arg7[%swap3A_838, %swap3A_839] {strides = array<i32>} : memref<16x1792xf32, #tpu.memory_space<vmem>>, vector<16xf32>,
      tpu.vector_store %arg7[%swap3A_838, %swap3A_839], %broadcast_in_dim3A_5 {strides = array<i32>} : memref<16x1792xf32, #tpu.memory_space<vmem>>, vector<16xf32>,
      %mul3A_841 = arith.constant 16 : i32
      %mul3A_842 = arith.muli %scan3A_810, %mul3A_841 : i32
      %swap3A_843 = arith.constant 5 : i32
      %swap3A_844 = arith.index_cast %swap3A_843 : i32 to index
      %swap3A_845 = arith.index_cast %mul3A_842 : i32 to index
      %swap3A_846 = tpu.vector_load %arg7[%swap3A_844, %swap3A_845] {strides = array<i32>} : memref<16x1792xf32, #tpu.memory_space<vmem>>, vector<16xf32>,
      tpu.vector_store %arg7[%swap3A_844, %swap3A_845], %broadcast_in_dim3A_5 {strides = array<i32>} : memref<16x1792xf32, #tpu.memory_space<vmem>>, vector<16xf32>,
      %mul3A_847 = arith.constant 16 : i32
      %mul3A_848 = arith.muli %scan3A_810, %mul3A_847 : i32
      %swap3A_849 = arith.constant 6 : i32
      %swap3A_850 = arith.index_cast %swap3A_849 : i32 to index
      %swap3A_851 = arith.index_cast %mul3A_848 : i32 to index
      %swap3A_852 = tpu.vector_load %arg7[%swap3A_850, %swap3A_851] {strides = array<i32>} : memref<16x1792xf32, #tpu.memory_space<vmem>>, vector<16xf32>,
      tpu.vector_store %arg7[%swap3A_850, %swap3A_851], %broadcast_in_dim3A_5 {strides = array<i32>} : memref<16x1792xf32, #tpu.memory_space<vmem>>, vector<16xf32>,
      %mul3A_853 = arith.constant 16 : i32
      %mul3A_854 = arith.muli %scan3A_810, %mul3A_853 : i32
      %swap3A_855 = arith.constant 7 : i32
      %swap3A_856 = arith.index_cast %swap3A_855 : i32 to index
      %swap3A_857 = arith.index_cast %mul3A_854 : i32 to index
      %swap3A_858 = tpu.vector_load %arg7[%swap3A_856, %swap3A_857] {strides = array<i32>} : memref<16x1792xf32, #tpu.memory_space<vmem>>, vector<16xf32>,
      tpu.vector_store %arg7[%swap3A_856, %swap3A_857], %broadcast_in_dim3A_5 {strides = array<i32>} : memref<16x1792xf32, #tpu.memory_space<vmem>>, vector<16xf32>,
      %mul3A_859 = arith.constant 16 : i32
      %mul3A_860 = arith.muli %scan3A_810, %mul3A_859 : i32
      %swap3A_861 = arith.constant 8 : i32
      %swap3A_862 = arith.index_cast %swap3A_861 : i32 to index
      %swap3A_863 = arith.index_cast %mul3A_860 : i32 to index
      %swap3A_864 = tpu.vector_load %arg7[%swap3A_862, %swap3A_863] {strides = array<i32>} : memref<16x1792xf32, #tpu.memory_space<vmem>>, vector<16xf32>,
      tpu.vector_store %arg7[%swap3A_862, %swap3A_863], %broadcast_in_dim3A_5 {strides = array<i32>} : memref<16x1792xf32, #tpu.memory_space<vmem>>, vector<16xf32>,
      %mul3A_865 = arith.constant 16 : i32
      %mul3A_866 = arith.muli %scan3A_810, %mul3A_865 : i32
      %swap3A_867 = arith.constant 9 : i32
      %swap3A_868 = arith.index_cast %swap3A_867 : i32 to index
      %swap3A_869 = arith.index_cast %mul3A_866 : i32 to index
      %swap3A_870 = tpu.vector_load %arg7[%swap3A_868, %swap3A_869] {strides = array<i32>} : memref<16x1792xf32, #tpu.memory_space<vmem>>, vector<16xf32>,
      tpu.vector_store %arg7[%swap3A_868, %swap3A_869], %broadcast_in_dim3A_5 {strides = array<i32>} : memref<16x1792xf32, #tpu.memory_space<vmem>>, vector<16xf32>,
      %mul3A_871 = arith.constant 16 : i32
      %mul3A_872 = arith.muli %scan3A_810, %mul3A_871 : i32
      %swap3A_873 = arith.constant 10 : i32
      %swap3A_874 = arith.index_cast %swap3A_873 : i32 to index
      %swap3A_875 = arith.index_cast %mul3A_872 : i32 to index
      %swap3A_876 = tpu.vector_load %arg7[%swap3A_874, %swap3A_875] {strides = array<i32>} : memref<16x1792xf32, #tpu.memory_space<vmem>>, vector<16xf32>,
      tpu.vector_store %arg7[%swap3A_874, %swap3A_875], %broadcast_in_dim3A_5 {strides = array<i32>} : memref<16x1792xf32, #tpu.memory_space<vmem>>, vector<16xf32>,
      %mul3A_877 = arith.constant 16 : i32
      %mul3A_878 = arith.muli %scan3A_810, %mul3A_877 : i32
      %swap3A_879 = arith.constant 11 : i32
      %swap3A_880 = arith.index_cast %swap3A_879 : i32 to index
      %swap3A_881 = arith.index_cast %mul3A_878 : i32 to index
      %swap3A_882 = tpu.vector_load %arg7[%swap3A_880, %swap3A_881] {strides = array<i32>} : memref<16x1792xf32, #tpu.memory_space<vmem>>, vector<16xf32>,
      tpu.vector_store %arg7[%swap3A_880, %swap3A_881], %broadcast_in_dim3A_5 {strides = array<i32>} : memref<16x1792xf32, #tpu.memory_space<vmem>>, vector<16xf32>,
      %mul3A_883 = arith.constant 16 : i32
      %mul3A_884 = arith.muli %scan3A_810, %mul3A_883 : i32
      %swap3A_885 = arith.constant 12 : i32
      %swap3A_886 = arith.index_cast %swap3A_885 : i32 to index
      %swap3A_887 = arith.index_cast %mul3A_884 : i32 to index
      %swap3A_888 = tpu.vector_load %arg7[%swap3A_886, %swap3A_887] {strides = array<i32>} : memref<16x1792xf32, #tpu.memory_space<vmem>>, vector<16xf32>,
      tpu.vector_store %arg7[%swap3A_886, %swap3A_887], %broadcast_in_dim3A_5 {strides = array<i32>} : memref<16x1792xf32, #tpu.memory_space<vmem>>, vector<16xf32>,
      %mul3A_889 = arith.constant 16 : i32
      %mul3A_890 = arith.muli %scan3A_810, %mul3A_889 : i32
      %swap3A_891 = arith.constant 13 : i32
      %swap3A_892 = arith.index_cast %swap3A_891 : i32 to index
      %swap3A_893 = arith.index_cast %mul3A_890 : i32 to index
      %swap3A_894 = tpu.vector_load %arg7[%swap3A_892, %swap3A_893] {strides = array<i32>} : memref<16x1792xf32, #tpu.memory_space<vmem>>, vector<16xf32>,
      tpu.vector_store %arg7[%swap3A_892, %swap3A_893], %broadcast_in_dim3A_5 {strides = array<i32>} : memref<16x1792xf32, #tpu.memory_space<vmem>>, vector<16xf32>,
      %mul3A_895 = arith.constant 16 : i32
      %mul3A_896 = arith.muli %scan3A_810, %mul3A_895 : i32
      %swap3A_897 = arith.constant 14 : i32
      %swap3A_898 = arith.index_cast %swap3A_897 : i32 to index
      %swap3A_899 = arith.index_cast %mul3A_896 : i32 to index
      %swap3A_900 = tpu.vector_load %arg7[%swap3A_898, %swap3A_899] {strides = array<i32>} : memref<16x1792xf32, #tpu.memory_space<vmem>>, vector<16xf32>,
      tpu.vector_store %arg7[%swap3A_898, %swap3A_899], %broadcast_in_dim3A_5 {strides = array<i32>} : memref<16x1792xf32, #tpu.memory_space<vmem>>, vector<16xf32>,
      %mul3A_901 = arith.constant 16 : i32
      %mul3A_902 = arith.muli %scan3A_810, %mul3A_901 : i32
      %swap3A_903 = arith.constant 15 : i32
      %swap3A_904 = arith.index_cast %swap3A_903 : i32 to index
      %swap3A_905 = arith.index_cast %mul3A_902 : i32 to index
      %swap3A_906 = tpu.vector_load %arg7[%swap3A_904, %swap3A_905] {strides = array<i32>} : memref<16x1792xf32, #tpu.memory_space<vmem>>, vector<16xf32>,
      tpu.vector_store %arg7[%swap3A_904, %swap3A_905], %broadcast_in_dim3A_5 {strides = array<i32>} : memref<16x1792xf32, #tpu.memory_space<vmem>>, vector<16xf32>,
    }
    %scan3A_28 = arith.constant 112 : i32
    %scan3A_29 = arith.constant 0 : i32
    %scan3A_30 = arith.constant 112 : i32
    %scan3A_31 = arith.addi %scan3A_29, %scan3A_30 : i32
    %scan3A_32 = arith.constant 8 : i32
    scf.for %scan3A_125 = %scan3A_29 to %scan3A_31 step %scan3A_32  : i32 {
      %mul3A_126 = arith.constant 16 : i32
      %mul3A_127 = arith.muli %scan3A_125, %mul3A_126 : i32
      %swap3A = arith.constant 0 : i32
      %swap3A_128 = arith.index_cast %swap3A : i32 to index
      %swap3A_129 = arith.index_cast %mul3A_127 : i32 to index
      %swap3A_130 = tpu.vector_load %arg8[%swap3A_128, %swap3A_129] {strides = array<i32>} : memref<16x1792xf32, #tpu.memory_space<vmem>>, vector<16xf32>,
      tpu.vector_store %arg8[%swap3A_128, %swap3A_129], %broadcast_in_dim3A_5 {strides = array<i32>} : memref<16x1792xf32, #tpu.memory_space<vmem>>, vector<16xf32>,
      %mul3A_131 = arith.constant 16 : i32
      %mul3A_132 = arith.muli %scan3A_125, %mul3A_131 : i32
      %swap3A_133 = arith.constant 1 : i32
      %swap3A_134 = arith.index_cast %swap3A_133 : i32 to index
      %swap3A_135 = arith.index_cast %mul3A_132 : i32 to index
      %swap3A_136 = tpu.vector_load %arg8[%swap3A_134, %swap3A_135] {strides = array<i32>} : memref<16x1792xf32, #tpu.memory_space<vmem>>, vector<16xf32>,
      tpu.vector_store %arg8[%swap3A_134, %swap3A_135], %broadcast_in_dim3A_5 {strides = array<i32>} : memref<16x1792xf32, #tpu.memory_space<vmem>>, vector<16xf32>,
      %mul3A_137 = arith.constant 16 : i32
      %mul3A_138 = arith.muli %scan3A_125, %mul3A_137 : i32
      %swap3A_139 = arith.constant 2 : i32
      %swap3A_140 = arith.index_cast %swap3A_139 : i32 to index
      %swap3A_141 = arith.index_cast %mul3A_138 : i32 to index
      %swap3A_142 = tpu.vector_load %arg8[%swap3A_140, %swap3A_141] {strides = array<i32>} : memref<16x1792xf32, #tpu.memory_space<vmem>>, vector<16xf32>,
      tpu.vector_store %arg8[%swap3A_140, %swap3A_141], %broadcast_in_dim3A_5 {strides = array<i32>} : memref<16x1792xf32, #tpu.memory_space<vmem>>, vector<16xf32>,
      %mul3A_143 = arith.constant 16 : i32
      %mul3A_144 = arith.muli %scan3A_125, %mul3A_143 : i32
      %swap3A_145 = arith.constant 3 : i32
      %swap3A_146 = arith.index_cast %swap3A_145 : i32 to index
      %swap3A_147 = arith.index_cast %mul3A_144 : i32 to index
      %swap3A_148 = tpu.vector_load %arg8[%swap3A_146, %swap3A_147] {strides = array<i32>} : memref<16x1792xf32, #tpu.memory_space<vmem>>, vector<16xf32>,
      tpu.vector_store %arg8[%swap3A_146, %swap3A_147], %broadcast_in_dim3A_5 {strides = array<i32>} : memref<16x1792xf32, #tpu.memory_space<vmem>>, vector<16xf32>,
      %mul3A_149 = arith.constant 16 : i32
      %mul3A_150 = arith.muli %scan3A_125, %mul3A_149 : i32
      %swap3A_151 = arith.constant 4 : i32
      %swap3A_152 = arith.index_cast %swap3A_151 : i32 to index
      %swap3A_153 = arith.index_cast %mul3A_150 : i32 to index
      %swap3A_154 = tpu.vector_load %arg8[%swap3A_152, %swap3A_153] {strides = array<i32>} : memref<16x1792xf32, #tpu.memory_space<vmem>>, vector<16xf32>,
      tpu.vector_store %arg8[%swap3A_152, %swap3A_153], %broadcast_in_dim3A_5 {strides = array<i32>} : memref<16x1792xf32, #tpu.memory_space<vmem>>, vector<16xf32>,
      %mul3A_155 = arith.constant 16 : i32
      %mul3A_156 = arith.muli %scan3A_125, %mul3A_155 : i32
      %swap3A_157 = arith.constant 5 : i32
      %swap3A_158 = arith.index_cast %swap3A_157 : i32 to index
      %swap3A_159 = arith.index_cast %mul3A_156 : i32 to index
      %swap3A_160 = tpu.vector_load %arg8[%swap3A_158, %swap3A_159] {strides = array<i32>} : memref<16x1792xf32, #tpu.memory_space<vmem>>, vector<16xf32>,
      tpu.vector_store %arg8[%swap3A_158, %swap3A_159], %broadcast_in_dim3A_5 {strides = array<i32>} : memref<16x1792xf32, #tpu.memory_space<vmem>>, vector<16xf32>,
      %mul3A_161 = arith.constant 16 : i32
      %mul3A_162 = arith.muli %scan3A_125, %mul3A_161 : i32
      %swap3A_163 = arith.constant 6 : i32
      %swap3A_164 = arith.index_cast %swap3A_163 : i32 to index
      %swap3A_165 = arith.index_cast %mul3A_162 : i32 to index
      %swap3A_166 = tpu.vector_load %arg8[%swap3A_164, %swap3A_165] {strides = array<i32>} : memref<16x1792xf32, #tpu.memory_space<vmem>>, vector<16xf32>,
      tpu.vector_store %arg8[%swap3A_164, %swap3A_165], %broadcast_in_dim3A_5 {strides = array<i32>} : memref<16x1792xf32, #tpu.memory_space<vmem>>, vector<16xf32>,
      %mul3A_167 = arith.constant 16 : i32
      %mul3A_168 = arith.muli %scan3A_125, %mul3A_167 : i32
      %swap3A_169 = arith.constant 7 : i32
      %swap3A_170 = arith.index_cast %swap3A_169 : i32 to index
      %swap3A_171 = arith.index_cast %mul3A_168 : i32 to index
      %swap3A_172 = tpu.vector_load %arg8[%swap3A_170, %swap3A_171] {strides = array<i32>} : memref<16x1792xf32, #tpu.memory_space<vmem>>, vector<16xf32>,
      tpu.vector_store %arg8[%swap3A_170, %swap3A_171], %broadcast_in_dim3A_5 {strides = array<i32>} : memref<16x1792xf32, #tpu.memory_space<vmem>>, vector<16xf32>,
      %mul3A_173 = arith.constant 16 : i32
      %mul3A_174 = arith.muli %scan3A_125, %mul3A_173 : i32
      %swap3A_175 = arith.constant 8 : i32
      %swap3A_176 = arith.index_cast %swap3A_175 : i32 to index
      %swap3A_177 = arith.index_cast %mul3A_174 : i32 to index
      %swap3A_178 = tpu.vector_load %arg8[%swap3A_176, %swap3A_177] {strides = array<i32>} : memref<16x1792xf32, #tpu.memory_space<vmem>>, vector<16xf32>,
      tpu.vector_store %arg8[%swap3A_176, %swap3A_177], %broadcast_in_dim3A_5 {strides = array<i32>} : memref<16x1792xf32, #tpu.memory_space<vmem>>, vector<16xf32>,
      %mul3A_179 = arith.constant 16 : i32
      %mul3A_180 = arith.muli %scan3A_125, %mul3A_179 : i32
      %swap3A_181 = arith.constant 9 : i32
      %swap3A_182 = arith.index_cast %swap3A_181 : i32 to index
      %swap3A_183 = arith.index_cast %mul3A_180 : i32 to index
      %swap3A_184 = tpu.vector_load %arg8[%swap3A_182, %swap3A_183] {strides = array<i32>} : memref<16x1792xf32, #tpu.memory_space<vmem>>, vector<16xf32>,
      tpu.vector_store %arg8[%swap3A_182, %swap3A_183], %broadcast_in_dim3A_5 {strides = array<i32>} : memref<16x1792xf32, #tpu.memory_space<vmem>>, vector<16xf32>,
      %mul3A_185 = arith.constant 16 : i32
      %mul3A_186 = arith.muli %scan3A_125, %mul3A_185 : i32
      %swap3A_187 = arith.constant 10 : i32
      %swap3A_188 = arith.index_cast %swap3A_187 : i32 to index
      %swap3A_189 = arith.index_cast %mul3A_186 : i32 to index
      %swap3A_190 = tpu.vector_load %arg8[%swap3A_188, %swap3A_189] {strides = array<i32>} : memref<16x1792xf32, #tpu.memory_space<vmem>>, vector<16xf32>,
      tpu.vector_store %arg8[%swap3A_188, %swap3A_189], %broadcast_in_dim3A_5 {strides = array<i32>} : memref<16x1792xf32, #tpu.memory_space<vmem>>, vector<16xf32>,
      %mul3A_191 = arith.constant 16 : i32
      %mul3A_192 = arith.muli %scan3A_125, %mul3A_191 : i32
      %swap3A_193 = arith.constant 11 : i32
      %swap3A_194 = arith.index_cast %swap3A_193 : i32 to index
      %swap3A_195 = arith.index_cast %mul3A_192 : i32 to index
      %swap3A_196 = tpu.vector_load %arg8[%swap3A_194, %swap3A_195] {strides = array<i32>} : memref<16x1792xf32, #tpu.memory_space<vmem>>, vector<16xf32>,
      tpu.vector_store %arg8[%swap3A_194, %swap3A_195], %broadcast_in_dim3A_5 {strides = array<i32>} : memref<16x1792xf32, #tpu.memory_space<vmem>>, vector<16xf32>,
      %mul3A_197 = arith.constant 16 : i32
      %mul3A_198 = arith.muli %scan3A_125, %mul3A_197 : i32
      %swap3A_199 = arith.constant 12 : i32
      %swap3A_200 = arith.index_cast %swap3A_199 : i32 to index
      %swap3A_201 = arith.index_cast %mul3A_198 : i32 to index
      %swap3A_202 = tpu.vector_load %arg8[%swap3A_200, %swap3A_201] {strides = array<i32>} : memref<16x1792xf32, #tpu.memory_space<vmem>>, vector<16xf32>,
      tpu.vector_store %arg8[%swap3A_200, %swap3A_201], %broadcast_in_dim3A_5 {strides = array<i32>} : memref<16x1792xf32, #tpu.memory_space<vmem>>, vector<16xf32>,
      %mul3A_203 = arith.constant 16 : i32
      %mul3A_204 = arith.muli %scan3A_125, %mul3A_203 : i32
      %swap3A_205 = arith.constant 13 : i32
      %swap3A_206 = arith.index_cast %swap3A_205 : i32 to index
      %swap3A_207 = arith.index_cast %mul3A_204 : i32 to index
      %swap3A_208 = tpu.vector_load %arg8[%swap3A_206, %swap3A_207] {strides = array<i32>} : memref<16x1792xf32, #tpu.memory_space<vmem>>, vector<16xf32>,
      tpu.vector_store %arg8[%swap3A_206, %swap3A_207], %broadcast_in_dim3A_5 {strides = array<i32>} : memref<16x1792xf32, #tpu.memory_space<vmem>>, vector<16xf32>,
      %mul3A_209 = arith.constant 16 : i32
      %mul3A_210 = arith.muli %scan3A_125, %mul3A_209 : i32
      %swap3A_211 = arith.constant 14 : i32
      %swap3A_212 = arith.index_cast %swap3A_211 : i32 to index
      %swap3A_213 = arith.index_cast %mul3A_210 : i32 to index
      %swap3A_214 = tpu.vector_load %arg8[%swap3A_212, %swap3A_213] {strides = array<i32>} : memref<16x1792xf32, #tpu.memory_space<vmem>>, vector<16xf32>,
      tpu.vector_store %arg8[%swap3A_212, %swap3A_213], %broadcast_in_dim3A_5 {strides = array<i32>} : memref<16x1792xf32, #tpu.memory_space<vmem>>, vector<16xf32>,
      %mul3A_215 = arith.constant 16 : i32
      %mul3A_216 = arith.muli %scan3A_125, %mul3A_215 : i32
      %swap3A_217 = arith.constant 15 : i32
      %swap3A_218 = arith.index_cast %swap3A_217 : i32 to index
      %swap3A_219 = arith.index_cast %mul3A_216 : i32 to index
      %swap3A_220 = tpu.vector_load %arg8[%swap3A_218, %swap3A_219] {strides = array<i32>} : memref<16x1792xf32, #tpu.memory_space<vmem>>, vector<16xf32>,
      tpu.vector_store %arg8[%swap3A_218, %swap3A_219], %broadcast_in_dim3A_5 {strides = array<i32>} : memref<16x1792xf32, #tpu.memory_space<vmem>>, vector<16xf32>,
      %scan3A_221 = arith.constant 1 : i32
      %scan3A_222 = arith.addi %scan3A_125, %scan3A_221 : i32
      %mul3A_223 = arith.constant 16 : i32
      %mul3A_224 = arith.muli %scan3A_222, %mul3A_223 : i32
      %swap3A_225 = arith.constant 0 : i32
      %swap3A_226 = arith.index_cast %swap3A_225 : i32 to index
      %swap3A_227 = arith.index_cast %mul3A_224 : i32 to index
      %swap3A_228 = tpu.vector_load %arg8[%swap3A_226, %swap3A_227] {strides = array<i32>} : memref<16x1792xf32, #tpu.memory_space<vmem>>, vector<16xf32>,
      tpu.vector_store %arg8[%swap3A_226, %swap3A_227], %broadcast_in_dim3A_5 {strides = array<i32>} : memref<16x1792xf32, #tpu.memory_space<vmem>>, vector<16xf32>,
      %mul3A_229 = arith.constant 16 : i32
      %mul3A_230 = arith.muli %scan3A_222, %mul3A_229 : i32
      %swap3A_231 = arith.constant 1 : i32
      %swap3A_232 = arith.index_cast %swap3A_231 : i32 to index
      %swap3A_233 = arith.index_cast %mul3A_230 : i32 to index
      %swap3A_234 = tpu.vector_load %arg8[%swap3A_232, %swap3A_233] {strides = array<i32>} : memref<16x1792xf32, #tpu.memory_space<vmem>>, vector<16xf32>,
      tpu.vector_store %arg8[%swap3A_232, %swap3A_233], %broadcast_in_dim3A_5 {strides = array<i32>} : memref<16x1792xf32, #tpu.memory_space<vmem>>, vector<16xf32>,
      %mul3A_235 = arith.constant 16 : i32
      %mul3A_236 = arith.muli %scan3A_222, %mul3A_235 : i32
      %swap3A_237 = arith.constant 2 : i32
      %swap3A_238 = arith.index_cast %swap3A_237 : i32 to index
      %swap3A_239 = arith.index_cast %mul3A_236 : i32 to index
      %swap3A_240 = tpu.vector_load %arg8[%swap3A_238, %swap3A_239] {strides = array<i32>} : memref<16x1792xf32, #tpu.memory_space<vmem>>, vector<16xf32>,
      tpu.vector_store %arg8[%swap3A_238, %swap3A_239], %broadcast_in_dim3A_5 {strides = array<i32>} : memref<16x1792xf32, #tpu.memory_space<vmem>>, vector<16xf32>,
      %mul3A_241 = arith.constant 16 : i32
      %mul3A_242 = arith.muli %scan3A_222, %mul3A_241 : i32
      %swap3A_243 = arith.constant 3 : i32
      %swap3A_244 = arith.index_cast %swap3A_243 : i32 to index
      %swap3A_245 = arith.index_cast %mul3A_242 : i32 to index
      %swap3A_246 = tpu.vector_load %arg8[%swap3A_244, %swap3A_245] {strides = array<i32>} : memref<16x1792xf32, #tpu.memory_space<vmem>>, vector<16xf32>,
      tpu.vector_store %arg8[%swap3A_244, %swap3A_245], %broadcast_in_dim3A_5 {strides = array<i32>} : memref<16x1792xf32, #tpu.memory_space<vmem>>, vector<16xf32>,
      %mul3A_247 = arith.constant 16 : i32
      %mul3A_248 = arith.muli %scan3A_222, %mul3A_247 : i32
      %swap3A_249 = arith.constant 4 : i32
      %swap3A_250 = arith.index_cast %swap3A_249 : i32 to index
      %swap3A_251 = arith.index_cast %mul3A_248 : i32 to index
      %swap3A_252 = tpu.vector_load %arg8[%swap3A_250, %swap3A_251] {strides = array<i32>} : memref<16x1792xf32, #tpu.memory_space<vmem>>, vector<16xf32>,
      tpu.vector_store %arg8[%swap3A_250, %swap3A_251], %broadcast_in_dim3A_5 {strides = array<i32>} : memref<16x1792xf32, #tpu.memory_space<vmem>>, vector<16xf32>,
      %mul3A_253 = arith.constant 16 : i32
      %mul3A_254 = arith.muli %scan3A_222, %mul3A_253 : i32
      %swap3A_255 = arith.constant 5 : i32
      %swap3A_256 = arith.index_cast %swap3A_255 : i32 to index
      %swap3A_257 = arith.index_cast %mul3A_254 : i32 to index
      %swap3A_258 = tpu.vector_load %arg8[%swap3A_256, %swap3A_257] {strides = array<i32>} : memref<16x1792xf32, #tpu.memory_space<vmem>>, vector<16xf32>,
      tpu.vector_store %arg8[%swap3A_256, %swap3A_257], %broadcast_in_dim3A_5 {strides = array<i32>} : memref<16x1792xf32, #tpu.memory_space<vmem>>, vector<16xf32>,
      %mul3A_259 = arith.constant 16 : i32
      %mul3A_260 = arith.muli %scan3A_222, %mul3A_259 : i32
      %swap3A_261 = arith.constant 6 : i32
      %swap3A_262 = arith.index_cast %swap3A_261 : i32 to index
      %swap3A_263 = arith.index_cast %mul3A_260 : i32 to index
      %swap3A_264 = tpu.vector_load %arg8[%swap3A_262, %swap3A_263] {strides = array<i32>} : memref<16x1792xf32, #tpu.memory_space<vmem>>, vector<16xf32>,
      tpu.vector_store %arg8[%swap3A_262, %swap3A_263], %broadcast_in_dim3A_5 {strides = array<i32>} : memref<16x1792xf32, #tpu.memory_space<vmem>>, vector<16xf32>,
      %mul3A_265 = arith.constant 16 : i32
      %mul3A_266 = arith.muli %scan3A_222, %mul3A_265 : i32
      %swap3A_267 = arith.constant 7 : i32
      %swap3A_268 = arith.index_cast %swap3A_267 : i32 to index
      %swap3A_269 = arith.index_cast %mul3A_266 : i32 to index
      %swap3A_270 = tpu.vector_load %arg8[%swap3A_268, %swap3A_269] {strides = array<i32>} : memref<16x1792xf32, #tpu.memory_space<vmem>>, vector<16xf32>,
      tpu.vector_store %arg8[%swap3A_268, %swap3A_269], %broadcast_in_dim3A_5 {strides = array<i32>} : memref<16x1792xf32, #tpu.memory_space<vmem>>, vector<16xf32>,
      %mul3A_271 = arith.constant 16 : i32
      %mul3A_272 = arith.muli %scan3A_222, %mul3A_271 : i32
      %swap3A_273 = arith.constant 8 : i32
      %swap3A_274 = arith.index_cast %swap3A_273 : i32 to index
      %swap3A_275 = arith.index_cast %mul3A_272 : i32 to index
      %swap3A_276 = tpu.vector_load %arg8[%swap3A_274, %swap3A_275] {strides = array<i32>} : memref<16x1792xf32, #tpu.memory_space<vmem>>, vector<16xf32>,
      tpu.vector_store %arg8[%swap3A_274, %swap3A_275], %broadcast_in_dim3A_5 {strides = array<i32>} : memref<16x1792xf32, #tpu.memory_space<vmem>>, vector<16xf32>,
      %mul3A_277 = arith.constant 16 : i32
      %mul3A_278 = arith.muli %scan3A_222, %mul3A_277 : i32
      %swap3A_279 = arith.constant 9 : i32
      %swap3A_280 = arith.index_cast %swap3A_279 : i32 to index
      %swap3A_281 = arith.index_cast %mul3A_278 : i32 to index
      %swap3A_282 = tpu.vector_load %arg8[%swap3A_280, %swap3A_281] {strides = array<i32>} : memref<16x1792xf32, #tpu.memory_space<vmem>>, vector<16xf32>,
      tpu.vector_store %arg8[%swap3A_280, %swap3A_281], %broadcast_in_dim3A_5 {strides = array<i32>} : memref<16x1792xf32, #tpu.memory_space<vmem>>, vector<16xf32>,
      %mul3A_283 = arith.constant 16 : i32
      %mul3A_284 = arith.muli %scan3A_222, %mul3A_283 : i32
      %swap3A_285 = arith.constant 10 : i32
      %swap3A_286 = arith.index_cast %swap3A_285 : i32 to index
      %swap3A_287 = arith.index_cast %mul3A_284 : i32 to index
      %swap3A_288 = tpu.vector_load %arg8[%swap3A_286, %swap3A_287] {strides = array<i32>} : memref<16x1792xf32, #tpu.memory_space<vmem>>, vector<16xf32>,
      tpu.vector_store %arg8[%swap3A_286, %swap3A_287], %broadcast_in_dim3A_5 {strides = array<i32>} : memref<16x1792xf32, #tpu.memory_space<vmem>>, vector<16xf32>,
      %mul3A_289 = arith.constant 16 : i32
      %mul3A_290 = arith.muli %scan3A_222, %mul3A_289 : i32
      %swap3A_291 = arith.constant 11 : i32
      %swap3A_292 = arith.index_cast %swap3A_291 : i32 to index
      %swap3A_293 = arith.index_cast %mul3A_290 : i32 to index
      %swap3A_294 = tpu.vector_load %arg8[%swap3A_292, %swap3A_293] {strides = array<i32>} : memref<16x1792xf32, #tpu.memory_space<vmem>>, vector<16xf32>,
      tpu.vector_store %arg8[%swap3A_292, %swap3A_293], %broadcast_in_dim3A_5 {strides = array<i32>} : memref<16x1792xf32, #tpu.memory_space<vmem>>, vector<16xf32>,
      %mul3A_295 = arith.constant 16 : i32
      %mul3A_296 = arith.muli %scan3A_222, %mul3A_295 : i32
      %swap3A_297 = arith.constant 12 : i32
      %swap3A_298 = arith.index_cast %swap3A_297 : i32 to index
      %swap3A_299 = arith.index_cast %mul3A_296 : i32 to index
      %swap3A_300 = tpu.vector_load %arg8[%swap3A_298, %swap3A_299] {strides = array<i32>} : memref<16x1792xf32, #tpu.memory_space<vmem>>, vector<16xf32>,
      tpu.vector_store %arg8[%swap3A_298, %swap3A_299], %broadcast_in_dim3A_5 {strides = array<i32>} : memref<16x1792xf32, #tpu.memory_space<vmem>>, vector<16xf32>,
      %mul3A_301 = arith.constant 16 : i32
      %mul3A_302 = arith.muli %scan3A_222, %mul3A_301 : i32
      %swap3A_303 = arith.constant 13 : i32
      %swap3A_304 = arith.index_cast %swap3A_303 : i32 to index
      %swap3A_305 = arith.index_cast %mul3A_302 : i32 to index
      %swap3A_306 = tpu.vector_load %arg8[%swap3A_304, %swap3A_305] {strides = array<i32>} : memref<16x1792xf32, #tpu.memory_space<vmem>>, vector<16xf32>,
      tpu.vector_store %arg8[%swap3A_304, %swap3A_305], %broadcast_in_dim3A_5 {strides = array<i32>} : memref<16x1792xf32, #tpu.memory_space<vmem>>, vector<16xf32>,
      %mul3A_307 = arith.constant 16 : i32
      %mul3A_308 = arith.muli %scan3A_222, %mul3A_307 : i32
      %swap3A_309 = arith.constant 14 : i32
      %swap3A_310 = arith.index_cast %swap3A_309 : i32 to index
      %swap3A_311 = arith.index_cast %mul3A_308 : i32 to index
      %swap3A_312 = tpu.vector_load %arg8[%swap3A_310, %swap3A_311] {strides = array<i32>} : memref<16x1792xf32, #tpu.memory_space<vmem>>, vector<16xf32>,
      tpu.vector_store %arg8[%swap3A_310, %swap3A_311], %broadcast_in_dim3A_5 {strides = array<i32>} : memref<16x1792xf32, #tpu.memory_space<vmem>>, vector<16xf32>,
      %mul3A_313 = arith.constant 16 : i32
      %mul3A_314 = arith.muli %scan3A_222, %mul3A_313 : i32
      %swap3A_315 = arith.constant 15 : i32
      %swap3A_316 = arith.index_cast %swap3A_315 : i32 to index
      %swap3A_317 = arith.index_cast %mul3A_314 : i32 to index
      %swap3A_318 = tpu.vector_load %arg8[%swap3A_316, %swap3A_317] {strides = array<i32>} : memref<16x1792xf32, #tpu.memory_space<vmem>>, vector<16xf32>,
      tpu.vector_store %arg8[%swap3A_316, %swap3A_317], %broadcast_in_dim3A_5 {strides = array<i32>} : memref<16x1792xf32, #tpu.memory_space<vmem>>, vector<16xf32>,
      %scan3A_319 = arith.constant 2 : i32
      %scan3A_320 = arith.addi %scan3A_125, %scan3A_319 : i32
      %mul3A_321 = arith.constant 16 : i32
      %mul3A_322 = arith.muli %scan3A_320, %mul3A_321 : i32
      %swap3A_323 = arith.constant 0 : i32
      %swap3A_324 = arith.index_cast %swap3A_323 : i32 to index
      %swap3A_325 = arith.index_cast %mul3A_322 : i32 to index
      %swap3A_326 = tpu.vector_load %arg8[%swap3A_324, %swap3A_325] {strides = array<i32>} : memref<16x1792xf32, #tpu.memory_space<vmem>>, vector<16xf32>,
      tpu.vector_store %arg8[%swap3A_324, %swap3A_325], %broadcast_in_dim3A_5 {strides = array<i32>} : memref<16x1792xf32, #tpu.memory_space<vmem>>, vector<16xf32>,
      %mul3A_327 = arith.constant 16 : i32
      %mul3A_328 = arith.muli %scan3A_320, %mul3A_327 : i32
      %swap3A_329 = arith.constant 1 : i32
      %swap3A_330 = arith.index_cast %swap3A_329 : i32 to index
      %swap3A_331 = arith.index_cast %mul3A_328 : i32 to index
      %swap3A_332 = tpu.vector_load %arg8[%swap3A_330, %swap3A_331] {strides = array<i32>} : memref<16x1792xf32, #tpu.memory_space<vmem>>, vector<16xf32>,
      tpu.vector_store %arg8[%swap3A_330, %swap3A_331], %broadcast_in_dim3A_5 {strides = array<i32>} : memref<16x1792xf32, #tpu.memory_space<vmem>>, vector<16xf32>,
      %mul3A_333 = arith.constant 16 : i32
      %mul3A_334 = arith.muli %scan3A_320, %mul3A_333 : i32
      %swap3A_335 = arith.constant 2 : i32
      %swap3A_336 = arith.index_cast %swap3A_335 : i32 to index
      %swap3A_337 = arith.index_cast %mul3A_334 : i32 to index
      %swap3A_338 = tpu.vector_load %arg8[%swap3A_336, %swap3A_337] {strides = array<i32>} : memref<16x1792xf32, #tpu.memory_space<vmem>>, vector<16xf32>,
      tpu.vector_store %arg8[%swap3A_336, %swap3A_337], %broadcast_in_dim3A_5 {strides = array<i32>} : memref<16x1792xf32, #tpu.memory_space<vmem>>, vector<16xf32>,
      %mul3A_339 = arith.constant 16 : i32
      %mul3A_340 = arith.muli %scan3A_320, %mul3A_339 : i32
      %swap3A_341 = arith.constant 3 : i32
      %swap3A_342 = arith.index_cast %swap3A_341 : i32 to index
      %swap3A_343 = arith.index_cast %mul3A_340 : i32 to index
      %swap3A_344 = tpu.vector_load %arg8[%swap3A_342, %swap3A_343] {strides = array<i32>} : memref<16x1792xf32, #tpu.memory_space<vmem>>, vector<16xf32>,
      tpu.vector_store %arg8[%swap3A_342, %swap3A_343], %broadcast_in_dim3A_5 {strides = array<i32>} : memref<16x1792xf32, #tpu.memory_space<vmem>>, vector<16xf32>,
      %mul3A_345 = arith.constant 16 : i32
      %mul3A_346 = arith.muli %scan3A_320, %mul3A_345 : i32
      %swap3A_347 = arith.constant 4 : i32
      %swap3A_348 = arith.index_cast %swap3A_347 : i32 to index
      %swap3A_349 = arith.index_cast %mul3A_346 : i32 to index
      %swap3A_350 = tpu.vector_load %arg8[%swap3A_348, %swap3A_349] {strides = array<i32>} : memref<16x1792xf32, #tpu.memory_space<vmem>>, vector<16xf32>,
      tpu.vector_store %arg8[%swap3A_348, %swap3A_349], %broadcast_in_dim3A_5 {strides = array<i32>} : memref<16x1792xf32, #tpu.memory_space<vmem>>, vector<16xf32>,
      %mul3A_351 = arith.constant 16 : i32
      %mul3A_352 = arith.muli %scan3A_320, %mul3A_351 : i32
      %swap3A_353 = arith.constant 5 : i32
      %swap3A_354 = arith.index_cast %swap3A_353 : i32 to index
      %swap3A_355 = arith.index_cast %mul3A_352 : i32 to index
      %swap3A_356 = tpu.vector_load %arg8[%swap3A_354, %swap3A_355] {strides = array<i32>} : memref<16x1792xf32, #tpu.memory_space<vmem>>, vector<16xf32>,
      tpu.vector_store %arg8[%swap3A_354, %swap3A_355], %broadcast_in_dim3A_5 {strides = array<i32>} : memref<16x1792xf32, #tpu.memory_space<vmem>>, vector<16xf32>,
      %mul3A_357 = arith.constant 16 : i32
      %mul3A_358 = arith.muli %scan3A_320, %mul3A_357 : i32
      %swap3A_359 = arith.constant 6 : i32
      %swap3A_360 = arith.index_cast %swap3A_359 : i32 to index
      %swap3A_361 = arith.index_cast %mul3A_358 : i32 to index
      %swap3A_362 = tpu.vector_load %arg8[%swap3A_360, %swap3A_361] {strides = array<i32>} : memref<16x1792xf32, #tpu.memory_space<vmem>>, vector<16xf32>,
      tpu.vector_store %arg8[%swap3A_360, %swap3A_361], %broadcast_in_dim3A_5 {strides = array<i32>} : memref<16x1792xf32, #tpu.memory_space<vmem>>, vector<16xf32>,
      %mul3A_363 = arith.constant 16 : i32
      %mul3A_364 = arith.muli %scan3A_320, %mul3A_363 : i32
      %swap3A_365 = arith.constant 7 : i32
      %swap3A_366 = arith.index_cast %swap3A_365 : i32 to index
      %swap3A_367 = arith.index_cast %mul3A_364 : i32 to index
      %swap3A_368 = tpu.vector_load %arg8[%swap3A_366, %swap3A_367] {strides = array<i32>} : memref<16x1792xf32, #tpu.memory_space<vmem>>, vector<16xf32>,
      tpu.vector_store %arg8[%swap3A_366, %swap3A_367], %broadcast_in_dim3A_5 {strides = array<i32>} : memref<16x1792xf32, #tpu.memory_space<vmem>>, vector<16xf32>,
      %mul3A_369 = arith.constant 16 : i32
      %mul3A_370 = arith.muli %scan3A_320, %mul3A_369 : i32
      %swap3A_371 = arith.constant 8 : i32
      %swap3A_372 = arith.index_cast %swap3A_371 : i32 to index
      %swap3A_373 = arith.index_cast %mul3A_370 : i32 to index
      %swap3A_374 = tpu.vector_load %arg8[%swap3A_372, %swap3A_373] {strides = array<i32>} : memref<16x1792xf32, #tpu.memory_space<vmem>>, vector<16xf32>,
      tpu.vector_store %arg8[%swap3A_372, %swap3A_373], %broadcast_in_dim3A_5 {strides = array<i32>} : memref<16x1792xf32, #tpu.memory_space<vmem>>, vector<16xf32>,
      %mul3A_375 = arith.constant 16 : i32
      %mul3A_376 = arith.muli %scan3A_320, %mul3A_375 : i32
      %swap3A_377 = arith.constant 9 : i32
      %swap3A_378 = arith.index_cast %swap3A_377 : i32 to index
      %swap3A_379 = arith.index_cast %mul3A_376 : i32 to index
      %swap3A_380 = tpu.vector_load %arg8[%swap3A_378, %swap3A_379] {strides = array<i32>} : memref<16x1792xf32, #tpu.memory_space<vmem>>, vector<16xf32>,
      tpu.vector_store %arg8[%swap3A_378, %swap3A_379], %broadcast_in_dim3A_5 {strides = array<i32>} : memref<16x1792xf32, #tpu.memory_space<vmem>>, vector<16xf32>,
      %mul3A_381 = arith.constant 16 : i32
      %mul3A_382 = arith.muli %scan3A_320, %mul3A_381 : i32
      %swap3A_383 = arith.constant 10 : i32
      %swap3A_384 = arith.index_cast %swap3A_383 : i32 to index
      %swap3A_385 = arith.index_cast %mul3A_382 : i32 to index
      %swap3A_386 = tpu.vector_load %arg8[%swap3A_384, %swap3A_385] {strides = array<i32>} : memref<16x1792xf32, #tpu.memory_space<vmem>>, vector<16xf32>,
      tpu.vector_store %arg8[%swap3A_384, %swap3A_385], %broadcast_in_dim3A_5 {strides = array<i32>} : memref<16x1792xf32, #tpu.memory_space<vmem>>, vector<16xf32>,
      %mul3A_387 = arith.constant 16 : i32
      %mul3A_388 = arith.muli %scan3A_320, %mul3A_387 : i32
      %swap3A_389 = arith.constant 11 : i32
      %swap3A_390 = arith.index_cast %swap3A_389 : i32 to index
      %swap3A_391 = arith.index_cast %mul3A_388 : i32 to index
      %swap3A_392 = tpu.vector_load %arg8[%swap3A_390, %swap3A_391] {strides = array<i32>} : memref<16x1792xf32, #tpu.memory_space<vmem>>, vector<16xf32>,
      tpu.vector_store %arg8[%swap3A_390, %swap3A_391], %broadcast_in_dim3A_5 {strides = array<i32>} : memref<16x1792xf32, #tpu.memory_space<vmem>>, vector<16xf32>,
      %mul3A_393 = arith.constant 16 : i32
      %mul3A_394 = arith.muli %scan3A_320, %mul3A_393 : i32
      %swap3A_395 = arith.constant 12 : i32
      %swap3A_396 = arith.index_cast %swap3A_395 : i32 to index
      %swap3A_397 = arith.index_cast %mul3A_394 : i32 to index
      %swap3A_398 = tpu.vector_load %arg8[%swap3A_396, %swap3A_397] {strides = array<i32>} : memref<16x1792xf32, #tpu.memory_space<vmem>>, vector<16xf32>,
      tpu.vector_store %arg8[%swap3A_396, %swap3A_397], %broadcast_in_dim3A_5 {strides = array<i32>} : memref<16x1792xf32, #tpu.memory_space<vmem>>, vector<16xf32>,
      %mul3A_399 = arith.constant 16 : i32
      %mul3A_400 = arith.muli %scan3A_320, %mul3A_399 : i32
      %swap3A_401 = arith.constant 13 : i32
      %swap3A_402 = arith.index_cast %swap3A_401 : i32 to index
      %swap3A_403 = arith.index_cast %mul3A_400 : i32 to index
      %swap3A_404 = tpu.vector_load %arg8[%swap3A_402, %swap3A_403] {strides = array<i32>} : memref<16x1792xf32, #tpu.memory_space<vmem>>, vector<16xf32>,
      tpu.vector_store %arg8[%swap3A_402, %swap3A_403], %broadcast_in_dim3A_5 {strides = array<i32>} : memref<16x1792xf32, #tpu.memory_space<vmem>>, vector<16xf32>,
      %mul3A_405 = arith.constant 16 : i32
      %mul3A_406 = arith.muli %scan3A_320, %mul3A_405 : i32
      %swap3A_407 = arith.constant 14 : i32
      %swap3A_408 = arith.index_cast %swap3A_407 : i32 to index
      %swap3A_409 = arith.index_cast %mul3A_406 : i32 to index
      %swap3A_410 = tpu.vector_load %arg8[%swap3A_408, %swap3A_409] {strides = array<i32>} : memref<16x1792xf32, #tpu.memory_space<vmem>>, vector<16xf32>,
      tpu.vector_store %arg8[%swap3A_408, %swap3A_409], %broadcast_in_dim3A_5 {strides = array<i32>} : memref<16x1792xf32, #tpu.memory_space<vmem>>, vector<16xf32>,
      %mul3A_411 = arith.constant 16 : i32
      %mul3A_412 = arith.muli %scan3A_320, %mul3A_411 : i32
      %swap3A_413 = arith.constant 15 : i32
      %swap3A_414 = arith.index_cast %swap3A_413 : i32 to index
      %swap3A_415 = arith.index_cast %mul3A_412 : i32 to index
      %swap3A_416 = tpu.vector_load %arg8[%swap3A_414, %swap3A_415] {strides = array<i32>} : memref<16x1792xf32, #tpu.memory_space<vmem>>, vector<16xf32>,
      tpu.vector_store %arg8[%swap3A_414, %swap3A_415], %broadcast_in_dim3A_5 {strides = array<i32>} : memref<16x1792xf32, #tpu.memory_space<vmem>>, vector<16xf32>,
      %scan3A_417 = arith.constant 3 : i32
      %scan3A_418 = arith.addi %scan3A_125, %scan3A_417 : i32
      %mul3A_419 = arith.constant 16 : i32
      %mul3A_420 = arith.muli %scan3A_418, %mul3A_419 : i32
      %swap3A_421 = arith.constant 0 : i32
      %swap3A_422 = arith.index_cast %swap3A_421 : i32 to index
      %swap3A_423 = arith.index_cast %mul3A_420 : i32 to index
      %swap3A_424 = tpu.vector_load %arg8[%swap3A_422, %swap3A_423] {strides = array<i32>} : memref<16x1792xf32, #tpu.memory_space<vmem>>, vector<16xf32>,
      tpu.vector_store %arg8[%swap3A_422, %swap3A_423], %broadcast_in_dim3A_5 {strides = array<i32>} : memref<16x1792xf32, #tpu.memory_space<vmem>>, vector<16xf32>,
      %mul3A_425 = arith.constant 16 : i32
      %mul3A_426 = arith.muli %scan3A_418, %mul3A_425 : i32
      %swap3A_427 = arith.constant 1 : i32
      %swap3A_428 = arith.index_cast %swap3A_427 : i32 to index
      %swap3A_429 = arith.index_cast %mul3A_426 : i32 to index
      %swap3A_430 = tpu.vector_load %arg8[%swap3A_428, %swap3A_429] {strides = array<i32>} : memref<16x1792xf32, #tpu.memory_space<vmem>>, vector<16xf32>,
      tpu.vector_store %arg8[%swap3A_428, %swap3A_429], %broadcast_in_dim3A_5 {strides = array<i32>} : memref<16x1792xf32, #tpu.memory_space<vmem>>, vector<16xf32>,
      %mul3A_431 = arith.constant 16 : i32
      %mul3A_432 = arith.muli %scan3A_418, %mul3A_431 : i32
      %swap3A_433 = arith.constant 2 : i32
      %swap3A_434 = arith.index_cast %swap3A_433 : i32 to index
      %swap3A_435 = arith.index_cast %mul3A_432 : i32 to index
      %swap3A_436 = tpu.vector_load %arg8[%swap3A_434, %swap3A_435] {strides = array<i32>} : memref<16x1792xf32, #tpu.memory_space<vmem>>, vector<16xf32>,
      tpu.vector_store %arg8[%swap3A_434, %swap3A_435], %broadcast_in_dim3A_5 {strides = array<i32>} : memref<16x1792xf32, #tpu.memory_space<vmem>>, vector<16xf32>,
      %mul3A_437 = arith.constant 16 : i32
      %mul3A_438 = arith.muli %scan3A_418, %mul3A_437 : i32
      %swap3A_439 = arith.constant 3 : i32
      %swap3A_440 = arith.index_cast %swap3A_439 : i32 to index
      %swap3A_441 = arith.index_cast %mul3A_438 : i32 to index
      %swap3A_442 = tpu.vector_load %arg8[%swap3A_440, %swap3A_441] {strides = array<i32>} : memref<16x1792xf32, #tpu.memory_space<vmem>>, vector<16xf32>,
      tpu.vector_store %arg8[%swap3A_440, %swap3A_441], %broadcast_in_dim3A_5 {strides = array<i32>} : memref<16x1792xf32, #tpu.memory_space<vmem>>, vector<16xf32>,
      %mul3A_443 = arith.constant 16 : i32
      %mul3A_444 = arith.muli %scan3A_418, %mul3A_443 : i32
      %swap3A_445 = arith.constant 4 : i32
      %swap3A_446 = arith.index_cast %swap3A_445 : i32 to index
      %swap3A_447 = arith.index_cast %mul3A_444 : i32 to index
      %swap3A_448 = tpu.vector_load %arg8[%swap3A_446, %swap3A_447] {strides = array<i32>} : memref<16x1792xf32, #tpu.memory_space<vmem>>, vector<16xf32>,
      tpu.vector_store %arg8[%swap3A_446, %swap3A_447], %broadcast_in_dim3A_5 {strides = array<i32>} : memref<16x1792xf32, #tpu.memory_space<vmem>>, vector<16xf32>,
      %mul3A_449 = arith.constant 16 : i32
      %mul3A_450 = arith.muli %scan3A_418, %mul3A_449 : i32
      %swap3A_451 = arith.constant 5 : i32
      %swap3A_452 = arith.index_cast %swap3A_451 : i32 to index
      %swap3A_453 = arith.index_cast %mul3A_450 : i32 to index
      %swap3A_454 = tpu.vector_load %arg8[%swap3A_452, %swap3A_453] {strides = array<i32>} : memref<16x1792xf32, #tpu.memory_space<vmem>>, vector<16xf32>,
      tpu.vector_store %arg8[%swap3A_452, %swap3A_453], %broadcast_in_dim3A_5 {strides = array<i32>} : memref<16x1792xf32, #tpu.memory_space<vmem>>, vector<16xf32>,
      %mul3A_455 = arith.constant 16 : i32
      %mul3A_456 = arith.muli %scan3A_418, %mul3A_455 : i32
      %swap3A_457 = arith.constant 6 : i32
      %swap3A_458 = arith.index_cast %swap3A_457 : i32 to index
      %swap3A_459 = arith.index_cast %mul3A_456 : i32 to index
      %swap3A_460 = tpu.vector_load %arg8[%swap3A_458, %swap3A_459] {strides = array<i32>} : memref<16x1792xf32, #tpu.memory_space<vmem>>, vector<16xf32>,
      tpu.vector_store %arg8[%swap3A_458, %swap3A_459], %broadcast_in_dim3A_5 {strides = array<i32>} : memref<16x1792xf32, #tpu.memory_space<vmem>>, vector<16xf32>,
      %mul3A_461 = arith.constant 16 : i32
      %mul3A_462 = arith.muli %scan3A_418, %mul3A_461 : i32
      %swap3A_463 = arith.constant 7 : i32
      %swap3A_464 = arith.index_cast %swap3A_463 : i32 to index
      %swap3A_465 = arith.index_cast %mul3A_462 : i32 to index
      %swap3A_466 = tpu.vector_load %arg8[%swap3A_464, %swap3A_465] {strides = array<i32>} : memref<16x1792xf32, #tpu.memory_space<vmem>>, vector<16xf32>,
      tpu.vector_store %arg8[%swap3A_464, %swap3A_465], %broadcast_in_dim3A_5 {strides = array<i32>} : memref<16x1792xf32, #tpu.memory_space<vmem>>, vector<16xf32>,
      %mul3A_467 = arith.constant 16 : i32
      %mul3A_468 = arith.muli %scan3A_418, %mul3A_467 : i32
      %swap3A_469 = arith.constant 8 : i32
      %swap3A_470 = arith.index_cast %swap3A_469 : i32 to index
      %swap3A_471 = arith.index_cast %mul3A_468 : i32 to index
      %swap3A_472 = tpu.vector_load %arg8[%swap3A_470, %swap3A_471] {strides = array<i32>} : memref<16x1792xf32, #tpu.memory_space<vmem>>, vector<16xf32>,
      tpu.vector_store %arg8[%swap3A_470, %swap3A_471], %broadcast_in_dim3A_5 {strides = array<i32>} : memref<16x1792xf32, #tpu.memory_space<vmem>>, vector<16xf32>,
      %mul3A_473 = arith.constant 16 : i32
      %mul3A_474 = arith.muli %scan3A_418, %mul3A_473 : i32
      %swap3A_475 = arith.constant 9 : i32
      %swap3A_476 = arith.index_cast %swap3A_475 : i32 to index
      %swap3A_477 = arith.index_cast %mul3A_474 : i32 to index
      %swap3A_478 = tpu.vector_load %arg8[%swap3A_476, %swap3A_477] {strides = array<i32>} : memref<16x1792xf32, #tpu.memory_space<vmem>>, vector<16xf32>,
      tpu.vector_store %arg8[%swap3A_476, %swap3A_477], %broadcast_in_dim3A_5 {strides = array<i32>} : memref<16x1792xf32, #tpu.memory_space<vmem>>, vector<16xf32>,
      %mul3A_479 = arith.constant 16 : i32
      %mul3A_480 = arith.muli %scan3A_418, %mul3A_479 : i32
      %swap3A_481 = arith.constant 10 : i32
      %swap3A_482 = arith.index_cast %swap3A_481 : i32 to index
      %swap3A_483 = arith.index_cast %mul3A_480 : i32 to index
      %swap3A_484 = tpu.vector_load %arg8[%swap3A_482, %swap3A_483] {strides = array<i32>} : memref<16x1792xf32, #tpu.memory_space<vmem>>, vector<16xf32>,
      tpu.vector_store %arg8[%swap3A_482, %swap3A_483], %broadcast_in_dim3A_5 {strides = array<i32>} : memref<16x1792xf32, #tpu.memory_space<vmem>>, vector<16xf32>,
      %mul3A_485 = arith.constant 16 : i32
      %mul3A_486 = arith.muli %scan3A_418, %mul3A_485 : i32
      %swap3A_487 = arith.constant 11 : i32
      %swap3A_488 = arith.index_cast %swap3A_487 : i32 to index
      %swap3A_489 = arith.index_cast %mul3A_486 : i32 to index
      %swap3A_490 = tpu.vector_load %arg8[%swap3A_488, %swap3A_489] {strides = array<i32>} : memref<16x1792xf32, #tpu.memory_space<vmem>>, vector<16xf32>,
      tpu.vector_store %arg8[%swap3A_488, %swap3A_489], %broadcast_in_dim3A_5 {strides = array<i32>} : memref<16x1792xf32, #tpu.memory_space<vmem>>, vector<16xf32>,
      %mul3A_491 = arith.constant 16 : i32
      %mul3A_492 = arith.muli %scan3A_418, %mul3A_491 : i32
      %swap3A_493 = arith.constant 12 : i32
      %swap3A_494 = arith.index_cast %swap3A_493 : i32 to index
      %swap3A_495 = arith.index_cast %mul3A_492 : i32 to index
      %swap3A_496 = tpu.vector_load %arg8[%swap3A_494, %swap3A_495] {strides = array<i32>} : memref<16x1792xf32, #tpu.memory_space<vmem>>, vector<16xf32>,
      tpu.vector_store %arg8[%swap3A_494, %swap3A_495], %broadcast_in_dim3A_5 {strides = array<i32>} : memref<16x1792xf32, #tpu.memory_space<vmem>>, vector<16xf32>,
      %mul3A_497 = arith.constant 16 : i32
      %mul3A_498 = arith.muli %scan3A_418, %mul3A_497 : i32
      %swap3A_499 = arith.constant 13 : i32
      %swap3A_500 = arith.index_cast %swap3A_499 : i32 to index
      %swap3A_501 = arith.index_cast %mul3A_498 : i32 to index
      %swap3A_502 = tpu.vector_load %arg8[%swap3A_500, %swap3A_501] {strides = array<i32>} : memref<16x1792xf32, #tpu.memory_space<vmem>>, vector<16xf32>,
      tpu.vector_store %arg8[%swap3A_500, %swap3A_501], %broadcast_in_dim3A_5 {strides = array<i32>} : memref<16x1792xf32, #tpu.memory_space<vmem>>, vector<16xf32>,
      %mul3A_503 = arith.constant 16 : i32
      %mul3A_504 = arith.muli %scan3A_418, %mul3A_503 : i32
      %swap3A_505 = arith.constant 14 : i32
      %swap3A_506 = arith.index_cast %swap3A_505 : i32 to index
      %swap3A_507 = arith.index_cast %mul3A_504 : i32 to index
      %swap3A_508 = tpu.vector_load %arg8[%swap3A_506, %swap3A_507] {strides = array<i32>} : memref<16x1792xf32, #tpu.memory_space<vmem>>, vector<16xf32>,
      tpu.vector_store %arg8[%swap3A_506, %swap3A_507], %broadcast_in_dim3A_5 {strides = array<i32>} : memref<16x1792xf32, #tpu.memory_space<vmem>>, vector<16xf32>,
      %mul3A_509 = arith.constant 16 : i32
      %mul3A_510 = arith.muli %scan3A_418, %mul3A_509 : i32
      %swap3A_511 = arith.constant 15 : i32
      %swap3A_512 = arith.index_cast %swap3A_511 : i32 to index
      %swap3A_513 = arith.index_cast %mul3A_510 : i32 to index
      %swap3A_514 = tpu.vector_load %arg8[%swap3A_512, %swap3A_513] {strides = array<i32>} : memref<16x1792xf32, #tpu.memory_space<vmem>>, vector<16xf32>,
      tpu.vector_store %arg8[%swap3A_512, %swap3A_513], %broadcast_in_dim3A_5 {strides = array<i32>} : memref<16x1792xf32, #tpu.memory_space<vmem>>, vector<16xf32>,
      %scan3A_515 = arith.constant 4 : i32
      %scan3A_516 = arith.addi %scan3A_125, %scan3A_515 : i32
      %mul3A_517 = arith.constant 16 : i32
      %mul3A_518 = arith.muli %scan3A_516, %mul3A_517 : i32
      %swap3A_519 = arith.constant 0 : i32
      %swap3A_520 = arith.index_cast %swap3A_519 : i32 to index
      %swap3A_521 = arith.index_cast %mul3A_518 : i32 to index
      %swap3A_522 = tpu.vector_load %arg8[%swap3A_520, %swap3A_521] {strides = array<i32>} : memref<16x1792xf32, #tpu.memory_space<vmem>>, vector<16xf32>,
      tpu.vector_store %arg8[%swap3A_520, %swap3A_521], %broadcast_in_dim3A_5 {strides = array<i32>} : memref<16x1792xf32, #tpu.memory_space<vmem>>, vector<16xf32>,
      %mul3A_523 = arith.constant 16 : i32
      %mul3A_524 = arith.muli %scan3A_516, %mul3A_523 : i32
      %swap3A_525 = arith.constant 1 : i32
      %swap3A_526 = arith.index_cast %swap3A_525 : i32 to index
      %swap3A_527 = arith.index_cast %mul3A_524 : i32 to index
      %swap3A_528 = tpu.vector_load %arg8[%swap3A_526, %swap3A_527] {strides = array<i32>} : memref<16x1792xf32, #tpu.memory_space<vmem>>, vector<16xf32>,
      tpu.vector_store %arg8[%swap3A_526, %swap3A_527], %broadcast_in_dim3A_5 {strides = array<i32>} : memref<16x1792xf32, #tpu.memory_space<vmem>>, vector<16xf32>,
      %mul3A_529 = arith.constant 16 : i32
      %mul3A_530 = arith.muli %scan3A_516, %mul3A_529 : i32
      %swap3A_531 = arith.constant 2 : i32
      %swap3A_532 = arith.index_cast %swap3A_531 : i32 to index
      %swap3A_533 = arith.index_cast %mul3A_530 : i32 to index
      %swap3A_534 = tpu.vector_load %arg8[%swap3A_532, %swap3A_533] {strides = array<i32>} : memref<16x1792xf32, #tpu.memory_space<vmem>>, vector<16xf32>,
      tpu.vector_store %arg8[%swap3A_532, %swap3A_533], %broadcast_in_dim3A_5 {strides = array<i32>} : memref<16x1792xf32, #tpu.memory_space<vmem>>, vector<16xf32>,
      %mul3A_535 = arith.constant 16 : i32
      %mul3A_536 = arith.muli %scan3A_516, %mul3A_535 : i32
      %swap3A_537 = arith.constant 3 : i32
      %swap3A_538 = arith.index_cast %swap3A_537 : i32 to index
      %swap3A_539 = arith.index_cast %mul3A_536 : i32 to index
      %swap3A_540 = tpu.vector_load %arg8[%swap3A_538, %swap3A_539] {strides = array<i32>} : memref<16x1792xf32, #tpu.memory_space<vmem>>, vector<16xf32>,
      tpu.vector_store %arg8[%swap3A_538, %swap3A_539], %broadcast_in_dim3A_5 {strides = array<i32>} : memref<16x1792xf32, #tpu.memory_space<vmem>>, vector<16xf32>,
      %mul3A_541 = arith.constant 16 : i32
      %mul3A_542 = arith.muli %scan3A_516, %mul3A_541 : i32
      %swap3A_543 = arith.constant 4 : i32
      %swap3A_544 = arith.index_cast %swap3A_543 : i32 to index
      %swap3A_545 = arith.index_cast %mul3A_542 : i32 to index
      %swap3A_546 = tpu.vector_load %arg8[%swap3A_544, %swap3A_545] {strides = array<i32>} : memref<16x1792xf32, #tpu.memory_space<vmem>>, vector<16xf32>,
      tpu.vector_store %arg8[%swap3A_544, %swap3A_545], %broadcast_in_dim3A_5 {strides = array<i32>} : memref<16x1792xf32, #tpu.memory_space<vmem>>, vector<16xf32>,
      %mul3A_547 = arith.constant 16 : i32
      %mul3A_548 = arith.muli %scan3A_516, %mul3A_547 : i32
      %swap3A_549 = arith.constant 5 : i32
      %swap3A_550 = arith.index_cast %swap3A_549 : i32 to index
      %swap3A_551 = arith.index_cast %mul3A_548 : i32 to index
      %swap3A_552 = tpu.vector_load %arg8[%swap3A_550, %swap3A_551] {strides = array<i32>} : memref<16x1792xf32, #tpu.memory_space<vmem>>, vector<16xf32>,
      tpu.vector_store %arg8[%swap3A_550, %swap3A_551], %broadcast_in_dim3A_5 {strides = array<i32>} : memref<16x1792xf32, #tpu.memory_space<vmem>>, vector<16xf32>,
      %mul3A_553 = arith.constant 16 : i32
      %mul3A_554 = arith.muli %scan3A_516, %mul3A_553 : i32
      %swap3A_555 = arith.constant 6 : i32
      %swap3A_556 = arith.index_cast %swap3A_555 : i32 to index
      %swap3A_557 = arith.index_cast %mul3A_554 : i32 to index
      %swap3A_558 = tpu.vector_load %arg8[%swap3A_556, %swap3A_557] {strides = array<i32>} : memref<16x1792xf32, #tpu.memory_space<vmem>>, vector<16xf32>,
      tpu.vector_store %arg8[%swap3A_556, %swap3A_557], %broadcast_in_dim3A_5 {strides = array<i32>} : memref<16x1792xf32, #tpu.memory_space<vmem>>, vector<16xf32>,
      %mul3A_559 = arith.constant 16 : i32
      %mul3A_560 = arith.muli %scan3A_516, %mul3A_559 : i32
      %swap3A_561 = arith.constant 7 : i32
      %swap3A_562 = arith.index_cast %swap3A_561 : i32 to index
      %swap3A_563 = arith.index_cast %mul3A_560 : i32 to index
      %swap3A_564 = tpu.vector_load %arg8[%swap3A_562, %swap3A_563] {strides = array<i32>} : memref<16x1792xf32, #tpu.memory_space<vmem>>, vector<16xf32>,
      tpu.vector_store %arg8[%swap3A_562, %swap3A_563], %broadcast_in_dim3A_5 {strides = array<i32>} : memref<16x1792xf32, #tpu.memory_space<vmem>>, vector<16xf32>,
      %mul3A_565 = arith.constant 16 : i32
      %mul3A_566 = arith.muli %scan3A_516, %mul3A_565 : i32
      %swap3A_567 = arith.constant 8 : i32
      %swap3A_568 = arith.index_cast %swap3A_567 : i32 to index
      %swap3A_569 = arith.index_cast %mul3A_566 : i32 to index
      %swap3A_570 = tpu.vector_load %arg8[%swap3A_568, %swap3A_569] {strides = array<i32>} : memref<16x1792xf32, #tpu.memory_space<vmem>>, vector<16xf32>,
      tpu.vector_store %arg8[%swap3A_568, %swap3A_569], %broadcast_in_dim3A_5 {strides = array<i32>} : memref<16x1792xf32, #tpu.memory_space<vmem>>, vector<16xf32>,
      %mul3A_571 = arith.constant 16 : i32
      %mul3A_572 = arith.muli %scan3A_516, %mul3A_571 : i32
      %swap3A_573 = arith.constant 9 : i32
      %swap3A_574 = arith.index_cast %swap3A_573 : i32 to index
      %swap3A_575 = arith.index_cast %mul3A_572 : i32 to index
      %swap3A_576 = tpu.vector_load %arg8[%swap3A_574, %swap3A_575] {strides = array<i32>} : memref<16x1792xf32, #tpu.memory_space<vmem>>, vector<16xf32>,
      tpu.vector_store %arg8[%swap3A_574, %swap3A_575], %broadcast_in_dim3A_5 {strides = array<i32>} : memref<16x1792xf32, #tpu.memory_space<vmem>>, vector<16xf32>,
      %mul3A_577 = arith.constant 16 : i32
      %mul3A_578 = arith.muli %scan3A_516, %mul3A_577 : i32
      %swap3A_579 = arith.constant 10 : i32
      %swap3A_580 = arith.index_cast %swap3A_579 : i32 to index
      %swap3A_581 = arith.index_cast %mul3A_578 : i32 to index
      %swap3A_582 = tpu.vector_load %arg8[%swap3A_580, %swap3A_581] {strides = array<i32>} : memref<16x1792xf32, #tpu.memory_space<vmem>>, vector<16xf32>,
      tpu.vector_store %arg8[%swap3A_580, %swap3A_581], %broadcast_in_dim3A_5 {strides = array<i32>} : memref<16x1792xf32, #tpu.memory_space<vmem>>, vector<16xf32>,
      %mul3A_583 = arith.constant 16 : i32
      %mul3A_584 = arith.muli %scan3A_516, %mul3A_583 : i32
      %swap3A_585 = arith.constant 11 : i32
      %swap3A_586 = arith.index_cast %swap3A_585 : i32 to index
      %swap3A_587 = arith.index_cast %mul3A_584 : i32 to index
      %swap3A_588 = tpu.vector_load %arg8[%swap3A_586, %swap3A_587] {strides = array<i32>} : memref<16x1792xf32, #tpu.memory_space<vmem>>, vector<16xf32>,
      tpu.vector_store %arg8[%swap3A_586, %swap3A_587], %broadcast_in_dim3A_5 {strides = array<i32>} : memref<16x1792xf32, #tpu.memory_space<vmem>>, vector<16xf32>,
      %mul3A_589 = arith.constant 16 : i32
      %mul3A_590 = arith.muli %scan3A_516, %mul3A_589 : i32
      %swap3A_591 = arith.constant 12 : i32
      %swap3A_592 = arith.index_cast %swap3A_591 : i32 to index
      %swap3A_593 = arith.index_cast %mul3A_590 : i32 to index
      %swap3A_594 = tpu.vector_load %arg8[%swap3A_592, %swap3A_593] {strides = array<i32>} : memref<16x1792xf32, #tpu.memory_space<vmem>>, vector<16xf32>,
      tpu.vector_store %arg8[%swap3A_592, %swap3A_593], %broadcast_in_dim3A_5 {strides = array<i32>} : memref<16x1792xf32, #tpu.memory_space<vmem>>, vector<16xf32>,
      %mul3A_595 = arith.constant 16 : i32
      %mul3A_596 = arith.muli %scan3A_516, %mul3A_595 : i32
      %swap3A_597 = arith.constant 13 : i32
      %swap3A_598 = arith.index_cast %swap3A_597 : i32 to index
      %swap3A_599 = arith.index_cast %mul3A_596 : i32 to index
      %swap3A_600 = tpu.vector_load %arg8[%swap3A_598, %swap3A_599] {strides = array<i32>} : memref<16x1792xf32, #tpu.memory_space<vmem>>, vector<16xf32>,
      tpu.vector_store %arg8[%swap3A_598, %swap3A_599], %broadcast_in_dim3A_5 {strides = array<i32>} : memref<16x1792xf32, #tpu.memory_space<vmem>>, vector<16xf32>,
      %mul3A_601 = arith.constant 16 : i32
      %mul3A_602 = arith.muli %scan3A_516, %mul3A_601 : i32
      %swap3A_603 = arith.constant 14 : i32
      %swap3A_604 = arith.index_cast %swap3A_603 : i32 to index
      %swap3A_605 = arith.index_cast %mul3A_602 : i32 to index
      %swap3A_606 = tpu.vector_load %arg8[%swap3A_604, %swap3A_605] {strides = array<i32>} : memref<16x1792xf32, #tpu.memory_space<vmem>>, vector<16xf32>,
      tpu.vector_store %arg8[%swap3A_604, %swap3A_605], %broadcast_in_dim3A_5 {strides = array<i32>} : memref<16x1792xf32, #tpu.memory_space<vmem>>, vector<16xf32>,
      %mul3A_607 = arith.constant 16 : i32
      %mul3A_608 = arith.muli %scan3A_516, %mul3A_607 : i32
      %swap3A_609 = arith.constant 15 : i32
      %swap3A_610 = arith.index_cast %swap3A_609 : i32 to index
      %swap3A_611 = arith.index_cast %mul3A_608 : i32 to index
      %swap3A_612 = tpu.vector_load %arg8[%swap3A_610, %swap3A_611] {strides = array<i32>} : memref<16x1792xf32, #tpu.memory_space<vmem>>, vector<16xf32>,
      tpu.vector_store %arg8[%swap3A_610, %swap3A_611], %broadcast_in_dim3A_5 {strides = array<i32>} : memref<16x1792xf32, #tpu.memory_space<vmem>>, vector<16xf32>,
      %scan3A_613 = arith.constant 5 : i32
      %scan3A_614 = arith.addi %scan3A_125, %scan3A_613 : i32
      %mul3A_615 = arith.constant 16 : i32
      %mul3A_616 = arith.muli %scan3A_614, %mul3A_615 : i32
      %swap3A_617 = arith.constant 0 : i32
      %swap3A_618 = arith.index_cast %swap3A_617 : i32 to index
      %swap3A_619 = arith.index_cast %mul3A_616 : i32 to index
      %swap3A_620 = tpu.vector_load %arg8[%swap3A_618, %swap3A_619] {strides = array<i32>} : memref<16x1792xf32, #tpu.memory_space<vmem>>, vector<16xf32>,
      tpu.vector_store %arg8[%swap3A_618, %swap3A_619], %broadcast_in_dim3A_5 {strides = array<i32>} : memref<16x1792xf32, #tpu.memory_space<vmem>>, vector<16xf32>,
      %mul3A_621 = arith.constant 16 : i32
      %mul3A_622 = arith.muli %scan3A_614, %mul3A_621 : i32
      %swap3A_623 = arith.constant 1 : i32
      %swap3A_624 = arith.index_cast %swap3A_623 : i32 to index
      %swap3A_625 = arith.index_cast %mul3A_622 : i32 to index
      %swap3A_626 = tpu.vector_load %arg8[%swap3A_624, %swap3A_625] {strides = array<i32>} : memref<16x1792xf32, #tpu.memory_space<vmem>>, vector<16xf32>,
      tpu.vector_store %arg8[%swap3A_624, %swap3A_625], %broadcast_in_dim3A_5 {strides = array<i32>} : memref<16x1792xf32, #tpu.memory_space<vmem>>, vector<16xf32>,
      %mul3A_627 = arith.constant 16 : i32
      %mul3A_628 = arith.muli %scan3A_614, %mul3A_627 : i32
      %swap3A_629 = arith.constant 2 : i32
      %swap3A_630 = arith.index_cast %swap3A_629 : i32 to index
      %swap3A_631 = arith.index_cast %mul3A_628 : i32 to index
      %swap3A_632 = tpu.vector_load %arg8[%swap3A_630, %swap3A_631] {strides = array<i32>} : memref<16x1792xf32, #tpu.memory_space<vmem>>, vector<16xf32>,
      tpu.vector_store %arg8[%swap3A_630, %swap3A_631], %broadcast_in_dim3A_5 {strides = array<i32>} : memref<16x1792xf32, #tpu.memory_space<vmem>>, vector<16xf32>,
      %mul3A_633 = arith.constant 16 : i32
      %mul3A_634 = arith.muli %scan3A_614, %mul3A_633 : i32
      %swap3A_635 = arith.constant 3 : i32
      %swap3A_636 = arith.index_cast %swap3A_635 : i32 to index
      %swap3A_637 = arith.index_cast %mul3A_634 : i32 to index
      %swap3A_638 = tpu.vector_load %arg8[%swap3A_636, %swap3A_637] {strides = array<i32>} : memref<16x1792xf32, #tpu.memory_space<vmem>>, vector<16xf32>,
      tpu.vector_store %arg8[%swap3A_636, %swap3A_637], %broadcast_in_dim3A_5 {strides = array<i32>} : memref<16x1792xf32, #tpu.memory_space<vmem>>, vector<16xf32>,
      %mul3A_639 = arith.constant 16 : i32
      %mul3A_640 = arith.muli %scan3A_614, %mul3A_639 : i32
      %swap3A_641 = arith.constant 4 : i32
      %swap3A_642 = arith.index_cast %swap3A_641 : i32 to index
      %swap3A_643 = arith.index_cast %mul3A_640 : i32 to index
      %swap3A_644 = tpu.vector_load %arg8[%swap3A_642, %swap3A_643] {strides = array<i32>} : memref<16x1792xf32, #tpu.memory_space<vmem>>, vector<16xf32>,
      tpu.vector_store %arg8[%swap3A_642, %swap3A_643], %broadcast_in_dim3A_5 {strides = array<i32>} : memref<16x1792xf32, #tpu.memory_space<vmem>>, vector<16xf32>,
      %mul3A_645 = arith.constant 16 : i32
      %mul3A_646 = arith.muli %scan3A_614, %mul3A_645 : i32
      %swap3A_647 = arith.constant 5 : i32
      %swap3A_648 = arith.index_cast %swap3A_647 : i32 to index
      %swap3A_649 = arith.index_cast %mul3A_646 : i32 to index
      %swap3A_650 = tpu.vector_load %arg8[%swap3A_648, %swap3A_649] {strides = array<i32>} : memref<16x1792xf32, #tpu.memory_space<vmem>>, vector<16xf32>,
      tpu.vector_store %arg8[%swap3A_648, %swap3A_649], %broadcast_in_dim3A_5 {strides = array<i32>} : memref<16x1792xf32, #tpu.memory_space<vmem>>, vector<16xf32>,
      %mul3A_651 = arith.constant 16 : i32
      %mul3A_652 = arith.muli %scan3A_614, %mul3A_651 : i32
      %swap3A_653 = arith.constant 6 : i32
      %swap3A_654 = arith.index_cast %swap3A_653 : i32 to index
      %swap3A_655 = arith.index_cast %mul3A_652 : i32 to index
      %swap3A_656 = tpu.vector_load %arg8[%swap3A_654, %swap3A_655] {strides = array<i32>} : memref<16x1792xf32, #tpu.memory_space<vmem>>, vector<16xf32>,
      tpu.vector_store %arg8[%swap3A_654, %swap3A_655], %broadcast_in_dim3A_5 {strides = array<i32>} : memref<16x1792xf32, #tpu.memory_space<vmem>>, vector<16xf32>,
      %mul3A_657 = arith.constant 16 : i32
      %mul3A_658 = arith.muli %scan3A_614, %mul3A_657 : i32
      %swap3A_659 = arith.constant 7 : i32
      %swap3A_660 = arith.index_cast %swap3A_659 : i32 to index
      %swap3A_661 = arith.index_cast %mul3A_658 : i32 to index
      %swap3A_662 = tpu.vector_load %arg8[%swap3A_660, %swap3A_661] {strides = array<i32>} : memref<16x1792xf32, #tpu.memory_space<vmem>>, vector<16xf32>,
      tpu.vector_store %arg8[%swap3A_660, %swap3A_661], %broadcast_in_dim3A_5 {strides = array<i32>} : memref<16x1792xf32, #tpu.memory_space<vmem>>, vector<16xf32>,
      %mul3A_663 = arith.constant 16 : i32
      %mul3A_664 = arith.muli %scan3A_614, %mul3A_663 : i32
      %swap3A_665 = arith.constant 8 : i32
      %swap3A_666 = arith.index_cast %swap3A_665 : i32 to index
      %swap3A_667 = arith.index_cast %mul3A_664 : i32 to index
      %swap3A_668 = tpu.vector_load %arg8[%swap3A_666, %swap3A_667] {strides = array<i32>} : memref<16x1792xf32, #tpu.memory_space<vmem>>, vector<16xf32>,
      tpu.vector_store %arg8[%swap3A_666, %swap3A_667], %broadcast_in_dim3A_5 {strides = array<i32>} : memref<16x1792xf32, #tpu.memory_space<vmem>>, vector<16xf32>,
      %mul3A_669 = arith.constant 16 : i32
      %mul3A_670 = arith.muli %scan3A_614, %mul3A_669 : i32
      %swap3A_671 = arith.constant 9 : i32
      %swap3A_672 = arith.index_cast %swap3A_671 : i32 to index
      %swap3A_673 = arith.index_cast %mul3A_670 : i32 to index
      %swap3A_674 = tpu.vector_load %arg8[%swap3A_672, %swap3A_673] {strides = array<i32>} : memref<16x1792xf32, #tpu.memory_space<vmem>>, vector<16xf32>,
      tpu.vector_store %arg8[%swap3A_672, %swap3A_673], %broadcast_in_dim3A_5 {strides = array<i32>} : memref<16x1792xf32, #tpu.memory_space<vmem>>, vector<16xf32>,
      %mul3A_675 = arith.constant 16 : i32
      %mul3A_676 = arith.muli %scan3A_614, %mul3A_675 : i32
      %swap3A_677 = arith.constant 10 : i32
      %swap3A_678 = arith.index_cast %swap3A_677 : i32 to index
      %swap3A_679 = arith.index_cast %mul3A_676 : i32 to index
      %swap3A_680 = tpu.vector_load %arg8[%swap3A_678, %swap3A_679] {strides = array<i32>} : memref<16x1792xf32, #tpu.memory_space<vmem>>, vector<16xf32>,
      tpu.vector_store %arg8[%swap3A_678, %swap3A_679], %broadcast_in_dim3A_5 {strides = array<i32>} : memref<16x1792xf32, #tpu.memory_space<vmem>>, vector<16xf32>,
      %mul3A_681 = arith.constant 16 : i32
      %mul3A_682 = arith.muli %scan3A_614, %mul3A_681 : i32
      %swap3A_683 = arith.constant 11 : i32
      %swap3A_684 = arith.index_cast %swap3A_683 : i32 to index
      %swap3A_685 = arith.index_cast %mul3A_682 : i32 to index
      %swap3A_686 = tpu.vector_load %arg8[%swap3A_684, %swap3A_685] {strides = array<i32>} : memref<16x1792xf32, #tpu.memory_space<vmem>>, vector<16xf32>,
      tpu.vector_store %arg8[%swap3A_684, %swap3A_685], %broadcast_in_dim3A_5 {strides = array<i32>} : memref<16x1792xf32, #tpu.memory_space<vmem>>, vector<16xf32>,
      %mul3A_687 = arith.constant 16 : i32
      %mul3A_688 = arith.muli %scan3A_614, %mul3A_687 : i32
      %swap3A_689 = arith.constant 12 : i32
      %swap3A_690 = arith.index_cast %swap3A_689 : i32 to index
      %swap3A_691 = arith.index_cast %mul3A_688 : i32 to index
      %swap3A_692 = tpu.vector_load %arg8[%swap3A_690, %swap3A_691] {strides = array<i32>} : memref<16x1792xf32, #tpu.memory_space<vmem>>, vector<16xf32>,
      tpu.vector_store %arg8[%swap3A_690, %swap3A_691], %broadcast_in_dim3A_5 {strides = array<i32>} : memref<16x1792xf32, #tpu.memory_space<vmem>>, vector<16xf32>,
      %mul3A_693 = arith.constant 16 : i32
      %mul3A_694 = arith.muli %scan3A_614, %mul3A_693 : i32
      %swap3A_695 = arith.constant 13 : i32
      %swap3A_696 = arith.index_cast %swap3A_695 : i32 to index
      %swap3A_697 = arith.index_cast %mul3A_694 : i32 to index
      %swap3A_698 = tpu.vector_load %arg8[%swap3A_696, %swap3A_697] {strides = array<i32>} : memref<16x1792xf32, #tpu.memory_space<vmem>>, vector<16xf32>,
      tpu.vector_store %arg8[%swap3A_696, %swap3A_697], %broadcast_in_dim3A_5 {strides = array<i32>} : memref<16x1792xf32, #tpu.memory_space<vmem>>, vector<16xf32>,
      %mul3A_699 = arith.constant 16 : i32
      %mul3A_700 = arith.muli %scan3A_614, %mul3A_699 : i32
      %swap3A_701 = arith.constant 14 : i32
      %swap3A_702 = arith.index_cast %swap3A_701 : i32 to index
      %swap3A_703 = arith.index_cast %mul3A_700 : i32 to index
      %swap3A_704 = tpu.vector_load %arg8[%swap3A_702, %swap3A_703] {strides = array<i32>} : memref<16x1792xf32, #tpu.memory_space<vmem>>, vector<16xf32>,
      tpu.vector_store %arg8[%swap3A_702, %swap3A_703], %broadcast_in_dim3A_5 {strides = array<i32>} : memref<16x1792xf32, #tpu.memory_space<vmem>>, vector<16xf32>,
      %mul3A_705 = arith.constant 16 : i32
      %mul3A_706 = arith.muli %scan3A_614, %mul3A_705 : i32
      %swap3A_707 = arith.constant 15 : i32
      %swap3A_708 = arith.index_cast %swap3A_707 : i32 to index
      %swap3A_709 = arith.index_cast %mul3A_706 : i32 to index
      %swap3A_710 = tpu.vector_load %arg8[%swap3A_708, %swap3A_709] {strides = array<i32>} : memref<16x1792xf32, #tpu.memory_space<vmem>>, vector<16xf32>,
      tpu.vector_store %arg8[%swap3A_708, %swap3A_709], %broadcast_in_dim3A_5 {strides = array<i32>} : memref<16x1792xf32, #tpu.memory_space<vmem>>, vector<16xf32>,
      %scan3A_711 = arith.constant 6 : i32
      %scan3A_712 = arith.addi %scan3A_125, %scan3A_711 : i32
      %mul3A_713 = arith.constant 16 : i32
      %mul3A_714 = arith.muli %scan3A_712, %mul3A_713 : i32
      %swap3A_715 = arith.constant 0 : i32
      %swap3A_716 = arith.index_cast %swap3A_715 : i32 to index
      %swap3A_717 = arith.index_cast %mul3A_714 : i32 to index
      %swap3A_718 = tpu.vector_load %arg8[%swap3A_716, %swap3A_717] {strides = array<i32>} : memref<16x1792xf32, #tpu.memory_space<vmem>>, vector<16xf32>,
      tpu.vector_store %arg8[%swap3A_716, %swap3A_717], %broadcast_in_dim3A_5 {strides = array<i32>} : memref<16x1792xf32, #tpu.memory_space<vmem>>, vector<16xf32>,
      %mul3A_719 = arith.constant 16 : i32
      %mul3A_720 = arith.muli %scan3A_712, %mul3A_719 : i32
      %swap3A_721 = arith.constant 1 : i32
      %swap3A_722 = arith.index_cast %swap3A_721 : i32 to index
      %swap3A_723 = arith.index_cast %mul3A_720 : i32 to index
      %swap3A_724 = tpu.vector_load %arg8[%swap3A_722, %swap3A_723] {strides = array<i32>} : memref<16x1792xf32, #tpu.memory_space<vmem>>, vector<16xf32>,
      tpu.vector_store %arg8[%swap3A_722, %swap3A_723], %broadcast_in_dim3A_5 {strides = array<i32>} : memref<16x1792xf32, #tpu.memory_space<vmem>>, vector<16xf32>,
      %mul3A_725 = arith.constant 16 : i32
      %mul3A_726 = arith.muli %scan3A_712, %mul3A_725 : i32
      %swap3A_727 = arith.constant 2 : i32
      %swap3A_728 = arith.index_cast %swap3A_727 : i32 to index
      %swap3A_729 = arith.index_cast %mul3A_726 : i32 to index
      %swap3A_730 = tpu.vector_load %arg8[%swap3A_728, %swap3A_729] {strides = array<i32>} : memref<16x1792xf32, #tpu.memory_space<vmem>>, vector<16xf32>,
      tpu.vector_store %arg8[%swap3A_728, %swap3A_729], %broadcast_in_dim3A_5 {strides = array<i32>} : memref<16x1792xf32, #tpu.memory_space<vmem>>, vector<16xf32>,
      %mul3A_731 = arith.constant 16 : i32
      %mul3A_732 = arith.muli %scan3A_712, %mul3A_731 : i32
      %swap3A_733 = arith.constant 3 : i32
      %swap3A_734 = arith.index_cast %swap3A_733 : i32 to index
      %swap3A_735 = arith.index_cast %mul3A_732 : i32 to index
      %swap3A_736 = tpu.vector_load %arg8[%swap3A_734, %swap3A_735] {strides = array<i32>} : memref<16x1792xf32, #tpu.memory_space<vmem>>, vector<16xf32>,
      tpu.vector_store %arg8[%swap3A_734, %swap3A_735], %broadcast_in_dim3A_5 {strides = array<i32>} : memref<16x1792xf32, #tpu.memory_space<vmem>>, vector<16xf32>,
      %mul3A_737 = arith.constant 16 : i32
      %mul3A_738 = arith.muli %scan3A_712, %mul3A_737 : i32
      %swap3A_739 = arith.constant 4 : i32
      %swap3A_740 = arith.index_cast %swap3A_739 : i32 to index
      %swap3A_741 = arith.index_cast %mul3A_738 : i32 to index
      %swap3A_742 = tpu.vector_load %arg8[%swap3A_740, %swap3A_741] {strides = array<i32>} : memref<16x1792xf32, #tpu.memory_space<vmem>>, vector<16xf32>,
      tpu.vector_store %arg8[%swap3A_740, %swap3A_741], %broadcast_in_dim3A_5 {strides = array<i32>} : memref<16x1792xf32, #tpu.memory_space<vmem>>, vector<16xf32>,
      %mul3A_743 = arith.constant 16 : i32
      %mul3A_744 = arith.muli %scan3A_712, %mul3A_743 : i32
      %swap3A_745 = arith.constant 5 : i32
      %swap3A_746 = arith.index_cast %swap3A_745 : i32 to index
      %swap3A_747 = arith.index_cast %mul3A_744 : i32 to index
      %swap3A_748 = tpu.vector_load %arg8[%swap3A_746, %swap3A_747] {strides = array<i32>} : memref<16x1792xf32, #tpu.memory_space<vmem>>, vector<16xf32>,
      tpu.vector_store %arg8[%swap3A_746, %swap3A_747], %broadcast_in_dim3A_5 {strides = array<i32>} : memref<16x1792xf32, #tpu.memory_space<vmem>>, vector<16xf32>,
      %mul3A_749 = arith.constant 16 : i32
      %mul3A_750 = arith.muli %scan3A_712, %mul3A_749 : i32
      %swap3A_751 = arith.constant 6 : i32
      %swap3A_752 = arith.index_cast %swap3A_751 : i32 to index
      %swap3A_753 = arith.index_cast %mul3A_750 : i32 to index
      %swap3A_754 = tpu.vector_load %arg8[%swap3A_752, %swap3A_753] {strides = array<i32>} : memref<16x1792xf32, #tpu.memory_space<vmem>>, vector<16xf32>,
      tpu.vector_store %arg8[%swap3A_752, %swap3A_753], %broadcast_in_dim3A_5 {strides = array<i32>} : memref<16x1792xf32, #tpu.memory_space<vmem>>, vector<16xf32>,
      %mul3A_755 = arith.constant 16 : i32
      %mul3A_756 = arith.muli %scan3A_712, %mul3A_755 : i32
      %swap3A_757 = arith.constant 7 : i32
      %swap3A_758 = arith.index_cast %swap3A_757 : i32 to index
      %swap3A_759 = arith.index_cast %mul3A_756 : i32 to index
      %swap3A_760 = tpu.vector_load %arg8[%swap3A_758, %swap3A_759] {strides = array<i32>} : memref<16x1792xf32, #tpu.memory_space<vmem>>, vector<16xf32>,
      tpu.vector_store %arg8[%swap3A_758, %swap3A_759], %broadcast_in_dim3A_5 {strides = array<i32>} : memref<16x1792xf32, #tpu.memory_space<vmem>>, vector<16xf32>,
      %mul3A_761 = arith.constant 16 : i32
      %mul3A_762 = arith.muli %scan3A_712, %mul3A_761 : i32
      %swap3A_763 = arith.constant 8 : i32
      %swap3A_764 = arith.index_cast %swap3A_763 : i32 to index
      %swap3A_765 = arith.index_cast %mul3A_762 : i32 to index
      %swap3A_766 = tpu.vector_load %arg8[%swap3A_764, %swap3A_765] {strides = array<i32>} : memref<16x1792xf32, #tpu.memory_space<vmem>>, vector<16xf32>,
      tpu.vector_store %arg8[%swap3A_764, %swap3A_765], %broadcast_in_dim3A_5 {strides = array<i32>} : memref<16x1792xf32, #tpu.memory_space<vmem>>, vector<16xf32>,
      %mul3A_767 = arith.constant 16 : i32
      %mul3A_768 = arith.muli %scan3A_712, %mul3A_767 : i32
      %swap3A_769 = arith.constant 9 : i32
      %swap3A_770 = arith.index_cast %swap3A_769 : i32 to index
      %swap3A_771 = arith.index_cast %mul3A_768 : i32 to index
      %swap3A_772 = tpu.vector_load %arg8[%swap3A_770, %swap3A_771] {strides = array<i32>} : memref<16x1792xf32, #tpu.memory_space<vmem>>, vector<16xf32>,
      tpu.vector_store %arg8[%swap3A_770, %swap3A_771], %broadcast_in_dim3A_5 {strides = array<i32>} : memref<16x1792xf32, #tpu.memory_space<vmem>>, vector<16xf32>,
      %mul3A_773 = arith.constant 16 : i32
      %mul3A_774 = arith.muli %scan3A_712, %mul3A_773 : i32
      %swap3A_775 = arith.constant 10 : i32
      %swap3A_776 = arith.index_cast %swap3A_775 : i32 to index
      %swap3A_777 = arith.index_cast %mul3A_774 : i32 to index
      %swap3A_778 = tpu.vector_load %arg8[%swap3A_776, %swap3A_777] {strides = array<i32>} : memref<16x1792xf32, #tpu.memory_space<vmem>>, vector<16xf32>,
      tpu.vector_store %arg8[%swap3A_776, %swap3A_777], %broadcast_in_dim3A_5 {strides = array<i32>} : memref<16x1792xf32, #tpu.memory_space<vmem>>, vector<16xf32>,
      %mul3A_779 = arith.constant 16 : i32
      %mul3A_780 = arith.muli %scan3A_712, %mul3A_779 : i32
      %swap3A_781 = arith.constant 11 : i32
      %swap3A_782 = arith.index_cast %swap3A_781 : i32 to index
      %swap3A_783 = arith.index_cast %mul3A_780 : i32 to index
      %swap3A_784 = tpu.vector_load %arg8[%swap3A_782, %swap3A_783] {strides = array<i32>} : memref<16x1792xf32, #tpu.memory_space<vmem>>, vector<16xf32>,
      tpu.vector_store %arg8[%swap3A_782, %swap3A_783], %broadcast_in_dim3A_5 {strides = array<i32>} : memref<16x1792xf32, #tpu.memory_space<vmem>>, vector<16xf32>,
      %mul3A_785 = arith.constant 16 : i32
      %mul3A_786 = arith.muli %scan3A_712, %mul3A_785 : i32
      %swap3A_787 = arith.constant 12 : i32
      %swap3A_788 = arith.index_cast %swap3A_787 : i32 to index
      %swap3A_789 = arith.index_cast %mul3A_786 : i32 to index
      %swap3A_790 = tpu.vector_load %arg8[%swap3A_788, %swap3A_789] {strides = array<i32>} : memref<16x1792xf32, #tpu.memory_space<vmem>>, vector<16xf32>,
      tpu.vector_store %arg8[%swap3A_788, %swap3A_789], %broadcast_in_dim3A_5 {strides = array<i32>} : memref<16x1792xf32, #tpu.memory_space<vmem>>, vector<16xf32>,
      %mul3A_791 = arith.constant 16 : i32
      %mul3A_792 = arith.muli %scan3A_712, %mul3A_791 : i32
      %swap3A_793 = arith.constant 13 : i32
      %swap3A_794 = arith.index_cast %swap3A_793 : i32 to index
      %swap3A_795 = arith.index_cast %mul3A_792 : i32 to index
      %swap3A_796 = tpu.vector_load %arg8[%swap3A_794, %swap3A_795] {strides = array<i32>} : memref<16x1792xf32, #tpu.memory_space<vmem>>, vector<16xf32>,
      tpu.vector_store %arg8[%swap3A_794, %swap3A_795], %broadcast_in_dim3A_5 {strides = array<i32>} : memref<16x1792xf32, #tpu.memory_space<vmem>>, vector<16xf32>,
      %mul3A_797 = arith.constant 16 : i32
      %mul3A_798 = arith.muli %scan3A_712, %mul3A_797 : i32
      %swap3A_799 = arith.constant 14 : i32
      %swap3A_800 = arith.index_cast %swap3A_799 : i32 to index
      %swap3A_801 = arith.index_cast %mul3A_798 : i32 to index
      %swap3A_802 = tpu.vector_load %arg8[%swap3A_800, %swap3A_801] {strides = array<i32>} : memref<16x1792xf32, #tpu.memory_space<vmem>>, vector<16xf32>,
      tpu.vector_store %arg8[%swap3A_800, %swap3A_801], %broadcast_in_dim3A_5 {strides = array<i32>} : memref<16x1792xf32, #tpu.memory_space<vmem>>, vector<16xf32>,
      %mul3A_803 = arith.constant 16 : i32
      %mul3A_804 = arith.muli %scan3A_712, %mul3A_803 : i32
      %swap3A_805 = arith.constant 15 : i32
      %swap3A_806 = arith.index_cast %swap3A_805 : i32 to index
      %swap3A_807 = arith.index_cast %mul3A_804 : i32 to index
      %swap3A_808 = tpu.vector_load %arg8[%swap3A_806, %swap3A_807] {strides = array<i32>} : memref<16x1792xf32, #tpu.memory_space<vmem>>, vector<16xf32>,
      tpu.vector_store %arg8[%swap3A_806, %swap3A_807], %broadcast_in_dim3A_5 {strides = array<i32>} : memref<16x1792xf32, #tpu.memory_space<vmem>>, vector<16xf32>,
      %scan3A_809 = arith.constant 7 : i32
      %scan3A_810 = arith.addi %scan3A_125, %scan3A_809 : i32
      %mul3A_811 = arith.constant 16 : i32
      %mul3A_812 = arith.muli %scan3A_810, %mul3A_811 : i32
      %swap3A_813 = arith.constant 0 : i32
      %swap3A_814 = arith.index_cast %swap3A_813 : i32 to index
      %swap3A_815 = arith.index_cast %mul3A_812 : i32 to index
      %swap3A_816 = tpu.vector_load %arg8[%swap3A_814, %swap3A_815] {strides = array<i32>} : memref<16x1792xf32, #tpu.memory_space<vmem>>, vector<16xf32>,
      tpu.vector_store %arg8[%swap3A_814, %swap3A_815], %broadcast_in_dim3A_5 {strides = array<i32>} : memref<16x1792xf32, #tpu.memory_space<vmem>>, vector<16xf32>,
      %mul3A_817 = arith.constant 16 : i32
      %mul3A_818 = arith.muli %scan3A_810, %mul3A_817 : i32
      %swap3A_819 = arith.constant 1 : i32
      %swap3A_820 = arith.index_cast %swap3A_819 : i32 to index
      %swap3A_821 = arith.index_cast %mul3A_818 : i32 to index
      %swap3A_822 = tpu.vector_load %arg8[%swap3A_820, %swap3A_821] {strides = array<i32>} : memref<16x1792xf32, #tpu.memory_space<vmem>>, vector<16xf32>,
      tpu.vector_store %arg8[%swap3A_820, %swap3A_821], %broadcast_in_dim3A_5 {strides = array<i32>} : memref<16x1792xf32, #tpu.memory_space<vmem>>, vector<16xf32>,
      %mul3A_823 = arith.constant 16 : i32
      %mul3A_824 = arith.muli %scan3A_810, %mul3A_823 : i32
      %swap3A_825 = arith.constant 2 : i32
      %swap3A_826 = arith.index_cast %swap3A_825 : i32 to index
      %swap3A_827 = arith.index_cast %mul3A_824 : i32 to index
      %swap3A_828 = tpu.vector_load %arg8[%swap3A_826, %swap3A_827] {strides = array<i32>} : memref<16x1792xf32, #tpu.memory_space<vmem>>, vector<16xf32>,
      tpu.vector_store %arg8[%swap3A_826, %swap3A_827], %broadcast_in_dim3A_5 {strides = array<i32>} : memref<16x1792xf32, #tpu.memory_space<vmem>>, vector<16xf32>,
      %mul3A_829 = arith.constant 16 : i32
      %mul3A_830 = arith.muli %scan3A_810, %mul3A_829 : i32
      %swap3A_831 = arith.constant 3 : i32
      %swap3A_832 = arith.index_cast %swap3A_831 : i32 to index
      %swap3A_833 = arith.index_cast %mul3A_830 : i32 to index
      %swap3A_834 = tpu.vector_load %arg8[%swap3A_832, %swap3A_833] {strides = array<i32>} : memref<16x1792xf32, #tpu.memory_space<vmem>>, vector<16xf32>,
      tpu.vector_store %arg8[%swap3A_832, %swap3A_833], %broadcast_in_dim3A_5 {strides = array<i32>} : memref<16x1792xf32, #tpu.memory_space<vmem>>, vector<16xf32>,
      %mul3A_835 = arith.constant 16 : i32
      %mul3A_836 = arith.muli %scan3A_810, %mul3A_835 : i32
      %swap3A_837 = arith.constant 4 : i32
      %swap3A_838 = arith.index_cast %swap3A_837 : i32 to index
      %swap3A_839 = arith.index_cast %mul3A_836 : i32 to index
      %swap3A_840 = tpu.vector_load %arg8[%swap3A_838, %swap3A_839] {strides = array<i32>} : memref<16x1792xf32, #tpu.memory_space<vmem>>, vector<16xf32>,
      tpu.vector_store %arg8[%swap3A_838, %swap3A_839], %broadcast_in_dim3A_5 {strides = array<i32>} : memref<16x1792xf32, #tpu.memory_space<vmem>>, vector<16xf32>,
      %mul3A_841 = arith.constant 16 : i32
      %mul3A_842 = arith.muli %scan3A_810, %mul3A_841 : i32
      %swap3A_843 = arith.constant 5 : i32
      %swap3A_844 = arith.index_cast %swap3A_843 : i32 to index
      %swap3A_845 = arith.index_cast %mul3A_842 : i32 to index
      %swap3A_846 = tpu.vector_load %arg8[%swap3A_844, %swap3A_845] {strides = array<i32>} : memref<16x1792xf32, #tpu.memory_space<vmem>>, vector<16xf32>,
      tpu.vector_store %arg8[%swap3A_844, %swap3A_845], %broadcast_in_dim3A_5 {strides = array<i32>} : memref<16x1792xf32, #tpu.memory_space<vmem>>, vector<16xf32>,
      %mul3A_847 = arith.constant 16 : i32
      %mul3A_848 = arith.muli %scan3A_810, %mul3A_847 : i32
      %swap3A_849 = arith.constant 6 : i32
      %swap3A_850 = arith.index_cast %swap3A_849 : i32 to index
      %swap3A_851 = arith.index_cast %mul3A_848 : i32 to index
      %swap3A_852 = tpu.vector_load %arg8[%swap3A_850, %swap3A_851] {strides = array<i32>} : memref<16x1792xf32, #tpu.memory_space<vmem>>, vector<16xf32>,
      tpu.vector_store %arg8[%swap3A_850, %swap3A_851], %broadcast_in_dim3A_5 {strides = array<i32>} : memref<16x1792xf32, #tpu.memory_space<vmem>>, vector<16xf32>,
      %mul3A_853 = arith.constant 16 : i32
      %mul3A_854 = arith.muli %scan3A_810, %mul3A_853 : i32
      %swap3A_855 = arith.constant 7 : i32
      %swap3A_856 = arith.index_cast %swap3A_855 : i32 to index
      %swap3A_857 = arith.index_cast %mul3A_854 : i32 to index
      %swap3A_858 = tpu.vector_load %arg8[%swap3A_856, %swap3A_857] {strides = array<i32>} : memref<16x1792xf32, #tpu.memory_space<vmem>>, vector<16xf32>,
      tpu.vector_store %arg8[%swap3A_856, %swap3A_857], %broadcast_in_dim3A_5 {strides = array<i32>} : memref<16x1792xf32, #tpu.memory_space<vmem>>, vector<16xf32>,
      %mul3A_859 = arith.constant 16 : i32
      %mul3A_860 = arith.muli %scan3A_810, %mul3A_859 : i32
      %swap3A_861 = arith.constant 8 : i32
      %swap3A_862 = arith.index_cast %swap3A_861 : i32 to index
      %swap3A_863 = arith.index_cast %mul3A_860 : i32 to index
      %swap3A_864 = tpu.vector_load %arg8[%swap3A_862, %swap3A_863] {strides = array<i32>} : memref<16x1792xf32, #tpu.memory_space<vmem>>, vector<16xf32>,
      tpu.vector_store %arg8[%swap3A_862, %swap3A_863], %broadcast_in_dim3A_5 {strides = array<i32>} : memref<16x1792xf32, #tpu.memory_space<vmem>>, vector<16xf32>,
      %mul3A_865 = arith.constant 16 : i32
      %mul3A_866 = arith.muli %scan3A_810, %mul3A_865 : i32
      %swap3A_867 = arith.constant 9 : i32
      %swap3A_868 = arith.index_cast %swap3A_867 : i32 to index
      %swap3A_869 = arith.index_cast %mul3A_866 : i32 to index
      %swap3A_870 = tpu.vector_load %arg8[%swap3A_868, %swap3A_869] {strides = array<i32>} : memref<16x1792xf32, #tpu.memory_space<vmem>>, vector<16xf32>,
      tpu.vector_store %arg8[%swap3A_868, %swap3A_869], %broadcast_in_dim3A_5 {strides = array<i32>} : memref<16x1792xf32, #tpu.memory_space<vmem>>, vector<16xf32>,
      %mul3A_871 = arith.constant 16 : i32
      %mul3A_872 = arith.muli %scan3A_810, %mul3A_871 : i32
      %swap3A_873 = arith.constant 10 : i32
      %swap3A_874 = arith.index_cast %swap3A_873 : i32 to index
      %swap3A_875 = arith.index_cast %mul3A_872 : i32 to index
      %swap3A_876 = tpu.vector_load %arg8[%swap3A_874, %swap3A_875] {strides = array<i32>} : memref<16x1792xf32, #tpu.memory_space<vmem>>, vector<16xf32>,
      tpu.vector_store %arg8[%swap3A_874, %swap3A_875], %broadcast_in_dim3A_5 {strides = array<i32>} : memref<16x1792xf32, #tpu.memory_space<vmem>>, vector<16xf32>,
      %mul3A_877 = arith.constant 16 : i32
      %mul3A_878 = arith.muli %scan3A_810, %mul3A_877 : i32
      %swap3A_879 = arith.constant 11 : i32
      %swap3A_880 = arith.index_cast %swap3A_879 : i32 to index
      %swap3A_881 = arith.index_cast %mul3A_878 : i32 to index
      %swap3A_882 = tpu.vector_load %arg8[%swap3A_880, %swap3A_881] {strides = array<i32>} : memref<16x1792xf32, #tpu.memory_space<vmem>>, vector<16xf32>,
      tpu.vector_store %arg8[%swap3A_880, %swap3A_881], %broadcast_in_dim3A_5 {strides = array<i32>} : memref<16x1792xf32, #tpu.memory_space<vmem>>, vector<16xf32>,
      %mul3A_883 = arith.constant 16 : i32
      %mul3A_884 = arith.muli %scan3A_810, %mul3A_883 : i32
      %swap3A_885 = arith.constant 12 : i32
      %swap3A_886 = arith.index_cast %swap3A_885 : i32 to index
      %swap3A_887 = arith.index_cast %mul3A_884 : i32 to index
      %swap3A_888 = tpu.vector_load %arg8[%swap3A_886, %swap3A_887] {strides = array<i32>} : memref<16x1792xf32, #tpu.memory_space<vmem>>, vector<16xf32>,
      tpu.vector_store %arg8[%swap3A_886, %swap3A_887], %broadcast_in_dim3A_5 {strides = array<i32>} : memref<16x1792xf32, #tpu.memory_space<vmem>>, vector<16xf32>,
      %mul3A_889 = arith.constant 16 : i32
      %mul3A_890 = arith.muli %scan3A_810, %mul3A_889 : i32
      %swap3A_891 = arith.constant 13 : i32
      %swap3A_892 = arith.index_cast %swap3A_891 : i32 to index
      %swap3A_893 = arith.index_cast %mul3A_890 : i32 to index
      %swap3A_894 = tpu.vector_load %arg8[%swap3A_892, %swap3A_893] {strides = array<i32>} : memref<16x1792xf32, #tpu.memory_space<vmem>>, vector<16xf32>,
      tpu.vector_store %arg8[%swap3A_892, %swap3A_893], %broadcast_in_dim3A_5 {strides = array<i32>} : memref<16x1792xf32, #tpu.memory_space<vmem>>, vector<16xf32>,
      %mul3A_895 = arith.constant 16 : i32
      %mul3A_896 = arith.muli %scan3A_810, %mul3A_895 : i32
      %swap3A_897 = arith.constant 14 : i32
      %swap3A_898 = arith.index_cast %swap3A_897 : i32 to index
      %swap3A_899 = arith.index_cast %mul3A_896 : i32 to index
      %swap3A_900 = tpu.vector_load %arg8[%swap3A_898, %swap3A_899] {strides = array<i32>} : memref<16x1792xf32, #tpu.memory_space<vmem>>, vector<16xf32>,
      tpu.vector_store %arg8[%swap3A_898, %swap3A_899], %broadcast_in_dim3A_5 {strides = array<i32>} : memref<16x1792xf32, #tpu.memory_space<vmem>>, vector<16xf32>,
      %mul3A_901 = arith.constant 16 : i32
      %mul3A_902 = arith.muli %scan3A_810, %mul3A_901 : i32
      %swap3A_903 = arith.constant 15 : i32
      %swap3A_904 = arith.index_cast %swap3A_903 : i32 to index
      %swap3A_905 = arith.index_cast %mul3A_902 : i32 to index
      %swap3A_906 = tpu.vector_load %arg8[%swap3A_904, %swap3A_905] {strides = array<i32>} : memref<16x1792xf32, #tpu.memory_space<vmem>>, vector<16xf32>,
      tpu.vector_store %arg8[%swap3A_904, %swap3A_905], %broadcast_in_dim3A_5 {strides = array<i32>} : memref<16x1792xf32, #tpu.memory_space<vmem>>, vector<16xf32>,
    }
    %scan3A_33 = arith.constant 112 : i32
    %eq3A_34 = arith.constant 0 : i32
    %eq3A_35 = arith.cmpi eq, %and3A_2, %eq3A_34 : i32
    %convert_element_type3A_36 = arith.extui %eq3A_35 : i1 to i32
    %cond3A_37 = arith.constant 0 : i32
    %cond3A_38 = arith.cmpi ne, %convert_element_type3A_36, %cond3A_37 : i32
    scf.if %cond3A_38 {
      %dma_wait3A_125 = arith.constant 0 : i32
      %dma_wait3A_126 = arith.constant 0 : i32
      %dma_wait3A_127 = arith.constant 0 : i32
      %dma_wait3A_128 = tpu.memref_slice %arg4[%dma_wait3A_126, %dma_wait3A_127] : memref<168x224xf32, #tpu.memory_space<vmem>> -> memref<168x224xf32, #tpu.memory_space<vmem>>
      %dma_wait3A_129 = arith.constant 0 : i32
      %dma_wait3A_130 = arith.constant 0 : i32
      %dma_wait3A_131 = tpu.memref_slice %arg2[%shift_right_arithmetic3A_1, %dma_wait3A_125, %dma_wait3A_129, %dma_wait3A_130] : memref<8x3x224x224xf32, #tpu.memory_space<hbm>> -> memref<1x1x168x224xf32, #tpu.memory_space<hbm>>
      %dma_wait3A_132 = tpu.memref_squeeze %dma_wait3A_131 : memref<1x1x168x224xf32, #tpu.memory_space<hbm>> -> memref<168x224xf32, #tpu.memory_space<hbm>>
      %dma_wait3A_133 = arith.constant 0 : i32
      %dma_wait3A_134 = arith.constant 0 : i32
      %dma_wait3A_135 = tpu.memref_slice %arg4[%dma_wait3A_133, %dma_wait3A_134] : memref<168x224xf32, #tpu.memory_space<vmem>> -> memref<168x224xf32, #tpu.memory_space<vmem>>
      %dma_wait3A_136 = arith.constant 0 : i32
      %dma_wait3A_137 = arith.constant 0 : i32
      %dma_wait3A_138 = tpu.memref_slice %arg2[%shift_right_arithmetic3A_1, %dma_wait3A_125, %dma_wait3A_136, %dma_wait3A_137] : memref<8x3x224x224xf32, #tpu.memory_space<hbm>> -> memref<1x1x168x224xf32, #tpu.memory_space<hbm>>
      %dma_wait3A_139 = tpu.memref_squeeze %dma_wait3A_138 : memref<1x1x168x224xf32, #tpu.memory_space<hbm>> -> memref<168x224xf32, #tpu.memory_space<hbm>>
      tpu.wait_dma2 semaphore(%arg9 : memref<!tpu.dma_semaphore, #tpu.memory_space<semaphore_mem>>) src(%dma_wait3A_139 : memref<168x224xf32, #tpu.memory_space<hbm>>) dst(%dma_wait3A_135 : memref<168x224xf32, #tpu.memory_space<vmem>>)
    } else {
    }
    %eq3A_39 = arith.constant 1 : i32
    %eq3A_40 = arith.cmpi eq, %and3A_2, %eq3A_39 : i32
    %convert_element_type3A_41 = arith.extui %eq3A_40 : i1 to i32
    %cond3A_42 = arith.constant 0 : i32
    %cond3A_43 = arith.cmpi ne, %convert_element_type3A_41, %cond3A_42 : i32
    scf.if %cond3A_43 {
      %dma_wait3A_125 = arith.constant 0 : i32
      %dma_wait3A_126 = arith.constant 0 : i32
      %dma_wait3A_127 = arith.constant 0 : i32
      %dma_wait3A_128 = tpu.memref_slice %arg4[%dma_wait3A_126, %dma_wait3A_127] : memref<168x224xf32, #tpu.memory_space<vmem>> -> memref<56x224xf32, #tpu.memory_space<vmem>>
      %dma_wait3A_129 = arith.constant 168 : i32
      %dma_wait3A_130 = arith.constant 0 : i32
      %dma_wait3A_131 = tpu.memref_slice %arg2[%shift_right_arithmetic3A_1, %dma_wait3A_125, %dma_wait3A_129, %dma_wait3A_130] : memref<8x3x224x224xf32, #tpu.memory_space<hbm>> -> memref<1x1x56x224xf32, #tpu.memory_space<hbm>>
      %dma_wait3A_132 = tpu.memref_squeeze %dma_wait3A_131 : memref<1x1x56x224xf32, #tpu.memory_space<hbm>> -> memref<56x224xf32, #tpu.memory_space<hbm>>
      %dma_wait3A_133 = arith.constant 0 : i32
      %dma_wait3A_134 = arith.constant 0 : i32
      %dma_wait3A_135 = tpu.memref_slice %arg4[%dma_wait3A_133, %dma_wait3A_134] : memref<168x224xf32, #tpu.memory_space<vmem>> -> memref<56x224xf32, #tpu.memory_space<vmem>>
      %dma_wait3A_136 = arith.constant 168 : i32
      %dma_wait3A_137 = arith.constant 0 : i32
      %dma_wait3A_138 = tpu.memref_slice %arg2[%shift_right_arithmetic3A_1, %dma_wait3A_125, %dma_wait3A_136, %dma_wait3A_137] : memref<8x3x224x224xf32, #tpu.memory_space<hbm>> -> memref<1x1x56x224xf32, #tpu.memory_space<hbm>>
      %dma_wait3A_139 = tpu.memref_squeeze %dma_wait3A_138 : memref<1x1x56x224xf32, #tpu.memory_space<hbm>> -> memref<56x224xf32, #tpu.memory_space<hbm>>
      tpu.wait_dma2 semaphore(%arg9 : memref<!tpu.dma_semaphore, #tpu.memory_space<semaphore_mem>>) src(%dma_wait3A_139 : memref<56x224xf32, #tpu.memory_space<hbm>>) dst(%dma_wait3A_135 : memref<56x224xf32, #tpu.memory_space<vmem>>)
      %dma_wait3A_140 = arith.constant 1 : i32
      %dma_wait3A_141 = arith.constant 56 : i32
      %dma_wait3A_142 = arith.constant 0 : i32
      %dma_wait3A_143 = tpu.memref_slice %arg4[%dma_wait3A_141, %dma_wait3A_142] : memref<168x224xf32, #tpu.memory_space<vmem>> -> memref<112x224xf32, #tpu.memory_space<vmem>>
      %dma_wait3A_144 = arith.constant 0 : i32
      %dma_wait3A_145 = arith.constant 0 : i32
      %dma_wait3A_146 = tpu.memref_slice %arg2[%shift_right_arithmetic3A_1, %dma_wait3A_140, %dma_wait3A_144, %dma_wait3A_145] : memref<8x3x224x224xf32, #tpu.memory_space<hbm>> -> memref<1x1x112x224xf32, #tpu.memory_space<hbm>>
      %dma_wait3A_147 = tpu.memref_squeeze %dma_wait3A_146 : memref<1x1x112x224xf32, #tpu.memory_space<hbm>> -> memref<112x224xf32, #tpu.memory_space<hbm>>
      %dma_wait3A_148 = arith.constant 56 : i32
      %dma_wait3A_149 = arith.constant 0 : i32
      %dma_wait3A_150 = tpu.memref_slice %arg4[%dma_wait3A_148, %dma_wait3A_149] : memref<168x224xf32, #tpu.memory_space<vmem>> -> memref<112x224xf32, #tpu.memory_space<vmem>>
      %dma_wait3A_151 = arith.constant 0 : i32
      %dma_wait3A_152 = arith.constant 0 : i32
      %dma_wait3A_153 = tpu.memref_slice %arg2[%shift_right_arithmetic3A_1, %dma_wait3A_140, %dma_wait3A_151, %dma_wait3A_152] : memref<8x3x224x224xf32, #tpu.memory_space<hbm>> -> memref<1x1x112x224xf32, #tpu.memory_space<hbm>>
      %dma_wait3A_154 = tpu.memref_squeeze %dma_wait3A_153 : memref<1x1x112x224xf32, #tpu.memory_space<hbm>> -> memref<112x224xf32, #tpu.memory_space<hbm>>
      tpu.wait_dma2 semaphore(%arg10 : memref<!tpu.dma_semaphore, #tpu.memory_space<semaphore_mem>>) src(%dma_wait3A_154 : memref<112x224xf32, #tpu.memory_space<hbm>>) dst(%dma_wait3A_150 : memref<112x224xf32, #tpu.memory_space<vmem>>)
    } else {
    }
    %eq3A_44 = arith.constant 2 : i32
    %eq3A_45 = arith.cmpi eq, %and3A_2, %eq3A_44 : i32
    %convert_element_type3A_46 = arith.extui %eq3A_45 : i1 to i32
    %cond3A_47 = arith.constant 0 : i32
    %cond3A_48 = arith.cmpi ne, %convert_element_type3A_46, %cond3A_47 : i32
    scf.if %cond3A_48 {
      %dma_wait3A_125 = arith.constant 1 : i32
      %dma_wait3A_126 = arith.constant 0 : i32
      %dma_wait3A_127 = arith.constant 0 : i32
      %dma_wait3A_128 = tpu.memref_slice %arg4[%dma_wait3A_126, %dma_wait3A_127] : memref<168x224xf32, #tpu.memory_space<vmem>> -> memref<112x224xf32, #tpu.memory_space<vmem>>
      %dma_wait3A_129 = arith.constant 112 : i32
      %dma_wait3A_130 = arith.constant 0 : i32
      %dma_wait3A_131 = tpu.memref_slice %arg2[%shift_right_arithmetic3A_1, %dma_wait3A_125, %dma_wait3A_129, %dma_wait3A_130] : memref<8x3x224x224xf32, #tpu.memory_space<hbm>> -> memref<1x1x112x224xf32, #tpu.memory_space<hbm>>
      %dma_wait3A_132 = tpu.memref_squeeze %dma_wait3A_131 : memref<1x1x112x224xf32, #tpu.memory_space<hbm>> -> memref<112x224xf32, #tpu.memory_space<hbm>>
      %dma_wait3A_133 = arith.constant 0 : i32
      %dma_wait3A_134 = arith.constant 0 : i32
      %dma_wait3A_135 = tpu.memref_slice %arg4[%dma_wait3A_133, %dma_wait3A_134] : memref<168x224xf32, #tpu.memory_space<vmem>> -> memref<112x224xf32, #tpu.memory_space<vmem>>
      %dma_wait3A_136 = arith.constant 112 : i32
      %dma_wait3A_137 = arith.constant 0 : i32
      %dma_wait3A_138 = tpu.memref_slice %arg2[%shift_right_arithmetic3A_1, %dma_wait3A_125, %dma_wait3A_136, %dma_wait3A_137] : memref<8x3x224x224xf32, #tpu.memory_space<hbm>> -> memref<1x1x112x224xf32, #tpu.memory_space<hbm>>
      %dma_wait3A_139 = tpu.memref_squeeze %dma_wait3A_138 : memref<1x1x112x224xf32, #tpu.memory_space<hbm>> -> memref<112x224xf32, #tpu.memory_space<hbm>>
      tpu.wait_dma2 semaphore(%arg9 : memref<!tpu.dma_semaphore, #tpu.memory_space<semaphore_mem>>) src(%dma_wait3A_139 : memref<112x224xf32, #tpu.memory_space<hbm>>) dst(%dma_wait3A_135 : memref<112x224xf32, #tpu.memory_space<vmem>>)
      %dma_wait3A_140 = arith.constant 2 : i32
      %dma_wait3A_141 = arith.constant 112 : i32
      %dma_wait3A_142 = arith.constant 0 : i32
      %dma_wait3A_143 = tpu.memref_slice %arg4[%dma_wait3A_141, %dma_wait3A_142] : memref<168x224xf32, #tpu.memory_space<vmem>> -> memref<56x224xf32, #tpu.memory_space<vmem>>
      %dma_wait3A_144 = arith.constant 0 : i32
      %dma_wait3A_145 = arith.constant 0 : i32
      %dma_wait3A_146 = tpu.memref_slice %arg2[%shift_right_arithmetic3A_1, %dma_wait3A_140, %dma_wait3A_144, %dma_wait3A_145] : memref<8x3x224x224xf32, #tpu.memory_space<hbm>> -> memref<1x1x56x224xf32, #tpu.memory_space<hbm>>
      %dma_wait3A_147 = tpu.memref_squeeze %dma_wait3A_146 : memref<1x1x56x224xf32, #tpu.memory_space<hbm>> -> memref<56x224xf32, #tpu.memory_space<hbm>>
      %dma_wait3A_148 = arith.constant 112 : i32
      %dma_wait3A_149 = arith.constant 0 : i32
      %dma_wait3A_150 = tpu.memref_slice %arg4[%dma_wait3A_148, %dma_wait3A_149] : memref<168x224xf32, #tpu.memory_space<vmem>> -> memref<56x224xf32, #tpu.memory_space<vmem>>
      %dma_wait3A_151 = arith.constant 0 : i32
      %dma_wait3A_152 = arith.constant 0 : i32
      %dma_wait3A_153 = tpu.memref_slice %arg2[%shift_right_arithmetic3A_1, %dma_wait3A_140, %dma_wait3A_151, %dma_wait3A_152] : memref<8x3x224x224xf32, #tpu.memory_space<hbm>> -> memref<1x1x56x224xf32, #tpu.memory_space<hbm>>
      %dma_wait3A_154 = tpu.memref_squeeze %dma_wait3A_153 : memref<1x1x56x224xf32, #tpu.memory_space<hbm>> -> memref<56x224xf32, #tpu.memory_space<hbm>>
      tpu.wait_dma2 semaphore(%arg10 : memref<!tpu.dma_semaphore, #tpu.memory_space<semaphore_mem>>) src(%dma_wait3A_154 : memref<56x224xf32, #tpu.memory_space<hbm>>) dst(%dma_wait3A_150 : memref<56x224xf32, #tpu.memory_space<vmem>>)
    } else {
    }
    %eq3A_49 = arith.constant 3 : i32
    %eq3A_50 = arith.cmpi eq, %and3A_2, %eq3A_49 : i32
    %convert_element_type3A_51 = arith.extui %eq3A_50 : i1 to i32
    %cond3A_52 = arith.constant 0 : i32
    %cond3A_53 = arith.cmpi ne, %convert_element_type3A_51, %cond3A_52 : i32
    scf.if %cond3A_53 {
      %dma_wait3A_125 = arith.constant 2 : i32
      %dma_wait3A_126 = arith.constant 0 : i32
      %dma_wait3A_127 = arith.constant 0 : i32
      %dma_wait3A_128 = tpu.memref_slice %arg4[%dma_wait3A_126, %dma_wait3A_127] : memref<168x224xf32, #tpu.memory_space<vmem>> -> memref<168x224xf32, #tpu.memory_space<vmem>>
      %dma_wait3A_129 = arith.constant 56 : i32
      %dma_wait3A_130 = arith.constant 0 : i32
      %dma_wait3A_131 = tpu.memref_slice %arg2[%shift_right_arithmetic3A_1, %dma_wait3A_125, %dma_wait3A_129, %dma_wait3A_130] : memref<8x3x224x224xf32, #tpu.memory_space<hbm>> -> memref<1x1x168x224xf32, #tpu.memory_space<hbm>>
      %dma_wait3A_132 = tpu.memref_squeeze %dma_wait3A_131 : memref<1x1x168x224xf32, #tpu.memory_space<hbm>> -> memref<168x224xf32, #tpu.memory_space<hbm>>
      %dma_wait3A_133 = arith.constant 0 : i32
      %dma_wait3A_134 = arith.constant 0 : i32
      %dma_wait3A_135 = tpu.memref_slice %arg4[%dma_wait3A_133, %dma_wait3A_134] : memref<168x224xf32, #tpu.memory_space<vmem>> -> memref<168x224xf32, #tpu.memory_space<vmem>>
      %dma_wait3A_136 = arith.constant 56 : i32
      %dma_wait3A_137 = arith.constant 0 : i32
      %dma_wait3A_138 = tpu.memref_slice %arg2[%shift_right_arithmetic3A_1, %dma_wait3A_125, %dma_wait3A_136, %dma_wait3A_137] : memref<8x3x224x224xf32, #tpu.memory_space<hbm>> -> memref<1x1x168x224xf32, #tpu.memory_space<hbm>>
      %dma_wait3A_139 = tpu.memref_squeeze %dma_wait3A_138 : memref<1x1x168x224xf32, #tpu.memory_space<hbm>> -> memref<168x224xf32, #tpu.memory_space<hbm>>
      tpu.wait_dma2 semaphore(%arg9 : memref<!tpu.dma_semaphore, #tpu.memory_space<semaphore_mem>>) src(%dma_wait3A_139 : memref<168x224xf32, #tpu.memory_space<hbm>>) dst(%dma_wait3A_135 : memref<168x224xf32, #tpu.memory_space<vmem>>)
    } else {
    }
    %scan3A_54 = arith.constant 0 : i32
    %scan3A_55 = arith.constant 112 : i32
    %scan3A_56 = arith.addi %scan3A_54, %scan3A_55 : i32
    %scan3A_57 = arith.constant 7 : i32
    scf.for %scan3A_125 = %scan3A_54 to %scan3A_56 step %scan3A_57  : i32 {
      %mul3A_126 = arith.constant 16 : i32
      %mul3A_127 = arith.muli %scan3A_125, %mul3A_126 : i32
      %add3A_128 = vector.broadcast %mul3A_127 : i32 to vector<16xi32>
      %add3A_129 = arith.addi %add3A_128, %iota3A : vector<16xi32>
      %jit3A = arith.constant 14 : i32
      %div3A = arith.divsi %scan3A_125, %jit3A : i32
      %sign3A = arith.constant 0 : i32
      %sign3A_130 = arith.cmpi sgt, %scan3A_125, %sign3A : i32
      %sign3A_131 = arith.extui %sign3A_130 : i1 to i32
      %sign3A_132 = arith.constant 0 : i32
      %sign3A_133 = arith.cmpi slt, %scan3A_125, %sign3A_132 : i32
      %sign3A_134 = arith.extui %sign3A_133 : i1 to i32
      %sign3A_135 = arith.subi %sign3A_131, %sign3A_134 : i32
      %sign3A_136 = arith.constant 0 : i32
      %sign3A_137 = arith.cmpi sgt, %jit3A, %sign3A_136 : i32
      %sign3A_138 = arith.extui %sign3A_137 : i1 to i32
      %sign3A_139 = arith.constant 0 : i32
      %sign3A_140 = arith.cmpi slt, %jit3A, %sign3A_139 : i32
      %sign3A_141 = arith.extui %sign3A_140 : i1 to i32
      %sign3A_142 = arith.subi %sign3A_138, %sign3A_141 : i32
      %ne3A = arith.cmpi ne, %sign3A_135, %sign3A_142 : i32
      %rem3A = arith.remsi %scan3A_125, %jit3A : i32
      %ne3A_143 = arith.constant 0 : i32
      %ne3A_144 = arith.cmpi ne, %rem3A, %ne3A_143 : i32
      %and3A_145 = arith.andi %ne3A, %ne3A_144 : i1
      %sub3A = arith.constant 1 : i32
      %sub3A_146 = arith.subi %div3A, %sub3A : i32
      %select_n3A = arith.select %and3A_145, %sub3A_146, %div3A : i32
      %mul3A_147 = arith.constant 14 : i32
      %mul3A_148 = arith.muli %select_n3A, %mul3A_147 : i32
      %sub3A_149 = arith.subi %scan3A_125, %mul3A_148 : i32
      %add3A_150 = arith.constant 0 : i32
      %add3A_151 = arith.addi %add3A_150, %select_n3A : i32
      %mul3A_152 = arith.constant 16 : i32
      %mul3A_153 = arith.muli %sub3A_149, %mul3A_152 : i32
      %get3A = arith.index_cast %add3A_151 : i32 to index
      %get3A_154 = arith.index_cast %mul3A_153 : i32 to index
      %get3A_155 = tpu.vector_load %arg4[%get3A, %get3A_154] {strides = array<i32>} : memref<168x224xf32, #tpu.memory_space<vmem>>, vector<16xf32>,
      %sub3A_156 = arith.constant 1.000000e+00 : f32
      %sub3A_157 = vector.broadcast %sub3A_156 : f32 to vector<16xf32>
      %sub3A_158 = arith.subf %sub3A_157, %get3A_155 : vector<16xf32>
      %mul3A_159 = arith.constant 1.500000e+01 : f32
      %mul3A_160 = vector.broadcast %mul3A_159 : f32 to vector<16xf32>
      %mul3A_161 = arith.mulf %sub3A_158, %mul3A_160 : vector<16xf32>
      %convert_element_type3A_162 = arith.fptosi %mul3A_161 : vector<16xf32> to vector<16xi32>
      tpu.vector_store_idx %arg7[%convert_element_type3A_162, %add3A_129], %broadcast_in_dim3A_7 : memref<16x1792xf32, #tpu.memory_space<vmem>>[vector<16xi32>, vector<16xi32>], vector<16xf32>,
      %mul3A_163 = arith.constant 16 : i32
      %mul3A_164 = arith.muli %scan3A_125, %mul3A_163 : i32
      %swap3A = arith.index_cast %mul3A_164 : i32 to index
      %swap3A_165 = tpu.vector_load %arg5[%swap3A] {strides = array<i32>} : memref<1792xi32, #tpu.memory_space<vmem>>, vector<16xi32>,
      tpu.vector_store %arg5[%swap3A], %convert_element_type3A_162 {strides = array<i32>} : memref<1792xi32, #tpu.memory_space<vmem>>, vector<16xi32>,
      %scan3A_166 = arith.constant 1 : i32
      %scan3A_167 = arith.addi %scan3A_125, %scan3A_166 : i32
      %mul3A_168 = arith.constant 16 : i32
      %mul3A_169 = arith.muli %scan3A_167, %mul3A_168 : i32
      %add3A_170 = vector.broadcast %mul3A_169 : i32 to vector<16xi32>
      %add3A_171 = arith.addi %add3A_170, %iota3A : vector<16xi32>
      %jit3A_172 = arith.constant 14 : i32
      %div3A_173 = arith.divsi %scan3A_167, %jit3A_172 : i32
      %sign3A_174 = arith.constant 0 : i32
      %sign3A_175 = arith.cmpi sgt, %scan3A_167, %sign3A_174 : i32
      %sign3A_176 = arith.extui %sign3A_175 : i1 to i32
      %sign3A_177 = arith.constant 0 : i32
      %sign3A_178 = arith.cmpi slt, %scan3A_167, %sign3A_177 : i32
      %sign3A_179 = arith.extui %sign3A_178 : i1 to i32
      %sign3A_180 = arith.subi %sign3A_176, %sign3A_179 : i32
      %sign3A_181 = arith.constant 0 : i32
      %sign3A_182 = arith.cmpi sgt, %jit3A_172, %sign3A_181 : i32
      %sign3A_183 = arith.extui %sign3A_182 : i1 to i32
      %sign3A_184 = arith.constant 0 : i32
      %sign3A_185 = arith.cmpi slt, %jit3A_172, %sign3A_184 : i32
      %sign3A_186 = arith.extui %sign3A_185 : i1 to i32
      %sign3A_187 = arith.subi %sign3A_183, %sign3A_186 : i32
      %ne3A_188 = arith.cmpi ne, %sign3A_180, %sign3A_187 : i32
      %rem3A_189 = arith.remsi %scan3A_167, %jit3A_172 : i32
      %ne3A_190 = arith.constant 0 : i32
      %ne3A_191 = arith.cmpi ne, %rem3A_189, %ne3A_190 : i32
      %and3A_192 = arith.andi %ne3A_188, %ne3A_191 : i1
      %sub3A_193 = arith.constant 1 : i32
      %sub3A_194 = arith.subi %div3A_173, %sub3A_193 : i32
      %select_n3A_195 = arith.select %and3A_192, %sub3A_194, %div3A_173 : i32
      %mul3A_196 = arith.constant 14 : i32
      %mul3A_197 = arith.muli %select_n3A_195, %mul3A_196 : i32
      %sub3A_198 = arith.subi %scan3A_167, %mul3A_197 : i32
      %add3A_199 = arith.constant 0 : i32
      %add3A_200 = arith.addi %add3A_199, %select_n3A_195 : i32
      %mul3A_201 = arith.constant 16 : i32
      %mul3A_202 = arith.muli %sub3A_198, %mul3A_201 : i32
      %get3A_203 = arith.index_cast %add3A_200 : i32 to index
      %get3A_204 = arith.index_cast %mul3A_202 : i32 to index
      %get3A_205 = tpu.vector_load %arg4[%get3A_203, %get3A_204] {strides = array<i32>} : memref<168x224xf32, #tpu.memory_space<vmem>>, vector<16xf32>,
      %sub3A_206 = arith.constant 1.000000e+00 : f32
      %sub3A_207 = vector.broadcast %sub3A_206 : f32 to vector<16xf32>
      %sub3A_208 = arith.subf %sub3A_207, %get3A_205 : vector<16xf32>
      %mul3A_209 = arith.constant 1.500000e+01 : f32
      %mul3A_210 = vector.broadcast %mul3A_209 : f32 to vector<16xf32>
      %mul3A_211 = arith.mulf %sub3A_208, %mul3A_210 : vector<16xf32>
      %convert_element_type3A_212 = arith.fptosi %mul3A_211 : vector<16xf32> to vector<16xi32>
      tpu.vector_store_idx %arg7[%convert_element_type3A_212, %add3A_171], %broadcast_in_dim3A_7 : memref<16x1792xf32, #tpu.memory_space<vmem>>[vector<16xi32>, vector<16xi32>], vector<16xf32>,
      %mul3A_213 = arith.constant 16 : i32
      %mul3A_214 = arith.muli %scan3A_167, %mul3A_213 : i32
      %swap3A_215 = arith.index_cast %mul3A_214 : i32 to index
      %swap3A_216 = tpu.vector_load %arg5[%swap3A_215] {strides = array<i32>} : memref<1792xi32, #tpu.memory_space<vmem>>, vector<16xi32>,
      tpu.vector_store %arg5[%swap3A_215], %convert_element_type3A_212 {strides = array<i32>} : memref<1792xi32, #tpu.memory_space<vmem>>, vector<16xi32>,
      %scan3A_217 = arith.constant 2 : i32
      %scan3A_218 = arith.addi %scan3A_125, %scan3A_217 : i32
      %mul3A_219 = arith.constant 16 : i32
      %mul3A_220 = arith.muli %scan3A_218, %mul3A_219 : i32
      %add3A_221 = vector.broadcast %mul3A_220 : i32 to vector<16xi32>
      %add3A_222 = arith.addi %add3A_221, %iota3A : vector<16xi32>
      %jit3A_223 = arith.constant 14 : i32
      %div3A_224 = arith.divsi %scan3A_218, %jit3A_223 : i32
      %sign3A_225 = arith.constant 0 : i32
      %sign3A_226 = arith.cmpi sgt, %scan3A_218, %sign3A_225 : i32
      %sign3A_227 = arith.extui %sign3A_226 : i1 to i32
      %sign3A_228 = arith.constant 0 : i32
      %sign3A_229 = arith.cmpi slt, %scan3A_218, %sign3A_228 : i32
      %sign3A_230 = arith.extui %sign3A_229 : i1 to i32
      %sign3A_231 = arith.subi %sign3A_227, %sign3A_230 : i32
      %sign3A_232 = arith.constant 0 : i32
      %sign3A_233 = arith.cmpi sgt, %jit3A_223, %sign3A_232 : i32
      %sign3A_234 = arith.extui %sign3A_233 : i1 to i32
      %sign3A_235 = arith.constant 0 : i32
      %sign3A_236 = arith.cmpi slt, %jit3A_223, %sign3A_235 : i32
      %sign3A_237 = arith.extui %sign3A_236 : i1 to i32
      %sign3A_238 = arith.subi %sign3A_234, %sign3A_237 : i32
      %ne3A_239 = arith.cmpi ne, %sign3A_231, %sign3A_238 : i32
      %rem3A_240 = arith.remsi %scan3A_218, %jit3A_223 : i32
      %ne3A_241 = arith.constant 0 : i32
      %ne3A_242 = arith.cmpi ne, %rem3A_240, %ne3A_241 : i32
      %and3A_243 = arith.andi %ne3A_239, %ne3A_242 : i1
      %sub3A_244 = arith.constant 1 : i32
      %sub3A_245 = arith.subi %div3A_224, %sub3A_244 : i32
      %select_n3A_246 = arith.select %and3A_243, %sub3A_245, %div3A_224 : i32
      %mul3A_247 = arith.constant 14 : i32
      %mul3A_248 = arith.muli %select_n3A_246, %mul3A_247 : i32
      %sub3A_249 = arith.subi %scan3A_218, %mul3A_248 : i32
      %add3A_250 = arith.constant 0 : i32
      %add3A_251 = arith.addi %add3A_250, %select_n3A_246 : i32
      %mul3A_252 = arith.constant 16 : i32
      %mul3A_253 = arith.muli %sub3A_249, %mul3A_252 : i32
      %get3A_254 = arith.index_cast %add3A_251 : i32 to index
      %get3A_255 = arith.index_cast %mul3A_253 : i32 to index
      %get3A_256 = tpu.vector_load %arg4[%get3A_254, %get3A_255] {strides = array<i32>} : memref<168x224xf32, #tpu.memory_space<vmem>>, vector<16xf32>,
      %sub3A_257 = arith.constant 1.000000e+00 : f32
      %sub3A_258 = vector.broadcast %sub3A_257 : f32 to vector<16xf32>
      %sub3A_259 = arith.subf %sub3A_258, %get3A_256 : vector<16xf32>
      %mul3A_260 = arith.constant 1.500000e+01 : f32
      %mul3A_261 = vector.broadcast %mul3A_260 : f32 to vector<16xf32>
      %mul3A_262 = arith.mulf %sub3A_259, %mul3A_261 : vector<16xf32>
      %convert_element_type3A_263 = arith.fptosi %mul3A_262 : vector<16xf32> to vector<16xi32>
      tpu.vector_store_idx %arg7[%convert_element_type3A_263, %add3A_222], %broadcast_in_dim3A_7 : memref<16x1792xf32, #tpu.memory_space<vmem>>[vector<16xi32>, vector<16xi32>], vector<16xf32>,
      %mul3A_264 = arith.constant 16 : i32
      %mul3A_265 = arith.muli %scan3A_218, %mul3A_264 : i32
      %swap3A_266 = arith.index_cast %mul3A_265 : i32 to index
      %swap3A_267 = tpu.vector_load %arg5[%swap3A_266] {strides = array<i32>} : memref<1792xi32, #tpu.memory_space<vmem>>, vector<16xi32>,
      tpu.vector_store %arg5[%swap3A_266], %convert_element_type3A_263 {strides = array<i32>} : memref<1792xi32, #tpu.memory_space<vmem>>, vector<16xi32>,
      %scan3A_268 = arith.constant 3 : i32
      %scan3A_269 = arith.addi %scan3A_125, %scan3A_268 : i32
      %mul3A_270 = arith.constant 16 : i32
      %mul3A_271 = arith.muli %scan3A_269, %mul3A_270 : i32
      %add3A_272 = vector.broadcast %mul3A_271 : i32 to vector<16xi32>
      %add3A_273 = arith.addi %add3A_272, %iota3A : vector<16xi32>
      %jit3A_274 = arith.constant 14 : i32
      %div3A_275 = arith.divsi %scan3A_269, %jit3A_274 : i32
      %sign3A_276 = arith.constant 0 : i32
      %sign3A_277 = arith.cmpi sgt, %scan3A_269, %sign3A_276 : i32
      %sign3A_278 = arith.extui %sign3A_277 : i1 to i32
      %sign3A_279 = arith.constant 0 : i32
      %sign3A_280 = arith.cmpi slt, %scan3A_269, %sign3A_279 : i32
      %sign3A_281 = arith.extui %sign3A_280 : i1 to i32
      %sign3A_282 = arith.subi %sign3A_278, %sign3A_281 : i32
      %sign3A_283 = arith.constant 0 : i32
      %sign3A_284 = arith.cmpi sgt, %jit3A_274, %sign3A_283 : i32
      %sign3A_285 = arith.extui %sign3A_284 : i1 to i32
      %sign3A_286 = arith.constant 0 : i32
      %sign3A_287 = arith.cmpi slt, %jit3A_274, %sign3A_286 : i32
      %sign3A_288 = arith.extui %sign3A_287 : i1 to i32
      %sign3A_289 = arith.subi %sign3A_285, %sign3A_288 : i32
      %ne3A_290 = arith.cmpi ne, %sign3A_282, %sign3A_289 : i32
      %rem3A_291 = arith.remsi %scan3A_269, %jit3A_274 : i32
      %ne3A_292 = arith.constant 0 : i32
      %ne3A_293 = arith.cmpi ne, %rem3A_291, %ne3A_292 : i32
      %and3A_294 = arith.andi %ne3A_290, %ne3A_293 : i1
      %sub3A_295 = arith.constant 1 : i32
      %sub3A_296 = arith.subi %div3A_275, %sub3A_295 : i32
      %select_n3A_297 = arith.select %and3A_294, %sub3A_296, %div3A_275 : i32
      %mul3A_298 = arith.constant 14 : i32
      %mul3A_299 = arith.muli %select_n3A_297, %mul3A_298 : i32
      %sub3A_300 = arith.subi %scan3A_269, %mul3A_299 : i32
      %add3A_301 = arith.constant 0 : i32
      %add3A_302 = arith.addi %add3A_301, %select_n3A_297 : i32
      %mul3A_303 = arith.constant 16 : i32
      %mul3A_304 = arith.muli %sub3A_300, %mul3A_303 : i32
      %get3A_305 = arith.index_cast %add3A_302 : i32 to index
      %get3A_306 = arith.index_cast %mul3A_304 : i32 to index
      %get3A_307 = tpu.vector_load %arg4[%get3A_305, %get3A_306] {strides = array<i32>} : memref<168x224xf32, #tpu.memory_space<vmem>>, vector<16xf32>,
      %sub3A_308 = arith.constant 1.000000e+00 : f32
      %sub3A_309 = vector.broadcast %sub3A_308 : f32 to vector<16xf32>
      %sub3A_310 = arith.subf %sub3A_309, %get3A_307 : vector<16xf32>
      %mul3A_311 = arith.constant 1.500000e+01 : f32
      %mul3A_312 = vector.broadcast %mul3A_311 : f32 to vector<16xf32>
      %mul3A_313 = arith.mulf %sub3A_310, %mul3A_312 : vector<16xf32>
      %convert_element_type3A_314 = arith.fptosi %mul3A_313 : vector<16xf32> to vector<16xi32>
      tpu.vector_store_idx %arg7[%convert_element_type3A_314, %add3A_273], %broadcast_in_dim3A_7 : memref<16x1792xf32, #tpu.memory_space<vmem>>[vector<16xi32>, vector<16xi32>], vector<16xf32>,
      %mul3A_315 = arith.constant 16 : i32
      %mul3A_316 = arith.muli %scan3A_269, %mul3A_315 : i32
      %swap3A_317 = arith.index_cast %mul3A_316 : i32 to index
      %swap3A_318 = tpu.vector_load %arg5[%swap3A_317] {strides = array<i32>} : memref<1792xi32, #tpu.memory_space<vmem>>, vector<16xi32>,
      tpu.vector_store %arg5[%swap3A_317], %convert_element_type3A_314 {strides = array<i32>} : memref<1792xi32, #tpu.memory_space<vmem>>, vector<16xi32>,
      %scan3A_319 = arith.constant 4 : i32
      %scan3A_320 = arith.addi %scan3A_125, %scan3A_319 : i32
      %mul3A_321 = arith.constant 16 : i32
      %mul3A_322 = arith.muli %scan3A_320, %mul3A_321 : i32
      %add3A_323 = vector.broadcast %mul3A_322 : i32 to vector<16xi32>
      %add3A_324 = arith.addi %add3A_323, %iota3A : vector<16xi32>
      %jit3A_325 = arith.constant 14 : i32
      %div3A_326 = arith.divsi %scan3A_320, %jit3A_325 : i32
      %sign3A_327 = arith.constant 0 : i32
      %sign3A_328 = arith.cmpi sgt, %scan3A_320, %sign3A_327 : i32
      %sign3A_329 = arith.extui %sign3A_328 : i1 to i32
      %sign3A_330 = arith.constant 0 : i32
      %sign3A_331 = arith.cmpi slt, %scan3A_320, %sign3A_330 : i32
      %sign3A_332 = arith.extui %sign3A_331 : i1 to i32
      %sign3A_333 = arith.subi %sign3A_329, %sign3A_332 : i32
      %sign3A_334 = arith.constant 0 : i32
      %sign3A_335 = arith.cmpi sgt, %jit3A_325, %sign3A_334 : i32
      %sign3A_336 = arith.extui %sign3A_335 : i1 to i32
      %sign3A_337 = arith.constant 0 : i32
      %sign3A_338 = arith.cmpi slt, %jit3A_325, %sign3A_337 : i32
      %sign3A_339 = arith.extui %sign3A_338 : i1 to i32
      %sign3A_340 = arith.subi %sign3A_336, %sign3A_339 : i32
      %ne3A_341 = arith.cmpi ne, %sign3A_333, %sign3A_340 : i32
      %rem3A_342 = arith.remsi %scan3A_320, %jit3A_325 : i32
      %ne3A_343 = arith.constant 0 : i32
      %ne3A_344 = arith.cmpi ne, %rem3A_342, %ne3A_343 : i32
      %and3A_345 = arith.andi %ne3A_341, %ne3A_344 : i1
      %sub3A_346 = arith.constant 1 : i32
      %sub3A_347 = arith.subi %div3A_326, %sub3A_346 : i32
      %select_n3A_348 = arith.select %and3A_345, %sub3A_347, %div3A_326 : i32
      %mul3A_349 = arith.constant 14 : i32
      %mul3A_350 = arith.muli %select_n3A_348, %mul3A_349 : i32
      %sub3A_351 = arith.subi %scan3A_320, %mul3A_350 : i32
      %add3A_352 = arith.constant 0 : i32
      %add3A_353 = arith.addi %add3A_352, %select_n3A_348 : i32
      %mul3A_354 = arith.constant 16 : i32
      %mul3A_355 = arith.muli %sub3A_351, %mul3A_354 : i32
      %get3A_356 = arith.index_cast %add3A_353 : i32 to index
      %get3A_357 = arith.index_cast %mul3A_355 : i32 to index
      %get3A_358 = tpu.vector_load %arg4[%get3A_356, %get3A_357] {strides = array<i32>} : memref<168x224xf32, #tpu.memory_space<vmem>>, vector<16xf32>,
      %sub3A_359 = arith.constant 1.000000e+00 : f32
      %sub3A_360 = vector.broadcast %sub3A_359 : f32 to vector<16xf32>
      %sub3A_361 = arith.subf %sub3A_360, %get3A_358 : vector<16xf32>
      %mul3A_362 = arith.constant 1.500000e+01 : f32
      %mul3A_363 = vector.broadcast %mul3A_362 : f32 to vector<16xf32>
      %mul3A_364 = arith.mulf %sub3A_361, %mul3A_363 : vector<16xf32>
      %convert_element_type3A_365 = arith.fptosi %mul3A_364 : vector<16xf32> to vector<16xi32>
      tpu.vector_store_idx %arg7[%convert_element_type3A_365, %add3A_324], %broadcast_in_dim3A_7 : memref<16x1792xf32, #tpu.memory_space<vmem>>[vector<16xi32>, vector<16xi32>], vector<16xf32>,
      %mul3A_366 = arith.constant 16 : i32
      %mul3A_367 = arith.muli %scan3A_320, %mul3A_366 : i32
      %swap3A_368 = arith.index_cast %mul3A_367 : i32 to index
      %swap3A_369 = tpu.vector_load %arg5[%swap3A_368] {strides = array<i32>} : memref<1792xi32, #tpu.memory_space<vmem>>, vector<16xi32>,
      tpu.vector_store %arg5[%swap3A_368], %convert_element_type3A_365 {strides = array<i32>} : memref<1792xi32, #tpu.memory_space<vmem>>, vector<16xi32>,
      %scan3A_370 = arith.constant 5 : i32
      %scan3A_371 = arith.addi %scan3A_125, %scan3A_370 : i32
      %mul3A_372 = arith.constant 16 : i32
      %mul3A_373 = arith.muli %scan3A_371, %mul3A_372 : i32
      %add3A_374 = vector.broadcast %mul3A_373 : i32 to vector<16xi32>
      %add3A_375 = arith.addi %add3A_374, %iota3A : vector<16xi32>
      %jit3A_376 = arith.constant 14 : i32
      %div3A_377 = arith.divsi %scan3A_371, %jit3A_376 : i32
      %sign3A_378 = arith.constant 0 : i32
      %sign3A_379 = arith.cmpi sgt, %scan3A_371, %sign3A_378 : i32
      %sign3A_380 = arith.extui %sign3A_379 : i1 to i32
      %sign3A_381 = arith.constant 0 : i32
      %sign3A_382 = arith.cmpi slt, %scan3A_371, %sign3A_381 : i32
      %sign3A_383 = arith.extui %sign3A_382 : i1 to i32
      %sign3A_384 = arith.subi %sign3A_380, %sign3A_383 : i32
      %sign3A_385 = arith.constant 0 : i32
      %sign3A_386 = arith.cmpi sgt, %jit3A_376, %sign3A_385 : i32
      %sign3A_387 = arith.extui %sign3A_386 : i1 to i32
      %sign3A_388 = arith.constant 0 : i32
      %sign3A_389 = arith.cmpi slt, %jit3A_376, %sign3A_388 : i32
      %sign3A_390 = arith.extui %sign3A_389 : i1 to i32
      %sign3A_391 = arith.subi %sign3A_387, %sign3A_390 : i32
      %ne3A_392 = arith.cmpi ne, %sign3A_384, %sign3A_391 : i32
      %rem3A_393 = arith.remsi %scan3A_371, %jit3A_376 : i32
      %ne3A_394 = arith.constant 0 : i32
      %ne3A_395 = arith.cmpi ne, %rem3A_393, %ne3A_394 : i32
      %and3A_396 = arith.andi %ne3A_392, %ne3A_395 : i1
      %sub3A_397 = arith.constant 1 : i32
      %sub3A_398 = arith.subi %div3A_377, %sub3A_397 : i32
      %select_n3A_399 = arith.select %and3A_396, %sub3A_398, %div3A_377 : i32
      %mul3A_400 = arith.constant 14 : i32
      %mul3A_401 = arith.muli %select_n3A_399, %mul3A_400 : i32
      %sub3A_402 = arith.subi %scan3A_371, %mul3A_401 : i32
      %add3A_403 = arith.constant 0 : i32
      %add3A_404 = arith.addi %add3A_403, %select_n3A_399 : i32
      %mul3A_405 = arith.constant 16 : i32
      %mul3A_406 = arith.muli %sub3A_402, %mul3A_405 : i32
      %get3A_407 = arith.index_cast %add3A_404 : i32 to index
      %get3A_408 = arith.index_cast %mul3A_406 : i32 to index
      %get3A_409 = tpu.vector_load %arg4[%get3A_407, %get3A_408] {strides = array<i32>} : memref<168x224xf32, #tpu.memory_space<vmem>>, vector<16xf32>,
      %sub3A_410 = arith.constant 1.000000e+00 : f32
      %sub3A_411 = vector.broadcast %sub3A_410 : f32 to vector<16xf32>
      %sub3A_412 = arith.subf %sub3A_411, %get3A_409 : vector<16xf32>
      %mul3A_413 = arith.constant 1.500000e+01 : f32
      %mul3A_414 = vector.broadcast %mul3A_413 : f32 to vector<16xf32>
      %mul3A_415 = arith.mulf %sub3A_412, %mul3A_414 : vector<16xf32>
      %convert_element_type3A_416 = arith.fptosi %mul3A_415 : vector<16xf32> to vector<16xi32>
      tpu.vector_store_idx %arg7[%convert_element_type3A_416, %add3A_375], %broadcast_in_dim3A_7 : memref<16x1792xf32, #tpu.memory_space<vmem>>[vector<16xi32>, vector<16xi32>], vector<16xf32>,
      %mul3A_417 = arith.constant 16 : i32
      %mul3A_418 = arith.muli %scan3A_371, %mul3A_417 : i32
      %swap3A_419 = arith.index_cast %mul3A_418 : i32 to index
      %swap3A_420 = tpu.vector_load %arg5[%swap3A_419] {strides = array<i32>} : memref<1792xi32, #tpu.memory_space<vmem>>, vector<16xi32>,
      tpu.vector_store %arg5[%swap3A_419], %convert_element_type3A_416 {strides = array<i32>} : memref<1792xi32, #tpu.memory_space<vmem>>, vector<16xi32>,
      %scan3A_421 = arith.constant 6 : i32
      %scan3A_422 = arith.addi %scan3A_125, %scan3A_421 : i32
      %mul3A_423 = arith.constant 16 : i32
      %mul3A_424 = arith.muli %scan3A_422, %mul3A_423 : i32
      %add3A_425 = vector.broadcast %mul3A_424 : i32 to vector<16xi32>
      %add3A_426 = arith.addi %add3A_425, %iota3A : vector<16xi32>
      %jit3A_427 = arith.constant 14 : i32
      %div3A_428 = arith.divsi %scan3A_422, %jit3A_427 : i32
      %sign3A_429 = arith.constant 0 : i32
      %sign3A_430 = arith.cmpi sgt, %scan3A_422, %sign3A_429 : i32
      %sign3A_431 = arith.extui %sign3A_430 : i1 to i32
      %sign3A_432 = arith.constant 0 : i32
      %sign3A_433 = arith.cmpi slt, %scan3A_422, %sign3A_432 : i32
      %sign3A_434 = arith.extui %sign3A_433 : i1 to i32
      %sign3A_435 = arith.subi %sign3A_431, %sign3A_434 : i32
      %sign3A_436 = arith.constant 0 : i32
      %sign3A_437 = arith.cmpi sgt, %jit3A_427, %sign3A_436 : i32
      %sign3A_438 = arith.extui %sign3A_437 : i1 to i32
      %sign3A_439 = arith.constant 0 : i32
      %sign3A_440 = arith.cmpi slt, %jit3A_427, %sign3A_439 : i32
      %sign3A_441 = arith.extui %sign3A_440 : i1 to i32
      %sign3A_442 = arith.subi %sign3A_438, %sign3A_441 : i32
      %ne3A_443 = arith.cmpi ne, %sign3A_435, %sign3A_442 : i32
      %rem3A_444 = arith.remsi %scan3A_422, %jit3A_427 : i32
      %ne3A_445 = arith.constant 0 : i32
      %ne3A_446 = arith.cmpi ne, %rem3A_444, %ne3A_445 : i32
      %and3A_447 = arith.andi %ne3A_443, %ne3A_446 : i1
      %sub3A_448 = arith.constant 1 : i32
      %sub3A_449 = arith.subi %div3A_428, %sub3A_448 : i32
      %select_n3A_450 = arith.select %and3A_447, %sub3A_449, %div3A_428 : i32
      %mul3A_451 = arith.constant 14 : i32
      %mul3A_452 = arith.muli %select_n3A_450, %mul3A_451 : i32
      %sub3A_453 = arith.subi %scan3A_422, %mul3A_452 : i32
      %add3A_454 = arith.constant 0 : i32
      %add3A_455 = arith.addi %add3A_454, %select_n3A_450 : i32
      %mul3A_456 = arith.constant 16 : i32
      %mul3A_457 = arith.muli %sub3A_453, %mul3A_456 : i32
      %get3A_458 = arith.index_cast %add3A_455 : i32 to index
      %get3A_459 = arith.index_cast %mul3A_457 : i32 to index
      %get3A_460 = tpu.vector_load %arg4[%get3A_458, %get3A_459] {strides = array<i32>} : memref<168x224xf32, #tpu.memory_space<vmem>>, vector<16xf32>,
      %sub3A_461 = arith.constant 1.000000e+00 : f32
      %sub3A_462 = vector.broadcast %sub3A_461 : f32 to vector<16xf32>
      %sub3A_463 = arith.subf %sub3A_462, %get3A_460 : vector<16xf32>
      %mul3A_464 = arith.constant 1.500000e+01 : f32
      %mul3A_465 = vector.broadcast %mul3A_464 : f32 to vector<16xf32>
      %mul3A_466 = arith.mulf %sub3A_463, %mul3A_465 : vector<16xf32>
      %convert_element_type3A_467 = arith.fptosi %mul3A_466 : vector<16xf32> to vector<16xi32>
      tpu.vector_store_idx %arg7[%convert_element_type3A_467, %add3A_426], %broadcast_in_dim3A_7 : memref<16x1792xf32, #tpu.memory_space<vmem>>[vector<16xi32>, vector<16xi32>], vector<16xf32>,
      %mul3A_468 = arith.constant 16 : i32
      %mul3A_469 = arith.muli %scan3A_422, %mul3A_468 : i32
      %swap3A_470 = arith.index_cast %mul3A_469 : i32 to index
      %swap3A_471 = tpu.vector_load %arg5[%swap3A_470] {strides = array<i32>} : memref<1792xi32, #tpu.memory_space<vmem>>, vector<16xi32>,
      tpu.vector_store %arg5[%swap3A_470], %convert_element_type3A_467 {strides = array<i32>} : memref<1792xi32, #tpu.memory_space<vmem>>, vector<16xi32>,
    }
    %scan3A_58 = arith.constant 112 : i32
    %add3A_59 = arith.constant 0 : i32
    %add3A_60 = arith.addi %mul3A_4, %add3A_59 : i32
    %multiple_of3A = tpu.assume_multiple %add3A_60, 128 : i32
    %dma_start3A = arith.constant 0 : i32
    %dma_start3A_61 = tpu.memref_slice %arg3[%shift_right_arithmetic3A_1, %dma_start3A, %multiple_of3A] : memref<8x16x150528xf32, #tpu.memory_space<hbm>> -> memref<1x16x1792xf32, #tpu.memory_space<hbm>>
    %dma_start3A_62 = tpu.memref_squeeze %dma_start3A_61 : memref<1x16x1792xf32, #tpu.memory_space<hbm>> -> memref<16x1792xf32, #tpu.memory_space<hbm>>
    %dma_start3A_63 = arith.constant 0 : i32
    %dma_start3A_64 = tpu.memref_slice %arg3[%shift_right_arithmetic3A_1, %dma_start3A_63, %multiple_of3A] : memref<8x16x150528xf32, #tpu.memory_space<hbm>> -> memref<1x16x1792xf32, #tpu.memory_space<hbm>>
    %dma_start3A_65 = tpu.memref_squeeze %dma_start3A_64 : memref<1x16x1792xf32, #tpu.memory_space<hbm>> -> memref<16x1792xf32, #tpu.memory_space<hbm>>
    tpu.enqueue_dma source(%arg7 : memref<16x1792xf32, #tpu.memory_space<vmem>>) target(%dma_start3A_65 : memref<16x1792xf32, #tpu.memory_space<hbm>>) target_semaphore(%arg11 : memref<!tpu.dma_semaphore, #tpu.memory_space<semaphore_mem>>)
    %scan3A_66 = arith.constant 0 : i32
    %scan3A_67 = arith.constant 112 : i32
    %scan3A_68 = arith.addi %scan3A_66, %scan3A_67 : i32
    %scan3A_69 = arith.constant 7 : i32
    scf.for %scan3A_125 = %scan3A_66 to %scan3A_68 step %scan3A_69  : i32 {
      %mul3A_126 = arith.constant 16 : i32
      %mul3A_127 = arith.muli %scan3A_125, %mul3A_126 : i32
      %add3A_128 = vector.broadcast %mul3A_127 : i32 to vector<16xi32>
      %add3A_129 = arith.addi %add3A_128, %iota3A : vector<16xi32>
      %jit3A = arith.constant 14 : i32
      %div3A = arith.divsi %scan3A_125, %jit3A : i32
      %sign3A = arith.constant 0 : i32
      %sign3A_130 = arith.cmpi sgt, %scan3A_125, %sign3A : i32
      %sign3A_131 = arith.extui %sign3A_130 : i1 to i32
      %sign3A_132 = arith.constant 0 : i32
      %sign3A_133 = arith.cmpi slt, %scan3A_125, %sign3A_132 : i32
      %sign3A_134 = arith.extui %sign3A_133 : i1 to i32
      %sign3A_135 = arith.subi %sign3A_131, %sign3A_134 : i32
      %sign3A_136 = arith.constant 0 : i32
      %sign3A_137 = arith.cmpi sgt, %jit3A, %sign3A_136 : i32
      %sign3A_138 = arith.extui %sign3A_137 : i1 to i32
      %sign3A_139 = arith.constant 0 : i32
      %sign3A_140 = arith.cmpi slt, %jit3A, %sign3A_139 : i32
      %sign3A_141 = arith.extui %sign3A_140 : i1 to i32
      %sign3A_142 = arith.subi %sign3A_138, %sign3A_141 : i32
      %ne3A = arith.cmpi ne, %sign3A_135, %sign3A_142 : i32
      %rem3A = arith.remsi %scan3A_125, %jit3A : i32
      %ne3A_143 = arith.constant 0 : i32
      %ne3A_144 = arith.cmpi ne, %rem3A, %ne3A_143 : i32
      %and3A_145 = arith.andi %ne3A, %ne3A_144 : i1
      %sub3A = arith.constant 1 : i32
      %sub3A_146 = arith.subi %div3A, %sub3A : i32
      %select_n3A = arith.select %and3A_145, %sub3A_146, %div3A : i32
      %mul3A_147 = arith.constant 14 : i32
      %mul3A_148 = arith.muli %select_n3A, %mul3A_147 : i32
      %sub3A_149 = arith.subi %scan3A_125, %mul3A_148 : i32
      %add3A_150 = arith.constant 8 : i32
      %add3A_151 = arith.addi %add3A_150, %select_n3A : i32
      %mul3A_152 = arith.constant 16 : i32
      %mul3A_153 = arith.muli %sub3A_149, %mul3A_152 : i32
      %get3A = arith.index_cast %add3A_151 : i32 to index
      %get3A_154 = arith.index_cast %mul3A_153 : i32 to index
      %get3A_155 = tpu.vector_load %arg4[%get3A, %get3A_154] {strides = array<i32>} : memref<168x224xf32, #tpu.memory_space<vmem>>, vector<16xf32>,
      %sub3A_156 = arith.constant 1.000000e+00 : f32
      %sub3A_157 = vector.broadcast %sub3A_156 : f32 to vector<16xf32>
      %sub3A_158 = arith.subf %sub3A_157, %get3A_155 : vector<16xf32>
      %mul3A_159 = arith.constant 1.500000e+01 : f32
      %mul3A_160 = vector.broadcast %mul3A_159 : f32 to vector<16xf32>
      %mul3A_161 = arith.mulf %sub3A_158, %mul3A_160 : vector<16xf32>
      %convert_element_type3A_162 = arith.fptosi %mul3A_161 : vector<16xf32> to vector<16xi32>
      tpu.vector_store_idx %arg8[%convert_element_type3A_162, %add3A_129], %broadcast_in_dim3A_7 : memref<16x1792xf32, #tpu.memory_space<vmem>>[vector<16xi32>, vector<16xi32>], vector<16xf32>,
      %mul3A_163 = arith.constant 16 : i32
      %mul3A_164 = arith.muli %scan3A_125, %mul3A_163 : i32
      %swap3A = arith.index_cast %mul3A_164 : i32 to index
      %swap3A_165 = tpu.vector_load %arg6[%swap3A] {strides = array<i32>} : memref<1792xi32, #tpu.memory_space<vmem>>, vector<16xi32>,
      tpu.vector_store %arg6[%swap3A], %convert_element_type3A_162 {strides = array<i32>} : memref<1792xi32, #tpu.memory_space<vmem>>, vector<16xi32>,
      %scan3A_166 = arith.constant 1 : i32
      %scan3A_167 = arith.addi %scan3A_125, %scan3A_166 : i32
      %mul3A_168 = arith.constant 16 : i32
      %mul3A_169 = arith.muli %scan3A_167, %mul3A_168 : i32
      %add3A_170 = vector.broadcast %mul3A_169 : i32 to vector<16xi32>
      %add3A_171 = arith.addi %add3A_170, %iota3A : vector<16xi32>
      %jit3A_172 = arith.constant 14 : i32
      %div3A_173 = arith.divsi %scan3A_167, %jit3A_172 : i32
      %sign3A_174 = arith.constant 0 : i32
      %sign3A_175 = arith.cmpi sgt, %scan3A_167, %sign3A_174 : i32
      %sign3A_176 = arith.extui %sign3A_175 : i1 to i32
      %sign3A_177 = arith.constant 0 : i32
      %sign3A_178 = arith.cmpi slt, %scan3A_167, %sign3A_177 : i32
      %sign3A_179 = arith.extui %sign3A_178 : i1 to i32
      %sign3A_180 = arith.subi %sign3A_176, %sign3A_179 : i32
      %sign3A_181 = arith.constant 0 : i32
      %sign3A_182 = arith.cmpi sgt, %jit3A_172, %sign3A_181 : i32
      %sign3A_183 = arith.extui %sign3A_182 : i1 to i32
      %sign3A_184 = arith.constant 0 : i32
      %sign3A_185 = arith.cmpi slt, %jit3A_172, %sign3A_184 : i32
      %sign3A_186 = arith.extui %sign3A_185 : i1 to i32
      %sign3A_187 = arith.subi %sign3A_183, %sign3A_186 : i32
      %ne3A_188 = arith.cmpi ne, %sign3A_180, %sign3A_187 : i32
      %rem3A_189 = arith.remsi %scan3A_167, %jit3A_172 : i32
      %ne3A_190 = arith.constant 0 : i32
      %ne3A_191 = arith.cmpi ne, %rem3A_189, %ne3A_190 : i32
      %and3A_192 = arith.andi %ne3A_188, %ne3A_191 : i1
      %sub3A_193 = arith.constant 1 : i32
      %sub3A_194 = arith.subi %div3A_173, %sub3A_193 : i32
      %select_n3A_195 = arith.select %and3A_192, %sub3A_194, %div3A_173 : i32
      %mul3A_196 = arith.constant 14 : i32
      %mul3A_197 = arith.muli %select_n3A_195, %mul3A_196 : i32
      %sub3A_198 = arith.subi %scan3A_167, %mul3A_197 : i32
      %add3A_199 = arith.constant 8 : i32
      %add3A_200 = arith.addi %add3A_199, %select_n3A_195 : i32
      %mul3A_201 = arith.constant 16 : i32
      %mul3A_202 = arith.muli %sub3A_198, %mul3A_201 : i32
      %get3A_203 = arith.index_cast %add3A_200 : i32 to index
      %get3A_204 = arith.index_cast %mul3A_202 : i32 to index
      %get3A_205 = tpu.vector_load %arg4[%get3A_203, %get3A_204] {strides = array<i32>} : memref<168x224xf32, #tpu.memory_space<vmem>>, vector<16xf32>,
      %sub3A_206 = arith.constant 1.000000e+00 : f32
      %sub3A_207 = vector.broadcast %sub3A_206 : f32 to vector<16xf32>
      %sub3A_208 = arith.subf %sub3A_207, %get3A_205 : vector<16xf32>
      %mul3A_209 = arith.constant 1.500000e+01 : f32
      %mul3A_210 = vector.broadcast %mul3A_209 : f32 to vector<16xf32>
      %mul3A_211 = arith.mulf %sub3A_208, %mul3A_210 : vector<16xf32>
      %convert_element_type3A_212 = arith.fptosi %mul3A_211 : vector<16xf32> to vector<16xi32>
      tpu.vector_store_idx %arg8[%convert_element_type3A_212, %add3A_171], %broadcast_in_dim3A_7 : memref<16x1792xf32, #tpu.memory_space<vmem>>[vector<16xi32>, vector<16xi32>], vector<16xf32>,
      %mul3A_213 = arith.constant 16 : i32
      %mul3A_214 = arith.muli %scan3A_167, %mul3A_213 : i32
      %swap3A_215 = arith.index_cast %mul3A_214 : i32 to index
      %swap3A_216 = tpu.vector_load %arg6[%swap3A_215] {strides = array<i32>} : memref<1792xi32, #tpu.memory_space<vmem>>, vector<16xi32>,
      tpu.vector_store %arg6[%swap3A_215], %convert_element_type3A_212 {strides = array<i32>} : memref<1792xi32, #tpu.memory_space<vmem>>, vector<16xi32>,
      %scan3A_217 = arith.constant 2 : i32
      %scan3A_218 = arith.addi %scan3A_125, %scan3A_217 : i32
      %mul3A_219 = arith.constant 16 : i32
      %mul3A_220 = arith.muli %scan3A_218, %mul3A_219 : i32
      %add3A_221 = vector.broadcast %mul3A_220 : i32 to vector<16xi32>
      %add3A_222 = arith.addi %add3A_221, %iota3A : vector<16xi32>
      %jit3A_223 = arith.constant 14 : i32
      %div3A_224 = arith.divsi %scan3A_218, %jit3A_223 : i32
      %sign3A_225 = arith.constant 0 : i32
      %sign3A_226 = arith.cmpi sgt, %scan3A_218, %sign3A_225 : i32
      %sign3A_227 = arith.extui %sign3A_226 : i1 to i32
      %sign3A_228 = arith.constant 0 : i32
      %sign3A_229 = arith.cmpi slt, %scan3A_218, %sign3A_228 : i32
      %sign3A_230 = arith.extui %sign3A_229 : i1 to i32
      %sign3A_231 = arith.subi %sign3A_227, %sign3A_230 : i32
      %sign3A_232 = arith.constant 0 : i32
      %sign3A_233 = arith.cmpi sgt, %jit3A_223, %sign3A_232 : i32
      %sign3A_234 = arith.extui %sign3A_233 : i1 to i32
      %sign3A_235 = arith.constant 0 : i32
      %sign3A_236 = arith.cmpi slt, %jit3A_223, %sign3A_235 : i32
      %sign3A_237 = arith.extui %sign3A_236 : i1 to i32
      %sign3A_238 = arith.subi %sign3A_234, %sign3A_237 : i32
      %ne3A_239 = arith.cmpi ne, %sign3A_231, %sign3A_238 : i32
      %rem3A_240 = arith.remsi %scan3A_218, %jit3A_223 : i32
      %ne3A_241 = arith.constant 0 : i32
      %ne3A_242 = arith.cmpi ne, %rem3A_240, %ne3A_241 : i32
      %and3A_243 = arith.andi %ne3A_239, %ne3A_242 : i1
      %sub3A_244 = arith.constant 1 : i32
      %sub3A_245 = arith.subi %div3A_224, %sub3A_244 : i32
      %select_n3A_246 = arith.select %and3A_243, %sub3A_245, %div3A_224 : i32
      %mul3A_247 = arith.constant 14 : i32
      %mul3A_248 = arith.muli %select_n3A_246, %mul3A_247 : i32
      %sub3A_249 = arith.subi %scan3A_218, %mul3A_248 : i32
      %add3A_250 = arith.constant 8 : i32
      %add3A_251 = arith.addi %add3A_250, %select_n3A_246 : i32
      %mul3A_252 = arith.constant 16 : i32
      %mul3A_253 = arith.muli %sub3A_249, %mul3A_252 : i32
      %get3A_254 = arith.index_cast %add3A_251 : i32 to index
      %get3A_255 = arith.index_cast %mul3A_253 : i32 to index
      %get3A_256 = tpu.vector_load %arg4[%get3A_254, %get3A_255] {strides = array<i32>} : memref<168x224xf32, #tpu.memory_space<vmem>>, vector<16xf32>,
      %sub3A_257 = arith.constant 1.000000e+00 : f32
      %sub3A_258 = vector.broadcast %sub3A_257 : f32 to vector<16xf32>
      %sub3A_259 = arith.subf %sub3A_258, %get3A_256 : vector<16xf32>
      %mul3A_260 = arith.constant 1.500000e+01 : f32
      %mul3A_261 = vector.broadcast %mul3A_260 : f32 to vector<16xf32>
      %mul3A_262 = arith.mulf %sub3A_259, %mul3A_261 : vector<16xf32>
      %convert_element_type3A_263 = arith.fptosi %mul3A_262 : vector<16xf32> to vector<16xi32>
      tpu.vector_store_idx %arg8[%convert_element_type3A_263, %add3A_222], %broadcast_in_dim3A_7 : memref<16x1792xf32, #tpu.memory_space<vmem>>[vector<16xi32>, vector<16xi32>], vector<16xf32>,
      %mul3A_264 = arith.constant 16 : i32
      %mul3A_265 = arith.muli %scan3A_218, %mul3A_264 : i32
      %swap3A_266 = arith.index_cast %mul3A_265 : i32 to index
      %swap3A_267 = tpu.vector_load %arg6[%swap3A_266] {strides = array<i32>} : memref<1792xi32, #tpu.memory_space<vmem>>, vector<16xi32>,
      tpu.vector_store %arg6[%swap3A_266], %convert_element_type3A_263 {strides = array<i32>} : memref<1792xi32, #tpu.memory_space<vmem>>, vector<16xi32>,
      %scan3A_268 = arith.constant 3 : i32
      %scan3A_269 = arith.addi %scan3A_125, %scan3A_268 : i32
      %mul3A_270 = arith.constant 16 : i32
      %mul3A_271 = arith.muli %scan3A_269, %mul3A_270 : i32
      %add3A_272 = vector.broadcast %mul3A_271 : i32 to vector<16xi32>
      %add3A_273 = arith.addi %add3A_272, %iota3A : vector<16xi32>
      %jit3A_274 = arith.constant 14 : i32
      %div3A_275 = arith.divsi %scan3A_269, %jit3A_274 : i32
      %sign3A_276 = arith.constant 0 : i32
      %sign3A_277 = arith.cmpi sgt, %scan3A_269, %sign3A_276 : i32
      %sign3A_278 = arith.extui %sign3A_277 : i1 to i32
      %sign3A_279 = arith.constant 0 : i32
      %sign3A_280 = arith.cmpi slt, %scan3A_269, %sign3A_279 : i32
      %sign3A_281 = arith.extui %sign3A_280 : i1 to i32
      %sign3A_282 = arith.subi %sign3A_278, %sign3A_281 : i32
      %sign3A_283 = arith.constant 0 : i32
      %sign3A_284 = arith.cmpi sgt, %jit3A_274, %sign3A_283 : i32
      %sign3A_285 = arith.extui %sign3A_284 : i1 to i32
      %sign3A_286 = arith.constant 0 : i32
      %sign3A_287 = arith.cmpi slt, %jit3A_274, %sign3A_286 : i32
      %sign3A_288 = arith.extui %sign3A_287 : i1 to i32
      %sign3A_289 = arith.subi %sign3A_285, %sign3A_288 : i32
      %ne3A_290 = arith.cmpi ne, %sign3A_282, %sign3A_289 : i32
      %rem3A_291 = arith.remsi %scan3A_269, %jit3A_274 : i32
      %ne3A_292 = arith.constant 0 : i32
      %ne3A_293 = arith.cmpi ne, %rem3A_291, %ne3A_292 : i32
      %and3A_294 = arith.andi %ne3A_290, %ne3A_293 : i1
      %sub3A_295 = arith.constant 1 : i32
      %sub3A_296 = arith.subi %div3A_275, %sub3A_295 : i32
      %select_n3A_297 = arith.select %and3A_294, %sub3A_296, %div3A_275 : i32
      %mul3A_298 = arith.constant 14 : i32
      %mul3A_299 = arith.muli %select_n3A_297, %mul3A_298 : i32
      %sub3A_300 = arith.subi %scan3A_269, %mul3A_299 : i32
      %add3A_301 = arith.constant 8 : i32
      %add3A_302 = arith.addi %add3A_301, %select_n3A_297 : i32
      %mul3A_303 = arith.constant 16 : i32
      %mul3A_304 = arith.muli %sub3A_300, %mul3A_303 : i32
      %get3A_305 = arith.index_cast %add3A_302 : i32 to index
      %get3A_306 = arith.index_cast %mul3A_304 : i32 to index
      %get3A_307 = tpu.vector_load %arg4[%get3A_305, %get3A_306] {strides = array<i32>} : memref<168x224xf32, #tpu.memory_space<vmem>>, vector<16xf32>,
      %sub3A_308 = arith.constant 1.000000e+00 : f32
      %sub3A_309 = vector.broadcast %sub3A_308 : f32 to vector<16xf32>
      %sub3A_310 = arith.subf %sub3A_309, %get3A_307 : vector<16xf32>
      %mul3A_311 = arith.constant 1.500000e+01 : f32
      %mul3A_312 = vector.broadcast %mul3A_311 : f32 to vector<16xf32>
      %mul3A_313 = arith.mulf %sub3A_310, %mul3A_312 : vector<16xf32>
      %convert_element_type3A_314 = arith.fptosi %mul3A_313 : vector<16xf32> to vector<16xi32>
      tpu.vector_store_idx %arg8[%convert_element_type3A_314, %add3A_273], %broadcast_in_dim3A_7 : memref<16x1792xf32, #tpu.memory_space<vmem>>[vector<16xi32>, vector<16xi32>], vector<16xf32>,
      %mul3A_315 = arith.constant 16 : i32
      %mul3A_316 = arith.muli %scan3A_269, %mul3A_315 : i32
      %swap3A_317 = arith.index_cast %mul3A_316 : i32 to index
      %swap3A_318 = tpu.vector_load %arg6[%swap3A_317] {strides = array<i32>} : memref<1792xi32, #tpu.memory_space<vmem>>, vector<16xi32>,
      tpu.vector_store %arg6[%swap3A_317], %convert_element_type3A_314 {strides = array<i32>} : memref<1792xi32, #tpu.memory_space<vmem>>, vector<16xi32>,
      %scan3A_319 = arith.constant 4 : i32
      %scan3A_320 = arith.addi %scan3A_125, %scan3A_319 : i32
      %mul3A_321 = arith.constant 16 : i32
      %mul3A_322 = arith.muli %scan3A_320, %mul3A_321 : i32
      %add3A_323 = vector.broadcast %mul3A_322 : i32 to vector<16xi32>
      %add3A_324 = arith.addi %add3A_323, %iota3A : vector<16xi32>
      %jit3A_325 = arith.constant 14 : i32
      %div3A_326 = arith.divsi %scan3A_320, %jit3A_325 : i32
      %sign3A_327 = arith.constant 0 : i32
      %sign3A_328 = arith.cmpi sgt, %scan3A_320, %sign3A_327 : i32
      %sign3A_329 = arith.extui %sign3A_328 : i1 to i32
      %sign3A_330 = arith.constant 0 : i32
      %sign3A_331 = arith.cmpi slt, %scan3A_320, %sign3A_330 : i32
      %sign3A_332 = arith.extui %sign3A_331 : i1 to i32
      %sign3A_333 = arith.subi %sign3A_329, %sign3A_332 : i32
      %sign3A_334 = arith.constant 0 : i32
      %sign3A_335 = arith.cmpi sgt, %jit3A_325, %sign3A_334 : i32
      %sign3A_336 = arith.extui %sign3A_335 : i1 to i32
      %sign3A_337 = arith.constant 0 : i32
      %sign3A_338 = arith.cmpi slt, %jit3A_325, %sign3A_337 : i32
      %sign3A_339 = arith.extui %sign3A_338 : i1 to i32
      %sign3A_340 = arith.subi %sign3A_336, %sign3A_339 : i32
      %ne3A_341 = arith.cmpi ne, %sign3A_333, %sign3A_340 : i32
      %rem3A_342 = arith.remsi %scan3A_320, %jit3A_325 : i32
      %ne3A_343 = arith.constant 0 : i32
      %ne3A_344 = arith.cmpi ne, %rem3A_342, %ne3A_343 : i32
      %and3A_345 = arith.andi %ne3A_341, %ne3A_344 : i1
      %sub3A_346 = arith.constant 1 : i32
      %sub3A_347 = arith.subi %div3A_326, %sub3A_346 : i32
      %select_n3A_348 = arith.select %and3A_345, %sub3A_347, %div3A_326 : i32
      %mul3A_349 = arith.constant 14 : i32
      %mul3A_350 = arith.muli %select_n3A_348, %mul3A_349 : i32
      %sub3A_351 = arith.subi %scan3A_320, %mul3A_350 : i32
      %add3A_352 = arith.constant 8 : i32
      %add3A_353 = arith.addi %add3A_352, %select_n3A_348 : i32
      %mul3A_354 = arith.constant 16 : i32
      %mul3A_355 = arith.muli %sub3A_351, %mul3A_354 : i32
      %get3A_356 = arith.index_cast %add3A_353 : i32 to index
      %get3A_357 = arith.index_cast %mul3A_355 : i32 to index
      %get3A_358 = tpu.vector_load %arg4[%get3A_356, %get3A_357] {strides = array<i32>} : memref<168x224xf32, #tpu.memory_space<vmem>>, vector<16xf32>,
      %sub3A_359 = arith.constant 1.000000e+00 : f32
      %sub3A_360 = vector.broadcast %sub3A_359 : f32 to vector<16xf32>
      %sub3A_361 = arith.subf %sub3A_360, %get3A_358 : vector<16xf32>
      %mul3A_362 = arith.constant 1.500000e+01 : f32
      %mul3A_363 = vector.broadcast %mul3A_362 : f32 to vector<16xf32>
      %mul3A_364 = arith.mulf %sub3A_361, %mul3A_363 : vector<16xf32>
      %convert_element_type3A_365 = arith.fptosi %mul3A_364 : vector<16xf32> to vector<16xi32>
      tpu.vector_store_idx %arg8[%convert_element_type3A_365, %add3A_324], %broadcast_in_dim3A_7 : memref<16x1792xf32, #tpu.memory_space<vmem>>[vector<16xi32>, vector<16xi32>], vector<16xf32>,
      %mul3A_366 = arith.constant 16 : i32
      %mul3A_367 = arith.muli %scan3A_320, %mul3A_366 : i32
      %swap3A_368 = arith.index_cast %mul3A_367 : i32 to index
      %swap3A_369 = tpu.vector_load %arg6[%swap3A_368] {strides = array<i32>} : memref<1792xi32, #tpu.memory_space<vmem>>, vector<16xi32>,
      tpu.vector_store %arg6[%swap3A_368], %convert_element_type3A_365 {strides = array<i32>} : memref<1792xi32, #tpu.memory_space<vmem>>, vector<16xi32>,
      %scan3A_370 = arith.constant 5 : i32
      %scan3A_371 = arith.addi %scan3A_125, %scan3A_370 : i32
      %mul3A_372 = arith.constant 16 : i32
      %mul3A_373 = arith.muli %scan3A_371, %mul3A_372 : i32
      %add3A_374 = vector.broadcast %mul3A_373 : i32 to vector<16xi32>
      %add3A_375 = arith.addi %add3A_374, %iota3A : vector<16xi32>
      %jit3A_376 = arith.constant 14 : i32
      %div3A_377 = arith.divsi %scan3A_371, %jit3A_376 : i32
      %sign3A_378 = arith.constant 0 : i32
      %sign3A_379 = arith.cmpi sgt, %scan3A_371, %sign3A_378 : i32
      %sign3A_380 = arith.extui %sign3A_379 : i1 to i32
      %sign3A_381 = arith.constant 0 : i32
      %sign3A_382 = arith.cmpi slt, %scan3A_371, %sign3A_381 : i32
      %sign3A_383 = arith.extui %sign3A_382 : i1 to i32
      %sign3A_384 = arith.subi %sign3A_380, %sign3A_383 : i32
      %sign3A_385 = arith.constant 0 : i32
      %sign3A_386 = arith.cmpi sgt, %jit3A_376, %sign3A_385 : i32
      %sign3A_387 = arith.extui %sign3A_386 : i1 to i32
      %sign3A_388 = arith.constant 0 : i32
      %sign3A_389 = arith.cmpi slt, %jit3A_376, %sign3A_388 : i32
      %sign3A_390 = arith.extui %sign3A_389 : i1 to i32
      %sign3A_391 = arith.subi %sign3A_387, %sign3A_390 : i32
      %ne3A_392 = arith.cmpi ne, %sign3A_384, %sign3A_391 : i32
      %rem3A_393 = arith.remsi %scan3A_371, %jit3A_376 : i32
      %ne3A_394 = arith.constant 0 : i32
      %ne3A_395 = arith.cmpi ne, %rem3A_393, %ne3A_394 : i32
      %and3A_396 = arith.andi %ne3A_392, %ne3A_395 : i1
      %sub3A_397 = arith.constant 1 : i32
      %sub3A_398 = arith.subi %div3A_377, %sub3A_397 : i32
      %select_n3A_399 = arith.select %and3A_396, %sub3A_398, %div3A_377 : i32
      %mul3A_400 = arith.constant 14 : i32
      %mul3A_401 = arith.muli %select_n3A_399, %mul3A_400 : i32
      %sub3A_402 = arith.subi %scan3A_371, %mul3A_401 : i32
      %add3A_403 = arith.constant 8 : i32
      %add3A_404 = arith.addi %add3A_403, %select_n3A_399 : i32
      %mul3A_405 = arith.constant 16 : i32
      %mul3A_406 = arith.muli %sub3A_402, %mul3A_405 : i32
      %get3A_407 = arith.index_cast %add3A_404 : i32 to index
      %get3A_408 = arith.index_cast %mul3A_406 : i32 to index
      %get3A_409 = tpu.vector_load %arg4[%get3A_407, %get3A_408] {strides = array<i32>} : memref<168x224xf32, #tpu.memory_space<vmem>>, vector<16xf32>,
      %sub3A_410 = arith.constant 1.000000e+00 : f32
      %sub3A_411 = vector.broadcast %sub3A_410 : f32 to vector<16xf32>
      %sub3A_412 = arith.subf %sub3A_411, %get3A_409 : vector<16xf32>
      %mul3A_413 = arith.constant 1.500000e+01 : f32
      %mul3A_414 = vector.broadcast %mul3A_413 : f32 to vector<16xf32>
      %mul3A_415 = arith.mulf %sub3A_412, %mul3A_414 : vector<16xf32>
      %convert_element_type3A_416 = arith.fptosi %mul3A_415 : vector<16xf32> to vector<16xi32>
      tpu.vector_store_idx %arg8[%convert_element_type3A_416, %add3A_375], %broadcast_in_dim3A_7 : memref<16x1792xf32, #tpu.memory_space<vmem>>[vector<16xi32>, vector<16xi32>], vector<16xf32>,
      %mul3A_417 = arith.constant 16 : i32
      %mul3A_418 = arith.muli %scan3A_371, %mul3A_417 : i32
      %swap3A_419 = arith.index_cast %mul3A_418 : i32 to index
      %swap3A_420 = tpu.vector_load %arg6[%swap3A_419] {strides = array<i32>} : memref<1792xi32, #tpu.memory_space<vmem>>, vector<16xi32>,
      tpu.vector_store %arg6[%swap3A_419], %convert_element_type3A_416 {strides = array<i32>} : memref<1792xi32, #tpu.memory_space<vmem>>, vector<16xi32>,
      %scan3A_421 = arith.constant 6 : i32
      %scan3A_422 = arith.addi %scan3A_125, %scan3A_421 : i32
      %mul3A_423 = arith.constant 16 : i32
      %mul3A_424 = arith.muli %scan3A_422, %mul3A_423 : i32
      %add3A_425 = vector.broadcast %mul3A_424 : i32 to vector<16xi32>
      %add3A_426 = arith.addi %add3A_425, %iota3A : vector<16xi32>
      %jit3A_427 = arith.constant 14 : i32
      %div3A_428 = arith.divsi %scan3A_422, %jit3A_427 : i32
      %sign3A_429 = arith.constant 0 : i32
      %sign3A_430 = arith.cmpi sgt, %scan3A_422, %sign3A_429 : i32
      %sign3A_431 = arith.extui %sign3A_430 : i1 to i32
      %sign3A_432 = arith.constant 0 : i32
      %sign3A_433 = arith.cmpi slt, %scan3A_422, %sign3A_432 : i32
      %sign3A_434 = arith.extui %sign3A_433 : i1 to i32
      %sign3A_435 = arith.subi %sign3A_431, %sign3A_434 : i32
      %sign3A_436 = arith.constant 0 : i32
      %sign3A_437 = arith.cmpi sgt, %jit3A_427, %sign3A_436 : i32
      %sign3A_438 = arith.extui %sign3A_437 : i1 to i32
      %sign3A_439 = arith.constant 0 : i32
      %sign3A_440 = arith.cmpi slt, %jit3A_427, %sign3A_439 : i32
      %sign3A_441 = arith.extui %sign3A_440 : i1 to i32
      %sign3A_442 = arith.subi %sign3A_438, %sign3A_441 : i32
      %ne3A_443 = arith.cmpi ne, %sign3A_435, %sign3A_442 : i32
      %rem3A_444 = arith.remsi %scan3A_422, %jit3A_427 : i32
      %ne3A_445 = arith.constant 0 : i32
      %ne3A_446 = arith.cmpi ne, %rem3A_444, %ne3A_445 : i32
      %and3A_447 = arith.andi %ne3A_443, %ne3A_446 : i1
      %sub3A_448 = arith.constant 1 : i32
      %sub3A_449 = arith.subi %div3A_428, %sub3A_448 : i32
      %select_n3A_450 = arith.select %and3A_447, %sub3A_449, %div3A_428 : i32
      %mul3A_451 = arith.constant 14 : i32
      %mul3A_452 = arith.muli %select_n3A_450, %mul3A_451 : i32
      %sub3A_453 = arith.subi %scan3A_422, %mul3A_452 : i32
      %add3A_454 = arith.constant 8 : i32
      %add3A_455 = arith.addi %add3A_454, %select_n3A_450 : i32
      %mul3A_456 = arith.constant 16 : i32
      %mul3A_457 = arith.muli %sub3A_453, %mul3A_456 : i32
      %get3A_458 = arith.index_cast %add3A_455 : i32 to index
      %get3A_459 = arith.index_cast %mul3A_457 : i32 to index
      %get3A_460 = tpu.vector_load %arg4[%get3A_458, %get3A_459] {strides = array<i32>} : memref<168x224xf32, #tpu.memory_space<vmem>>, vector<16xf32>,
      %sub3A_461 = arith.constant 1.000000e+00 : f32
      %sub3A_462 = vector.broadcast %sub3A_461 : f32 to vector<16xf32>
      %sub3A_463 = arith.subf %sub3A_462, %get3A_460 : vector<16xf32>
      %mul3A_464 = arith.constant 1.500000e+01 : f32
      %mul3A_465 = vector.broadcast %mul3A_464 : f32 to vector<16xf32>
      %mul3A_466 = arith.mulf %sub3A_463, %mul3A_465 : vector<16xf32>
      %convert_element_type3A_467 = arith.fptosi %mul3A_466 : vector<16xf32> to vector<16xi32>
      tpu.vector_store_idx %arg8[%convert_element_type3A_467, %add3A_426], %broadcast_in_dim3A_7 : memref<16x1792xf32, #tpu.memory_space<vmem>>[vector<16xi32>, vector<16xi32>], vector<16xf32>,
      %mul3A_468 = arith.constant 16 : i32
      %mul3A_469 = arith.muli %scan3A_422, %mul3A_468 : i32
      %swap3A_470 = arith.index_cast %mul3A_469 : i32 to index
      %swap3A_471 = tpu.vector_load %arg6[%swap3A_470] {strides = array<i32>} : memref<1792xi32, #tpu.memory_space<vmem>>, vector<16xi32>,
      tpu.vector_store %arg6[%swap3A_470], %convert_element_type3A_467 {strides = array<i32>} : memref<1792xi32, #tpu.memory_space<vmem>>, vector<16xi32>,
    }
    %scan3A_70 = arith.constant 112 : i32
    %add3A_71 = arith.constant 1792 : i32
    %add3A_72 = arith.addi %mul3A_4, %add3A_71 : i32
    %multiple_of3A_73 = tpu.assume_multiple %add3A_72, 128 : i32
    %dma_start3A_74 = arith.constant 0 : i32
    %dma_start3A_75 = tpu.memref_slice %arg3[%shift_right_arithmetic3A_1, %dma_start3A_74, %multiple_of3A_73] : memref<8x16x150528xf32, #tpu.memory_space<hbm>> -> memref<1x16x1792xf32, #tpu.memory_space<hbm>>
    %dma_start3A_76 = tpu.memref_squeeze %dma_start3A_75 : memref<1x16x1792xf32, #tpu.memory_space<hbm>> -> memref<16x1792xf32, #tpu.memory_space<hbm>>
    %dma_start3A_77 = arith.constant 0 : i32
    %dma_start3A_78 = tpu.memref_slice %arg3[%shift_right_arithmetic3A_1, %dma_start3A_77, %multiple_of3A_73] : memref<8x16x150528xf32, #tpu.memory_space<hbm>> -> memref<1x16x1792xf32, #tpu.memory_space<hbm>>
    %dma_start3A_79 = tpu.memref_squeeze %dma_start3A_78 : memref<1x16x1792xf32, #tpu.memory_space<hbm>> -> memref<16x1792xf32, #tpu.memory_space<hbm>>
    tpu.enqueue_dma source(%arg8 : memref<16x1792xf32, #tpu.memory_space<vmem>>) target(%dma_start3A_79 : memref<16x1792xf32, #tpu.memory_space<hbm>>) target_semaphore(%arg12 : memref<!tpu.dma_semaphore, #tpu.memory_space<semaphore_mem>>)
    %scan3A_80 = arith.constant 0 : i32
    %scan3A_81 = arith.constant 9 : i32
    %scan3A_82 = arith.addi %scan3A_80, %scan3A_81 : i32
    %scan3A_83 = arith.constant 1 : i32
    scf.for %scan3A_125 = %scan3A_80 to %scan3A_82 step %scan3A_83  : i32 {
      %mul3A_126 = arith.constant 1 : i32
      %mul3A_127 = arith.muli %scan3A_125, %mul3A_126 : i32
      %add3A_128 = arith.constant 1 : i32
      %add3A_129 = arith.addi %add3A_128, %mul3A_127 : i32
      %mul3A_130 = arith.constant 2 : i32
      %mul3A_131 = arith.muli %mul3A_130, %add3A_129 : i32
      %sub3A = arith.constant 2 : i32
      %sub3A_132 = arith.subi %mul3A_131, %sub3A : i32
      %mul3A_133 = arith.constant 1792 : i32
      %mul3A_134 = arith.muli %sub3A_132, %mul3A_133 : i32
      %add3A_135 = arith.addi %mul3A_4, %mul3A_134 : i32
      %multiple_of3A_136 = tpu.assume_multiple %add3A_135, 128 : i32
      %dma_wait3A_137 = arith.constant 0 : i32
      %dma_wait3A_138 = tpu.memref_slice %arg3[%shift_right_arithmetic3A_1, %dma_wait3A_137, %multiple_of3A_136] : memref<8x16x150528xf32, #tpu.memory_space<hbm>> -> memref<1x16x1792xf32, #tpu.memory_space<hbm>>
      %dma_wait3A_139 = tpu.memref_squeeze %dma_wait3A_138 : memref<1x16x1792xf32, #tpu.memory_space<hbm>> -> memref<16x1792xf32, #tpu.memory_space<hbm>>
      %dma_wait3A_140 = arith.constant 0 : i32
      %dma_wait3A_141 = tpu.memref_slice %arg3[%shift_right_arithmetic3A_1, %dma_wait3A_140, %multiple_of3A_136] : memref<8x16x150528xf32, #tpu.memory_space<hbm>> -> memref<1x16x1792xf32, #tpu.memory_space<hbm>>
      %dma_wait3A_142 = tpu.memref_squeeze %dma_wait3A_141 : memref<1x16x1792xf32, #tpu.memory_space<hbm>> -> memref<16x1792xf32, #tpu.memory_space<hbm>>
      tpu.wait_dma2 semaphore(%arg11 : memref<!tpu.dma_semaphore, #tpu.memory_space<semaphore_mem>>) src(%arg7 : memref<16x1792xf32, #tpu.memory_space<vmem>>) dst(%dma_wait3A_142 : memref<16x1792xf32, #tpu.memory_space<hbm>>)
      %scan3A_143 = arith.constant 0 : i32
      %scan3A_144 = arith.constant 112 : i32
      %scan3A_145 = arith.addi %scan3A_143, %scan3A_144 : i32
      %scan3A_146 = arith.constant 7 : i32
      scf.for %scan3A_187 = %scan3A_143 to %scan3A_145 step %scan3A_146  : i32 {
        %mul3A_188 = arith.constant 16 : i32
        %mul3A_189 = arith.muli %scan3A_187, %mul3A_188 : i32
        %add3A_190 = vector.broadcast %mul3A_189 : i32 to vector<16xi32>
        %add3A_191 = arith.addi %add3A_190, %iota3A : vector<16xi32>
        %mul3A_192 = arith.constant 16 : i32
        %mul3A_193 = arith.muli %scan3A_187, %mul3A_192 : i32
        %get3A = arith.index_cast %mul3A_193 : i32 to index
        %get3A_194 = tpu.vector_load %arg5[%get3A] {strides = array<i32>} : memref<1792xi32, #tpu.memory_space<vmem>>, vector<16xi32>,
        tpu.vector_store_idx %arg7[%get3A_194, %add3A_191], %broadcast_in_dim3A_5 : memref<16x1792xf32, #tpu.memory_space<vmem>>[vector<16xi32>, vector<16xi32>], vector<16xf32>,
        %jit3A = arith.constant 14 : i32
        %div3A = arith.divsi %scan3A_187, %jit3A : i32
        %sign3A = arith.constant 0 : i32
        %sign3A_195 = arith.cmpi sgt, %scan3A_187, %sign3A : i32
        %sign3A_196 = arith.extui %sign3A_195 : i1 to i32
        %sign3A_197 = arith.constant 0 : i32
        %sign3A_198 = arith.cmpi slt, %scan3A_187, %sign3A_197 : i32
        %sign3A_199 = arith.extui %sign3A_198 : i1 to i32
        %sign3A_200 = arith.subi %sign3A_196, %sign3A_199 : i32
        %sign3A_201 = arith.constant 0 : i32
        %sign3A_202 = arith.cmpi sgt, %jit3A, %sign3A_201 : i32
        %sign3A_203 = arith.extui %sign3A_202 : i1 to i32
        %sign3A_204 = arith.constant 0 : i32
        %sign3A_205 = arith.cmpi slt, %jit3A, %sign3A_204 : i32
        %sign3A_206 = arith.extui %sign3A_205 : i1 to i32
        %sign3A_207 = arith.subi %sign3A_203, %sign3A_206 : i32
        %ne3A = arith.cmpi ne, %sign3A_200, %sign3A_207 : i32
        %rem3A = arith.remsi %scan3A_187, %jit3A : i32
        %ne3A_208 = arith.constant 0 : i32
        %ne3A_209 = arith.cmpi ne, %rem3A, %ne3A_208 : i32
        %and3A_210 = arith.andi %ne3A, %ne3A_209 : i1
        %sub3A_211 = arith.constant 1 : i32
        %sub3A_212 = arith.subi %div3A, %sub3A_211 : i32
        %select_n3A = arith.select %and3A_210, %sub3A_212, %div3A : i32
        %mul3A_213 = arith.constant 14 : i32
        %mul3A_214 = arith.muli %select_n3A, %mul3A_213 : i32
        %sub3A_215 = arith.subi %scan3A_187, %mul3A_214 : i32
        %mul3A_216 = arith.constant 8 : i32
        %mul3A_217 = arith.muli %mul3A_131, %mul3A_216 : i32
        %add3A_218 = arith.addi %mul3A_217, %select_n3A : i32
        %mul3A_219 = arith.constant 16 : i32
        %mul3A_220 = arith.muli %sub3A_215, %mul3A_219 : i32
        %get3A_221 = arith.index_cast %add3A_218 : i32 to index
        %get3A_222 = arith.index_cast %mul3A_220 : i32 to index
        %get3A_223 = tpu.vector_load %arg4[%get3A_221, %get3A_222] {strides = array<i32>} : memref<168x224xf32, #tpu.memory_space<vmem>>, vector<16xf32>,
        %sub3A_224 = arith.constant 1.000000e+00 : f32
        %sub3A_225 = vector.broadcast %sub3A_224 : f32 to vector<16xf32>
        %sub3A_226 = arith.subf %sub3A_225, %get3A_223 : vector<16xf32>
        %mul3A_227 = arith.constant 1.500000e+01 : f32
        %mul3A_228 = vector.broadcast %mul3A_227 : f32 to vector<16xf32>
        %mul3A_229 = arith.mulf %sub3A_226, %mul3A_228 : vector<16xf32>
        %convert_element_type3A_230 = arith.fptosi %mul3A_229 : vector<16xf32> to vector<16xi32>
        tpu.vector_store_idx %arg7[%convert_element_type3A_230, %add3A_191], %broadcast_in_dim3A_7 : memref<16x1792xf32, #tpu.memory_space<vmem>>[vector<16xi32>, vector<16xi32>], vector<16xf32>,
        %mul3A_231 = arith.constant 16 : i32
        %mul3A_232 = arith.muli %scan3A_187, %mul3A_231 : i32
        %swap3A = arith.index_cast %mul3A_232 : i32 to index
        %swap3A_233 = tpu.vector_load %arg5[%swap3A] {strides = array<i32>} : memref<1792xi32, #tpu.memory_space<vmem>>, vector<16xi32>,
        tpu.vector_store %arg5[%swap3A], %convert_element_type3A_230 {strides = array<i32>} : memref<1792xi32, #tpu.memory_space<vmem>>, vector<16xi32>,
        %scan3A_234 = arith.constant 1 : i32
        %scan3A_235 = arith.addi %scan3A_187, %scan3A_234 : i32
        %mul3A_236 = arith.constant 16 : i32
        %mul3A_237 = arith.muli %scan3A_235, %mul3A_236 : i32
        %add3A_238 = vector.broadcast %mul3A_237 : i32 to vector<16xi32>
        %add3A_239 = arith.addi %add3A_238, %iota3A : vector<16xi32>
        %mul3A_240 = arith.constant 16 : i32
        %mul3A_241 = arith.muli %scan3A_235, %mul3A_240 : i32
        %get3A_242 = arith.index_cast %mul3A_241 : i32 to index
        %get3A_243 = tpu.vector_load %arg5[%get3A_242] {strides = array<i32>} : memref<1792xi32, #tpu.memory_space<vmem>>, vector<16xi32>,
        tpu.vector_store_idx %arg7[%get3A_243, %add3A_239], %broadcast_in_dim3A_5 : memref<16x1792xf32, #tpu.memory_space<vmem>>[vector<16xi32>, vector<16xi32>], vector<16xf32>,
        %jit3A_244 = arith.constant 14 : i32
        %div3A_245 = arith.divsi %scan3A_235, %jit3A_244 : i32
        %sign3A_246 = arith.constant 0 : i32
        %sign3A_247 = arith.cmpi sgt, %scan3A_235, %sign3A_246 : i32
        %sign3A_248 = arith.extui %sign3A_247 : i1 to i32
        %sign3A_249 = arith.constant 0 : i32
        %sign3A_250 = arith.cmpi slt, %scan3A_235, %sign3A_249 : i32
        %sign3A_251 = arith.extui %sign3A_250 : i1 to i32
        %sign3A_252 = arith.subi %sign3A_248, %sign3A_251 : i32
        %sign3A_253 = arith.constant 0 : i32
        %sign3A_254 = arith.cmpi sgt, %jit3A_244, %sign3A_253 : i32
        %sign3A_255 = arith.extui %sign3A_254 : i1 to i32
        %sign3A_256 = arith.constant 0 : i32
        %sign3A_257 = arith.cmpi slt, %jit3A_244, %sign3A_256 : i32
        %sign3A_258 = arith.extui %sign3A_257 : i1 to i32
        %sign3A_259 = arith.subi %sign3A_255, %sign3A_258 : i32
        %ne3A_260 = arith.cmpi ne, %sign3A_252, %sign3A_259 : i32
        %rem3A_261 = arith.remsi %scan3A_235, %jit3A_244 : i32
        %ne3A_262 = arith.constant 0 : i32
        %ne3A_263 = arith.cmpi ne, %rem3A_261, %ne3A_262 : i32
        %and3A_264 = arith.andi %ne3A_260, %ne3A_263 : i1
        %sub3A_265 = arith.constant 1 : i32
        %sub3A_266 = arith.subi %div3A_245, %sub3A_265 : i32
        %select_n3A_267 = arith.select %and3A_264, %sub3A_266, %div3A_245 : i32
        %mul3A_268 = arith.constant 14 : i32
        %mul3A_269 = arith.muli %select_n3A_267, %mul3A_268 : i32
        %sub3A_270 = arith.subi %scan3A_235, %mul3A_269 : i32
        %mul3A_271 = arith.constant 8 : i32
        %mul3A_272 = arith.muli %mul3A_131, %mul3A_271 : i32
        %add3A_273 = arith.addi %mul3A_272, %select_n3A_267 : i32
        %mul3A_274 = arith.constant 16 : i32
        %mul3A_275 = arith.muli %sub3A_270, %mul3A_274 : i32
        %get3A_276 = arith.index_cast %add3A_273 : i32 to index
        %get3A_277 = arith.index_cast %mul3A_275 : i32 to index
        %get3A_278 = tpu.vector_load %arg4[%get3A_276, %get3A_277] {strides = array<i32>} : memref<168x224xf32, #tpu.memory_space<vmem>>, vector<16xf32>,
        %sub3A_279 = arith.constant 1.000000e+00 : f32
        %sub3A_280 = vector.broadcast %sub3A_279 : f32 to vector<16xf32>
        %sub3A_281 = arith.subf %sub3A_280, %get3A_278 : vector<16xf32>
        %mul3A_282 = arith.constant 1.500000e+01 : f32
        %mul3A_283 = vector.broadcast %mul3A_282 : f32 to vector<16xf32>
        %mul3A_284 = arith.mulf %sub3A_281, %mul3A_283 : vector<16xf32>
        %convert_element_type3A_285 = arith.fptosi %mul3A_284 : vector<16xf32> to vector<16xi32>
        tpu.vector_store_idx %arg7[%convert_element_type3A_285, %add3A_239], %broadcast_in_dim3A_7 : memref<16x1792xf32, #tpu.memory_space<vmem>>[vector<16xi32>, vector<16xi32>], vector<16xf32>,
        %mul3A_286 = arith.constant 16 : i32
        %mul3A_287 = arith.muli %scan3A_235, %mul3A_286 : i32
        %swap3A_288 = arith.index_cast %mul3A_287 : i32 to index
        %swap3A_289 = tpu.vector_load %arg5[%swap3A_288] {strides = array<i32>} : memref<1792xi32, #tpu.memory_space<vmem>>, vector<16xi32>,
        tpu.vector_store %arg5[%swap3A_288], %convert_element_type3A_285 {strides = array<i32>} : memref<1792xi32, #tpu.memory_space<vmem>>, vector<16xi32>,
        %scan3A_290 = arith.constant 2 : i32
        %scan3A_291 = arith.addi %scan3A_187, %scan3A_290 : i32
        %mul3A_292 = arith.constant 16 : i32
        %mul3A_293 = arith.muli %scan3A_291, %mul3A_292 : i32
        %add3A_294 = vector.broadcast %mul3A_293 : i32 to vector<16xi32>
        %add3A_295 = arith.addi %add3A_294, %iota3A : vector<16xi32>
        %mul3A_296 = arith.constant 16 : i32
        %mul3A_297 = arith.muli %scan3A_291, %mul3A_296 : i32
        %get3A_298 = arith.index_cast %mul3A_297 : i32 to index
        %get3A_299 = tpu.vector_load %arg5[%get3A_298] {strides = array<i32>} : memref<1792xi32, #tpu.memory_space<vmem>>, vector<16xi32>,
        tpu.vector_store_idx %arg7[%get3A_299, %add3A_295], %broadcast_in_dim3A_5 : memref<16x1792xf32, #tpu.memory_space<vmem>>[vector<16xi32>, vector<16xi32>], vector<16xf32>,
        %jit3A_300 = arith.constant 14 : i32
        %div3A_301 = arith.divsi %scan3A_291, %jit3A_300 : i32
        %sign3A_302 = arith.constant 0 : i32
        %sign3A_303 = arith.cmpi sgt, %scan3A_291, %sign3A_302 : i32
        %sign3A_304 = arith.extui %sign3A_303 : i1 to i32
        %sign3A_305 = arith.constant 0 : i32
        %sign3A_306 = arith.cmpi slt, %scan3A_291, %sign3A_305 : i32
        %sign3A_307 = arith.extui %sign3A_306 : i1 to i32
        %sign3A_308 = arith.subi %sign3A_304, %sign3A_307 : i32
        %sign3A_309 = arith.constant 0 : i32
        %sign3A_310 = arith.cmpi sgt, %jit3A_300, %sign3A_309 : i32
        %sign3A_311 = arith.extui %sign3A_310 : i1 to i32
        %sign3A_312 = arith.constant 0 : i32
        %sign3A_313 = arith.cmpi slt, %jit3A_300, %sign3A_312 : i32
        %sign3A_314 = arith.extui %sign3A_313 : i1 to i32
        %sign3A_315 = arith.subi %sign3A_311, %sign3A_314 : i32
        %ne3A_316 = arith.cmpi ne, %sign3A_308, %sign3A_315 : i32
        %rem3A_317 = arith.remsi %scan3A_291, %jit3A_300 : i32
        %ne3A_318 = arith.constant 0 : i32
        %ne3A_319 = arith.cmpi ne, %rem3A_317, %ne3A_318 : i32
        %and3A_320 = arith.andi %ne3A_316, %ne3A_319 : i1
        %sub3A_321 = arith.constant 1 : i32
        %sub3A_322 = arith.subi %div3A_301, %sub3A_321 : i32
        %select_n3A_323 = arith.select %and3A_320, %sub3A_322, %div3A_301 : i32
        %mul3A_324 = arith.constant 14 : i32
        %mul3A_325 = arith.muli %select_n3A_323, %mul3A_324 : i32
        %sub3A_326 = arith.subi %scan3A_291, %mul3A_325 : i32
        %mul3A_327 = arith.constant 8 : i32
        %mul3A_328 = arith.muli %mul3A_131, %mul3A_327 : i32
        %add3A_329 = arith.addi %mul3A_328, %select_n3A_323 : i32
        %mul3A_330 = arith.constant 16 : i32
        %mul3A_331 = arith.muli %sub3A_326, %mul3A_330 : i32
        %get3A_332 = arith.index_cast %add3A_329 : i32 to index
        %get3A_333 = arith.index_cast %mul3A_331 : i32 to index
        %get3A_334 = tpu.vector_load %arg4[%get3A_332, %get3A_333] {strides = array<i32>} : memref<168x224xf32, #tpu.memory_space<vmem>>, vector<16xf32>,
        %sub3A_335 = arith.constant 1.000000e+00 : f32
        %sub3A_336 = vector.broadcast %sub3A_335 : f32 to vector<16xf32>
        %sub3A_337 = arith.subf %sub3A_336, %get3A_334 : vector<16xf32>
        %mul3A_338 = arith.constant 1.500000e+01 : f32
        %mul3A_339 = vector.broadcast %mul3A_338 : f32 to vector<16xf32>
        %mul3A_340 = arith.mulf %sub3A_337, %mul3A_339 : vector<16xf32>
        %convert_element_type3A_341 = arith.fptosi %mul3A_340 : vector<16xf32> to vector<16xi32>
        tpu.vector_store_idx %arg7[%convert_element_type3A_341, %add3A_295], %broadcast_in_dim3A_7 : memref<16x1792xf32, #tpu.memory_space<vmem>>[vector<16xi32>, vector<16xi32>], vector<16xf32>,
        %mul3A_342 = arith.constant 16 : i32
        %mul3A_343 = arith.muli %scan3A_291, %mul3A_342 : i32
        %swap3A_344 = arith.index_cast %mul3A_343 : i32 to index
        %swap3A_345 = tpu.vector_load %arg5[%swap3A_344] {strides = array<i32>} : memref<1792xi32, #tpu.memory_space<vmem>>, vector<16xi32>,
        tpu.vector_store %arg5[%swap3A_344], %convert_element_type3A_341 {strides = array<i32>} : memref<1792xi32, #tpu.memory_space<vmem>>, vector<16xi32>,
        %scan3A_346 = arith.constant 3 : i32
        %scan3A_347 = arith.addi %scan3A_187, %scan3A_346 : i32
        %mul3A_348 = arith.constant 16 : i32
        %mul3A_349 = arith.muli %scan3A_347, %mul3A_348 : i32
        %add3A_350 = vector.broadcast %mul3A_349 : i32 to vector<16xi32>
        %add3A_351 = arith.addi %add3A_350, %iota3A : vector<16xi32>
        %mul3A_352 = arith.constant 16 : i32
        %mul3A_353 = arith.muli %scan3A_347, %mul3A_352 : i32
        %get3A_354 = arith.index_cast %mul3A_353 : i32 to index
        %get3A_355 = tpu.vector_load %arg5[%get3A_354] {strides = array<i32>} : memref<1792xi32, #tpu.memory_space<vmem>>, vector<16xi32>,
        tpu.vector_store_idx %arg7[%get3A_355, %add3A_351], %broadcast_in_dim3A_5 : memref<16x1792xf32, #tpu.memory_space<vmem>>[vector<16xi32>, vector<16xi32>], vector<16xf32>,
        %jit3A_356 = arith.constant 14 : i32
        %div3A_357 = arith.divsi %scan3A_347, %jit3A_356 : i32
        %sign3A_358 = arith.constant 0 : i32
        %sign3A_359 = arith.cmpi sgt, %scan3A_347, %sign3A_358 : i32
        %sign3A_360 = arith.extui %sign3A_359 : i1 to i32
        %sign3A_361 = arith.constant 0 : i32
        %sign3A_362 = arith.cmpi slt, %scan3A_347, %sign3A_361 : i32
        %sign3A_363 = arith.extui %sign3A_362 : i1 to i32
        %sign3A_364 = arith.subi %sign3A_360, %sign3A_363 : i32
        %sign3A_365 = arith.constant 0 : i32
        %sign3A_366 = arith.cmpi sgt, %jit3A_356, %sign3A_365 : i32
        %sign3A_367 = arith.extui %sign3A_366 : i1 to i32
        %sign3A_368 = arith.constant 0 : i32
        %sign3A_369 = arith.cmpi slt, %jit3A_356, %sign3A_368 : i32
        %sign3A_370 = arith.extui %sign3A_369 : i1 to i32
        %sign3A_371 = arith.subi %sign3A_367, %sign3A_370 : i32
        %ne3A_372 = arith.cmpi ne, %sign3A_364, %sign3A_371 : i32
        %rem3A_373 = arith.remsi %scan3A_347, %jit3A_356 : i32
        %ne3A_374 = arith.constant 0 : i32
        %ne3A_375 = arith.cmpi ne, %rem3A_373, %ne3A_374 : i32
        %and3A_376 = arith.andi %ne3A_372, %ne3A_375 : i1
        %sub3A_377 = arith.constant 1 : i32
        %sub3A_378 = arith.subi %div3A_357, %sub3A_377 : i32
        %select_n3A_379 = arith.select %and3A_376, %sub3A_378, %div3A_357 : i32
        %mul3A_380 = arith.constant 14 : i32
        %mul3A_381 = arith.muli %select_n3A_379, %mul3A_380 : i32
        %sub3A_382 = arith.subi %scan3A_347, %mul3A_381 : i32
        %mul3A_383 = arith.constant 8 : i32
        %mul3A_384 = arith.muli %mul3A_131, %mul3A_383 : i32
        %add3A_385 = arith.addi %mul3A_384, %select_n3A_379 : i32
        %mul3A_386 = arith.constant 16 : i32
        %mul3A_387 = arith.muli %sub3A_382, %mul3A_386 : i32
        %get3A_388 = arith.index_cast %add3A_385 : i32 to index
        %get3A_389 = arith.index_cast %mul3A_387 : i32 to index
        %get3A_390 = tpu.vector_load %arg4[%get3A_388, %get3A_389] {strides = array<i32>} : memref<168x224xf32, #tpu.memory_space<vmem>>, vector<16xf32>,
        %sub3A_391 = arith.constant 1.000000e+00 : f32
        %sub3A_392 = vector.broadcast %sub3A_391 : f32 to vector<16xf32>
        %sub3A_393 = arith.subf %sub3A_392, %get3A_390 : vector<16xf32>
        %mul3A_394 = arith.constant 1.500000e+01 : f32
        %mul3A_395 = vector.broadcast %mul3A_394 : f32 to vector<16xf32>
        %mul3A_396 = arith.mulf %sub3A_393, %mul3A_395 : vector<16xf32>
        %convert_element_type3A_397 = arith.fptosi %mul3A_396 : vector<16xf32> to vector<16xi32>
        tpu.vector_store_idx %arg7[%convert_element_type3A_397, %add3A_351], %broadcast_in_dim3A_7 : memref<16x1792xf32, #tpu.memory_space<vmem>>[vector<16xi32>, vector<16xi32>], vector<16xf32>,
        %mul3A_398 = arith.constant 16 : i32
        %mul3A_399 = arith.muli %scan3A_347, %mul3A_398 : i32
        %swap3A_400 = arith.index_cast %mul3A_399 : i32 to index
        %swap3A_401 = tpu.vector_load %arg5[%swap3A_400] {strides = array<i32>} : memref<1792xi32, #tpu.memory_space<vmem>>, vector<16xi32>,
        tpu.vector_store %arg5[%swap3A_400], %convert_element_type3A_397 {strides = array<i32>} : memref<1792xi32, #tpu.memory_space<vmem>>, vector<16xi32>,
        %scan3A_402 = arith.constant 4 : i32
        %scan3A_403 = arith.addi %scan3A_187, %scan3A_402 : i32
        %mul3A_404 = arith.constant 16 : i32
        %mul3A_405 = arith.muli %scan3A_403, %mul3A_404 : i32
        %add3A_406 = vector.broadcast %mul3A_405 : i32 to vector<16xi32>
        %add3A_407 = arith.addi %add3A_406, %iota3A : vector<16xi32>
        %mul3A_408 = arith.constant 16 : i32
        %mul3A_409 = arith.muli %scan3A_403, %mul3A_408 : i32
        %get3A_410 = arith.index_cast %mul3A_409 : i32 to index
        %get3A_411 = tpu.vector_load %arg5[%get3A_410] {strides = array<i32>} : memref<1792xi32, #tpu.memory_space<vmem>>, vector<16xi32>,
        tpu.vector_store_idx %arg7[%get3A_411, %add3A_407], %broadcast_in_dim3A_5 : memref<16x1792xf32, #tpu.memory_space<vmem>>[vector<16xi32>, vector<16xi32>], vector<16xf32>,
        %jit3A_412 = arith.constant 14 : i32
        %div3A_413 = arith.divsi %scan3A_403, %jit3A_412 : i32
        %sign3A_414 = arith.constant 0 : i32
        %sign3A_415 = arith.cmpi sgt, %scan3A_403, %sign3A_414 : i32
        %sign3A_416 = arith.extui %sign3A_415 : i1 to i32
        %sign3A_417 = arith.constant 0 : i32
        %sign3A_418 = arith.cmpi slt, %scan3A_403, %sign3A_417 : i32
        %sign3A_419 = arith.extui %sign3A_418 : i1 to i32
        %sign3A_420 = arith.subi %sign3A_416, %sign3A_419 : i32
        %sign3A_421 = arith.constant 0 : i32
        %sign3A_422 = arith.cmpi sgt, %jit3A_412, %sign3A_421 : i32
        %sign3A_423 = arith.extui %sign3A_422 : i1 to i32
        %sign3A_424 = arith.constant 0 : i32
        %sign3A_425 = arith.cmpi slt, %jit3A_412, %sign3A_424 : i32
        %sign3A_426 = arith.extui %sign3A_425 : i1 to i32
        %sign3A_427 = arith.subi %sign3A_423, %sign3A_426 : i32
        %ne3A_428 = arith.cmpi ne, %sign3A_420, %sign3A_427 : i32
        %rem3A_429 = arith.remsi %scan3A_403, %jit3A_412 : i32
        %ne3A_430 = arith.constant 0 : i32
        %ne3A_431 = arith.cmpi ne, %rem3A_429, %ne3A_430 : i32
        %and3A_432 = arith.andi %ne3A_428, %ne3A_431 : i1
        %sub3A_433 = arith.constant 1 : i32
        %sub3A_434 = arith.subi %div3A_413, %sub3A_433 : i32
        %select_n3A_435 = arith.select %and3A_432, %sub3A_434, %div3A_413 : i32
        %mul3A_436 = arith.constant 14 : i32
        %mul3A_437 = arith.muli %select_n3A_435, %mul3A_436 : i32
        %sub3A_438 = arith.subi %scan3A_403, %mul3A_437 : i32
        %mul3A_439 = arith.constant 8 : i32
        %mul3A_440 = arith.muli %mul3A_131, %mul3A_439 : i32
        %add3A_441 = arith.addi %mul3A_440, %select_n3A_435 : i32
        %mul3A_442 = arith.constant 16 : i32
        %mul3A_443 = arith.muli %sub3A_438, %mul3A_442 : i32
        %get3A_444 = arith.index_cast %add3A_441 : i32 to index
        %get3A_445 = arith.index_cast %mul3A_443 : i32 to index
        %get3A_446 = tpu.vector_load %arg4[%get3A_444, %get3A_445] {strides = array<i32>} : memref<168x224xf32, #tpu.memory_space<vmem>>, vector<16xf32>,
        %sub3A_447 = arith.constant 1.000000e+00 : f32
        %sub3A_448 = vector.broadcast %sub3A_447 : f32 to vector<16xf32>
        %sub3A_449 = arith.subf %sub3A_448, %get3A_446 : vector<16xf32>
        %mul3A_450 = arith.constant 1.500000e+01 : f32
        %mul3A_451 = vector.broadcast %mul3A_450 : f32 to vector<16xf32>
        %mul3A_452 = arith.mulf %sub3A_449, %mul3A_451 : vector<16xf32>
        %convert_element_type3A_453 = arith.fptosi %mul3A_452 : vector<16xf32> to vector<16xi32>
        tpu.vector_store_idx %arg7[%convert_element_type3A_453, %add3A_407], %broadcast_in_dim3A_7 : memref<16x1792xf32, #tpu.memory_space<vmem>>[vector<16xi32>, vector<16xi32>], vector<16xf32>,
        %mul3A_454 = arith.constant 16 : i32
        %mul3A_455 = arith.muli %scan3A_403, %mul3A_454 : i32
        %swap3A_456 = arith.index_cast %mul3A_455 : i32 to index
        %swap3A_457 = tpu.vector_load %arg5[%swap3A_456] {strides = array<i32>} : memref<1792xi32, #tpu.memory_space<vmem>>, vector<16xi32>,
        tpu.vector_store %arg5[%swap3A_456], %convert_element_type3A_453 {strides = array<i32>} : memref<1792xi32, #tpu.memory_space<vmem>>, vector<16xi32>,
        %scan3A_458 = arith.constant 5 : i32
        %scan3A_459 = arith.addi %scan3A_187, %scan3A_458 : i32
        %mul3A_460 = arith.constant 16 : i32
        %mul3A_461 = arith.muli %scan3A_459, %mul3A_460 : i32
        %add3A_462 = vector.broadcast %mul3A_461 : i32 to vector<16xi32>
        %add3A_463 = arith.addi %add3A_462, %iota3A : vector<16xi32>
        %mul3A_464 = arith.constant 16 : i32
        %mul3A_465 = arith.muli %scan3A_459, %mul3A_464 : i32
        %get3A_466 = arith.index_cast %mul3A_465 : i32 to index
        %get3A_467 = tpu.vector_load %arg5[%get3A_466] {strides = array<i32>} : memref<1792xi32, #tpu.memory_space<vmem>>, vector<16xi32>,
        tpu.vector_store_idx %arg7[%get3A_467, %add3A_463], %broadcast_in_dim3A_5 : memref<16x1792xf32, #tpu.memory_space<vmem>>[vector<16xi32>, vector<16xi32>], vector<16xf32>,
        %jit3A_468 = arith.constant 14 : i32
        %div3A_469 = arith.divsi %scan3A_459, %jit3A_468 : i32
        %sign3A_470 = arith.constant 0 : i32
        %sign3A_471 = arith.cmpi sgt, %scan3A_459, %sign3A_470 : i32
        %sign3A_472 = arith.extui %sign3A_471 : i1 to i32
        %sign3A_473 = arith.constant 0 : i32
        %sign3A_474 = arith.cmpi slt, %scan3A_459, %sign3A_473 : i32
        %sign3A_475 = arith.extui %sign3A_474 : i1 to i32
        %sign3A_476 = arith.subi %sign3A_472, %sign3A_475 : i32
        %sign3A_477 = arith.constant 0 : i32
        %sign3A_478 = arith.cmpi sgt, %jit3A_468, %sign3A_477 : i32
        %sign3A_479 = arith.extui %sign3A_478 : i1 to i32
        %sign3A_480 = arith.constant 0 : i32
        %sign3A_481 = arith.cmpi slt, %jit3A_468, %sign3A_480 : i32
        %sign3A_482 = arith.extui %sign3A_481 : i1 to i32
        %sign3A_483 = arith.subi %sign3A_479, %sign3A_482 : i32
        %ne3A_484 = arith.cmpi ne, %sign3A_476, %sign3A_483 : i32
        %rem3A_485 = arith.remsi %scan3A_459, %jit3A_468 : i32
        %ne3A_486 = arith.constant 0 : i32
        %ne3A_487 = arith.cmpi ne, %rem3A_485, %ne3A_486 : i32
        %and3A_488 = arith.andi %ne3A_484, %ne3A_487 : i1
        %sub3A_489 = arith.constant 1 : i32
        %sub3A_490 = arith.subi %div3A_469, %sub3A_489 : i32
        %select_n3A_491 = arith.select %and3A_488, %sub3A_490, %div3A_469 : i32
        %mul3A_492 = arith.constant 14 : i32
        %mul3A_493 = arith.muli %select_n3A_491, %mul3A_492 : i32
        %sub3A_494 = arith.subi %scan3A_459, %mul3A_493 : i32
        %mul3A_495 = arith.constant 8 : i32
        %mul3A_496 = arith.muli %mul3A_131, %mul3A_495 : i32
        %add3A_497 = arith.addi %mul3A_496, %select_n3A_491 : i32
        %mul3A_498 = arith.constant 16 : i32
        %mul3A_499 = arith.muli %sub3A_494, %mul3A_498 : i32
        %get3A_500 = arith.index_cast %add3A_497 : i32 to index
        %get3A_501 = arith.index_cast %mul3A_499 : i32 to index
        %get3A_502 = tpu.vector_load %arg4[%get3A_500, %get3A_501] {strides = array<i32>} : memref<168x224xf32, #tpu.memory_space<vmem>>, vector<16xf32>,
        %sub3A_503 = arith.constant 1.000000e+00 : f32
        %sub3A_504 = vector.broadcast %sub3A_503 : f32 to vector<16xf32>
        %sub3A_505 = arith.subf %sub3A_504, %get3A_502 : vector<16xf32>
        %mul3A_506 = arith.constant 1.500000e+01 : f32
        %mul3A_507 = vector.broadcast %mul3A_506 : f32 to vector<16xf32>
        %mul3A_508 = arith.mulf %sub3A_505, %mul3A_507 : vector<16xf32>
        %convert_element_type3A_509 = arith.fptosi %mul3A_508 : vector<16xf32> to vector<16xi32>
        tpu.vector_store_idx %arg7[%convert_element_type3A_509, %add3A_463], %broadcast_in_dim3A_7 : memref<16x1792xf32, #tpu.memory_space<vmem>>[vector<16xi32>, vector<16xi32>], vector<16xf32>,
        %mul3A_510 = arith.constant 16 : i32
        %mul3A_511 = arith.muli %scan3A_459, %mul3A_510 : i32
        %swap3A_512 = arith.index_cast %mul3A_511 : i32 to index
        %swap3A_513 = tpu.vector_load %arg5[%swap3A_512] {strides = array<i32>} : memref<1792xi32, #tpu.memory_space<vmem>>, vector<16xi32>,
        tpu.vector_store %arg5[%swap3A_512], %convert_element_type3A_509 {strides = array<i32>} : memref<1792xi32, #tpu.memory_space<vmem>>, vector<16xi32>,
        %scan3A_514 = arith.constant 6 : i32
        %scan3A_515 = arith.addi %scan3A_187, %scan3A_514 : i32
        %mul3A_516 = arith.constant 16 : i32
        %mul3A_517 = arith.muli %scan3A_515, %mul3A_516 : i32
        %add3A_518 = vector.broadcast %mul3A_517 : i32 to vector<16xi32>
        %add3A_519 = arith.addi %add3A_518, %iota3A : vector<16xi32>
        %mul3A_520 = arith.constant 16 : i32
        %mul3A_521 = arith.muli %scan3A_515, %mul3A_520 : i32
        %get3A_522 = arith.index_cast %mul3A_521 : i32 to index
        %get3A_523 = tpu.vector_load %arg5[%get3A_522] {strides = array<i32>} : memref<1792xi32, #tpu.memory_space<vmem>>, vector<16xi32>,
        tpu.vector_store_idx %arg7[%get3A_523, %add3A_519], %broadcast_in_dim3A_5 : memref<16x1792xf32, #tpu.memory_space<vmem>>[vector<16xi32>, vector<16xi32>], vector<16xf32>,
        %jit3A_524 = arith.constant 14 : i32
        %div3A_525 = arith.divsi %scan3A_515, %jit3A_524 : i32
        %sign3A_526 = arith.constant 0 : i32
        %sign3A_527 = arith.cmpi sgt, %scan3A_515, %sign3A_526 : i32
        %sign3A_528 = arith.extui %sign3A_527 : i1 to i32
        %sign3A_529 = arith.constant 0 : i32
        %sign3A_530 = arith.cmpi slt, %scan3A_515, %sign3A_529 : i32
        %sign3A_531 = arith.extui %sign3A_530 : i1 to i32
        %sign3A_532 = arith.subi %sign3A_528, %sign3A_531 : i32
        %sign3A_533 = arith.constant 0 : i32
        %sign3A_534 = arith.cmpi sgt, %jit3A_524, %sign3A_533 : i32
        %sign3A_535 = arith.extui %sign3A_534 : i1 to i32
        %sign3A_536 = arith.constant 0 : i32
        %sign3A_537 = arith.cmpi slt, %jit3A_524, %sign3A_536 : i32
        %sign3A_538 = arith.extui %sign3A_537 : i1 to i32
        %sign3A_539 = arith.subi %sign3A_535, %sign3A_538 : i32
        %ne3A_540 = arith.cmpi ne, %sign3A_532, %sign3A_539 : i32
        %rem3A_541 = arith.remsi %scan3A_515, %jit3A_524 : i32
        %ne3A_542 = arith.constant 0 : i32
        %ne3A_543 = arith.cmpi ne, %rem3A_541, %ne3A_542 : i32
        %and3A_544 = arith.andi %ne3A_540, %ne3A_543 : i1
        %sub3A_545 = arith.constant 1 : i32
        %sub3A_546 = arith.subi %div3A_525, %sub3A_545 : i32
        %select_n3A_547 = arith.select %and3A_544, %sub3A_546, %div3A_525 : i32
        %mul3A_548 = arith.constant 14 : i32
        %mul3A_549 = arith.muli %select_n3A_547, %mul3A_548 : i32
        %sub3A_550 = arith.subi %scan3A_515, %mul3A_549 : i32
        %mul3A_551 = arith.constant 8 : i32
        %mul3A_552 = arith.muli %mul3A_131, %mul3A_551 : i32
        %add3A_553 = arith.addi %mul3A_552, %select_n3A_547 : i32
        %mul3A_554 = arith.constant 16 : i32
        %mul3A_555 = arith.muli %sub3A_550, %mul3A_554 : i32
        %get3A_556 = arith.index_cast %add3A_553 : i32 to index
        %get3A_557 = arith.index_cast %mul3A_555 : i32 to index
        %get3A_558 = tpu.vector_load %arg4[%get3A_556, %get3A_557] {strides = array<i32>} : memref<168x224xf32, #tpu.memory_space<vmem>>, vector<16xf32>,
        %sub3A_559 = arith.constant 1.000000e+00 : f32
        %sub3A_560 = vector.broadcast %sub3A_559 : f32 to vector<16xf32>
        %sub3A_561 = arith.subf %sub3A_560, %get3A_558 : vector<16xf32>
        %mul3A_562 = arith.constant 1.500000e+01 : f32
        %mul3A_563 = vector.broadcast %mul3A_562 : f32 to vector<16xf32>
        %mul3A_564 = arith.mulf %sub3A_561, %mul3A_563 : vector<16xf32>
        %convert_element_type3A_565 = arith.fptosi %mul3A_564 : vector<16xf32> to vector<16xi32>
        tpu.vector_store_idx %arg7[%convert_element_type3A_565, %add3A_519], %broadcast_in_dim3A_7 : memref<16x1792xf32, #tpu.memory_space<vmem>>[vector<16xi32>, vector<16xi32>], vector<16xf32>,
        %mul3A_566 = arith.constant 16 : i32
        %mul3A_567 = arith.muli %scan3A_515, %mul3A_566 : i32
        %swap3A_568 = arith.index_cast %mul3A_567 : i32 to index
        %swap3A_569 = tpu.vector_load %arg5[%swap3A_568] {strides = array<i32>} : memref<1792xi32, #tpu.memory_space<vmem>>, vector<16xi32>,
        tpu.vector_store %arg5[%swap3A_568], %convert_element_type3A_565 {strides = array<i32>} : memref<1792xi32, #tpu.memory_space<vmem>>, vector<16xi32>,
      }
      %scan3A_147 = arith.constant 112 : i32
      %mul3A_148 = arith.constant 1792 : i32
      %mul3A_149 = arith.muli %mul3A_131, %mul3A_148 : i32
      %add3A_150 = arith.addi %mul3A_4, %mul3A_149 : i32
      %multiple_of3A_151 = tpu.assume_multiple %add3A_150, 128 : i32
      %dma_start3A_152 = arith.constant 0 : i32
      %dma_start3A_153 = tpu.memref_slice %arg3[%shift_right_arithmetic3A_1, %dma_start3A_152, %multiple_of3A_151] : memref<8x16x150528xf32, #tpu.memory_space<hbm>> -> memref<1x16x1792xf32, #tpu.memory_space<hbm>>
      %dma_start3A_154 = tpu.memref_squeeze %dma_start3A_153 : memref<1x16x1792xf32, #tpu.memory_space<hbm>> -> memref<16x1792xf32, #tpu.memory_space<hbm>>
      %dma_start3A_155 = arith.constant 0 : i32
      %dma_start3A_156 = tpu.memref_slice %arg3[%shift_right_arithmetic3A_1, %dma_start3A_155, %multiple_of3A_151] : memref<8x16x150528xf32, #tpu.memory_space<hbm>> -> memref<1x16x1792xf32, #tpu.memory_space<hbm>>
      %dma_start3A_157 = tpu.memref_squeeze %dma_start3A_156 : memref<1x16x1792xf32, #tpu.memory_space<hbm>> -> memref<16x1792xf32, #tpu.memory_space<hbm>>
      tpu.enqueue_dma source(%arg7 : memref<16x1792xf32, #tpu.memory_space<vmem>>) target(%dma_start3A_157 : memref<16x1792xf32, #tpu.memory_space<hbm>>) target_semaphore(%arg11 : memref<!tpu.dma_semaphore, #tpu.memory_space<semaphore_mem>>)
      %sub3A_158 = arith.constant 1 : i32
      %sub3A_159 = arith.subi %mul3A_131, %sub3A_158 : i32
      %mul3A_160 = arith.constant 1792 : i32
      %mul3A_161 = arith.muli %sub3A_159, %mul3A_160 : i32
      %add3A_162 = arith.addi %mul3A_4, %mul3A_161 : i32
      %multiple_of3A_163 = tpu.assume_multiple %add3A_162, 128 : i32
      %dma_wait3A_164 = arith.constant 0 : i32
      %dma_wait3A_165 = tpu.memref_slice %arg3[%shift_right_arithmetic3A_1, %dma_wait3A_164, %multiple_of3A_163] : memref<8x16x150528xf32, #tpu.memory_space<hbm>> -> memref<1x16x1792xf32, #tpu.memory_space<hbm>>
      %dma_wait3A_166 = tpu.memref_squeeze %dma_wait3A_165 : memref<1x16x1792xf32, #tpu.memory_space<hbm>> -> memref<16x1792xf32, #tpu.memory_space<hbm>>
      %dma_wait3A_167 = arith.constant 0 : i32
      %dma_wait3A_168 = tpu.memref_slice %arg3[%shift_right_arithmetic3A_1, %dma_wait3A_167, %multiple_of3A_163] : memref<8x16x150528xf32, #tpu.memory_space<hbm>> -> memref<1x16x1792xf32, #tpu.memory_space<hbm>>
      %dma_wait3A_169 = tpu.memref_squeeze %dma_wait3A_168 : memref<1x16x1792xf32, #tpu.memory_space<hbm>> -> memref<16x1792xf32, #tpu.memory_space<hbm>>
      tpu.wait_dma2 semaphore(%arg12 : memref<!tpu.dma_semaphore, #tpu.memory_space<semaphore_mem>>) src(%arg8 : memref<16x1792xf32, #tpu.memory_space<vmem>>) dst(%dma_wait3A_169 : memref<16x1792xf32, #tpu.memory_space<hbm>>)
      %add3A_170 = arith.constant 1 : i32
      %add3A_171 = arith.addi %mul3A_131, %add3A_170 : i32
      %scan3A_172 = arith.constant 0 : i32
      %scan3A_173 = arith.constant 112 : i32
      %scan3A_174 = arith.addi %scan3A_172, %scan3A_173 : i32
      %scan3A_175 = arith.constant 7 : i32
      scf.for %scan3A_187 = %scan3A_172 to %scan3A_174 step %scan3A_175  : i32 {
        %mul3A_188 = arith.constant 16 : i32
        %mul3A_189 = arith.muli %scan3A_187, %mul3A_188 : i32
        %add3A_190 = vector.broadcast %mul3A_189 : i32 to vector<16xi32>
        %add3A_191 = arith.addi %add3A_190, %iota3A : vector<16xi32>
        %mul3A_192 = arith.constant 16 : i32
        %mul3A_193 = arith.muli %scan3A_187, %mul3A_192 : i32
        %get3A = arith.index_cast %mul3A_193 : i32 to index
        %get3A_194 = tpu.vector_load %arg6[%get3A] {strides = array<i32>} : memref<1792xi32, #tpu.memory_space<vmem>>, vector<16xi32>,
        tpu.vector_store_idx %arg8[%get3A_194, %add3A_191], %broadcast_in_dim3A_5 : memref<16x1792xf32, #tpu.memory_space<vmem>>[vector<16xi32>, vector<16xi32>], vector<16xf32>,
        %jit3A = arith.constant 14 : i32
        %div3A = arith.divsi %scan3A_187, %jit3A : i32
        %sign3A = arith.constant 0 : i32
        %sign3A_195 = arith.cmpi sgt, %scan3A_187, %sign3A : i32
        %sign3A_196 = arith.extui %sign3A_195 : i1 to i32
        %sign3A_197 = arith.constant 0 : i32
        %sign3A_198 = arith.cmpi slt, %scan3A_187, %sign3A_197 : i32
        %sign3A_199 = arith.extui %sign3A_198 : i1 to i32
        %sign3A_200 = arith.subi %sign3A_196, %sign3A_199 : i32
        %sign3A_201 = arith.constant 0 : i32
        %sign3A_202 = arith.cmpi sgt, %jit3A, %sign3A_201 : i32
        %sign3A_203 = arith.extui %sign3A_202 : i1 to i32
        %sign3A_204 = arith.constant 0 : i32
        %sign3A_205 = arith.cmpi slt, %jit3A, %sign3A_204 : i32
        %sign3A_206 = arith.extui %sign3A_205 : i1 to i32
        %sign3A_207 = arith.subi %sign3A_203, %sign3A_206 : i32
        %ne3A = arith.cmpi ne, %sign3A_200, %sign3A_207 : i32
        %rem3A = arith.remsi %scan3A_187, %jit3A : i32
        %ne3A_208 = arith.constant 0 : i32
        %ne3A_209 = arith.cmpi ne, %rem3A, %ne3A_208 : i32
        %and3A_210 = arith.andi %ne3A, %ne3A_209 : i1
        %sub3A_211 = arith.constant 1 : i32
        %sub3A_212 = arith.subi %div3A, %sub3A_211 : i32
        %select_n3A = arith.select %and3A_210, %sub3A_212, %div3A : i32
        %mul3A_213 = arith.constant 14 : i32
        %mul3A_214 = arith.muli %select_n3A, %mul3A_213 : i32
        %sub3A_215 = arith.subi %scan3A_187, %mul3A_214 : i32
        %mul3A_216 = arith.constant 8 : i32
        %mul3A_217 = arith.muli %add3A_171, %mul3A_216 : i32
        %add3A_218 = arith.addi %mul3A_217, %select_n3A : i32
        %mul3A_219 = arith.constant 16 : i32
        %mul3A_220 = arith.muli %sub3A_215, %mul3A_219 : i32
        %get3A_221 = arith.index_cast %add3A_218 : i32 to index
        %get3A_222 = arith.index_cast %mul3A_220 : i32 to index
        %get3A_223 = tpu.vector_load %arg4[%get3A_221, %get3A_222] {strides = array<i32>} : memref<168x224xf32, #tpu.memory_space<vmem>>, vector<16xf32>,
        %sub3A_224 = arith.constant 1.000000e+00 : f32
        %sub3A_225 = vector.broadcast %sub3A_224 : f32 to vector<16xf32>
        %sub3A_226 = arith.subf %sub3A_225, %get3A_223 : vector<16xf32>
        %mul3A_227 = arith.constant 1.500000e+01 : f32
        %mul3A_228 = vector.broadcast %mul3A_227 : f32 to vector<16xf32>
        %mul3A_229 = arith.mulf %sub3A_226, %mul3A_228 : vector<16xf32>
        %convert_element_type3A_230 = arith.fptosi %mul3A_229 : vector<16xf32> to vector<16xi32>
        tpu.vector_store_idx %arg8[%convert_element_type3A_230, %add3A_191], %broadcast_in_dim3A_7 : memref<16x1792xf32, #tpu.memory_space<vmem>>[vector<16xi32>, vector<16xi32>], vector<16xf32>,
        %mul3A_231 = arith.constant 16 : i32
        %mul3A_232 = arith.muli %scan3A_187, %mul3A_231 : i32
        %swap3A = arith.index_cast %mul3A_232 : i32 to index
        %swap3A_233 = tpu.vector_load %arg6[%swap3A] {strides = array<i32>} : memref<1792xi32, #tpu.memory_space<vmem>>, vector<16xi32>,
        tpu.vector_store %arg6[%swap3A], %convert_element_type3A_230 {strides = array<i32>} : memref<1792xi32, #tpu.memory_space<vmem>>, vector<16xi32>,
        %scan3A_234 = arith.constant 1 : i32
        %scan3A_235 = arith.addi %scan3A_187, %scan3A_234 : i32
        %mul3A_236 = arith.constant 16 : i32
        %mul3A_237 = arith.muli %scan3A_235, %mul3A_236 : i32
        %add3A_238 = vector.broadcast %mul3A_237 : i32 to vector<16xi32>
        %add3A_239 = arith.addi %add3A_238, %iota3A : vector<16xi32>
        %mul3A_240 = arith.constant 16 : i32
        %mul3A_241 = arith.muli %scan3A_235, %mul3A_240 : i32
        %get3A_242 = arith.index_cast %mul3A_241 : i32 to index
        %get3A_243 = tpu.vector_load %arg6[%get3A_242] {strides = array<i32>} : memref<1792xi32, #tpu.memory_space<vmem>>, vector<16xi32>,
        tpu.vector_store_idx %arg8[%get3A_243, %add3A_239], %broadcast_in_dim3A_5 : memref<16x1792xf32, #tpu.memory_space<vmem>>[vector<16xi32>, vector<16xi32>], vector<16xf32>,
        %jit3A_244 = arith.constant 14 : i32
        %div3A_245 = arith.divsi %scan3A_235, %jit3A_244 : i32
        %sign3A_246 = arith.constant 0 : i32
        %sign3A_247 = arith.cmpi sgt, %scan3A_235, %sign3A_246 : i32
        %sign3A_248 = arith.extui %sign3A_247 : i1 to i32
        %sign3A_249 = arith.constant 0 : i32
        %sign3A_250 = arith.cmpi slt, %scan3A_235, %sign3A_249 : i32
        %sign3A_251 = arith.extui %sign3A_250 : i1 to i32
        %sign3A_252 = arith.subi %sign3A_248, %sign3A_251 : i32
        %sign3A_253 = arith.constant 0 : i32
        %sign3A_254 = arith.cmpi sgt, %jit3A_244, %sign3A_253 : i32
        %sign3A_255 = arith.extui %sign3A_254 : i1 to i32
        %sign3A_256 = arith.constant 0 : i32
        %sign3A_257 = arith.cmpi slt, %jit3A_244, %sign3A_256 : i32
        %sign3A_258 = arith.extui %sign3A_257 : i1 to i32
        %sign3A_259 = arith.subi %sign3A_255, %sign3A_258 : i32
        %ne3A_260 = arith.cmpi ne, %sign3A_252, %sign3A_259 : i32
        %rem3A_261 = arith.remsi %scan3A_235, %jit3A_244 : i32
        %ne3A_262 = arith.constant 0 : i32
        %ne3A_263 = arith.cmpi ne, %rem3A_261, %ne3A_262 : i32
        %and3A_264 = arith.andi %ne3A_260, %ne3A_263 : i1
        %sub3A_265 = arith.constant 1 : i32
        %sub3A_266 = arith.subi %div3A_245, %sub3A_265 : i32
        %select_n3A_267 = arith.select %and3A_264, %sub3A_266, %div3A_245 : i32
        %mul3A_268 = arith.constant 14 : i32
        %mul3A_269 = arith.muli %select_n3A_267, %mul3A_268 : i32
        %sub3A_270 = arith.subi %scan3A_235, %mul3A_269 : i32
        %mul3A_271 = arith.constant 8 : i32
        %mul3A_272 = arith.muli %add3A_171, %mul3A_271 : i32
        %add3A_273 = arith.addi %mul3A_272, %select_n3A_267 : i32
        %mul3A_274 = arith.constant 16 : i32
        %mul3A_275 = arith.muli %sub3A_270, %mul3A_274 : i32
        %get3A_276 = arith.index_cast %add3A_273 : i32 to index
        %get3A_277 = arith.index_cast %mul3A_275 : i32 to index
        %get3A_278 = tpu.vector_load %arg4[%get3A_276, %get3A_277] {strides = array<i32>} : memref<168x224xf32, #tpu.memory_space<vmem>>, vector<16xf32>,
        %sub3A_279 = arith.constant 1.000000e+00 : f32
        %sub3A_280 = vector.broadcast %sub3A_279 : f32 to vector<16xf32>
        %sub3A_281 = arith.subf %sub3A_280, %get3A_278 : vector<16xf32>
        %mul3A_282 = arith.constant 1.500000e+01 : f32
        %mul3A_283 = vector.broadcast %mul3A_282 : f32 to vector<16xf32>
        %mul3A_284 = arith.mulf %sub3A_281, %mul3A_283 : vector<16xf32>
        %convert_element_type3A_285 = arith.fptosi %mul3A_284 : vector<16xf32> to vector<16xi32>
        tpu.vector_store_idx %arg8[%convert_element_type3A_285, %add3A_239], %broadcast_in_dim3A_7 : memref<16x1792xf32, #tpu.memory_space<vmem>>[vector<16xi32>, vector<16xi32>], vector<16xf32>,
        %mul3A_286 = arith.constant 16 : i32
        %mul3A_287 = arith.muli %scan3A_235, %mul3A_286 : i32
        %swap3A_288 = arith.index_cast %mul3A_287 : i32 to index
        %swap3A_289 = tpu.vector_load %arg6[%swap3A_288] {strides = array<i32>} : memref<1792xi32, #tpu.memory_space<vmem>>, vector<16xi32>,
        tpu.vector_store %arg6[%swap3A_288], %convert_element_type3A_285 {strides = array<i32>} : memref<1792xi32, #tpu.memory_space<vmem>>, vector<16xi32>,
        %scan3A_290 = arith.constant 2 : i32
        %scan3A_291 = arith.addi %scan3A_187, %scan3A_290 : i32
        %mul3A_292 = arith.constant 16 : i32
        %mul3A_293 = arith.muli %scan3A_291, %mul3A_292 : i32
        %add3A_294 = vector.broadcast %mul3A_293 : i32 to vector<16xi32>
        %add3A_295 = arith.addi %add3A_294, %iota3A : vector<16xi32>
        %mul3A_296 = arith.constant 16 : i32
        %mul3A_297 = arith.muli %scan3A_291, %mul3A_296 : i32
        %get3A_298 = arith.index_cast %mul3A_297 : i32 to index
        %get3A_299 = tpu.vector_load %arg6[%get3A_298] {strides = array<i32>} : memref<1792xi32, #tpu.memory_space<vmem>>, vector<16xi32>,
        tpu.vector_store_idx %arg8[%get3A_299, %add3A_295], %broadcast_in_dim3A_5 : memref<16x1792xf32, #tpu.memory_space<vmem>>[vector<16xi32>, vector<16xi32>], vector<16xf32>,
        %jit3A_300 = arith.constant 14 : i32
        %div3A_301 = arith.divsi %scan3A_291, %jit3A_300 : i32
        %sign3A_302 = arith.constant 0 : i32
        %sign3A_303 = arith.cmpi sgt, %scan3A_291, %sign3A_302 : i32
        %sign3A_304 = arith.extui %sign3A_303 : i1 to i32
        %sign3A_305 = arith.constant 0 : i32
        %sign3A_306 = arith.cmpi slt, %scan3A_291, %sign3A_305 : i32
        %sign3A_307 = arith.extui %sign3A_306 : i1 to i32
        %sign3A_308 = arith.subi %sign3A_304, %sign3A_307 : i32
        %sign3A_309 = arith.constant 0 : i32
        %sign3A_310 = arith.cmpi sgt, %jit3A_300, %sign3A_309 : i32
        %sign3A_311 = arith.extui %sign3A_310 : i1 to i32
        %sign3A_312 = arith.constant 0 : i32
        %sign3A_313 = arith.cmpi slt, %jit3A_300, %sign3A_312 : i32
        %sign3A_314 = arith.extui %sign3A_313 : i1 to i32
        %sign3A_315 = arith.subi %sign3A_311, %sign3A_314 : i32
        %ne3A_316 = arith.cmpi ne, %sign3A_308, %sign3A_315 : i32
        %rem3A_317 = arith.remsi %scan3A_291, %jit3A_300 : i32
        %ne3A_318 = arith.constant 0 : i32
        %ne3A_319 = arith.cmpi ne, %rem3A_317, %ne3A_318 : i32
        %and3A_320 = arith.andi %ne3A_316, %ne3A_319 : i1
        %sub3A_321 = arith.constant 1 : i32
        %sub3A_322 = arith.subi %div3A_301, %sub3A_321 : i32
        %select_n3A_323 = arith.select %and3A_320, %sub3A_322, %div3A_301 : i32
        %mul3A_324 = arith.constant 14 : i32
        %mul3A_325 = arith.muli %select_n3A_323, %mul3A_324 : i32
        %sub3A_326 = arith.subi %scan3A_291, %mul3A_325 : i32
        %mul3A_327 = arith.constant 8 : i32
        %mul3A_328 = arith.muli %add3A_171, %mul3A_327 : i32
        %add3A_329 = arith.addi %mul3A_328, %select_n3A_323 : i32
        %mul3A_330 = arith.constant 16 : i32
        %mul3A_331 = arith.muli %sub3A_326, %mul3A_330 : i32
        %get3A_332 = arith.index_cast %add3A_329 : i32 to index
        %get3A_333 = arith.index_cast %mul3A_331 : i32 to index
        %get3A_334 = tpu.vector_load %arg4[%get3A_332, %get3A_333] {strides = array<i32>} : memref<168x224xf32, #tpu.memory_space<vmem>>, vector<16xf32>,
        %sub3A_335 = arith.constant 1.000000e+00 : f32
        %sub3A_336 = vector.broadcast %sub3A_335 : f32 to vector<16xf32>
        %sub3A_337 = arith.subf %sub3A_336, %get3A_334 : vector<16xf32>
        %mul3A_338 = arith.constant 1.500000e+01 : f32
        %mul3A_339 = vector.broadcast %mul3A_338 : f32 to vector<16xf32>
        %mul3A_340 = arith.mulf %sub3A_337, %mul3A_339 : vector<16xf32>
        %convert_element_type3A_341 = arith.fptosi %mul3A_340 : vector<16xf32> to vector<16xi32>
        tpu.vector_store_idx %arg8[%convert_element_type3A_341, %add3A_295], %broadcast_in_dim3A_7 : memref<16x1792xf32, #tpu.memory_space<vmem>>[vector<16xi32>, vector<16xi32>], vector<16xf32>,
        %mul3A_342 = arith.constant 16 : i32
        %mul3A_343 = arith.muli %scan3A_291, %mul3A_342 : i32
        %swap3A_344 = arith.index_cast %mul3A_343 : i32 to index
        %swap3A_345 = tpu.vector_load %arg6[%swap3A_344] {strides = array<i32>} : memref<1792xi32, #tpu.memory_space<vmem>>, vector<16xi32>,
        tpu.vector_store %arg6[%swap3A_344], %convert_element_type3A_341 {strides = array<i32>} : memref<1792xi32, #tpu.memory_space<vmem>>, vector<16xi32>,
        %scan3A_346 = arith.constant 3 : i32
        %scan3A_347 = arith.addi %scan3A_187, %scan3A_346 : i32
        %mul3A_348 = arith.constant 16 : i32
        %mul3A_349 = arith.muli %scan3A_347, %mul3A_348 : i32
        %add3A_350 = vector.broadcast %mul3A_349 : i32 to vector<16xi32>
        %add3A_351 = arith.addi %add3A_350, %iota3A : vector<16xi32>
        %mul3A_352 = arith.constant 16 : i32
        %mul3A_353 = arith.muli %scan3A_347, %mul3A_352 : i32
        %get3A_354 = arith.index_cast %mul3A_353 : i32 to index
        %get3A_355 = tpu.vector_load %arg6[%get3A_354] {strides = array<i32>} : memref<1792xi32, #tpu.memory_space<vmem>>, vector<16xi32>,
        tpu.vector_store_idx %arg8[%get3A_355, %add3A_351], %broadcast_in_dim3A_5 : memref<16x1792xf32, #tpu.memory_space<vmem>>[vector<16xi32>, vector<16xi32>], vector<16xf32>,
        %jit3A_356 = arith.constant 14 : i32
        %div3A_357 = arith.divsi %scan3A_347, %jit3A_356 : i32
        %sign3A_358 = arith.constant 0 : i32
        %sign3A_359 = arith.cmpi sgt, %scan3A_347, %sign3A_358 : i32
        %sign3A_360 = arith.extui %sign3A_359 : i1 to i32
        %sign3A_361 = arith.constant 0 : i32
        %sign3A_362 = arith.cmpi slt, %scan3A_347, %sign3A_361 : i32
        %sign3A_363 = arith.extui %sign3A_362 : i1 to i32
        %sign3A_364 = arith.subi %sign3A_360, %sign3A_363 : i32
        %sign3A_365 = arith.constant 0 : i32
        %sign3A_366 = arith.cmpi sgt, %jit3A_356, %sign3A_365 : i32
        %sign3A_367 = arith.extui %sign3A_366 : i1 to i32
        %sign3A_368 = arith.constant 0 : i32
        %sign3A_369 = arith.cmpi slt, %jit3A_356, %sign3A_368 : i32
        %sign3A_370 = arith.extui %sign3A_369 : i1 to i32
        %sign3A_371 = arith.subi %sign3A_367, %sign3A_370 : i32
        %ne3A_372 = arith.cmpi ne, %sign3A_364, %sign3A_371 : i32
        %rem3A_373 = arith.remsi %scan3A_347, %jit3A_356 : i32
        %ne3A_374 = arith.constant 0 : i32
        %ne3A_375 = arith.cmpi ne, %rem3A_373, %ne3A_374 : i32
        %and3A_376 = arith.andi %ne3A_372, %ne3A_375 : i1
        %sub3A_377 = arith.constant 1 : i32
        %sub3A_378 = arith.subi %div3A_357, %sub3A_377 : i32
        %select_n3A_379 = arith.select %and3A_376, %sub3A_378, %div3A_357 : i32
        %mul3A_380 = arith.constant 14 : i32
        %mul3A_381 = arith.muli %select_n3A_379, %mul3A_380 : i32
        %sub3A_382 = arith.subi %scan3A_347, %mul3A_381 : i32
        %mul3A_383 = arith.constant 8 : i32
        %mul3A_384 = arith.muli %add3A_171, %mul3A_383 : i32
        %add3A_385 = arith.addi %mul3A_384, %select_n3A_379 : i32
        %mul3A_386 = arith.constant 16 : i32
        %mul3A_387 = arith.muli %sub3A_382, %mul3A_386 : i32
        %get3A_388 = arith.index_cast %add3A_385 : i32 to index
        %get3A_389 = arith.index_cast %mul3A_387 : i32 to index
        %get3A_390 = tpu.vector_load %arg4[%get3A_388, %get3A_389] {strides = array<i32>} : memref<168x224xf32, #tpu.memory_space<vmem>>, vector<16xf32>,
        %sub3A_391 = arith.constant 1.000000e+00 : f32
        %sub3A_392 = vector.broadcast %sub3A_391 : f32 to vector<16xf32>
        %sub3A_393 = arith.subf %sub3A_392, %get3A_390 : vector<16xf32>
        %mul3A_394 = arith.constant 1.500000e+01 : f32
        %mul3A_395 = vector.broadcast %mul3A_394 : f32 to vector<16xf32>
        %mul3A_396 = arith.mulf %sub3A_393, %mul3A_395 : vector<16xf32>
        %convert_element_type3A_397 = arith.fptosi %mul3A_396 : vector<16xf32> to vector<16xi32>
        tpu.vector_store_idx %arg8[%convert_element_type3A_397, %add3A_351], %broadcast_in_dim3A_7 : memref<16x1792xf32, #tpu.memory_space<vmem>>[vector<16xi32>, vector<16xi32>], vector<16xf32>,
        %mul3A_398 = arith.constant 16 : i32
        %mul3A_399 = arith.muli %scan3A_347, %mul3A_398 : i32
        %swap3A_400 = arith.index_cast %mul3A_399 : i32 to index
        %swap3A_401 = tpu.vector_load %arg6[%swap3A_400] {strides = array<i32>} : memref<1792xi32, #tpu.memory_space<vmem>>, vector<16xi32>,
        tpu.vector_store %arg6[%swap3A_400], %convert_element_type3A_397 {strides = array<i32>} : memref<1792xi32, #tpu.memory_space<vmem>>, vector<16xi32>,
        %scan3A_402 = arith.constant 4 : i32
        %scan3A_403 = arith.addi %scan3A_187, %scan3A_402 : i32
        %mul3A_404 = arith.constant 16 : i32
        %mul3A_405 = arith.muli %scan3A_403, %mul3A_404 : i32
        %add3A_406 = vector.broadcast %mul3A_405 : i32 to vector<16xi32>
        %add3A_407 = arith.addi %add3A_406, %iota3A : vector<16xi32>
        %mul3A_408 = arith.constant 16 : i32
        %mul3A_409 = arith.muli %scan3A_403, %mul3A_408 : i32
        %get3A_410 = arith.index_cast %mul3A_409 : i32 to index
        %get3A_411 = tpu.vector_load %arg6[%get3A_410] {strides = array<i32>} : memref<1792xi32, #tpu.memory_space<vmem>>, vector<16xi32>,
        tpu.vector_store_idx %arg8[%get3A_411, %add3A_407], %broadcast_in_dim3A_5 : memref<16x1792xf32, #tpu.memory_space<vmem>>[vector<16xi32>, vector<16xi32>], vector<16xf32>,
        %jit3A_412 = arith.constant 14 : i32
        %div3A_413 = arith.divsi %scan3A_403, %jit3A_412 : i32
        %sign3A_414 = arith.constant 0 : i32
        %sign3A_415 = arith.cmpi sgt, %scan3A_403, %sign3A_414 : i32
        %sign3A_416 = arith.extui %sign3A_415 : i1 to i32
        %sign3A_417 = arith.constant 0 : i32
        %sign3A_418 = arith.cmpi slt, %scan3A_403, %sign3A_417 : i32
        %sign3A_419 = arith.extui %sign3A_418 : i1 to i32
        %sign3A_420 = arith.subi %sign3A_416, %sign3A_419 : i32
        %sign3A_421 = arith.constant 0 : i32
        %sign3A_422 = arith.cmpi sgt, %jit3A_412, %sign3A_421 : i32
        %sign3A_423 = arith.extui %sign3A_422 : i1 to i32
        %sign3A_424 = arith.constant 0 : i32
        %sign3A_425 = arith.cmpi slt, %jit3A_412, %sign3A_424 : i32
        %sign3A_426 = arith.extui %sign3A_425 : i1 to i32
        %sign3A_427 = arith.subi %sign3A_423, %sign3A_426 : i32
        %ne3A_428 = arith.cmpi ne, %sign3A_420, %sign3A_427 : i32
        %rem3A_429 = arith.remsi %scan3A_403, %jit3A_412 : i32
        %ne3A_430 = arith.constant 0 : i32
        %ne3A_431 = arith.cmpi ne, %rem3A_429, %ne3A_430 : i32
        %and3A_432 = arith.andi %ne3A_428, %ne3A_431 : i1
        %sub3A_433 = arith.constant 1 : i32
        %sub3A_434 = arith.subi %div3A_413, %sub3A_433 : i32
        %select_n3A_435 = arith.select %and3A_432, %sub3A_434, %div3A_413 : i32
        %mul3A_436 = arith.constant 14 : i32
        %mul3A_437 = arith.muli %select_n3A_435, %mul3A_436 : i32
        %sub3A_438 = arith.subi %scan3A_403, %mul3A_437 : i32
        %mul3A_439 = arith.constant 8 : i32
        %mul3A_440 = arith.muli %add3A_171, %mul3A_439 : i32
        %add3A_441 = arith.addi %mul3A_440, %select_n3A_435 : i32
        %mul3A_442 = arith.constant 16 : i32
        %mul3A_443 = arith.muli %sub3A_438, %mul3A_442 : i32
        %get3A_444 = arith.index_cast %add3A_441 : i32 to index
        %get3A_445 = arith.index_cast %mul3A_443 : i32 to index
        %get3A_446 = tpu.vector_load %arg4[%get3A_444, %get3A_445] {strides = array<i32>} : memref<168x224xf32, #tpu.memory_space<vmem>>, vector<16xf32>,
        %sub3A_447 = arith.constant 1.000000e+00 : f32
        %sub3A_448 = vector.broadcast %sub3A_447 : f32 to vector<16xf32>
        %sub3A_449 = arith.subf %sub3A_448, %get3A_446 : vector<16xf32>
        %mul3A_450 = arith.constant 1.500000e+01 : f32
        %mul3A_451 = vector.broadcast %mul3A_450 : f32 to vector<16xf32>
        %mul3A_452 = arith.mulf %sub3A_449, %mul3A_451 : vector<16xf32>
        %convert_element_type3A_453 = arith.fptosi %mul3A_452 : vector<16xf32> to vector<16xi32>
        tpu.vector_store_idx %arg8[%convert_element_type3A_453, %add3A_407], %broadcast_in_dim3A_7 : memref<16x1792xf32, #tpu.memory_space<vmem>>[vector<16xi32>, vector<16xi32>], vector<16xf32>,
        %mul3A_454 = arith.constant 16 : i32
        %mul3A_455 = arith.muli %scan3A_403, %mul3A_454 : i32
        %swap3A_456 = arith.index_cast %mul3A_455 : i32 to index
        %swap3A_457 = tpu.vector_load %arg6[%swap3A_456] {strides = array<i32>} : memref<1792xi32, #tpu.memory_space<vmem>>, vector<16xi32>,
        tpu.vector_store %arg6[%swap3A_456], %convert_element_type3A_453 {strides = array<i32>} : memref<1792xi32, #tpu.memory_space<vmem>>, vector<16xi32>,
        %scan3A_458 = arith.constant 5 : i32
        %scan3A_459 = arith.addi %scan3A_187, %scan3A_458 : i32
        %mul3A_460 = arith.constant 16 : i32
        %mul3A_461 = arith.muli %scan3A_459, %mul3A_460 : i32
        %add3A_462 = vector.broadcast %mul3A_461 : i32 to vector<16xi32>
        %add3A_463 = arith.addi %add3A_462, %iota3A : vector<16xi32>
        %mul3A_464 = arith.constant 16 : i32
        %mul3A_465 = arith.muli %scan3A_459, %mul3A_464 : i32
        %get3A_466 = arith.index_cast %mul3A_465 : i32 to index
        %get3A_467 = tpu.vector_load %arg6[%get3A_466] {strides = array<i32>} : memref<1792xi32, #tpu.memory_space<vmem>>, vector<16xi32>,
        tpu.vector_store_idx %arg8[%get3A_467, %add3A_463], %broadcast_in_dim3A_5 : memref<16x1792xf32, #tpu.memory_space<vmem>>[vector<16xi32>, vector<16xi32>], vector<16xf32>,
        %jit3A_468 = arith.constant 14 : i32
        %div3A_469 = arith.divsi %scan3A_459, %jit3A_468 : i32
        %sign3A_470 = arith.constant 0 : i32
        %sign3A_471 = arith.cmpi sgt, %scan3A_459, %sign3A_470 : i32
        %sign3A_472 = arith.extui %sign3A_471 : i1 to i32
        %sign3A_473 = arith.constant 0 : i32
        %sign3A_474 = arith.cmpi slt, %scan3A_459, %sign3A_473 : i32
        %sign3A_475 = arith.extui %sign3A_474 : i1 to i32
        %sign3A_476 = arith.subi %sign3A_472, %sign3A_475 : i32
        %sign3A_477 = arith.constant 0 : i32
        %sign3A_478 = arith.cmpi sgt, %jit3A_468, %sign3A_477 : i32
        %sign3A_479 = arith.extui %sign3A_478 : i1 to i32
        %sign3A_480 = arith.constant 0 : i32
        %sign3A_481 = arith.cmpi slt, %jit3A_468, %sign3A_480 : i32
        %sign3A_482 = arith.extui %sign3A_481 : i1 to i32
        %sign3A_483 = arith.subi %sign3A_479, %sign3A_482 : i32
        %ne3A_484 = arith.cmpi ne, %sign3A_476, %sign3A_483 : i32
        %rem3A_485 = arith.remsi %scan3A_459, %jit3A_468 : i32
        %ne3A_486 = arith.constant 0 : i32
        %ne3A_487 = arith.cmpi ne, %rem3A_485, %ne3A_486 : i32
        %and3A_488 = arith.andi %ne3A_484, %ne3A_487 : i1
        %sub3A_489 = arith.constant 1 : i32
        %sub3A_490 = arith.subi %div3A_469, %sub3A_489 : i32
        %select_n3A_491 = arith.select %and3A_488, %sub3A_490, %div3A_469 : i32
        %mul3A_492 = arith.constant 14 : i32
        %mul3A_493 = arith.muli %select_n3A_491, %mul3A_492 : i32
        %sub3A_494 = arith.subi %scan3A_459, %mul3A_493 : i32
        %mul3A_495 = arith.constant 8 : i32
        %mul3A_496 = arith.muli %add3A_171, %mul3A_495 : i32
        %add3A_497 = arith.addi %mul3A_496, %select_n3A_491 : i32
        %mul3A_498 = arith.constant 16 : i32
        %mul3A_499 = arith.muli %sub3A_494, %mul3A_498 : i32
        %get3A_500 = arith.index_cast %add3A_497 : i32 to index
        %get3A_501 = arith.index_cast %mul3A_499 : i32 to index
        %get3A_502 = tpu.vector_load %arg4[%get3A_500, %get3A_501] {strides = array<i32>} : memref<168x224xf32, #tpu.memory_space<vmem>>, vector<16xf32>,
        %sub3A_503 = arith.constant 1.000000e+00 : f32
        %sub3A_504 = vector.broadcast %sub3A_503 : f32 to vector<16xf32>
        %sub3A_505 = arith.subf %sub3A_504, %get3A_502 : vector<16xf32>
        %mul3A_506 = arith.constant 1.500000e+01 : f32
        %mul3A_507 = vector.broadcast %mul3A_506 : f32 to vector<16xf32>
        %mul3A_508 = arith.mulf %sub3A_505, %mul3A_507 : vector<16xf32>
        %convert_element_type3A_509 = arith.fptosi %mul3A_508 : vector<16xf32> to vector<16xi32>
        tpu.vector_store_idx %arg8[%convert_element_type3A_509, %add3A_463], %broadcast_in_dim3A_7 : memref<16x1792xf32, #tpu.memory_space<vmem>>[vector<16xi32>, vector<16xi32>], vector<16xf32>,
        %mul3A_510 = arith.constant 16 : i32
        %mul3A_511 = arith.muli %scan3A_459, %mul3A_510 : i32
        %swap3A_512 = arith.index_cast %mul3A_511 : i32 to index
        %swap3A_513 = tpu.vector_load %arg6[%swap3A_512] {strides = array<i32>} : memref<1792xi32, #tpu.memory_space<vmem>>, vector<16xi32>,
        tpu.vector_store %arg6[%swap3A_512], %convert_element_type3A_509 {strides = array<i32>} : memref<1792xi32, #tpu.memory_space<vmem>>, vector<16xi32>,
        %scan3A_514 = arith.constant 6 : i32
        %scan3A_515 = arith.addi %scan3A_187, %scan3A_514 : i32
        %mul3A_516 = arith.constant 16 : i32
        %mul3A_517 = arith.muli %scan3A_515, %mul3A_516 : i32
        %add3A_518 = vector.broadcast %mul3A_517 : i32 to vector<16xi32>
        %add3A_519 = arith.addi %add3A_518, %iota3A : vector<16xi32>
        %mul3A_520 = arith.constant 16 : i32
        %mul3A_521 = arith.muli %scan3A_515, %mul3A_520 : i32
        %get3A_522 = arith.index_cast %mul3A_521 : i32 to index
        %get3A_523 = tpu.vector_load %arg6[%get3A_522] {strides = array<i32>} : memref<1792xi32, #tpu.memory_space<vmem>>, vector<16xi32>,
        tpu.vector_store_idx %arg8[%get3A_523, %add3A_519], %broadcast_in_dim3A_5 : memref<16x1792xf32, #tpu.memory_space<vmem>>[vector<16xi32>, vector<16xi32>], vector<16xf32>,
        %jit3A_524 = arith.constant 14 : i32
        %div3A_525 = arith.divsi %scan3A_515, %jit3A_524 : i32
        %sign3A_526 = arith.constant 0 : i32
        %sign3A_527 = arith.cmpi sgt, %scan3A_515, %sign3A_526 : i32
        %sign3A_528 = arith.extui %sign3A_527 : i1 to i32
        %sign3A_529 = arith.constant 0 : i32
        %sign3A_530 = arith.cmpi slt, %scan3A_515, %sign3A_529 : i32
        %sign3A_531 = arith.extui %sign3A_530 : i1 to i32
        %sign3A_532 = arith.subi %sign3A_528, %sign3A_531 : i32
        %sign3A_533 = arith.constant 0 : i32
        %sign3A_534 = arith.cmpi sgt, %jit3A_524, %sign3A_533 : i32
        %sign3A_535 = arith.extui %sign3A_534 : i1 to i32
        %sign3A_536 = arith.constant 0 : i32
        %sign3A_537 = arith.cmpi slt, %jit3A_524, %sign3A_536 : i32
        %sign3A_538 = arith.extui %sign3A_537 : i1 to i32
        %sign3A_539 = arith.subi %sign3A_535, %sign3A_538 : i32
        %ne3A_540 = arith.cmpi ne, %sign3A_532, %sign3A_539 : i32
        %rem3A_541 = arith.remsi %scan3A_515, %jit3A_524 : i32
        %ne3A_542 = arith.constant 0 : i32
        %ne3A_543 = arith.cmpi ne, %rem3A_541, %ne3A_542 : i32
        %and3A_544 = arith.andi %ne3A_540, %ne3A_543 : i1
        %sub3A_545 = arith.constant 1 : i32
        %sub3A_546 = arith.subi %div3A_525, %sub3A_545 : i32
        %select_n3A_547 = arith.select %and3A_544, %sub3A_546, %div3A_525 : i32
        %mul3A_548 = arith.constant 14 : i32
        %mul3A_549 = arith.muli %select_n3A_547, %mul3A_548 : i32
        %sub3A_550 = arith.subi %scan3A_515, %mul3A_549 : i32
        %mul3A_551 = arith.constant 8 : i32
        %mul3A_552 = arith.muli %add3A_171, %mul3A_551 : i32
        %add3A_553 = arith.addi %mul3A_552, %select_n3A_547 : i32
        %mul3A_554 = arith.constant 16 : i32
        %mul3A_555 = arith.muli %sub3A_550, %mul3A_554 : i32
        %get3A_556 = arith.index_cast %add3A_553 : i32 to index
        %get3A_557 = arith.index_cast %mul3A_555 : i32 to index
        %get3A_558 = tpu.vector_load %arg4[%get3A_556, %get3A_557] {strides = array<i32>} : memref<168x224xf32, #tpu.memory_space<vmem>>, vector<16xf32>,
        %sub3A_559 = arith.constant 1.000000e+00 : f32
        %sub3A_560 = vector.broadcast %sub3A_559 : f32 to vector<16xf32>
        %sub3A_561 = arith.subf %sub3A_560, %get3A_558 : vector<16xf32>
        %mul3A_562 = arith.constant 1.500000e+01 : f32
        %mul3A_563 = vector.broadcast %mul3A_562 : f32 to vector<16xf32>
        %mul3A_564 = arith.mulf %sub3A_561, %mul3A_563 : vector<16xf32>
        %convert_element_type3A_565 = arith.fptosi %mul3A_564 : vector<16xf32> to vector<16xi32>
        tpu.vector_store_idx %arg8[%convert_element_type3A_565, %add3A_519], %broadcast_in_dim3A_7 : memref<16x1792xf32, #tpu.memory_space<vmem>>[vector<16xi32>, vector<16xi32>], vector<16xf32>,
        %mul3A_566 = arith.constant 16 : i32
        %mul3A_567 = arith.muli %scan3A_515, %mul3A_566 : i32
        %swap3A_568 = arith.index_cast %mul3A_567 : i32 to index
        %swap3A_569 = tpu.vector_load %arg6[%swap3A_568] {strides = array<i32>} : memref<1792xi32, #tpu.memory_space<vmem>>, vector<16xi32>,
        tpu.vector_store %arg6[%swap3A_568], %convert_element_type3A_565 {strides = array<i32>} : memref<1792xi32, #tpu.memory_space<vmem>>, vector<16xi32>,
      }
      %scan3A_176 = arith.constant 112 : i32
      %mul3A_177 = arith.constant 1792 : i32
      %mul3A_178 = arith.muli %add3A_171, %mul3A_177 : i32
      %add3A_179 = arith.addi %mul3A_4, %mul3A_178 : i32
      %multiple_of3A_180 = tpu.assume_multiple %add3A_179, 128 : i32
      %dma_start3A_181 = arith.constant 0 : i32
      %dma_start3A_182 = tpu.memref_slice %arg3[%shift_right_arithmetic3A_1, %dma_start3A_181, %multiple_of3A_180] : memref<8x16x150528xf32, #tpu.memory_space<hbm>> -> memref<1x16x1792xf32, #tpu.memory_space<hbm>>
      %dma_start3A_183 = tpu.memref_squeeze %dma_start3A_182 : memref<1x16x1792xf32, #tpu.memory_space<hbm>> -> memref<16x1792xf32, #tpu.memory_space<hbm>>
      %dma_start3A_184 = arith.constant 0 : i32
      %dma_start3A_185 = tpu.memref_slice %arg3[%shift_right_arithmetic3A_1, %dma_start3A_184, %multiple_of3A_180] : memref<8x16x150528xf32, #tpu.memory_space<hbm>> -> memref<1x16x1792xf32, #tpu.memory_space<hbm>>
      %dma_start3A_186 = tpu.memref_squeeze %dma_start3A_185 : memref<1x16x1792xf32, #tpu.memory_space<hbm>> -> memref<16x1792xf32, #tpu.memory_space<hbm>>
      tpu.enqueue_dma source(%arg8 : memref<16x1792xf32, #tpu.memory_space<vmem>>) target(%dma_start3A_186 : memref<16x1792xf32, #tpu.memory_space<hbm>>) target_semaphore(%arg12 : memref<!tpu.dma_semaphore, #tpu.memory_space<semaphore_mem>>)
    }
    %scan3A_84 = arith.constant 9 : i32
    %add3A_85 = arith.constant 32256 : i32
    %add3A_86 = arith.addi %mul3A_4, %add3A_85 : i32
    %multiple_of3A_87 = tpu.assume_multiple %add3A_86, 128 : i32
    %dma_wait3A = arith.constant 0 : i32
    %dma_wait3A_88 = tpu.memref_slice %arg3[%shift_right_arithmetic3A_1, %dma_wait3A, %multiple_of3A_87] : memref<8x16x150528xf32, #tpu.memory_space<hbm>> -> memref<1x16x1792xf32, #tpu.memory_space<hbm>>
    %dma_wait3A_89 = tpu.memref_squeeze %dma_wait3A_88 : memref<1x16x1792xf32, #tpu.memory_space<hbm>> -> memref<16x1792xf32, #tpu.memory_space<hbm>>
    %dma_wait3A_90 = arith.constant 0 : i32
    %dma_wait3A_91 = tpu.memref_slice %arg3[%shift_right_arithmetic3A_1, %dma_wait3A_90, %multiple_of3A_87] : memref<8x16x150528xf32, #tpu.memory_space<hbm>> -> memref<1x16x1792xf32, #tpu.memory_space<hbm>>
    %dma_wait3A_92 = tpu.memref_squeeze %dma_wait3A_91 : memref<1x16x1792xf32, #tpu.memory_space<hbm>> -> memref<16x1792xf32, #tpu.memory_space<hbm>>
    tpu.wait_dma2 semaphore(%arg11 : memref<!tpu.dma_semaphore, #tpu.memory_space<semaphore_mem>>) src(%arg7 : memref<16x1792xf32, #tpu.memory_space<vmem>>) dst(%dma_wait3A_92 : memref<16x1792xf32, #tpu.memory_space<hbm>>)
    %scan3A_93 = arith.constant 0 : i32
    %scan3A_94 = arith.constant 112 : i32
    %scan3A_95 = arith.addi %scan3A_93, %scan3A_94 : i32
    %scan3A_96 = arith.constant 7 : i32
    scf.for %scan3A_125 = %scan3A_93 to %scan3A_95 step %scan3A_96  : i32 {
      %mul3A_126 = arith.constant 16 : i32
      %mul3A_127 = arith.muli %scan3A_125, %mul3A_126 : i32
      %add3A_128 = vector.broadcast %mul3A_127 : i32 to vector<16xi32>
      %add3A_129 = arith.addi %add3A_128, %iota3A : vector<16xi32>
      %mul3A_130 = arith.constant 16 : i32
      %mul3A_131 = arith.muli %scan3A_125, %mul3A_130 : i32
      %get3A = arith.index_cast %mul3A_131 : i32 to index
      %get3A_132 = tpu.vector_load %arg5[%get3A] {strides = array<i32>} : memref<1792xi32, #tpu.memory_space<vmem>>, vector<16xi32>,
      tpu.vector_store_idx %arg7[%get3A_132, %add3A_129], %broadcast_in_dim3A_5 : memref<16x1792xf32, #tpu.memory_space<vmem>>[vector<16xi32>, vector<16xi32>], vector<16xf32>,
      %jit3A = arith.constant 14 : i32
      %div3A = arith.divsi %scan3A_125, %jit3A : i32
      %sign3A = arith.constant 0 : i32
      %sign3A_133 = arith.cmpi sgt, %scan3A_125, %sign3A : i32
      %sign3A_134 = arith.extui %sign3A_133 : i1 to i32
      %sign3A_135 = arith.constant 0 : i32
      %sign3A_136 = arith.cmpi slt, %scan3A_125, %sign3A_135 : i32
      %sign3A_137 = arith.extui %sign3A_136 : i1 to i32
      %sign3A_138 = arith.subi %sign3A_134, %sign3A_137 : i32
      %sign3A_139 = arith.constant 0 : i32
      %sign3A_140 = arith.cmpi sgt, %jit3A, %sign3A_139 : i32
      %sign3A_141 = arith.extui %sign3A_140 : i1 to i32
      %sign3A_142 = arith.constant 0 : i32
      %sign3A_143 = arith.cmpi slt, %jit3A, %sign3A_142 : i32
      %sign3A_144 = arith.extui %sign3A_143 : i1 to i32
      %sign3A_145 = arith.subi %sign3A_141, %sign3A_144 : i32
      %ne3A = arith.cmpi ne, %sign3A_138, %sign3A_145 : i32
      %rem3A = arith.remsi %scan3A_125, %jit3A : i32
      %ne3A_146 = arith.constant 0 : i32
      %ne3A_147 = arith.cmpi ne, %rem3A, %ne3A_146 : i32
      %and3A_148 = arith.andi %ne3A, %ne3A_147 : i1
      %sub3A = arith.constant 1 : i32
      %sub3A_149 = arith.subi %div3A, %sub3A : i32
      %select_n3A = arith.select %and3A_148, %sub3A_149, %div3A : i32
      %mul3A_150 = arith.constant 14 : i32
      %mul3A_151 = arith.muli %select_n3A, %mul3A_150 : i32
      %sub3A_152 = arith.subi %scan3A_125, %mul3A_151 : i32
      %add3A_153 = arith.constant 160 : i32
      %add3A_154 = arith.addi %add3A_153, %select_n3A : i32
      %mul3A_155 = arith.constant 16 : i32
      %mul3A_156 = arith.muli %sub3A_152, %mul3A_155 : i32
      %get3A_157 = arith.index_cast %add3A_154 : i32 to index
      %get3A_158 = arith.index_cast %mul3A_156 : i32 to index
      %get3A_159 = tpu.vector_load %arg4[%get3A_157, %get3A_158] {strides = array<i32>} : memref<168x224xf32, #tpu.memory_space<vmem>>, vector<16xf32>,
      %sub3A_160 = arith.constant 1.000000e+00 : f32
      %sub3A_161 = vector.broadcast %sub3A_160 : f32 to vector<16xf32>
      %sub3A_162 = arith.subf %sub3A_161, %get3A_159 : vector<16xf32>
      %mul3A_163 = arith.constant 1.500000e+01 : f32
      %mul3A_164 = vector.broadcast %mul3A_163 : f32 to vector<16xf32>
      %mul3A_165 = arith.mulf %sub3A_162, %mul3A_164 : vector<16xf32>
      %convert_element_type3A_166 = arith.fptosi %mul3A_165 : vector<16xf32> to vector<16xi32>
      tpu.vector_store_idx %arg7[%convert_element_type3A_166, %add3A_129], %broadcast_in_dim3A_7 : memref<16x1792xf32, #tpu.memory_space<vmem>>[vector<16xi32>, vector<16xi32>], vector<16xf32>,
      %mul3A_167 = arith.constant 16 : i32
      %mul3A_168 = arith.muli %scan3A_125, %mul3A_167 : i32
      %swap3A = arith.index_cast %mul3A_168 : i32 to index
      %swap3A_169 = tpu.vector_load %arg5[%swap3A] {strides = array<i32>} : memref<1792xi32, #tpu.memory_space<vmem>>, vector<16xi32>,
      tpu.vector_store %arg5[%swap3A], %convert_element_type3A_166 {strides = array<i32>} : memref<1792xi32, #tpu.memory_space<vmem>>, vector<16xi32>,
      %scan3A_170 = arith.constant 1 : i32
      %scan3A_171 = arith.addi %scan3A_125, %scan3A_170 : i32
      %mul3A_172 = arith.constant 16 : i32
      %mul3A_173 = arith.muli %scan3A_171, %mul3A_172 : i32
      %add3A_174 = vector.broadcast %mul3A_173 : i32 to vector<16xi32>
      %add3A_175 = arith.addi %add3A_174, %iota3A : vector<16xi32>
      %mul3A_176 = arith.constant 16 : i32
      %mul3A_177 = arith.muli %scan3A_171, %mul3A_176 : i32
      %get3A_178 = arith.index_cast %mul3A_177 : i32 to index
      %get3A_179 = tpu.vector_load %arg5[%get3A_178] {strides = array<i32>} : memref<1792xi32, #tpu.memory_space<vmem>>, vector<16xi32>,
      tpu.vector_store_idx %arg7[%get3A_179, %add3A_175], %broadcast_in_dim3A_5 : memref<16x1792xf32, #tpu.memory_space<vmem>>[vector<16xi32>, vector<16xi32>], vector<16xf32>,
      %jit3A_180 = arith.constant 14 : i32
      %div3A_181 = arith.divsi %scan3A_171, %jit3A_180 : i32
      %sign3A_182 = arith.constant 0 : i32
      %sign3A_183 = arith.cmpi sgt, %scan3A_171, %sign3A_182 : i32
      %sign3A_184 = arith.extui %sign3A_183 : i1 to i32
      %sign3A_185 = arith.constant 0 : i32
      %sign3A_186 = arith.cmpi slt, %scan3A_171, %sign3A_185 : i32
      %sign3A_187 = arith.extui %sign3A_186 : i1 to i32
      %sign3A_188 = arith.subi %sign3A_184, %sign3A_187 : i32
      %sign3A_189 = arith.constant 0 : i32
      %sign3A_190 = arith.cmpi sgt, %jit3A_180, %sign3A_189 : i32
      %sign3A_191 = arith.extui %sign3A_190 : i1 to i32
      %sign3A_192 = arith.constant 0 : i32
      %sign3A_193 = arith.cmpi slt, %jit3A_180, %sign3A_192 : i32
      %sign3A_194 = arith.extui %sign3A_193 : i1 to i32
      %sign3A_195 = arith.subi %sign3A_191, %sign3A_194 : i32
      %ne3A_196 = arith.cmpi ne, %sign3A_188, %sign3A_195 : i32
      %rem3A_197 = arith.remsi %scan3A_171, %jit3A_180 : i32
      %ne3A_198 = arith.constant 0 : i32
      %ne3A_199 = arith.cmpi ne, %rem3A_197, %ne3A_198 : i32
      %and3A_200 = arith.andi %ne3A_196, %ne3A_199 : i1
      %sub3A_201 = arith.constant 1 : i32
      %sub3A_202 = arith.subi %div3A_181, %sub3A_201 : i32
      %select_n3A_203 = arith.select %and3A_200, %sub3A_202, %div3A_181 : i32
      %mul3A_204 = arith.constant 14 : i32
      %mul3A_205 = arith.muli %select_n3A_203, %mul3A_204 : i32
      %sub3A_206 = arith.subi %scan3A_171, %mul3A_205 : i32
      %add3A_207 = arith.constant 160 : i32
      %add3A_208 = arith.addi %add3A_207, %select_n3A_203 : i32
      %mul3A_209 = arith.constant 16 : i32
      %mul3A_210 = arith.muli %sub3A_206, %mul3A_209 : i32
      %get3A_211 = arith.index_cast %add3A_208 : i32 to index
      %get3A_212 = arith.index_cast %mul3A_210 : i32 to index
      %get3A_213 = tpu.vector_load %arg4[%get3A_211, %get3A_212] {strides = array<i32>} : memref<168x224xf32, #tpu.memory_space<vmem>>, vector<16xf32>,
      %sub3A_214 = arith.constant 1.000000e+00 : f32
      %sub3A_215 = vector.broadcast %sub3A_214 : f32 to vector<16xf32>
      %sub3A_216 = arith.subf %sub3A_215, %get3A_213 : vector<16xf32>
      %mul3A_217 = arith.constant 1.500000e+01 : f32
      %mul3A_218 = vector.broadcast %mul3A_217 : f32 to vector<16xf32>
      %mul3A_219 = arith.mulf %sub3A_216, %mul3A_218 : vector<16xf32>
      %convert_element_type3A_220 = arith.fptosi %mul3A_219 : vector<16xf32> to vector<16xi32>
      tpu.vector_store_idx %arg7[%convert_element_type3A_220, %add3A_175], %broadcast_in_dim3A_7 : memref<16x1792xf32, #tpu.memory_space<vmem>>[vector<16xi32>, vector<16xi32>], vector<16xf32>,
      %mul3A_221 = arith.constant 16 : i32
      %mul3A_222 = arith.muli %scan3A_171, %mul3A_221 : i32
      %swap3A_223 = arith.index_cast %mul3A_222 : i32 to index
      %swap3A_224 = tpu.vector_load %arg5[%swap3A_223] {strides = array<i32>} : memref<1792xi32, #tpu.memory_space<vmem>>, vector<16xi32>,
      tpu.vector_store %arg5[%swap3A_223], %convert_element_type3A_220 {strides = array<i32>} : memref<1792xi32, #tpu.memory_space<vmem>>, vector<16xi32>,
      %scan3A_225 = arith.constant 2 : i32
      %scan3A_226 = arith.addi %scan3A_125, %scan3A_225 : i32
      %mul3A_227 = arith.constant 16 : i32
      %mul3A_228 = arith.muli %scan3A_226, %mul3A_227 : i32
      %add3A_229 = vector.broadcast %mul3A_228 : i32 to vector<16xi32>
      %add3A_230 = arith.addi %add3A_229, %iota3A : vector<16xi32>
      %mul3A_231 = arith.constant 16 : i32
      %mul3A_232 = arith.muli %scan3A_226, %mul3A_231 : i32
      %get3A_233 = arith.index_cast %mul3A_232 : i32 to index
      %get3A_234 = tpu.vector_load %arg5[%get3A_233] {strides = array<i32>} : memref<1792xi32, #tpu.memory_space<vmem>>, vector<16xi32>,
      tpu.vector_store_idx %arg7[%get3A_234, %add3A_230], %broadcast_in_dim3A_5 : memref<16x1792xf32, #tpu.memory_space<vmem>>[vector<16xi32>, vector<16xi32>], vector<16xf32>,
      %jit3A_235 = arith.constant 14 : i32
      %div3A_236 = arith.divsi %scan3A_226, %jit3A_235 : i32
      %sign3A_237 = arith.constant 0 : i32
      %sign3A_238 = arith.cmpi sgt, %scan3A_226, %sign3A_237 : i32
      %sign3A_239 = arith.extui %sign3A_238 : i1 to i32
      %sign3A_240 = arith.constant 0 : i32
      %sign3A_241 = arith.cmpi slt, %scan3A_226, %sign3A_240 : i32
      %sign3A_242 = arith.extui %sign3A_241 : i1 to i32
      %sign3A_243 = arith.subi %sign3A_239, %sign3A_242 : i32
      %sign3A_244 = arith.constant 0 : i32
      %sign3A_245 = arith.cmpi sgt, %jit3A_235, %sign3A_244 : i32
      %sign3A_246 = arith.extui %sign3A_245 : i1 to i32
      %sign3A_247 = arith.constant 0 : i32
      %sign3A_248 = arith.cmpi slt, %jit3A_235, %sign3A_247 : i32
      %sign3A_249 = arith.extui %sign3A_248 : i1 to i32
      %sign3A_250 = arith.subi %sign3A_246, %sign3A_249 : i32
      %ne3A_251 = arith.cmpi ne, %sign3A_243, %sign3A_250 : i32
      %rem3A_252 = arith.remsi %scan3A_226, %jit3A_235 : i32
      %ne3A_253 = arith.constant 0 : i32
      %ne3A_254 = arith.cmpi ne, %rem3A_252, %ne3A_253 : i32
      %and3A_255 = arith.andi %ne3A_251, %ne3A_254 : i1
      %sub3A_256 = arith.constant 1 : i32
      %sub3A_257 = arith.subi %div3A_236, %sub3A_256 : i32
      %select_n3A_258 = arith.select %and3A_255, %sub3A_257, %div3A_236 : i32
      %mul3A_259 = arith.constant 14 : i32
      %mul3A_260 = arith.muli %select_n3A_258, %mul3A_259 : i32
      %sub3A_261 = arith.subi %scan3A_226, %mul3A_260 : i32
      %add3A_262 = arith.constant 160 : i32
      %add3A_263 = arith.addi %add3A_262, %select_n3A_258 : i32
      %mul3A_264 = arith.constant 16 : i32
      %mul3A_265 = arith.muli %sub3A_261, %mul3A_264 : i32
      %get3A_266 = arith.index_cast %add3A_263 : i32 to index
      %get3A_267 = arith.index_cast %mul3A_265 : i32 to index
      %get3A_268 = tpu.vector_load %arg4[%get3A_266, %get3A_267] {strides = array<i32>} : memref<168x224xf32, #tpu.memory_space<vmem>>, vector<16xf32>,
      %sub3A_269 = arith.constant 1.000000e+00 : f32
      %sub3A_270 = vector.broadcast %sub3A_269 : f32 to vector<16xf32>
      %sub3A_271 = arith.subf %sub3A_270, %get3A_268 : vector<16xf32>
      %mul3A_272 = arith.constant 1.500000e+01 : f32
      %mul3A_273 = vector.broadcast %mul3A_272 : f32 to vector<16xf32>
      %mul3A_274 = arith.mulf %sub3A_271, %mul3A_273 : vector<16xf32>
      %convert_element_type3A_275 = arith.fptosi %mul3A_274 : vector<16xf32> to vector<16xi32>
      tpu.vector_store_idx %arg7[%convert_element_type3A_275, %add3A_230], %broadcast_in_dim3A_7 : memref<16x1792xf32, #tpu.memory_space<vmem>>[vector<16xi32>, vector<16xi32>], vector<16xf32>,
      %mul3A_276 = arith.constant 16 : i32
      %mul3A_277 = arith.muli %scan3A_226, %mul3A_276 : i32
      %swap3A_278 = arith.index_cast %mul3A_277 : i32 to index
      %swap3A_279 = tpu.vector_load %arg5[%swap3A_278] {strides = array<i32>} : memref<1792xi32, #tpu.memory_space<vmem>>, vector<16xi32>,
      tpu.vector_store %arg5[%swap3A_278], %convert_element_type3A_275 {strides = array<i32>} : memref<1792xi32, #tpu.memory_space<vmem>>, vector<16xi32>,
      %scan3A_280 = arith.constant 3 : i32
      %scan3A_281 = arith.addi %scan3A_125, %scan3A_280 : i32
      %mul3A_282 = arith.constant 16 : i32
      %mul3A_283 = arith.muli %scan3A_281, %mul3A_282 : i32
      %add3A_284 = vector.broadcast %mul3A_283 : i32 to vector<16xi32>
      %add3A_285 = arith.addi %add3A_284, %iota3A : vector<16xi32>
      %mul3A_286 = arith.constant 16 : i32
      %mul3A_287 = arith.muli %scan3A_281, %mul3A_286 : i32
      %get3A_288 = arith.index_cast %mul3A_287 : i32 to index
      %get3A_289 = tpu.vector_load %arg5[%get3A_288] {strides = array<i32>} : memref<1792xi32, #tpu.memory_space<vmem>>, vector<16xi32>,
      tpu.vector_store_idx %arg7[%get3A_289, %add3A_285], %broadcast_in_dim3A_5 : memref<16x1792xf32, #tpu.memory_space<vmem>>[vector<16xi32>, vector<16xi32>], vector<16xf32>,
      %jit3A_290 = arith.constant 14 : i32
      %div3A_291 = arith.divsi %scan3A_281, %jit3A_290 : i32
      %sign3A_292 = arith.constant 0 : i32
      %sign3A_293 = arith.cmpi sgt, %scan3A_281, %sign3A_292 : i32
      %sign3A_294 = arith.extui %sign3A_293 : i1 to i32
      %sign3A_295 = arith.constant 0 : i32
      %sign3A_296 = arith.cmpi slt, %scan3A_281, %sign3A_295 : i32
      %sign3A_297 = arith.extui %sign3A_296 : i1 to i32
      %sign3A_298 = arith.subi %sign3A_294, %sign3A_297 : i32
      %sign3A_299 = arith.constant 0 : i32
      %sign3A_300 = arith.cmpi sgt, %jit3A_290, %sign3A_299 : i32
      %sign3A_301 = arith.extui %sign3A_300 : i1 to i32
      %sign3A_302 = arith.constant 0 : i32
      %sign3A_303 = arith.cmpi slt, %jit3A_290, %sign3A_302 : i32
      %sign3A_304 = arith.extui %sign3A_303 : i1 to i32
      %sign3A_305 = arith.subi %sign3A_301, %sign3A_304 : i32
      %ne3A_306 = arith.cmpi ne, %sign3A_298, %sign3A_305 : i32
      %rem3A_307 = arith.remsi %scan3A_281, %jit3A_290 : i32
      %ne3A_308 = arith.constant 0 : i32
      %ne3A_309 = arith.cmpi ne, %rem3A_307, %ne3A_308 : i32
      %and3A_310 = arith.andi %ne3A_306, %ne3A_309 : i1
      %sub3A_311 = arith.constant 1 : i32
      %sub3A_312 = arith.subi %div3A_291, %sub3A_311 : i32
      %select_n3A_313 = arith.select %and3A_310, %sub3A_312, %div3A_291 : i32
      %mul3A_314 = arith.constant 14 : i32
      %mul3A_315 = arith.muli %select_n3A_313, %mul3A_314 : i32
      %sub3A_316 = arith.subi %scan3A_281, %mul3A_315 : i32
      %add3A_317 = arith.constant 160 : i32
      %add3A_318 = arith.addi %add3A_317, %select_n3A_313 : i32
      %mul3A_319 = arith.constant 16 : i32
      %mul3A_320 = arith.muli %sub3A_316, %mul3A_319 : i32
      %get3A_321 = arith.index_cast %add3A_318 : i32 to index
      %get3A_322 = arith.index_cast %mul3A_320 : i32 to index
      %get3A_323 = tpu.vector_load %arg4[%get3A_321, %get3A_322] {strides = array<i32>} : memref<168x224xf32, #tpu.memory_space<vmem>>, vector<16xf32>,
      %sub3A_324 = arith.constant 1.000000e+00 : f32
      %sub3A_325 = vector.broadcast %sub3A_324 : f32 to vector<16xf32>
      %sub3A_326 = arith.subf %sub3A_325, %get3A_323 : vector<16xf32>
      %mul3A_327 = arith.constant 1.500000e+01 : f32
      %mul3A_328 = vector.broadcast %mul3A_327 : f32 to vector<16xf32>
      %mul3A_329 = arith.mulf %sub3A_326, %mul3A_328 : vector<16xf32>
      %convert_element_type3A_330 = arith.fptosi %mul3A_329 : vector<16xf32> to vector<16xi32>
      tpu.vector_store_idx %arg7[%convert_element_type3A_330, %add3A_285], %broadcast_in_dim3A_7 : memref<16x1792xf32, #tpu.memory_space<vmem>>[vector<16xi32>, vector<16xi32>], vector<16xf32>,
      %mul3A_331 = arith.constant 16 : i32
      %mul3A_332 = arith.muli %scan3A_281, %mul3A_331 : i32
      %swap3A_333 = arith.index_cast %mul3A_332 : i32 to index
      %swap3A_334 = tpu.vector_load %arg5[%swap3A_333] {strides = array<i32>} : memref<1792xi32, #tpu.memory_space<vmem>>, vector<16xi32>,
      tpu.vector_store %arg5[%swap3A_333], %convert_element_type3A_330 {strides = array<i32>} : memref<1792xi32, #tpu.memory_space<vmem>>, vector<16xi32>,
      %scan3A_335 = arith.constant 4 : i32
      %scan3A_336 = arith.addi %scan3A_125, %scan3A_335 : i32
      %mul3A_337 = arith.constant 16 : i32
      %mul3A_338 = arith.muli %scan3A_336, %mul3A_337 : i32
      %add3A_339 = vector.broadcast %mul3A_338 : i32 to vector<16xi32>
      %add3A_340 = arith.addi %add3A_339, %iota3A : vector<16xi32>
      %mul3A_341 = arith.constant 16 : i32
      %mul3A_342 = arith.muli %scan3A_336, %mul3A_341 : i32
      %get3A_343 = arith.index_cast %mul3A_342 : i32 to index
      %get3A_344 = tpu.vector_load %arg5[%get3A_343] {strides = array<i32>} : memref<1792xi32, #tpu.memory_space<vmem>>, vector<16xi32>,
      tpu.vector_store_idx %arg7[%get3A_344, %add3A_340], %broadcast_in_dim3A_5 : memref<16x1792xf32, #tpu.memory_space<vmem>>[vector<16xi32>, vector<16xi32>], vector<16xf32>,
      %jit3A_345 = arith.constant 14 : i32
      %div3A_346 = arith.divsi %scan3A_336, %jit3A_345 : i32
      %sign3A_347 = arith.constant 0 : i32
      %sign3A_348 = arith.cmpi sgt, %scan3A_336, %sign3A_347 : i32
      %sign3A_349 = arith.extui %sign3A_348 : i1 to i32
      %sign3A_350 = arith.constant 0 : i32
      %sign3A_351 = arith.cmpi slt, %scan3A_336, %sign3A_350 : i32
      %sign3A_352 = arith.extui %sign3A_351 : i1 to i32
      %sign3A_353 = arith.subi %sign3A_349, %sign3A_352 : i32
      %sign3A_354 = arith.constant 0 : i32
      %sign3A_355 = arith.cmpi sgt, %jit3A_345, %sign3A_354 : i32
      %sign3A_356 = arith.extui %sign3A_355 : i1 to i32
      %sign3A_357 = arith.constant 0 : i32
      %sign3A_358 = arith.cmpi slt, %jit3A_345, %sign3A_357 : i32
      %sign3A_359 = arith.extui %sign3A_358 : i1 to i32
      %sign3A_360 = arith.subi %sign3A_356, %sign3A_359 : i32
      %ne3A_361 = arith.cmpi ne, %sign3A_353, %sign3A_360 : i32
      %rem3A_362 = arith.remsi %scan3A_336, %jit3A_345 : i32
      %ne3A_363 = arith.constant 0 : i32
      %ne3A_364 = arith.cmpi ne, %rem3A_362, %ne3A_363 : i32
      %and3A_365 = arith.andi %ne3A_361, %ne3A_364 : i1
      %sub3A_366 = arith.constant 1 : i32
      %sub3A_367 = arith.subi %div3A_346, %sub3A_366 : i32
      %select_n3A_368 = arith.select %and3A_365, %sub3A_367, %div3A_346 : i32
      %mul3A_369 = arith.constant 14 : i32
      %mul3A_370 = arith.muli %select_n3A_368, %mul3A_369 : i32
      %sub3A_371 = arith.subi %scan3A_336, %mul3A_370 : i32
      %add3A_372 = arith.constant 160 : i32
      %add3A_373 = arith.addi %add3A_372, %select_n3A_368 : i32
      %mul3A_374 = arith.constant 16 : i32
      %mul3A_375 = arith.muli %sub3A_371, %mul3A_374 : i32
      %get3A_376 = arith.index_cast %add3A_373 : i32 to index
      %get3A_377 = arith.index_cast %mul3A_375 : i32 to index
      %get3A_378 = tpu.vector_load %arg4[%get3A_376, %get3A_377] {strides = array<i32>} : memref<168x224xf32, #tpu.memory_space<vmem>>, vector<16xf32>,
      %sub3A_379 = arith.constant 1.000000e+00 : f32
      %sub3A_380 = vector.broadcast %sub3A_379 : f32 to vector<16xf32>
      %sub3A_381 = arith.subf %sub3A_380, %get3A_378 : vector<16xf32>
      %mul3A_382 = arith.constant 1.500000e+01 : f32
      %mul3A_383 = vector.broadcast %mul3A_382 : f32 to vector<16xf32>
      %mul3A_384 = arith.mulf %sub3A_381, %mul3A_383 : vector<16xf32>
      %convert_element_type3A_385 = arith.fptosi %mul3A_384 : vector<16xf32> to vector<16xi32>
      tpu.vector_store_idx %arg7[%convert_element_type3A_385, %add3A_340], %broadcast_in_dim3A_7 : memref<16x1792xf32, #tpu.memory_space<vmem>>[vector<16xi32>, vector<16xi32>], vector<16xf32>,
      %mul3A_386 = arith.constant 16 : i32
      %mul3A_387 = arith.muli %scan3A_336, %mul3A_386 : i32
      %swap3A_388 = arith.index_cast %mul3A_387 : i32 to index
      %swap3A_389 = tpu.vector_load %arg5[%swap3A_388] {strides = array<i32>} : memref<1792xi32, #tpu.memory_space<vmem>>, vector<16xi32>,
      tpu.vector_store %arg5[%swap3A_388], %convert_element_type3A_385 {strides = array<i32>} : memref<1792xi32, #tpu.memory_space<vmem>>, vector<16xi32>,
      %scan3A_390 = arith.constant 5 : i32
      %scan3A_391 = arith.addi %scan3A_125, %scan3A_390 : i32
      %mul3A_392 = arith.constant 16 : i32
      %mul3A_393 = arith.muli %scan3A_391, %mul3A_392 : i32
      %add3A_394 = vector.broadcast %mul3A_393 : i32 to vector<16xi32>
      %add3A_395 = arith.addi %add3A_394, %iota3A : vector<16xi32>
      %mul3A_396 = arith.constant 16 : i32
      %mul3A_397 = arith.muli %scan3A_391, %mul3A_396 : i32
      %get3A_398 = arith.index_cast %mul3A_397 : i32 to index
      %get3A_399 = tpu.vector_load %arg5[%get3A_398] {strides = array<i32>} : memref<1792xi32, #tpu.memory_space<vmem>>, vector<16xi32>,
      tpu.vector_store_idx %arg7[%get3A_399, %add3A_395], %broadcast_in_dim3A_5 : memref<16x1792xf32, #tpu.memory_space<vmem>>[vector<16xi32>, vector<16xi32>], vector<16xf32>,
      %jit3A_400 = arith.constant 14 : i32
      %div3A_401 = arith.divsi %scan3A_391, %jit3A_400 : i32
      %sign3A_402 = arith.constant 0 : i32
      %sign3A_403 = arith.cmpi sgt, %scan3A_391, %sign3A_402 : i32
      %sign3A_404 = arith.extui %sign3A_403 : i1 to i32
      %sign3A_405 = arith.constant 0 : i32
      %sign3A_406 = arith.cmpi slt, %scan3A_391, %sign3A_405 : i32
      %sign3A_407 = arith.extui %sign3A_406 : i1 to i32
      %sign3A_408 = arith.subi %sign3A_404, %sign3A_407 : i32
      %sign3A_409 = arith.constant 0 : i32
      %sign3A_410 = arith.cmpi sgt, %jit3A_400, %sign3A_409 : i32
      %sign3A_411 = arith.extui %sign3A_410 : i1 to i32
      %sign3A_412 = arith.constant 0 : i32
      %sign3A_413 = arith.cmpi slt, %jit3A_400, %sign3A_412 : i32
      %sign3A_414 = arith.extui %sign3A_413 : i1 to i32
      %sign3A_415 = arith.subi %sign3A_411, %sign3A_414 : i32
      %ne3A_416 = arith.cmpi ne, %sign3A_408, %sign3A_415 : i32
      %rem3A_417 = arith.remsi %scan3A_391, %jit3A_400 : i32
      %ne3A_418 = arith.constant 0 : i32
      %ne3A_419 = arith.cmpi ne, %rem3A_417, %ne3A_418 : i32
      %and3A_420 = arith.andi %ne3A_416, %ne3A_419 : i1
      %sub3A_421 = arith.constant 1 : i32
      %sub3A_422 = arith.subi %div3A_401, %sub3A_421 : i32
      %select_n3A_423 = arith.select %and3A_420, %sub3A_422, %div3A_401 : i32
      %mul3A_424 = arith.constant 14 : i32
      %mul3A_425 = arith.muli %select_n3A_423, %mul3A_424 : i32
      %sub3A_426 = arith.subi %scan3A_391, %mul3A_425 : i32
      %add3A_427 = arith.constant 160 : i32
      %add3A_428 = arith.addi %add3A_427, %select_n3A_423 : i32
      %mul3A_429 = arith.constant 16 : i32
      %mul3A_430 = arith.muli %sub3A_426, %mul3A_429 : i32
      %get3A_431 = arith.index_cast %add3A_428 : i32 to index
      %get3A_432 = arith.index_cast %mul3A_430 : i32 to index
      %get3A_433 = tpu.vector_load %arg4[%get3A_431, %get3A_432] {strides = array<i32>} : memref<168x224xf32, #tpu.memory_space<vmem>>, vector<16xf32>,
      %sub3A_434 = arith.constant 1.000000e+00 : f32
      %sub3A_435 = vector.broadcast %sub3A_434 : f32 to vector<16xf32>
      %sub3A_436 = arith.subf %sub3A_435, %get3A_433 : vector<16xf32>
      %mul3A_437 = arith.constant 1.500000e+01 : f32
      %mul3A_438 = vector.broadcast %mul3A_437 : f32 to vector<16xf32>
      %mul3A_439 = arith.mulf %sub3A_436, %mul3A_438 : vector<16xf32>
      %convert_element_type3A_440 = arith.fptosi %mul3A_439 : vector<16xf32> to vector<16xi32>
      tpu.vector_store_idx %arg7[%convert_element_type3A_440, %add3A_395], %broadcast_in_dim3A_7 : memref<16x1792xf32, #tpu.memory_space<vmem>>[vector<16xi32>, vector<16xi32>], vector<16xf32>,
      %mul3A_441 = arith.constant 16 : i32
      %mul3A_442 = arith.muli %scan3A_391, %mul3A_441 : i32
      %swap3A_443 = arith.index_cast %mul3A_442 : i32 to index
      %swap3A_444 = tpu.vector_load %arg5[%swap3A_443] {strides = array<i32>} : memref<1792xi32, #tpu.memory_space<vmem>>, vector<16xi32>,
      tpu.vector_store %arg5[%swap3A_443], %convert_element_type3A_440 {strides = array<i32>} : memref<1792xi32, #tpu.memory_space<vmem>>, vector<16xi32>,
      %scan3A_445 = arith.constant 6 : i32
      %scan3A_446 = arith.addi %scan3A_125, %scan3A_445 : i32
      %mul3A_447 = arith.constant 16 : i32
      %mul3A_448 = arith.muli %scan3A_446, %mul3A_447 : i32
      %add3A_449 = vector.broadcast %mul3A_448 : i32 to vector<16xi32>
      %add3A_450 = arith.addi %add3A_449, %iota3A : vector<16xi32>
      %mul3A_451 = arith.constant 16 : i32
      %mul3A_452 = arith.muli %scan3A_446, %mul3A_451 : i32
      %get3A_453 = arith.index_cast %mul3A_452 : i32 to index
      %get3A_454 = tpu.vector_load %arg5[%get3A_453] {strides = array<i32>} : memref<1792xi32, #tpu.memory_space<vmem>>, vector<16xi32>,
      tpu.vector_store_idx %arg7[%get3A_454, %add3A_450], %broadcast_in_dim3A_5 : memref<16x1792xf32, #tpu.memory_space<vmem>>[vector<16xi32>, vector<16xi32>], vector<16xf32>,
      %jit3A_455 = arith.constant 14 : i32
      %div3A_456 = arith.divsi %scan3A_446, %jit3A_455 : i32
      %sign3A_457 = arith.constant 0 : i32
      %sign3A_458 = arith.cmpi sgt, %scan3A_446, %sign3A_457 : i32
      %sign3A_459 = arith.extui %sign3A_458 : i1 to i32
      %sign3A_460 = arith.constant 0 : i32
      %sign3A_461 = arith.cmpi slt, %scan3A_446, %sign3A_460 : i32
      %sign3A_462 = arith.extui %sign3A_461 : i1 to i32
      %sign3A_463 = arith.subi %sign3A_459, %sign3A_462 : i32
      %sign3A_464 = arith.constant 0 : i32
      %sign3A_465 = arith.cmpi sgt, %jit3A_455, %sign3A_464 : i32
      %sign3A_466 = arith.extui %sign3A_465 : i1 to i32
      %sign3A_467 = arith.constant 0 : i32
      %sign3A_468 = arith.cmpi slt, %jit3A_455, %sign3A_467 : i32
      %sign3A_469 = arith.extui %sign3A_468 : i1 to i32
      %sign3A_470 = arith.subi %sign3A_466, %sign3A_469 : i32
      %ne3A_471 = arith.cmpi ne, %sign3A_463, %sign3A_470 : i32
      %rem3A_472 = arith.remsi %scan3A_446, %jit3A_455 : i32
      %ne3A_473 = arith.constant 0 : i32
      %ne3A_474 = arith.cmpi ne, %rem3A_472, %ne3A_473 : i32
      %and3A_475 = arith.andi %ne3A_471, %ne3A_474 : i1
      %sub3A_476 = arith.constant 1 : i32
      %sub3A_477 = arith.subi %div3A_456, %sub3A_476 : i32
      %select_n3A_478 = arith.select %and3A_475, %sub3A_477, %div3A_456 : i32
      %mul3A_479 = arith.constant 14 : i32
      %mul3A_480 = arith.muli %select_n3A_478, %mul3A_479 : i32
      %sub3A_481 = arith.subi %scan3A_446, %mul3A_480 : i32
      %add3A_482 = arith.constant 160 : i32
      %add3A_483 = arith.addi %add3A_482, %select_n3A_478 : i32
      %mul3A_484 = arith.constant 16 : i32
      %mul3A_485 = arith.muli %sub3A_481, %mul3A_484 : i32
      %get3A_486 = arith.index_cast %add3A_483 : i32 to index
      %get3A_487 = arith.index_cast %mul3A_485 : i32 to index
      %get3A_488 = tpu.vector_load %arg4[%get3A_486, %get3A_487] {strides = array<i32>} : memref<168x224xf32, #tpu.memory_space<vmem>>, vector<16xf32>,
      %sub3A_489 = arith.constant 1.000000e+00 : f32
      %sub3A_490 = vector.broadcast %sub3A_489 : f32 to vector<16xf32>
      %sub3A_491 = arith.subf %sub3A_490, %get3A_488 : vector<16xf32>
      %mul3A_492 = arith.constant 1.500000e+01 : f32
      %mul3A_493 = vector.broadcast %mul3A_492 : f32 to vector<16xf32>
      %mul3A_494 = arith.mulf %sub3A_491, %mul3A_493 : vector<16xf32>
      %convert_element_type3A_495 = arith.fptosi %mul3A_494 : vector<16xf32> to vector<16xi32>
      tpu.vector_store_idx %arg7[%convert_element_type3A_495, %add3A_450], %broadcast_in_dim3A_7 : memref<16x1792xf32, #tpu.memory_space<vmem>>[vector<16xi32>, vector<16xi32>], vector<16xf32>,
      %mul3A_496 = arith.constant 16 : i32
      %mul3A_497 = arith.muli %scan3A_446, %mul3A_496 : i32
      %swap3A_498 = arith.index_cast %mul3A_497 : i32 to index
      %swap3A_499 = tpu.vector_load %arg5[%swap3A_498] {strides = array<i32>} : memref<1792xi32, #tpu.memory_space<vmem>>, vector<16xi32>,
      tpu.vector_store %arg5[%swap3A_498], %convert_element_type3A_495 {strides = array<i32>} : memref<1792xi32, #tpu.memory_space<vmem>>, vector<16xi32>,
    }
    %scan3A_97 = arith.constant 112 : i32
    %add3A_98 = arith.constant 35840 : i32
    %add3A_99 = arith.addi %mul3A_4, %add3A_98 : i32
    %multiple_of3A_100 = tpu.assume_multiple %add3A_99, 128 : i32
    %dma_start3A_101 = arith.constant 0 : i32
    %dma_start3A_102 = tpu.memref_slice %arg3[%shift_right_arithmetic3A_1, %dma_start3A_101, %multiple_of3A_100] : memref<8x16x150528xf32, #tpu.memory_space<hbm>> -> memref<1x16x1792xf32, #tpu.memory_space<hbm>>
    %dma_start3A_103 = tpu.memref_squeeze %dma_start3A_102 : memref<1x16x1792xf32, #tpu.memory_space<hbm>> -> memref<16x1792xf32, #tpu.memory_space<hbm>>
    %dma_start3A_104 = arith.constant 0 : i32
    %dma_start3A_105 = tpu.memref_slice %arg3[%shift_right_arithmetic3A_1, %dma_start3A_104, %multiple_of3A_100] : memref<8x16x150528xf32, #tpu.memory_space<hbm>> -> memref<1x16x1792xf32, #tpu.memory_space<hbm>>
    %dma_start3A_106 = tpu.memref_squeeze %dma_start3A_105 : memref<1x16x1792xf32, #tpu.memory_space<hbm>> -> memref<16x1792xf32, #tpu.memory_space<hbm>>
    tpu.enqueue_dma source(%arg7 : memref<16x1792xf32, #tpu.memory_space<vmem>>) target(%dma_start3A_106 : memref<16x1792xf32, #tpu.memory_space<hbm>>) target_semaphore(%arg11 : memref<!tpu.dma_semaphore, #tpu.memory_space<semaphore_mem>>)
    %add3A_107 = arith.constant 34048 : i32
    %add3A_108 = arith.addi %mul3A_4, %add3A_107 : i32
    %multiple_of3A_109 = tpu.assume_multiple %add3A_108, 128 : i32
    %dma_wait3A_110 = arith.constant 0 : i32
    %dma_wait3A_111 = tpu.memref_slice %arg3[%shift_right_arithmetic3A_1, %dma_wait3A_110, %multiple_of3A_109] : memref<8x16x150528xf32, #tpu.memory_space<hbm>> -> memref<1x16x1792xf32, #tpu.memory_space<hbm>>
    %dma_wait3A_112 = tpu.memref_squeeze %dma_wait3A_111 : memref<1x16x1792xf32, #tpu.memory_space<hbm>> -> memref<16x1792xf32, #tpu.memory_space<hbm>>
    %dma_wait3A_113 = arith.constant 0 : i32
    %dma_wait3A_114 = tpu.memref_slice %arg3[%shift_right_arithmetic3A_1, %dma_wait3A_113, %multiple_of3A_109] : memref<8x16x150528xf32, #tpu.memory_space<hbm>> -> memref<1x16x1792xf32, #tpu.memory_space<hbm>>
    %dma_wait3A_115 = tpu.memref_squeeze %dma_wait3A_114 : memref<1x16x1792xf32, #tpu.memory_space<hbm>> -> memref<16x1792xf32, #tpu.memory_space<hbm>>
    tpu.wait_dma2 semaphore(%arg12 : memref<!tpu.dma_semaphore, #tpu.memory_space<semaphore_mem>>) src(%arg8 : memref<16x1792xf32, #tpu.memory_space<vmem>>) dst(%dma_wait3A_115 : memref<16x1792xf32, #tpu.memory_space<hbm>>)
    %add3A_116 = arith.constant 35840 : i32
    %add3A_117 = arith.addi %mul3A_4, %add3A_116 : i32
    %multiple_of3A_118 = tpu.assume_multiple %add3A_117, 128 : i32
    %dma_wait3A_119 = arith.constant 0 : i32
    %dma_wait3A_120 = tpu.memref_slice %arg3[%shift_right_arithmetic3A_1, %dma_wait3A_119, %multiple_of3A_118] : memref<8x16x150528xf32, #tpu.memory_space<hbm>> -> memref<1x16x1792xf32, #tpu.memory_space<hbm>>
    %dma_wait3A_121 = tpu.memref_squeeze %dma_wait3A_120 : memref<1x16x1792xf32, #tpu.memory_space<hbm>> -> memref<16x1792xf32, #tpu.memory_space<hbm>>
    %dma_wait3A_122 = arith.constant 0 : i32
    %dma_wait3A_123 = tpu.memref_slice %arg3[%shift_right_arithmetic3A_1, %dma_wait3A_122, %multiple_of3A_118] : memref<8x16x150528xf32, #tpu.memory_space<hbm>> -> memref<1x16x1792xf32, #tpu.memory_space<hbm>>
    %dma_wait3A_124 = tpu.memref_squeeze %dma_wait3A_123 : memref<1x16x1792xf32, #tpu.memory_space<hbm>> -> memref<16x1792xf32, #tpu.memory_space<hbm>>
    tpu.wait_dma2 semaphore(%arg11 : memref<!tpu.dma_semaphore, #tpu.memory_space<semaphore_mem>>) src(%arg7 : memref<16x1792xf32, #tpu.memory_space<vmem>>) dst(%dma_wait3A_124 : memref<16x1792xf32, #tpu.memory_space<hbm>>)
    return
  }
}

</mosaic_0001>

<sc_bundles>
// kernel: kernel.3.cloned.1.call-start
scs
__scs_entry_jumppad:
0x0: {  	(pc) =	sbr.rel $0x88, $3  }
0x1: {  	(tag) =	ssettag $0x0;
	lr =	simm.s32 $0x1  }
0x2: {  	[smem:$0x3FA0] =	sst lr;
	_ =	strace $0xD0000000  }
0x3: {  	_ = 	snop  }
0x4: {  	_ = 	snop  }
0x5: {  	_ = 	snop  }
0x6: {  	_ = 	snop  }
0x7: {  	_ = 	snop  }
__scs_overlays_trampoline_lowered:
0x8: {  	[smem:$0x3FAF] =	sst s0  }
0x9: {  	[smem:$0x3FB0] =	sst s1  }
0xa: {  	[smem:$0x3FB1] =	sst s2  }
0xb: {  	[smem:$0x3FB2] =	sst s3  }
0xc: {  	[smem:$0x3FB3] =	sst s4  }
0xd: {  	[smem:$0x3FB4] =	sst s5  }
0xe: {  	[smem:$0x3FB5] =	sst s6  }
0xf: {  	[smem:$0x3FB6] =	sst s7  }
0x10: {  	[smem:$0x3FB7] =	sst s8  }
0x11: {  	[smem:$0x3FB8] =	sst s9;
	s0 =	simm.s32 @!p0 $0x0  }
0x12: {  	s1 =	sld [smem:$0x3F9E];
	s0 =	simm.s32 @p0 $0x1  }
0x13: {  	[smem:$0x3FB9] =	sst s0;
	s0 =	simm.s32 @!p1 $0x0  }
0x14: {  	s2 =	sld [smem:$0x3F9D];
	s0 =	simm.s32 @p1 $0x1  }
0x15: {  	[smem:$0x3FBA] =	sst s0;
	s0 =	simm.s32 @!p2 $0x0  }
0x16: {  	s3 =	sld [smem:$0x3FDB];
	s0 =	simm.s32 @p2 $0x1  }
0x17: {  	s4 =	simm.s32 $0x1BF5;
	[smem:$0x3FBC] =	sst s0  }
0x18: {  	s0 =	sld [smem:$0x3F9F];
	_ =	swait.ge [sflag:s4], $0x0  }
0x19: {  	s7 =	sld [smem:$0x3FA0]  }
0x1a: {  	s8 =	sadd.s32 $0xFFFFE003, lr  }
0x1b: {  	s9 =	sadd.s32 $0xFFFFFEF7, lr;
	s5 =	simm.s32 $0xFFFFFFFF;
	p2 =	slt.u32 s8, $0xFFFFF086  }
0x1c: {  	p1 =	slt.u32 s9, $0xF7A;
	s5 =	simm.s32 @!p2 $0x0  }
0x1d: {  	s5 =	simm.s32 @p1 $0x1;
	p0 =	seq.s32 s7, s2  }
0x1e: {  	s7 =	smul.u32 @!p0 $0xF7A, s2;
	p2 =	seq.s32 @!p0 s5, $0x0  }
0x1f: {  	s9 =	smul.u32 $0xF7A, s1;
	s8 =	simm.s32 @!p0 $0x1BF5;
	p2 =	por !p2, p0  }
0x20: {  	[sflag:s8] =	ssyncset.s32 @!p0 $0xFFFFF086;
	s6 =	sadd.s32 @!p0 s3, s7;
	s7 =	simm.s32 @!p0 $0x108  }
0x21: {  	s3 =	sadd.s32 s3, s9;
	s6 =	sadd.s32 @!p0 $0x88, s6;
	s7 =	simm.s32 @p2 $0x1082  }
0x22: {  	[simem:s7], [sflag:s8] =	dma.local @!p0 [hbm:s6], $0xF7A  }
0x23: {  	s9 =	sor.u32 $0xD0000000, s2;
	s6 =	simm.s32 $0x108;
	_ =	swait.ge @!p0 [sflag:s8], $0x0  }
0x24: {  	s3 =	sadd.s32 $0x88, s3;
	s6 =	simm.s32 @!p1 $0x1082;
	[sflag:s4] =	ssyncset.s32 $0xFFFFF086  }
0x25: {  	[simem:s6], [sflag:s4] =	dma.local [hbm:s3], $0xF7A  }
0x26: {  	[smem:$0x3FA0] =	sst s1;
	(tag) =	ssettag s2;
	_ =	strace s9  }
0x27: {  	s1 =	sld [smem:$0x3FB0]  }
0x28: {  	s2 =	sld [smem:$0x3FB1]  }
0x29: {  	s4 =	sld [smem:$0x3FB3]  }
0x2a: {  	p0 =	seq.s32 s5, $0x0;
	s5 =	sld [smem:$0x3FB4]  }
0x2b: {  	s6 =	sld [smem:$0x3FB5]  }
0x2c: {  	s7 =	sld [smem:$0x3FB6]  }
0x2d: {  	s3 =	simm.s32 $0x108;
	s8 =	sld [smem:$0x3FB7]  }
0x2e: {  	s3 =	simm.s32 @!p0 $0x1082;
	s9 =	sld [smem:$0x3FB8]  }
0x2f: {  	lr =	sadd.s32 s0, s3;
	s0 =	sld [smem:$0x3FAF]  }
0x30: {  	s3 =	sld [smem:$0x3FB2]  }
0x31: {  	[smem:$0x3FBB] =	sst s10  }
0x32: {  	s10 =	sld [smem:$0x3FB9];
	_ =	sdelay $0x3  }
0x33: {  	p0 =	seq.s32 s10, $0x1;
	s10 =	sld [smem:$0x3FBB];
	_ =	sdelay $0x3  }
0x34: {  	[smem:$0x3FBB] =	sst s10  }
0x35: {  	s10 =	sld [smem:$0x3FBA];
	_ =	sdelay $0x3  }
0x36: {  	p1 =	seq.s32 s10, $0x1;
	s10 =	sld [smem:$0x3FBB];
	_ =	sdelay $0x3  }
0x37: {  	[smem:$0x3FBB] =	sst s10  }
0x38: {  	s10 =	sld [smem:$0x3FBC]  }
0x39: {  	_ = 	snop;
	(pc) =	sbr.ind lr, $3  }
0x3a: {  	_ = 	snop  }
0x3b: {  	_ = 	snop  }
0x3c: {  	p2 =	seq.s32 s10, $0x1;
	s10 =	sld [smem:$0x3FBB]  }
0x3d: {  	_ =	shalt  }
0x3e: {  	_ =	shalt  }
0x3f: {  	_ =	shalt  }
0x40: {  	_ =	shalt  }
0x41: {  	_ =	shalt  }
0x42: {  	_ =	shalt  }
0x43: {  	_ =	shalt  }
0x44: {  	_ =	shalt  }
0x45: {  	_ =	shalt  }
0x46: {  	_ =	shalt  }
0x47: {  	_ =	shalt  }
0x48: {  	_ =	shalt  }
0x49: {  	_ =	shalt  }
0x4a: {  	_ =	shalt  }
0x4b: {  	_ =	shalt  }
0x4c: {  	_ =	shalt  }
0x4d: {  	_ =	shalt  }
0x4e: {  	_ =	shalt  }
0x4f: {  	_ =	shalt  }
0x50: {  	_ =	shalt  }
0x51: {  	_ =	shalt  }
0x52: {  	_ =	shalt  }
0x53: {  	_ =	shalt  }
0x54: {  	_ =	shalt  }
0x55: {  	_ =	shalt  }
0x56: {  	_ =	shalt  }
0x57: {  	_ =	shalt  }
0x58: {  	_ =	shalt  }
0x59: {  	_ =	shalt  }
0x5a: {  	_ =	shalt  }
0x5b: {  	_ =	shalt  }
0x5c: {  	_ =	shalt  }
0x5d: {  	_ =	shalt  }
0x5e: {  	_ =	shalt  }
0x5f: {  	_ =	shalt  }
0x60: {  	_ =	shalt  }
0x61: {  	_ =	shalt  }
0x62: {  	_ =	shalt  }
0x63: {  	_ =	shalt  }
0x64: {  	_ =	shalt  }
0x65: {  	_ =	shalt  }
0x66: {  	_ =	shalt  }
0x67: {  	_ =	shalt  }
0x68: {  	_ =	shalt  }
0x69: {  	_ =	shalt  }
0x6a: {  	_ =	shalt  }
0x6b: {  	_ =	shalt  }
0x6c: {  	_ =	shalt  }
0x6d: {  	_ =	shalt  }
0x6e: {  	_ =	shalt  }
0x6f: {  	_ =	shalt  }
0x70: {  	_ =	shalt  }
0x71: {  	_ =	shalt  }
0x72: {  	_ =	shalt  }
0x73: {  	_ =	shalt  }
0x74: {  	_ =	shalt  }
0x75: {  	_ =	shalt  }
0x76: {  	_ =	shalt  }
0x77: {  	_ =	shalt  }
0x78: {  	_ =	shalt  }
0x79: {  	_ =	shalt  }
0x7a: {  	_ =	shalt  }
0x7b: {  	_ =	shalt  }
0x7c: {  	_ =	shalt  }
0x7d: {  	_ =	shalt  }
0x7e: {  	_ =	shalt  }
0x7f: {  	_ =	shalt  }
0x80: {  	_ =	shalt  }
0x81: {  	_ =	shalt  }
0x82: {  	_ =	shalt  }
0x83: {  	_ =	shalt  }
0x84: {  	_ =	shalt  }
0x85: {  	_ =	shalt  }
0x86: {  	_ =	shalt  }
0x87: {  	_ =	shalt  }
.Lfunc_end0:
.L_simem_size_0:
called_computation_lowered:
.L_overlay_start_0:
0x88: {  	s2 =	sld [smem:$0x3FD9]  }
0x89: {  	s3 =	sld [smem:$0x3FFE];
	_ =	sdelay $0x1  }
0x8a: {  	s1 =	srdreg.scid  }
0x8b: {  	s0 =	sand.u32 $0x1, s1  }
0x8c: {  	s18 =	sshll.u32 s0, $0xA;
	s2 =	sadd.s32 s3, s2  }
0x8d: {  	s2 =	sadd.s32 s2, s18  }
0x8e: {  	[smem:$0x3FC7] =	sst s2  }
0x8f: {  	_ = 	snop  }
0x90: {  	s2 =	sld [smem:$0x3FC9]  }
0x91: {  	s19 =	sld [smem:$0x3FD0];
	(tm) =	ssettm $0x1  }
0x92: {  	s4 =	sld [smem:$0x3FFB];
	_ =	sdelay $0x3  }
0x93: {  	_ =	strace s4  }
0x94: {  	s4 =	sld [smem:$0x3FFC];
	_ =	sdelay $0x3  }
0x95: {  	_ =	strace s4  }
0x96: {  	s4 =	sld [smem:$0x3FFD];
	_ =	sdelay $0x3  }
0x97: {  	_ =	strace s4  }
0x98: {  	_ =	strace $0x8FFFFFFF  }
0x99: {  	s20 =	sld [smem:$0x3FDB];
	_ =	sdelay $0x1  }
0x9a: {  	s5 =	simm.s32 $_scs_section_size  }
0x9b: {  	s6 =	simm.s32 $_size__tile_overlayer_lowered;
	s7 =	simm.s32 $_tile_overlayer_lowered  }
0x9c: {  	s23 =	simm.s32 $0x1BFF;
	s22 =	sshll.u32 s7, $0x1;
	s4 =	sadd.s32 s5, s20  }
0x9d: {  	s8 =	simm.s32 $0x0;
	s21 =	sshll.u32 s6, $0x1;
	s6 =	sadd.s32 s22, s4  }
0x9e: {  	[timem:s8], [sflag:s23] =	dma.local [hbm:s6], s21  }
0x9f: {  	_ =	swait.ge [sflag:s23], s21  }
0xa0: {  	s5 =	ssub.s32 $0x0, s21;
	[sflag:s23] =	ssyncset.done $0x0  }
0xa1: {  	[sflag:s23] =	ssyncadd.s32 s5;
	_ =	sdelay $0x1  }
0xa2: {  	s24 =	simm.s32 $0x1B8B  }
0xa3: {  	_ =	swait.ge [sflag:s24], $0x1  }
0xa4: {  	[sflag:s24] =	ssyncset.done $0x0  }
0xa5: {  	s25 =	simm.s32 $0x1B8E;
	[sflag:s24] =	ssyncadd.s32 $0xFFFFFFFF  }
0xa6: {  	s26 =	simm.s32 $execute0_lowered;
	[smem:$0x3FD2] =	sst s25  }
0xa7: {  	s5 =	sshll.u32 s26, $0x1;
	_ =	strace $0x80000046;
	[dreg:$0x1] =	wrdreg $0xFFFFFFFF  }
0xa8: {  	s28 =	simm.s32 $_size_execute0_lowered;
	s4 =	sadd.s32 s4, s5;
	[dreg:$0x0] =	wrdreg $0x0  }
0xa9: {  	s5 =	sshll.u32 s28, $0x1;
	[dreg:$0x2] =	wrdreg s4  }
0xaa: {  	[dreg:$0x3] =	wrdreg s5  }
0xab: {  	[dreg:$0x4] =	wrdreg $0xC0  }
0xac: {  	_ =	task [dreg:s8], $0x5FFFF  }
0xad: {  	[dreg:$0x1] =	wrdreg $0xFFFFFFFF  }
0xae: {  	[dreg:$0x0] =	wrdreg $0x60  }
0xaf: {  	[dreg:$0x2] =	wrdreg s2  }
0xb0: {  	[dreg:$0x3] =	wrdreg s19  }
0xb1: {  	[dreg:$0x4] =	wrdreg $0x9  }
0xb2: {  	_ =	task.clear_ibuf [dreg:s8], $0x5FFFF;
	_ =	strace $0x90000046  }
0xb3: {  	s29 =	simm.s32 $0x9;
	_ =	strace $0x80000048  }
0xb4: {  	_ =	swait.ge [sflag:s29], $0x1  }
0xb5: {  	[sflag:s29] =	ssyncadd.s32 $0xFFFFFFFF  }
0xb6: {  	_ =	strace $0x90000048  }
0xb7: {  	_ =	sfence  }
0xb8: {  	s30 =	sld [smem:$0x0];
	_ =	sdelay $0x2  }
0xb9: {  	s31 =	sshll.u32 s1, $0xD;
	s1 =	sshrl.u32 s1, $0x2  }
0xba: {  	s3 =	sand.u32 $0x4000, s31;
	s1 =	sadd.s32 s1, s30  }
0xbb: {  	s0 =	sor.u32 s3, s0;
	s1 =	sshll.u32 s1, $0x11  }
0xbc: {  	s0 =	sor.u32 s1, s0  }
0xbd: {  	s0 =	sadd.s32 $0x8F2B, s0  }
0xbe: {  	[sflag:s0] =	ssyncadd.remote.s32 $0x1  }
0xbf: {  	_ =	sfence.sel $0xFFFF  }
0xc0: {  	[dreg:$0x0] =	wrdreg $0xFFFFFFFF;
	(pc) =	sbr.abs _section_cstart, $3  }
0xc1: {  	[dreg:$0x1] =	wrdreg $0xFFFFFFFF  }
0xc2: {  	_ =	task.clear_ibuf [dreg:s8], $0x2FFFF;
	_ =	strace $0x9FFFFFFF  }
0xc3: {  	(tm) =	ssettm $0x7FFFFFFF  }
tec
execute0_lowered:
.L_overlay_start_1:
0x0: {  	(tag) =	ssettag $0x1  }
0x1: {  	s0 =	rddreg [dreg:$0x0]  }
0x2: {  	s1 =	rddreg [dreg:$0x1];
	s2 =	simm.s32 $0x0  }
0x3: {  	s3 =	srdreg.scid;
	s5 =	stileid.u32;
	s17 =	simm.s32 $0x126000  }
0x4: {  	s18 =	simm.s32 $0x12600;
	s19 =	simm.s32 $0x3;
	s20 =	simm.s32 $0x4  }
0x5: {  	[smem:$0x7FF] =	sst s2;
	s3 =	sand.u32 $0x1, s3;
	s8 =	sshrl.u32 s5, $0x1  }
0x6: {  	s5 =	sshll.u32 s5, $0x1;
	s4 =	ssub.s32 $0x2, s3;
	s6 =	smul.u32 $0x2A000, s8  }
0x7: {  	_ =	strace $0x80000047;
	s5 =	sand.u32 $0x2, s5;
	s9 =	smul.u32 $0x24C000, s8  }
0x8: {  	s11 =	smul.u32 $0x5400, s8;
	s7 =	sshrl.u32 s4, $0x1;
	s15 =	sor.u32 s3, s5  }
0x9: {  	s24 =	sshrl.u32 s6, $0x3;
	s13 =	ssub.s32 s4, s7;
	s10 =	smul.u32 $0x49800, s15  }
0xa: {  	s12 =	smul.u32 $0x9300, s15;
	s16 =	sshrl.u32 s9, $0x3;
	p2 =	sgt.s32 s15, $0x1  }
0xb: {  	s25 =	sadd.s32 s0, s24;
	s13 =	smax.u32 s13, $0x1;
	p0 =	seq.s32 @p2 s15, $0x2  }
0xc: {  	s3 =	sadd.s32 $0x3F00, s25;
	s26 =	sadd.s32 $0x2A00, s25;
	p1 =	por !p0, !p2  }
0xd: {  	s10 =	sadd.s32 s9, s10;
	s9 =	sadd.s32 s0, s11;
	s0 =	simm.s32 @!p1 $0x0  }
0xe: {  	p0 =	por p0, !p2;
	[dreg:$0x3] =	wrdreg s3;
	s0 =	simm.s32 @p1 $0x1  }
0xf: {  	s28 =	sadd.s32 $0x3800, s25;
	[smem:$0x7F8] =	sst s0;
	s0 =	simm.s32 @!p0 $0x0  }
0x10: {  	[dreg:$0x4] =	wrdreg s26;
	s0 =	simm.s32 @p0 $0x1;
	p0 =	seq.s32 @!p2 s15, $0x0  }
0x11: {  	s29 =	sadd.s32 $0x1500, s25;
	[dreg:$0x5] =	wrdreg s28;
	p1 =	por !p0, p2  }
0x12: {  	s7 =	sadd.s32 $0x1C00, s25;
	[smem:$0x7F9] =	sst s0;
	s0 =	simm.s32 @!p1 $0x0  }
0x13: {  	s14 =	sadd.s32 s12, s1;
	[dreg:$0x6] =	wrdreg s29;
	s0 =	simm.s32 @p1 $0x1  }
0x14: {  	s31 =	sadd.s32 s16, s12;
	[smem:$0x7FA] =	sst s0;
	s0 =	simm.s32 @!p2 $0x0  }
0x15: {  	s30 =	sshrl.u32 s10, $0x3;
	p0 =	por p0, p2;
	s0 =	simm.s32 @p2 $0x1  }
0x16: {  	s11 =	sadd.s32 s14, s16;
	[smem:$0x7FB] =	sst s0;
	s0 =	simm.s32 @!p0 $0x0  }
0x17: {  	s14 =	sadd.s32 s1, s31;
	s0 =	simm.s32 @p0 $0x1;
	p0 =	sne.s32 s15, $0x0  }
0x18: {  	s8 =	sadd.s32 s1, s30;
	[smem:$0x7FC] =	sst s0;
	s0 =	simm.s32 @!p0 $0x0  }
0x19: {  	s16 =	simm.s32 $0x3800;
	s10 =	sadd.s32 $0x700, s8;
	s0 =	simm.s32 @p0 $0x1  }
0x1a: {  	v0 =	vimm.f32 $0.0e+00;
	v1 =	vlaneseq.u32;
	v2 =	vimm.f32 $1.000000000e+00;
	s12 =	sadd.s32 $0x8C00, s8;
	s15 =	simm.s32 $0xB600;
	[smem:$0x7FD] =	sst s0  }
.LBB2_1:
0x1b: {  	s0 =	sld [smem:$0x7F8]  }
0x1c: {  	s1 =	rddreg [dreg:$0x4]  }
0x1d: {  	s3 =	rddreg [dreg:$0x5]  }
0x1e: {  	s28 =	sld [smem:$0x7F9];
	p6 =	seq.s32 s0, $0x1  }
0x1f: {  	s29 =	sld [smem:$0x7FA];
	s0 =	simm.s32 @!p6 $0x0  }
0x20: {  	[tilespmem:s0], [sflag:$0x1] =	stream.linear.gather @!p6 [hbm4b:s1+s0], $0x7000, $0x38;
	[tilespmem:$0x19600] =	vst v63  }
0x21: {  	s30 =	sld [smem:$0x7FC];
	p4 =	seq.s32 s28, $0x1;
	s1 =	simm.s32 @!p6 $0x7000  }
0x22: {  	[tilespmem:s1], [sflag:$0x2] =	stream.linear.gather @!p6 [hbm4b:s3+s0], $0x3800, $0x38;
	[tilespmem:$0x19600] =	vst v63  }
0x23: {  	p1 =	seq.s32 s29, $0x1;
	s0 =	simm.s32 @!p4 $0x0;
	s1 =	rddreg [dreg:$0x3]  }
0x24: {  	[tilespmem:s0], [sflag:$0x1] =	stream.linear.gather @!p4 [hbm4b:s1+s0], $0xA800, $0x38;
	[tilespmem:$0x19600] =	vst v63  }
0x25: {  	p0 =	seq.s32 s30, $0x1;
	s0 =	simm.s32 @!p1 $0x0  }
0x26: {  	[tilespmem:s0], [sflag:$0x1] =	stream.linear.gather @!p1 [hbm4b:s9+s0], $0xA800, $0x38;
	[tilespmem:$0x19600] =	vst v63  }
0x27: {  	s1 =	rddreg [dreg:$0x6];
	s0 =	simm.s32 @!p0 $0x0  }
0x28: {  	[tilespmem:s0], [sflag:$0x1] =	stream.linear.gather @!p0 [hbm4b:s1+s0], $0x3800, $0x38;
	[tilespmem:$0x19600] =	vst v63  }
0x29: {  	s22 =	simm.s32 $0xF1F0;
	s1 =	simm.s32 @!p0 $0x3800  }
0x2a: {  	[tilespmem:s1], [sflag:$0x2] =	stream.linear.gather @!p0 [hbm4b:s7+s0], $0x7000, $0x38;
	[tilespmem:$0x19600] =	vst v63  }
0x2b: {  	[tilespmem:s22+$0xFFFFC410] =	vst v0  }
0x2c: {  	[tilespmem:s22+$0x0] =	vst v0  }
0x2d: {  	[tilespmem:s22+$0xFFFFFF80] =	vst v0  }
0x2e: {  	[tilespmem:s22+$0xFFFFFF00] =	vst v0  }
0x2f: {  	[tilespmem:s22+$0xFFFFFE80] =	vst v0  }
0x30: {  	[tilespmem:s22+$0xFFFFFE00] =	vst v0  }
0x31: {  	[tilespmem:s22+$0xFFFFFD80] =	vst v0  }
0x32: {  	[tilespmem:s22+$0xFFFFFD00] =	vst v0  }
0x33: {  	[tilespmem:s22+$0xFFFFFC80] =	vst v0  }
0x34: {  	[tilespmem:s22+$0xFFFFC800] =	vst v0  }
0x35: {  	[tilespmem:s22+$0xFFFFC780] =	vst v0  }
0x36: {  	[tilespmem:s22+$0xFFFFC700] =	vst v0  }
0x37: {  	[tilespmem:s22+$0xFFFFC680] =	vst v0  }
0x38: {  	[tilespmem:s22+$0xFFFFC600] =	vst v0  }
0x39: {  	[tilespmem:s22+$0xFFFFC580] =	vst v0  }
0x3a: {  	[tilespmem:s22+$0xFFFFC500] =	vst v0  }
0x3b: {  	[tilespmem:s22+$0xFFFFC480] =	vst v0  }
0x3c: {  	[tilespmem:s22+$0xFFFFFFF0] =	vst v0  }
0x3d: {  	[tilespmem:s22+$0xFFFFFF70] =	vst v0  }
0x3e: {  	[tilespmem:s22+$0xFFFFFEF0] =	vst v0  }
0x3f: {  	[tilespmem:s22+$0xFFFFFE70] =	vst v0  }
0x40: {  	[tilespmem:s22+$0xFFFFFDF0] =	vst v0  }
0x41: {  	[tilespmem:s22+$0xFFFFFD70] =	vst v0  }
0x42: {  	[tilespmem:s22+$0xFFFFFCF0] =	vst v0  }
0x43: {  	[tilespmem:s22+$0xFFFFFC70] =	vst v0  }
0x44: {  	[tilespmem:s22+$0xFFFFC7F0] =	vst v0  }
0x45: {  	[tilespmem:s22+$0xFFFFC770] =	vst v0  }
0x46: {  	[tilespmem:s22+$0xFFFFC6F0] =	vst v0  }
0x47: {  	[tilespmem:s22+$0xFFFFC670] =	vst v0  }
0x48: {  	[tilespmem:s22+$0xFFFFC5F0] =	vst v0  }
0x49: {  	[tilespmem:s22+$0xFFFFC570] =	vst v0  }
0x4a: {  	[tilespmem:s22+$0xFFFFC4F0] =	vst v0  }
0x4b: {  	[tilespmem:s22+$0xFFFFC470] =	vst v0  }
0x4c: {  	[tilespmem:s22+$0xFFFFFFE0] =	vst v0  }
0x4d: {  	[tilespmem:s22+$0xFFFFFF60] =	vst v0  }
0x4e: {  	[tilespmem:s22+$0xFFFFFEE0] =	vst v0  }
0x4f: {  	[tilespmem:s22+$0xFFFFFE60] =	vst v0  }
0x50: {  	[tilespmem:s22+$0xFFFFFDE0] =	vst v0  }
0x51: {  	[tilespmem:s22+$0xFFFFFD60] =	vst v0  }
0x52: {  	[tilespmem:s22+$0xFFFFFCE0] =	vst v0  }
0x53: {  	[tilespmem:s22+$0xFFFFFC60] =	vst v0  }
0x54: {  	[tilespmem:s22+$0xFFFFC7E0] =	vst v0  }
0x55: {  	[tilespmem:s22+$0xFFFFC760] =	vst v0  }
0x56: {  	[tilespmem:s22+$0xFFFFC6E0] =	vst v0  }
0x57: {  	[tilespmem:s22+$0xFFFFC660] =	vst v0  }
0x58: {  	[tilespmem:s22+$0xFFFFC5E0] =	vst v0  }
0x59: {  	[tilespmem:s22+$0xFFFFC560] =	vst v0  }
0x5a: {  	[tilespmem:s22+$0xFFFFC4E0] =	vst v0  }
0x5b: {  	[tilespmem:s22+$0xFFFFC460] =	vst v0  }
0x5c: {  	[tilespmem:s22+$0xFFFFFFD0] =	vst v0  }
0x5d: {  	[tilespmem:s22+$0xFFFFFF50] =	vst v0  }
0x5e: {  	[tilespmem:s22+$0xFFFFFED0] =	vst v0  }
0x5f: {  	[tilespmem:s22+$0xFFFFFE50] =	vst v0  }
0x60: {  	[tilespmem:s22+$0xFFFFFDD0] =	vst v0  }
0x61: {  	[tilespmem:s22+$0xFFFFFD50] =	vst v0  }
0x62: {  	[tilespmem:s22+$0xFFFFFCD0] =	vst v0  }
0x63: {  	[tilespmem:s22+$0xFFFFFC50] =	vst v0  }
0x64: {  	[tilespmem:s22+$0xFFFFC7D0] =	vst v0  }
0x65: {  	[tilespmem:s22+$0xFFFFC750] =	vst v0  }
0x66: {  	[tilespmem:s22+$0xFFFFC6D0] =	vst v0  }
0x67: {  	[tilespmem:s22+$0xFFFFC650] =	vst v0  }
0x68: {  	[tilespmem:s22+$0xFFFFC5D0] =	vst v0  }
0x69: {  	[tilespmem:s22+$0xFFFFC550] =	vst v0  }
0x6a: {  	[tilespmem:s22+$0xFFFFC4D0] =	vst v0  }
0x6b: {  	[tilespmem:s22+$0xFFFFC450] =	vst v0  }
0x6c: {  	[tilespmem:s22+$0xFFFFFFC0] =	vst v0  }
0x6d: {  	[tilespmem:s22+$0xFFFFFF40] =	vst v0  }
0x6e: {  	[tilespmem:s22+$0xFFFFFEC0] =	vst v0  }
0x6f: {  	[tilespmem:s22+$0xFFFFFE40] =	vst v0  }
0x70: {  	[tilespmem:s22+$0xFFFFFDC0] =	vst v0  }
0x71: {  	[tilespmem:s22+$0xFFFFFD40] =	vst v0  }
0x72: {  	[tilespmem:s22+$0xFFFFFCC0] =	vst v0  }
0x73: {  	[tilespmem:s22+$0xFFFFFC40] =	vst v0  }
0x74: {  	[tilespmem:s22+$0xFFFFC7C0] =	vst v0  }
0x75: {  	[tilespmem:s22+$0xFFFFC740] =	vst v0  }
0x76: {  	[tilespmem:s22+$0xFFFFC6C0] =	vst v0  }
0x77: {  	[tilespmem:s22+$0xFFFFC640] =	vst v0  }
0x78: {  	[tilespmem:s22+$0xFFFFC5C0] =	vst v0  }
0x79: {  	[tilespmem:s22+$0xFFFFC540] =	vst v0  }
0x7a: {  	[tilespmem:s22+$0xFFFFC4C0] =	vst v0  }
0x7b: {  	[tilespmem:s22+$0xFFFFC440] =	vst v0  }
0x7c: {  	[tilespmem:s22+$0xFFFFFFB0] =	vst v0  }
0x7d: {  	[tilespmem:s22+$0xFFFFFF30] =	vst v0  }
0x7e: {  	[tilespmem:s22+$0xFFFFFEB0] =	vst v0  }
0x7f: {  	[tilespmem:s22+$0xFFFFFE30] =	vst v0  }
0x80: {  	[tilespmem:s22+$0xFFFFFDB0] =	vst v0  }
0x81: {  	[tilespmem:s22+$0xFFFFFD30] =	vst v0  }
0x82: {  	[tilespmem:s22+$0xFFFFFCB0] =	vst v0  }
0x83: {  	[tilespmem:s22+$0xFFFFFC30] =	vst v0  }
0x84: {  	[tilespmem:s22+$0xFFFFC7B0] =	vst v0  }
0x85: {  	[tilespmem:s22+$0xFFFFC730] =	vst v0  }
0x86: {  	[tilespmem:s22+$0xFFFFC6B0] =	vst v0  }
0x87: {  	[tilespmem:s22+$0xFFFFC630] =	vst v0  }
0x88: {  	[tilespmem:s22+$0xFFFFC5B0] =	vst v0  }
0x89: {  	[tilespmem:s22+$0xFFFFC530] =	vst v0  }
0x8a: {  	[tilespmem:s22+$0xFFFFC4B0] =	vst v0  }
0x8b: {  	[tilespmem:s22+$0xFFFFC430] =	vst v0  }
0x8c: {  	[tilespmem:s22+$0xFFFFFFA0] =	vst v0  }
0x8d: {  	[tilespmem:s22+$0xFFFFFF20] =	vst v0  }
0x8e: {  	[tilespmem:s22+$0xFFFFFEA0] =	vst v0  }
0x8f: {  	[tilespmem:s22+$0xFFFFFE20] =	vst v0  }
0x90: {  	[tilespmem:s22+$0xFFFFFDA0] =	vst v0  }
0x91: {  	[tilespmem:s22+$0xFFFFFD20] =	vst v0  }
0x92: {  	[tilespmem:s22+$0xFFFFFCA0] =	vst v0  }
0x93: {  	[tilespmem:s22+$0xFFFFFC20] =	vst v0  }
0x94: {  	[tilespmem:s22+$0xFFFFC7A0] =	vst v0  }
0x95: {  	[tilespmem:s22+$0xFFFFC720] =	vst v0  }
0x96: {  	[tilespmem:s22+$0xFFFFC6A0] =	vst v0  }
0x97: {  	[tilespmem:s22+$0xFFFFC620] =	vst v0  }
0x98: {  	[tilespmem:s22+$0xFFFFC5A0] =	vst v0  }
0x99: {  	[tilespmem:s22+$0xFFFFC520] =	vst v0  }
0x9a: {  	[tilespmem:s22+$0xFFFFC4A0] =	vst v0  }
0x9b: {  	[tilespmem:s22+$0xFFFFC420] =	vst v0  }
0x9c: {  	[tilespmem:s22+$0xFFFFFF90] =	vst v0  }
0x9d: {  	[tilespmem:s22+$0xFFFFFF10] =	vst v0  }
0x9e: {  	p2 =	por @!p6 $0x0, $0x0;
	[tilespmem:s22+$0xFFFFFE90] =	vst v0  }
0x9f: {  	p5 =	por @!p4 $0x0, $0x0;
	p3 =	por @!p4 $0x1, $0x1;
	p4 =	por @!p4 $0x0, $0x0;
	[tilespmem:s22+$0xFFFFFE10] =	vst v0  }
0xa0: {  	p3 =	por @!p6 p2, p2;
	p4 =	por @!p6 p2, p2;
	p2 =	por @!p0 $0x1, $0x1;
	[tilespmem:s22+$0xFFFFFD90] =	vst v0  }
0xa1: {  	s0 =	simm.s32 @!p2 $0x0;
	[tilespmem:s22+$0xFFFFFD10] =	vst v0  }
0xa2: {  	s0 =	simm.s32 @p2 $0x1;
	[tilespmem:s22+$0xFFFFFC90] =	vst v0  }
0xa3: {  	[tilespmem:s22+$0xFFFFFC10] =	vst v0;
	[smem:$0x7F7] =	sst s0  }
0xa4: {  	[tilespmem:s22+$0xFFFFC790] =	vst v0;
	s0 =	sld [smem:$0x7F7]  }
0xa5: {  	s31 =	sld [smem:$0x7FB];
	p2 =	por @!p6 $0x1, $0x1;
	[tilespmem:s22+$0xFFFFC710] =	vst v0  }
0xa6: {  	[tilespmem:s22+$0xFFFFC690] =	vst v0;
	p5 =	por @!p6 p2, p2;
	p2 =	por @!p0 $0x0, $0x0;
	p0 =	por @!p1 $0x0, $0x0  }
0xa7: {  	[tilespmem:s22+$0xFFFFC610] =	vst v0;
	p2 =	por @!p1 p0, p0;
	p6 =	seq.s32 s0, $0x1;
	s0 =	simm.s32 $0x0  }
0xa8: {  	[tilespmem:s22+$0xFFFFC590] =	vst v0;
	p6 =	por @!p1 p0, p0;
	p1 =	por p3, p3;
	p3 =	seq.s32 s31, $0x1  }
0xa9: {  	[tilespmem:s22+$0xFFFFC510] =	vst v0;
	p4 =	por @!p3 p6, p6;
	p1 =	por @!p3 p2, p2;
	p5 =	por @!p3 p2, p2  }
.LBB2_2:
0xaa: {  	s0 =	sadd.s32 $0x8, s0;
	[tilespmem:s22+$0xFFFFC490] =	vst v0;
	s22 =	sadd.s32 $0x400, s22;
	s21 =	simm.s32 $0x161F0  }
0xab: {  	[tilespmem:s22+$0xFFFFC410] =	vst v0;
	p2 =	slt.u32 s0, $0x68  }
0xac: {  	[tilespmem:s22+$0x0] =	vst v0  }
0xad: {  	[tilespmem:s22+$0xFFFFFF80] =	vst v0  }
0xae: {  	[tilespmem:s22+$0xFFFFFF00] =	vst v0  }
0xaf: {  	[tilespmem:s22+$0xFFFFFE80] =	vst v0  }
0xb0: {  	[tilespmem:s22+$0xFFFFFE00] =	vst v0  }
0xb1: {  	[tilespmem:s22+$0xFFFFFD80] =	vst v0  }
0xb2: {  	[tilespmem:s22+$0xFFFFFD00] =	vst v0  }
0xb3: {  	[tilespmem:s22+$0xFFFFFC80] =	vst v0  }
0xb4: {  	[tilespmem:s22+$0xFFFFC800] =	vst v0  }
0xb5: {  	[tilespmem:s22+$0xFFFFC780] =	vst v0  }
0xb6: {  	[tilespmem:s22+$0xFFFFC700] =	vst v0  }
0xb7: {  	[tilespmem:s22+$0xFFFFC680] =	vst v0  }
0xb8: {  	[tilespmem:s22+$0xFFFFC600] =	vst v0  }
0xb9: {  	[tilespmem:s22+$0xFFFFC580] =	vst v0  }
0xba: {  	[tilespmem:s22+$0xFFFFC500] =	vst v0  }
0xbb: {  	[tilespmem:s22+$0xFFFFC480] =	vst v0  }
0xbc: {  	[tilespmem:s22+$0xFFFFFFF0] =	vst v0  }
0xbd: {  	[tilespmem:s22+$0xFFFFFF70] =	vst v0  }
0xbe: {  	[tilespmem:s22+$0xFFFFFEF0] =	vst v0  }
0xbf: {  	[tilespmem:s22+$0xFFFFFE70] =	vst v0  }
0xc0: {  	[tilespmem:s22+$0xFFFFFDF0] =	vst v0  }
0xc1: {  	[tilespmem:s22+$0xFFFFFD70] =	vst v0  }
0xc2: {  	[tilespmem:s22+$0xFFFFFCF0] =	vst v0  }
0xc3: {  	[tilespmem:s22+$0xFFFFFC70] =	vst v0  }
0xc4: {  	[tilespmem:s22+$0xFFFFC7F0] =	vst v0  }
0xc5: {  	[tilespmem:s22+$0xFFFFC770] =	vst v0  }
0xc6: {  	[tilespmem:s22+$0xFFFFC6F0] =	vst v0  }
0xc7: {  	[tilespmem:s22+$0xFFFFC670] =	vst v0  }
0xc8: {  	[tilespmem:s22+$0xFFFFC5F0] =	vst v0  }
0xc9: {  	[tilespmem:s22+$0xFFFFC570] =	vst v0  }
0xca: {  	[tilespmem:s22+$0xFFFFC4F0] =	vst v0  }
0xcb: {  	[tilespmem:s22+$0xFFFFC470] =	vst v0  }
0xcc: {  	[tilespmem:s22+$0xFFFFFFE0] =	vst v0  }
0xcd: {  	[tilespmem:s22+$0xFFFFFF60] =	vst v0  }
0xce: {  	[tilespmem:s22+$0xFFFFFEE0] =	vst v0  }
0xcf: {  	[tilespmem:s22+$0xFFFFFE60] =	vst v0  }
0xd0: {  	[tilespmem:s22+$0xFFFFFDE0] =	vst v0  }
0xd1: {  	[tilespmem:s22+$0xFFFFFD60] =	vst v0  }
0xd2: {  	[tilespmem:s22+$0xFFFFFCE0] =	vst v0  }
0xd3: {  	[tilespmem:s22+$0xFFFFFC60] =	vst v0  }
0xd4: {  	[tilespmem:s22+$0xFFFFC7E0] =	vst v0  }
0xd5: {  	[tilespmem:s22+$0xFFFFC760] =	vst v0  }
0xd6: {  	[tilespmem:s22+$0xFFFFC6E0] =	vst v0  }
0xd7: {  	[tilespmem:s22+$0xFFFFC660] =	vst v0  }
0xd8: {  	[tilespmem:s22+$0xFFFFC5E0] =	vst v0  }
0xd9: {  	[tilespmem:s22+$0xFFFFC560] =	vst v0  }
0xda: {  	[tilespmem:s22+$0xFFFFC4E0] =	vst v0  }
0xdb: {  	[tilespmem:s22+$0xFFFFC460] =	vst v0  }
0xdc: {  	[tilespmem:s22+$0xFFFFFFD0] =	vst v0  }
0xdd: {  	[tilespmem:s22+$0xFFFFFF50] =	vst v0  }
0xde: {  	[tilespmem:s22+$0xFFFFFED0] =	vst v0  }
0xdf: {  	[tilespmem:s22+$0xFFFFFE50] =	vst v0  }
0xe0: {  	[tilespmem:s22+$0xFFFFFDD0] =	vst v0  }
0xe1: {  	[tilespmem:s22+$0xFFFFFD50] =	vst v0  }
0xe2: {  	[tilespmem:s22+$0xFFFFFCD0] =	vst v0  }
0xe3: {  	[tilespmem:s22+$0xFFFFFC50] =	vst v0  }
0xe4: {  	[tilespmem:s22+$0xFFFFC7D0] =	vst v0  }
0xe5: {  	[tilespmem:s22+$0xFFFFC750] =	vst v0  }
0xe6: {  	[tilespmem:s22+$0xFFFFC6D0] =	vst v0  }
0xe7: {  	[tilespmem:s22+$0xFFFFC650] =	vst v0  }
0xe8: {  	[tilespmem:s22+$0xFFFFC5D0] =	vst v0  }
0xe9: {  	[tilespmem:s22+$0xFFFFC550] =	vst v0  }
0xea: {  	[tilespmem:s22+$0xFFFFC4D0] =	vst v0  }
0xeb: {  	[tilespmem:s22+$0xFFFFC450] =	vst v0  }
0xec: {  	[tilespmem:s22+$0xFFFFFFC0] =	vst v0  }
0xed: {  	[tilespmem:s22+$0xFFFFFF40] =	vst v0  }
0xee: {  	[tilespmem:s22+$0xFFFFFEC0] =	vst v0  }
0xef: {  	[tilespmem:s22+$0xFFFFFE40] =	vst v0  }
0xf0: {  	[tilespmem:s22+$0xFFFFFDC0] =	vst v0  }
0xf1: {  	[tilespmem:s22+$0xFFFFFD40] =	vst v0  }
0xf2: {  	[tilespmem:s22+$0xFFFFFCC0] =	vst v0  }
0xf3: {  	[tilespmem:s22+$0xFFFFFC40] =	vst v0  }
0xf4: {  	[tilespmem:s22+$0xFFFFC7C0] =	vst v0  }
0xf5: {  	[tilespmem:s22+$0xFFFFC740] =	vst v0  }
0xf6: {  	[tilespmem:s22+$0xFFFFC6C0] =	vst v0  }
0xf7: {  	[tilespmem:s22+$0xFFFFC640] =	vst v0  }
0xf8: {  	[tilespmem:s22+$0xFFFFC5C0] =	vst v0  }
0xf9: {  	[tilespmem:s22+$0xFFFFC540] =	vst v0  }
0xfa: {  	[tilespmem:s22+$0xFFFFC4C0] =	vst v0  }
0xfb: {  	[tilespmem:s22+$0xFFFFC440] =	vst v0  }
0xfc: {  	[tilespmem:s22+$0xFFFFFFB0] =	vst v0  }
0xfd: {  	[tilespmem:s22+$0xFFFFFF30] =	vst v0  }
0xfe: {  	[tilespmem:s22+$0xFFFFFEB0] =	vst v0  }
0xff: {  	[tilespmem:s22+$0xFFFFFE30] =	vst v0  }
0x100: {  	[tilespmem:s22+$0xFFFFFDB0] =	vst v0  }
0x101: {  	[tilespmem:s22+$0xFFFFFD30] =	vst v0  }
0x102: {  	[tilespmem:s22+$0xFFFFFCB0] =	vst v0  }
0x103: {  	[tilespmem:s22+$0xFFFFFC30] =	vst v0  }
0x104: {  	[tilespmem:s22+$0xFFFFC7B0] =	vst v0  }
0x105: {  	[tilespmem:s22+$0xFFFFC730] =	vst v0  }
0x106: {  	[tilespmem:s22+$0xFFFFC6B0] =	vst v0  }
0x107: {  	[tilespmem:s22+$0xFFFFC630] =	vst v0  }
0x108: {  	[tilespmem:s22+$0xFFFFC5B0] =	vst v0  }
0x109: {  	[tilespmem:s22+$0xFFFFC530] =	vst v0  }
0x10a: {  	[tilespmem:s22+$0xFFFFC4B0] =	vst v0  }
0x10b: {  	[tilespmem:s22+$0xFFFFC430] =	vst v0  }
0x10c: {  	[tilespmem:s22+$0xFFFFFFA0] =	vst v0  }
0x10d: {  	[tilespmem:s22+$0xFFFFFF20] =	vst v0  }
0x10e: {  	[tilespmem:s22+$0xFFFFFEA0] =	vst v0  }
0x10f: {  	[tilespmem:s22+$0xFFFFFE20] =	vst v0  }
0x110: {  	[tilespmem:s22+$0xFFFFFDA0] =	vst v0  }
0x111: {  	[tilespmem:s22+$0xFFFFFD20] =	vst v0  }
0x112: {  	[tilespmem:s22+$0xFFFFFCA0] =	vst v0  }
0x113: {  	[tilespmem:s22+$0xFFFFFC20] =	vst v0  }
0x114: {  	[tilespmem:s22+$0xFFFFC7A0] =	vst v0  }
0x115: {  	[tilespmem:s22+$0xFFFFC720] =	vst v0  }
0x116: {  	[tilespmem:s22+$0xFFFFC6A0] =	vst v0  }
0x117: {  	[tilespmem:s22+$0xFFFFC620] =	vst v0  }
0x118: {  	[tilespmem:s22+$0xFFFFC5A0] =	vst v0  }
0x119: {  	[tilespmem:s22+$0xFFFFC520] =	vst v0  }
0x11a: {  	[tilespmem:s22+$0xFFFFC4A0] =	vst v0  }
0x11b: {  	[tilespmem:s22+$0xFFFFC420] =	vst v0  }
0x11c: {  	[tilespmem:s22+$0xFFFFFF90] =	vst v0  }
0x11d: {  	[tilespmem:s22+$0xFFFFFF10] =	vst v0  }
0x11e: {  	[tilespmem:s22+$0xFFFFFE90] =	vst v0  }
0x11f: {  	[tilespmem:s22+$0xFFFFFE10] =	vst v0  }
0x120: {  	[tilespmem:s22+$0xFFFFFD90] =	vst v0  }
0x121: {  	[tilespmem:s22+$0xFFFFFD10] =	vst v0  }
0x122: {  	[tilespmem:s22+$0xFFFFFC90] =	vst v0  }
0x123: {  	[tilespmem:s22+$0xFFFFFC10] =	vst v0  }
0x124: {  	[tilespmem:s22+$0xFFFFC790] =	vst v0  }
.Ltmp0:
0x125: {  	[tilespmem:s22+$0xFFFFC710] =	vst v0;
	(pc) =	sbr.rel @p2 .LBB2_2-.Ltmp0, $4  }
0x126: {  	[tilespmem:s22+$0xFFFFC690] =	vst v0  }
0x127: {  	[tilespmem:s22+$0xFFFFC610] =	vst v0  }
0x128: {  	[tilespmem:s22+$0xFFFFC590] =	vst v0  }
0x129: {  	[tilespmem:s22+$0xFFFFC510] =	vst v0  }
0x12a: {  	[tilespmem:s22+$0xFFFFC490] =	vst v0  }
0x12b: {  	[tilespmem:s21+$0xFFFFC410] =	vst v0  }
0x12c: {  	[tilespmem:s21+$0x0] =	vst v0  }
0x12d: {  	[tilespmem:s21+$0xFFFFFF80] =	vst v0  }
0x12e: {  	[tilespmem:s21+$0xFFFFFF00] =	vst v0  }
0x12f: {  	[tilespmem:s21+$0xFFFFFE80] =	vst v0  }
0x130: {  	[tilespmem:s21+$0xFFFFFE00] =	vst v0  }
0x131: {  	[tilespmem:s21+$0xFFFFFD80] =	vst v0  }
0x132: {  	[tilespmem:s21+$0xFFFFFD00] =	vst v0  }
0x133: {  	[tilespmem:s21+$0xFFFFFC80] =	vst v0  }
0x134: {  	[tilespmem:s21+$0xFFFFC800] =	vst v0  }
0x135: {  	[tilespmem:s21+$0xFFFFC780] =	vst v0  }
0x136: {  	[tilespmem:s21+$0xFFFFC700] =	vst v0  }
0x137: {  	[tilespmem:s21+$0xFFFFC680] =	vst v0  }
0x138: {  	[tilespmem:s21+$0xFFFFC600] =	vst v0  }
0x139: {  	[tilespmem:s21+$0xFFFFC580] =	vst v0  }
0x13a: {  	[tilespmem:s21+$0xFFFFC500] =	vst v0  }
0x13b: {  	[tilespmem:s21+$0xFFFFC480] =	vst v0  }
0x13c: {  	[tilespmem:s21+$0xFFFFFFF0] =	vst v0  }
0x13d: {  	[tilespmem:s21+$0xFFFFFF70] =	vst v0  }
0x13e: {  	[tilespmem:s21+$0xFFFFFEF0] =	vst v0  }
0x13f: {  	[tilespmem:s21+$0xFFFFFE70] =	vst v0  }
0x140: {  	[tilespmem:s21+$0xFFFFFDF0] =	vst v0  }
0x141: {  	[tilespmem:s21+$0xFFFFFD70] =	vst v0  }
0x142: {  	[tilespmem:s21+$0xFFFFFCF0] =	vst v0  }
0x143: {  	[tilespmem:s21+$0xFFFFFC70] =	vst v0  }
0x144: {  	[tilespmem:s21+$0xFFFFC7F0] =	vst v0  }
0x145: {  	[tilespmem:s21+$0xFFFFC770] =	vst v0  }
0x146: {  	[tilespmem:s21+$0xFFFFC6F0] =	vst v0  }
0x147: {  	[tilespmem:s21+$0xFFFFC670] =	vst v0  }
0x148: {  	[tilespmem:s21+$0xFFFFC5F0] =	vst v0  }
0x149: {  	[tilespmem:s21+$0xFFFFC570] =	vst v0  }
0x14a: {  	[tilespmem:s21+$0xFFFFC4F0] =	vst v0  }
0x14b: {  	[tilespmem:s21+$0xFFFFC470] =	vst v0  }
0x14c: {  	[tilespmem:s21+$0xFFFFFFE0] =	vst v0  }
0x14d: {  	[tilespmem:s21+$0xFFFFFF60] =	vst v0  }
0x14e: {  	[tilespmem:s21+$0xFFFFFEE0] =	vst v0  }
0x14f: {  	[tilespmem:s21+$0xFFFFFE60] =	vst v0  }
0x150: {  	[tilespmem:s21+$0xFFFFFDE0] =	vst v0  }
0x151: {  	[tilespmem:s21+$0xFFFFFD60] =	vst v0  }
0x152: {  	[tilespmem:s21+$0xFFFFFCE0] =	vst v0  }
0x153: {  	[tilespmem:s21+$0xFFFFFC60] =	vst v0  }
0x154: {  	[tilespmem:s21+$0xFFFFC7E0] =	vst v0  }
0x155: {  	[tilespmem:s21+$0xFFFFC760] =	vst v0  }
0x156: {  	[tilespmem:s21+$0xFFFFC6E0] =	vst v0  }
0x157: {  	[tilespmem:s21+$0xFFFFC660] =	vst v0  }
0x158: {  	[tilespmem:s21+$0xFFFFC5E0] =	vst v0  }
0x159: {  	[tilespmem:s21+$0xFFFFC560] =	vst v0  }
0x15a: {  	[tilespmem:s21+$0xFFFFC4E0] =	vst v0  }
0x15b: {  	[tilespmem:s21+$0xFFFFC460] =	vst v0  }
0x15c: {  	[tilespmem:s21+$0xFFFFFFD0] =	vst v0  }
0x15d: {  	[tilespmem:s21+$0xFFFFFF50] =	vst v0  }
0x15e: {  	[tilespmem:s21+$0xFFFFFED0] =	vst v0  }
0x15f: {  	[tilespmem:s21+$0xFFFFFE50] =	vst v0  }
0x160: {  	[tilespmem:s21+$0xFFFFFDD0] =	vst v0  }
0x161: {  	[tilespmem:s21+$0xFFFFFD50] =	vst v0  }
0x162: {  	[tilespmem:s21+$0xFFFFFCD0] =	vst v0  }
0x163: {  	[tilespmem:s21+$0xFFFFFC50] =	vst v0  }
0x164: {  	[tilespmem:s21+$0xFFFFC7D0] =	vst v0  }
0x165: {  	[tilespmem:s21+$0xFFFFC750] =	vst v0  }
0x166: {  	[tilespmem:s21+$0xFFFFC6D0] =	vst v0  }
0x167: {  	[tilespmem:s21+$0xFFFFC650] =	vst v0  }
0x168: {  	[tilespmem:s21+$0xFFFFC5D0] =	vst v0  }
0x169: {  	[tilespmem:s21+$0xFFFFC550] =	vst v0  }
0x16a: {  	[tilespmem:s21+$0xFFFFC4D0] =	vst v0  }
0x16b: {  	[tilespmem:s21+$0xFFFFC450] =	vst v0  }
0x16c: {  	[tilespmem:s21+$0xFFFFFFC0] =	vst v0  }
0x16d: {  	[tilespmem:s21+$0xFFFFFF40] =	vst v0  }
0x16e: {  	[tilespmem:s21+$0xFFFFFEC0] =	vst v0  }
0x16f: {  	[tilespmem:s21+$0xFFFFFE40] =	vst v0  }
0x170: {  	[tilespmem:s21+$0xFFFFFDC0] =	vst v0  }
0x171: {  	[tilespmem:s21+$0xFFFFFD40] =	vst v0  }
0x172: {  	[tilespmem:s21+$0xFFFFFCC0] =	vst v0  }
0x173: {  	[tilespmem:s21+$0xFFFFFC40] =	vst v0  }
0x174: {  	[tilespmem:s21+$0xFFFFC7C0] =	vst v0  }
0x175: {  	[tilespmem:s21+$0xFFFFC740] =	vst v0  }
0x176: {  	[tilespmem:s21+$0xFFFFC6C0] =	vst v0  }
0x177: {  	[tilespmem:s21+$0xFFFFC640] =	vst v0  }
0x178: {  	[tilespmem:s21+$0xFFFFC5C0] =	vst v0  }
0x179: {  	[tilespmem:s21+$0xFFFFC540] =	vst v0  }
0x17a: {  	[tilespmem:s21+$0xFFFFC4C0] =	vst v0  }
0x17b: {  	[tilespmem:s21+$0xFFFFC440] =	vst v0  }
0x17c: {  	[tilespmem:s21+$0xFFFFFFB0] =	vst v0  }
0x17d: {  	[tilespmem:s21+$0xFFFFFF30] =	vst v0  }
0x17e: {  	[tilespmem:s21+$0xFFFFFEB0] =	vst v0  }
0x17f: {  	[tilespmem:s21+$0xFFFFFE30] =	vst v0  }
0x180: {  	[tilespmem:s21+$0xFFFFFDB0] =	vst v0  }
0x181: {  	[tilespmem:s21+$0xFFFFFD30] =	vst v0  }
0x182: {  	[tilespmem:s21+$0xFFFFFCB0] =	vst v0  }
0x183: {  	[tilespmem:s21+$0xFFFFFC30] =	vst v0  }
0x184: {  	[tilespmem:s21+$0xFFFFC7B0] =	vst v0  }
0x185: {  	[tilespmem:s21+$0xFFFFC730] =	vst v0  }
0x186: {  	[tilespmem:s21+$0xFFFFC6B0] =	vst v0  }
0x187: {  	[tilespmem:s21+$0xFFFFC630] =	vst v0  }
0x188: {  	[tilespmem:s21+$0xFFFFC5B0] =	vst v0  }
0x189: {  	[tilespmem:s21+$0xFFFFC530] =	vst v0  }
0x18a: {  	[tilespmem:s21+$0xFFFFC4B0] =	vst v0  }
0x18b: {  	[tilespmem:s21+$0xFFFFC430] =	vst v0  }
0x18c: {  	[tilespmem:s21+$0xFFFFFFA0] =	vst v0  }
0x18d: {  	[tilespmem:s21+$0xFFFFFF20] =	vst v0  }
0x18e: {  	[tilespmem:s21+$0xFFFFFEA0] =	vst v0  }
0x18f: {  	[tilespmem:s21+$0xFFFFFE20] =	vst v0  }
0x190: {  	[tilespmem:s21+$0xFFFFFDA0] =	vst v0  }
0x191: {  	[tilespmem:s21+$0xFFFFFD20] =	vst v0  }
0x192: {  	[tilespmem:s21+$0xFFFFFCA0] =	vst v0  }
0x193: {  	[tilespmem:s21+$0xFFFFFC20] =	vst v0  }
0x194: {  	[tilespmem:s21+$0xFFFFC7A0] =	vst v0  }
0x195: {  	[tilespmem:s21+$0xFFFFC720] =	vst v0  }
0x196: {  	[tilespmem:s21+$0xFFFFC6A0] =	vst v0  }
0x197: {  	[tilespmem:s21+$0xFFFFC620] =	vst v0  }
0x198: {  	[tilespmem:s21+$0xFFFFC5A0] =	vst v0  }
0x199: {  	[tilespmem:s21+$0xFFFFC520] =	vst v0  }
0x19a: {  	[tilespmem:s21+$0xFFFFC4A0] =	vst v0  }
0x19b: {  	[tilespmem:s21+$0xFFFFC420] =	vst v0  }
0x19c: {  	[tilespmem:s21+$0xFFFFFF90] =	vst v0  }
0x19d: {  	[tilespmem:s21+$0xFFFFFF10] =	vst v0  }
0x19e: {  	[tilespmem:s21+$0xFFFFFE90] =	vst v0  }
0x19f: {  	[tilespmem:s21+$0xFFFFFE10] =	vst v0  }
0x1a0: {  	[tilespmem:s21+$0xFFFFFD90] =	vst v0  }
0x1a1: {  	[tilespmem:s21+$0xFFFFFD10] =	vst v0  }
0x1a2: {  	[tilespmem:s21+$0xFFFFFC90] =	vst v0  }
0x1a3: {  	[tilespmem:s21+$0xFFFFFC10] =	vst v0  }
0x1a4: {  	[tilespmem:s21+$0xFFFFC790] =	vst v0  }
0x1a5: {  	[tilespmem:s21+$0xFFFFC710] =	vst v0  }
0x1a6: {  	[tilespmem:s21+$0xFFFFC690] =	vst v0  }
0x1a7: {  	[tilespmem:s21+$0xFFFFC610] =	vst v0  }
0x1a8: {  	[tilespmem:s21+$0xFFFFC590] =	vst v0  }
0x1a9: {  	s0 =	simm.s32 $0x0;
	[tilespmem:s21+$0xFFFFC510] =	vst v0  }
.LBB2_4:
0x1aa: {  	s0 =	sadd.s32 $0x8, s0;
	[tilespmem:s21+$0xFFFFC490] =	vst v0;
	s21 =	sadd.s32 $0x400, s21  }
0x1ab: {  	[tilespmem:s21+$0xFFFFC410] =	vst v0;
	p2 =	slt.u32 s0, $0x68  }
0x1ac: {  	[tilespmem:s21+$0x0] =	vst v0  }
0x1ad: {  	[tilespmem:s21+$0xFFFFFF80] =	vst v0  }
0x1ae: {  	[tilespmem:s21+$0xFFFFFF00] =	vst v0  }
0x1af: {  	[tilespmem:s21+$0xFFFFFE80] =	vst v0  }
0x1b0: {  	[tilespmem:s21+$0xFFFFFE00] =	vst v0  }
0x1b1: {  	[tilespmem:s21+$0xFFFFFD80] =	vst v0  }
0x1b2: {  	[tilespmem:s21+$0xFFFFFD00] =	vst v0  }
0x1b3: {  	[tilespmem:s21+$0xFFFFFC80] =	vst v0  }
0x1b4: {  	[tilespmem:s21+$0xFFFFC800] =	vst v0  }
0x1b5: {  	[tilespmem:s21+$0xFFFFC780] =	vst v0  }
0x1b6: {  	[tilespmem:s21+$0xFFFFC700] =	vst v0  }
0x1b7: {  	[tilespmem:s21+$0xFFFFC680] =	vst v0  }
0x1b8: {  	[tilespmem:s21+$0xFFFFC600] =	vst v0  }
0x1b9: {  	[tilespmem:s21+$0xFFFFC580] =	vst v0  }
0x1ba: {  	[tilespmem:s21+$0xFFFFC500] =	vst v0  }
0x1bb: {  	[tilespmem:s21+$0xFFFFC480] =	vst v0  }
0x1bc: {  	[tilespmem:s21+$0xFFFFFFF0] =	vst v0  }
0x1bd: {  	[tilespmem:s21+$0xFFFFFF70] =	vst v0  }
0x1be: {  	[tilespmem:s21+$0xFFFFFEF0] =	vst v0  }
0x1bf: {  	[tilespmem:s21+$0xFFFFFE70] =	vst v0  }
0x1c0: {  	[tilespmem:s21+$0xFFFFFDF0] =	vst v0  }
0x1c1: {  	[tilespmem:s21+$0xFFFFFD70] =	vst v0  }
0x1c2: {  	[tilespmem:s21+$0xFFFFFCF0] =	vst v0  }
0x1c3: {  	[tilespmem:s21+$0xFFFFFC70] =	vst v0  }
0x1c4: {  	[tilespmem:s21+$0xFFFFC7F0] =	vst v0  }
0x1c5: {  	[tilespmem:s21+$0xFFFFC770] =	vst v0  }
0x1c6: {  	[tilespmem:s21+$0xFFFFC6F0] =	vst v0  }
0x1c7: {  	[tilespmem:s21+$0xFFFFC670] =	vst v0  }
0x1c8: {  	[tilespmem:s21+$0xFFFFC5F0] =	vst v0  }
0x1c9: {  	[tilespmem:s21+$0xFFFFC570] =	vst v0  }
0x1ca: {  	[tilespmem:s21+$0xFFFFC4F0] =	vst v0  }
0x1cb: {  	[tilespmem:s21+$0xFFFFC470] =	vst v0  }
0x1cc: {  	[tilespmem:s21+$0xFFFFFFE0] =	vst v0  }
0x1cd: {  	[tilespmem:s21+$0xFFFFFF60] =	vst v0  }
0x1ce: {  	[tilespmem:s21+$0xFFFFFEE0] =	vst v0  }
0x1cf: {  	[tilespmem:s21+$0xFFFFFE60] =	vst v0  }
0x1d0: {  	[tilespmem:s21+$0xFFFFFDE0] =	vst v0  }
0x1d1: {  	[tilespmem:s21+$0xFFFFFD60] =	vst v0  }
0x1d2: {  	[tilespmem:s21+$0xFFFFFCE0] =	vst v0  }
0x1d3: {  	[tilespmem:s21+$0xFFFFFC60] =	vst v0  }
0x1d4: {  	[tilespmem:s21+$0xFFFFC7E0] =	vst v0  }
0x1d5: {  	[tilespmem:s21+$0xFFFFC760] =	vst v0  }
0x1d6: {  	[tilespmem:s21+$0xFFFFC6E0] =	vst v0  }
0x1d7: {  	[tilespmem:s21+$0xFFFFC660] =	vst v0  }
0x1d8: {  	[tilespmem:s21+$0xFFFFC5E0] =	vst v0  }
0x1d9: {  	[tilespmem:s21+$0xFFFFC560] =	vst v0  }
0x1da: {  	[tilespmem:s21+$0xFFFFC4E0] =	vst v0  }
0x1db: {  	[tilespmem:s21+$0xFFFFC460] =	vst v0  }
0x1dc: {  	[tilespmem:s21+$0xFFFFFFD0] =	vst v0  }
0x1dd: {  	[tilespmem:s21+$0xFFFFFF50] =	vst v0  }
0x1de: {  	[tilespmem:s21+$0xFFFFFED0] =	vst v0  }
0x1df: {  	[tilespmem:s21+$0xFFFFFE50] =	vst v0  }
0x1e0: {  	[tilespmem:s21+$0xFFFFFDD0] =	vst v0  }
0x1e1: {  	[tilespmem:s21+$0xFFFFFD50] =	vst v0  }
0x1e2: {  	[tilespmem:s21+$0xFFFFFCD0] =	vst v0  }
0x1e3: {  	[tilespmem:s21+$0xFFFFFC50] =	vst v0  }
0x1e4: {  	[tilespmem:s21+$0xFFFFC7D0] =	vst v0  }
0x1e5: {  	[tilespmem:s21+$0xFFFFC750] =	vst v0  }
0x1e6: {  	[tilespmem:s21+$0xFFFFC6D0] =	vst v0  }
0x1e7: {  	[tilespmem:s21+$0xFFFFC650] =	vst v0  }
0x1e8: {  	[tilespmem:s21+$0xFFFFC5D0] =	vst v0  }
0x1e9: {  	[tilespmem:s21+$0xFFFFC550] =	vst v0  }
0x1ea: {  	[tilespmem:s21+$0xFFFFC4D0] =	vst v0  }
0x1eb: {  	[tilespmem:s21+$0xFFFFC450] =	vst v0  }
0x1ec: {  	[tilespmem:s21+$0xFFFFFFC0] =	vst v0  }
0x1ed: {  	[tilespmem:s21+$0xFFFFFF40] =	vst v0  }
0x1ee: {  	[tilespmem:s21+$0xFFFFFEC0] =	vst v0  }
0x1ef: {  	[tilespmem:s21+$0xFFFFFE40] =	vst v0  }
0x1f0: {  	[tilespmem:s21+$0xFFFFFDC0] =	vst v0  }
0x1f1: {  	[tilespmem:s21+$0xFFFFFD40] =	vst v0  }
0x1f2: {  	[tilespmem:s21+$0xFFFFFCC0] =	vst v0  }
0x1f3: {  	[tilespmem:s21+$0xFFFFFC40] =	vst v0  }
0x1f4: {  	[tilespmem:s21+$0xFFFFC7C0] =	vst v0  }
0x1f5: {  	[tilespmem:s21+$0xFFFFC740] =	vst v0  }
0x1f6: {  	[tilespmem:s21+$0xFFFFC6C0] =	vst v0  }
0x1f7: {  	[tilespmem:s21+$0xFFFFC640] =	vst v0  }
0x1f8: {  	[tilespmem:s21+$0xFFFFC5C0] =	vst v0  }
0x1f9: {  	[tilespmem:s21+$0xFFFFC540] =	vst v0  }
0x1fa: {  	[tilespmem:s21+$0xFFFFC4C0] =	vst v0  }
0x1fb: {  	[tilespmem:s21+$0xFFFFC440] =	vst v0  }
0x1fc: {  	[tilespmem:s21+$0xFFFFFFB0] =	vst v0  }
0x1fd: {  	[tilespmem:s21+$0xFFFFFF30] =	vst v0  }
0x1fe: {  	[tilespmem:s21+$0xFFFFFEB0] =	vst v0  }
0x1ff: {  	[tilespmem:s21+$0xFFFFFE30] =	vst v0  }
0x200: {  	[tilespmem:s21+$0xFFFFFDB0] =	vst v0  }
0x201: {  	[tilespmem:s21+$0xFFFFFD30] =	vst v0  }
0x202: {  	[tilespmem:s21+$0xFFFFFCB0] =	vst v0  }
0x203: {  	[tilespmem:s21+$0xFFFFFC30] =	vst v0  }
0x204: {  	[tilespmem:s21+$0xFFFFC7B0] =	vst v0  }
0x205: {  	[tilespmem:s21+$0xFFFFC730] =	vst v0  }
0x206: {  	[tilespmem:s21+$0xFFFFC6B0] =	vst v0  }
0x207: {  	[tilespmem:s21+$0xFFFFC630] =	vst v0  }
0x208: {  	[tilespmem:s21+$0xFFFFC5B0] =	vst v0  }
0x209: {  	[tilespmem:s21+$0xFFFFC530] =	vst v0  }
0x20a: {  	[tilespmem:s21+$0xFFFFC4B0] =	vst v0  }
0x20b: {  	[tilespmem:s21+$0xFFFFC430] =	vst v0  }
0x20c: {  	[tilespmem:s21+$0xFFFFFFA0] =	vst v0  }
0x20d: {  	[tilespmem:s21+$0xFFFFFF20] =	vst v0  }
0x20e: {  	[tilespmem:s21+$0xFFFFFEA0] =	vst v0  }
0x20f: {  	[tilespmem:s21+$0xFFFFFE20] =	vst v0  }
0x210: {  	[tilespmem:s21+$0xFFFFFDA0] =	vst v0  }
0x211: {  	[tilespmem:s21+$0xFFFFFD20] =	vst v0  }
0x212: {  	[tilespmem:s21+$0xFFFFFCA0] =	vst v0  }
0x213: {  	[tilespmem:s21+$0xFFFFFC20] =	vst v0  }
0x214: {  	[tilespmem:s21+$0xFFFFC7A0] =	vst v0  }
0x215: {  	[tilespmem:s21+$0xFFFFC720] =	vst v0  }
0x216: {  	[tilespmem:s21+$0xFFFFC6A0] =	vst v0  }
0x217: {  	[tilespmem:s21+$0xFFFFC620] =	vst v0  }
0x218: {  	[tilespmem:s21+$0xFFFFC5A0] =	vst v0  }
0x219: {  	[tilespmem:s21+$0xFFFFC520] =	vst v0  }
0x21a: {  	[tilespmem:s21+$0xFFFFC4A0] =	vst v0  }
0x21b: {  	[tilespmem:s21+$0xFFFFC420] =	vst v0  }
0x21c: {  	[tilespmem:s21+$0xFFFFFF90] =	vst v0  }
0x21d: {  	[tilespmem:s21+$0xFFFFFF10] =	vst v0  }
0x21e: {  	[tilespmem:s21+$0xFFFFFE90] =	vst v0  }
0x21f: {  	[tilespmem:s21+$0xFFFFFE10] =	vst v0  }
0x220: {  	[tilespmem:s21+$0xFFFFFD90] =	vst v0  }
0x221: {  	[tilespmem:s21+$0xFFFFFD10] =	vst v0  }
0x222: {  	[tilespmem:s21+$0xFFFFFC90] =	vst v0  }
0x223: {  	[tilespmem:s21+$0xFFFFFC10] =	vst v0  }
0x224: {  	[tilespmem:s21+$0xFFFFC790] =	vst v0  }
.Ltmp1:
0x225: {  	[tilespmem:s21+$0xFFFFC710] =	vst v0;
	(pc) =	sbr.rel @p2 .LBB2_4-.Ltmp1, $4  }
0x226: {  	[tilespmem:s21+$0xFFFFC690] =	vst v0  }
0x227: {  	[tilespmem:s21+$0xFFFFC610] =	vst v0  }
0x228: {  	[tilespmem:s21+$0xFFFFC590] =	vst v0  }
0x229: {  	[tilespmem:s21+$0xFFFFC510] =	vst v0  }
0x22a: {  	s0 =	sld [smem:$0x7FD];
	_ =	sdelay $0x2  }
0x22b: {  	p0 =	seq.s32 s0, $0x1  }
0x22c: {  	[tilespmem:s21+$0xFFFFC490] =	vst v0;
	s0 =	simm.s32 @!p0 $0x1  }
0x22d: {  	_ =	swait.ge @!p0 [sflag:s0], $0xA800  }
0x22e: {  	[sflag:s0] =	ssyncset.done @!p0 $0x0  }
0x22f: {  	[sflag:s0] =	ssyncadd.s32 @!p0 $0xFFFF5800;
	s0 =	simm.s32 @p4 $0x1  }
0x230: {  	_ =	swait.ge @p4 [sflag:s0], $0x3800  }
0x231: {  	[sflag:s0] =	ssyncset.done @p4 $0x0  }
0x232: {  	[sflag:s0] =	ssyncadd.s32 @p4 $0xFFFFC800;
	s0 =	simm.s32 @p4 $0x2  }
0x233: {  	_ =	swait.ge @p4 [sflag:s0], $0x7000  }
0x234: {  	[sflag:s0] =	ssyncset.done @p4 $0x0  }
0x235: {  	[sflag:s0] =	ssyncadd.s32 @p4 $0xFFFF9000;
	s0 =	simm.s32 @p5 $0x1  }
0x236: {  	_ =	swait.ge @p5 [sflag:s0], $0x7000  }
0x237: {  	[sflag:s0] =	ssyncset.done @p5 $0x0  }
0x238: {  	[sflag:s0] =	ssyncadd.s32 @p5 $0xFFFF9000;
	s0 =	simm.s32 @p5 $0x2  }
0x239: {  	_ =	swait.ge @p5 [sflag:s0], $0x3800  }
0x23a: {  	[sflag:s0] =	ssyncset.done @p5 $0x0  }
0x23b: {  	[sflag:s0] =	ssyncadd.s32 @p5 $0xFFFFC800;
	s0 =	simm.s32 @p1 $0x1  }
0x23c: {  	s1 =	simm.s32 $0xFFFFFFF9;
	_ =	swait.ge @p1 [sflag:s0], $0xA800  }
0x23d: {  	s21 =	simm.s32 $0xA830;
	s22 =	simm.s32 $0x0;
	[sflag:s0] =	ssyncset.done @p1 $0x0  }
0x23e: {  	s23 =	simm.s32 $0x0;
	[sflag:s0] =	ssyncadd.s32 @p1 $0xFFFF5800;
	s0 =	simm.s32 $0x0  }
.LBB2_6:
0x23f: {  	s24 =	sshrl.u32 s23, $0x1  }
0x240: {  	s25 =	smulhi.u32 $0x92492493, s24  }
0x241: {  	s24 =	sadd.s32 $0x7, s1  }
0x242: {  	s26 =	sand.u32 $0xFE, s24;
	s25 =	sshrl.u32 s25, $0x2  }
0x243: {  	s26 =	sshrl.u32 s26, $0x1;
	s28 =	smul.u32 $0x700, s25  }
0x244: {  	s29 =	smul.u32 $0x93, s26;
	_ =	sdelay $0x1  }
0x245: {  	s5 =	smul.u32 $0xFFFFFF20, s25;
	s26 =	ssub.s32 s22, s28;
	s30 =	sshrl.u32 s29, $0x2  }
0x246: {  	s29 =	sshrl.u32 s29, $0x3;
	s30 =	sand.u32 $0x800, s30;
	s31 =	sand.u32 $0xFFFFFC00, s26  }
0x247: {  	s28 =	sadd.s32 s5, s0;
	s29 =	sand.u32 $0x380, s29;
	s30 =	sadd.s32 s31, s30  }
0x248: {  	s6 =	sand.u32 $0x70, s28;
	s29 =	sor.u32 s29, s30  }
0x249: {  	s29 =	sor.u32 s6, s29  }
0x24a: {  	v3 =	vld [tilespmem:s29+$0x0];
	_ =	sdelay $0x4  }
0x24b: {  	v3 =	vsub.f32 $1.000000000e+00, v3;
	_ =	sdelay $0x1  }
0x24c: {  	v3 =	vmul.f32 $1.500000000e+01, v3;
	_ =	sdelay $0x1  }
0x24d: {  	v3 =	vtrunc.f32 v3  }
0x24e: {  	v3 =	vcvt.f32.s32 v3;
	_ =	sdelay $0x1  }
0x24f: {  	v4 =	vmov s0;
	v5 =	vshrl.u32 v3, $0x3  }
0x250: {  	v4 =	vshll.u32 v4, $0x3;
	v5 =	vmul.u32 $0x3800, v5  }
0x251: {  	s3 =	sadd.s32 $0x8, s1;
	v4 =	vand.u32 $0x3C00, v4;
	v6 =	vshll.u32 v3, $0x7  }
0x252: {  	v39 =	vor.u32 s0, v1;
	s29 =	sand.u32 $0xFE, s3;
	v6 =	vand.u32 $0x380, v6;
	v4 =	vadd.s32 v4, v5  }
0x253: {  	s29 =	sshrl.u32 s29, $0x1;
	v5 =	vand.u32 $0x7F, v39;
	v4 =	vor.u32 v6, v4  }
0x254: {  	s29 =	smul.u32 $0x93, s29;
	v4 =	vor.u32 v5, v4;
	_ =	sdelay $0x1  }
0x255: {  	s5 =	sadd.s32 $0x80, s26;
	s4 =	sshrl.u32 s29, $0x2  }
0x256: {  	s31 =	sand.u32 $0xFFFFFC00, s5;
	s29 =	sshrl.u32 s29, $0x3;
	s30 =	sand.u32 $0x1800, s4  }
0x257: {  	s3 =	sadd.s32 $0x10, s28;
	s29 =	sand.u32 $0x380, s29;
	s30 =	sadd.s32 s31, s30  }
0x258: {  	s3 =	sand.u32 $0x70, s3;
	s29 =	sor.u32 s29, s30;
	[tilespmem:v4+s15+$0x0] =	vst.idx.msk $0xffff, v2  }
0x259: {  	s3 =	sor.u32 s3, s29;
	[tilespmem:s21+$0xFFFFFFD0] =	vst v3  }
0x25a: {  	v3 =	vld [tilespmem:s3+$0x0];
	_ =	sdelay $0x4  }
0x25b: {  	v3 =	vsub.f32 $1.000000000e+00, v3;
	_ =	sdelay $0x1  }
0x25c: {  	v3 =	vmul.f32 $1.500000000e+01, v3;
	_ =	sdelay $0x1  }
0x25d: {  	v3 =	vtrunc.f32 v3  }
0x25e: {  	v3 =	vcvt.f32.s32 v3  }
0x25f: {  	s6 =	sadd.s32 $0x10, s0  }
0x260: {  	v40 =	vmov s6;
	v41 =	vshrl.u32 v3, $0x3  }
0x261: {  	v4 =	vshll.u32 v40, $0x3;
	v5 =	vmul.u32 $0x3800, v41  }
0x262: {  	s30 =	sadd.s32 $0x9, s1;
	v4 =	vand.u32 $0x7C00, v4;
	v42 =	vshll.u32 v3, $0x7  }
0x263: {  	v43 =	vor.u32 s6, v1;
	s31 =	sand.u32 $0xFE, s30;
	v6 =	vand.u32 $0x380, v42;
	v4 =	vadd.s32 v4, v5  }
0x264: {  	s3 =	sshrl.u32 s31, $0x1;
	v5 =	vand.u32 $0x7F, v43;
	v4 =	vor.u32 v6, v4  }
0x265: {  	s3 =	smul.u32 $0x93, s3;
	v4 =	vor.u32 v5, v4;
	_ =	sdelay $0x1  }
0x266: {  	s5 =	sadd.s32 $0x100, s26;
	s4 =	sshrl.u32 s3, $0x2  }
0x267: {  	s30 =	sand.u32 $0xFFFFFC00, s5;
	s3 =	sshrl.u32 s3, $0x3;
	s29 =	sand.u32 $0x1800, s4  }
0x268: {  	s6 =	sadd.s32 $0x20, s28;
	s3 =	sand.u32 $0x380, s3;
	s29 =	sadd.s32 s30, s29  }
0x269: {  	s4 =	sand.u32 $0x70, s6;
	s3 =	sor.u32 s3, s29;
	[tilespmem:v4+s15+$0x0] =	vst.idx.msk $0xffff, v2  }
0x26a: {  	s3 =	sor.u32 s4, s3;
	[tilespmem:s21+$0xFFFFFFE0] =	vst v3  }
0x26b: {  	v3 =	vld [tilespmem:s3+$0x0];
	_ =	sdelay $0x4  }
0x26c: {  	v3 =	vsub.f32 $1.000000000e+00, v3;
	_ =	sdelay $0x1  }
0x26d: {  	v3 =	vmul.f32 $1.500000000e+01, v3;
	_ =	sdelay $0x1  }
0x26e: {  	v3 =	vtrunc.f32 v3  }
0x26f: {  	v3 =	vcvt.f32.s32 v3  }
0x270: {  	s5 =	sadd.s32 $0x20, s0  }
0x271: {  	v44 =	vmov s5;
	v45 =	vshrl.u32 v3, $0x3  }
0x272: {  	v4 =	vshll.u32 v44, $0x3;
	v5 =	vmul.u32 $0x3800, v45  }
0x273: {  	s6 =	sadd.s32 $0xA, s1;
	v4 =	vand.u32 $0x7C00, v4;
	v46 =	vshll.u32 v3, $0x7  }
0x274: {  	v47 =	vor.u32 s5, v1;
	s30 =	sand.u32 $0xFE, s6;
	v6 =	vand.u32 $0x380, v46;
	v4 =	vadd.s32 v4, v5  }
0x275: {  	s3 =	sshrl.u32 s30, $0x1;
	v5 =	vand.u32 $0x7F, v47;
	v4 =	vor.u32 v6, v4  }
0x276: {  	s3 =	smul.u32 $0x93, s3;
	v4 =	vor.u32 v5, v4;
	_ =	sdelay $0x1  }
0x277: {  	s4 =	sadd.s32 $0x180, s26;
	s31 =	sshrl.u32 s3, $0x2  }
0x278: {  	s30 =	sand.u32 $0xFFFFFC00, s4;
	s3 =	sshrl.u32 s3, $0x3;
	s29 =	sand.u32 $0x1800, s31  }
0x279: {  	s5 =	sadd.s32 $0x30, s28;
	s3 =	sand.u32 $0x380, s3;
	s29 =	sadd.s32 s30, s29  }
0x27a: {  	s6 =	sand.u32 $0x70, s5;
	s3 =	sor.u32 s3, s29;
	[tilespmem:v4+s15+$0x0] =	vst.idx.msk $0xffff, v2  }
0x27b: {  	s3 =	sor.u32 s6, s3;
	[tilespmem:s21+$0xFFFFFFF0] =	vst v3  }
0x27c: {  	v3 =	vld [tilespmem:s3+$0x0];
	_ =	sdelay $0x4  }
0x27d: {  	v3 =	vsub.f32 $1.000000000e+00, v3;
	_ =	sdelay $0x1  }
0x27e: {  	v3 =	vmul.f32 $1.500000000e+01, v3;
	_ =	sdelay $0x1  }
0x27f: {  	v3 =	vtrunc.f32 v3  }
0x280: {  	v3 =	vcvt.f32.s32 v3  }
0x281: {  	s31 =	sadd.s32 $0x30, s0  }
0x282: {  	v48 =	vmov s31;
	v49 =	vshrl.u32 v3, $0x3  }
0x283: {  	v4 =	vshll.u32 v48, $0x3;
	v5 =	vmul.u32 $0x3800, v49  }
0x284: {  	s4 =	sadd.s32 $0xB, s1;
	v4 =	vand.u32 $0x7C00, v4;
	v50 =	vshll.u32 v3, $0x7  }
0x285: {  	s5 =	sand.u32 $0xFE, s4;
	v51 =	vor.u32 s31, v1;
	v6 =	vand.u32 $0x380, v50;
	v4 =	vadd.s32 v4, v5  }
0x286: {  	s3 =	sshrl.u32 s5, $0x1;
	v5 =	vand.u32 $0x7F, v51;
	v4 =	vor.u32 v6, v4  }
0x287: {  	s3 =	smul.u32 $0x93, s3;
	v4 =	vor.u32 v5, v4;
	_ =	sdelay $0x1  }
0x288: {  	s31 =	sadd.s32 $0x200, s26;
	s6 =	sshrl.u32 s3, $0x2  }
0x289: {  	s30 =	sand.u32 $0xFFFFFC00, s31;
	s3 =	sshrl.u32 s3, $0x3;
	s29 =	sand.u32 $0x1800, s6  }
0x28a: {  	s4 =	sadd.s32 $0x40, s28;
	s3 =	sand.u32 $0x380, s3;
	s29 =	sadd.s32 s30, s29  }
0x28b: {  	s5 =	sand.u32 $0x70, s4;
	s3 =	sor.u32 s3, s29;
	[tilespmem:v4+s15+$0x0] =	vst.idx.msk $0xffff, v2  }
0x28c: {  	s3 =	sor.u32 s5, s3;
	[tilespmem:s21+$0x0] =	vst v3  }
0x28d: {  	v3 =	vld [tilespmem:s3+$0x0];
	_ =	sdelay $0x4  }
0x28e: {  	v3 =	vsub.f32 $1.000000000e+00, v3;
	_ =	sdelay $0x1  }
0x28f: {  	v3 =	vmul.f32 $1.500000000e+01, v3;
	_ =	sdelay $0x1  }
0x290: {  	v3 =	vtrunc.f32 v3  }
0x291: {  	v3 =	vcvt.f32.s32 v3  }
0x292: {  	s6 =	sadd.s32 $0x40, s0  }
0x293: {  	v52 =	vmov s6;
	v53 =	vshrl.u32 v3, $0x3  }
0x294: {  	v4 =	vshll.u32 v52, $0x3;
	v5 =	vmul.u32 $0x3800, v53  }
0x295: {  	s30 =	sadd.s32 $0xC, s1;
	v4 =	vand.u32 $0x7C00, v4;
	v54 =	vshll.u32 v3, $0x7  }
0x296: {  	v55 =	vor.u32 s6, v1;
	s31 =	sand.u32 $0xFE, s30;
	v6 =	vand.u32 $0x380, v54;
	v4 =	vadd.s32 v4, v5  }
0x297: {  	s3 =	sshrl.u32 s31, $0x1;
	v5 =	vand.u32 $0x7F, v55;
	v4 =	vor.u32 v6, v4  }
0x298: {  	s3 =	smul.u32 $0x93, s3;
	v4 =	vor.u32 v5, v4;
	_ =	sdelay $0x1  }
0x299: {  	s5 =	sadd.s32 $0x280, s26;
	s4 =	sshrl.u32 s3, $0x2  }
0x29a: {  	s30 =	sand.u32 $0xFFFFFC00, s5;
	s3 =	sshrl.u32 s3, $0x3;
	s29 =	sand.u32 $0x1800, s4  }
0x29b: {  	s28 =	sadd.s32 $0x50, s28;
	s3 =	sand.u32 $0x380, s3;
	s29 =	sadd.s32 s30, s29  }
0x29c: {  	s28 =	sand.u32 $0x70, s28;
	s3 =	sor.u32 s3, s29;
	[tilespmem:v4+s15+$0x0] =	vst.idx.msk $0xffff, v2  }
0x29d: {  	s3 =	sor.u32 s28, s3;
	[tilespmem:s21+$0x10] =	vst v3  }
0x29e: {  	v3 =	vld [tilespmem:s3+$0x0];
	_ =	sdelay $0x4  }
0x29f: {  	v3 =	vsub.f32 $1.000000000e+00, v3;
	_ =	sdelay $0x1  }
0x2a0: {  	v3 =	vmul.f32 $1.500000000e+01, v3;
	_ =	sdelay $0x1  }
0x2a1: {  	v3 =	vtrunc.f32 v3  }
0x2a2: {  	v3 =	vcvt.f32.s32 v3  }
0x2a3: {  	s6 =	sadd.s32 $0x50, s0  }
0x2a4: {  	v56 =	vmov s6;
	v57 =	vshrl.u32 v3, $0x3  }
0x2a5: {  	v4 =	vshll.u32 v56, $0x3;
	v5 =	vmul.u32 $0x3800, v57  }
0x2a6: {  	s28 =	sadd.s32 $0xD, s1;
	v4 =	vand.u32 $0x7C00, v4;
	v58 =	vshll.u32 v3, $0x7  }
0x2a7: {  	v59 =	vor.u32 s6, v1;
	s1 =	sand.u32 $0xFE, s28;
	v6 =	vand.u32 $0x380, v58;
	v4 =	vadd.s32 v4, v5  }
0x2a8: {  	s1 =	sshrl.u32 s1, $0x1;
	v5 =	vand.u32 $0x7F, v59;
	v4 =	vor.u32 v6, v4  }
0x2a9: {  	s1 =	smul.u32 $0x93, s1;
	v4 =	vor.u32 v5, v4  }
0x2aa: {  	s26 =	sadd.s32 $0x300, s26  }
0x2ab: {  	s26 =	sand.u32 $0xFFFFFC00, s26;
	s30 =	sadd.s32 $0x60, s0;
	s31 =	sshrl.u32 s1, $0x2  }
0x2ac: {  	s29 =	sshll.u32 s25, $0x5;
	s1 =	sshrl.u32 s1, $0x3;
	s28 =	sand.u32 $0x1800, s31  }
0x2ad: {  	s1 =	sand.u32 $0x380, s1;
	s26 =	sadd.s32 s26, s28;
	s3 =	sadd.s32 s29, s30  }
0x2ae: {  	s1 =	sor.u32 s1, s26;
	s3 =	sand.u32 $0x70, s3;
	[tilespmem:v4+s15+$0x0] =	vst.idx.msk $0xffff, v2  }
0x2af: {  	s1 =	sor.u32 s3, s1;
	[tilespmem:s21+$0x20] =	vst v3  }
0x2b0: {  	v3 =	vld [tilespmem:s1+$0x0];
	_ =	sdelay $0x4  }
0x2b1: {  	v3 =	vsub.f32 $1.000000000e+00, v3;
	_ =	sdelay $0x1  }
0x2b2: {  	v3 =	vmul.f32 $1.500000000e+01, v3;
	_ =	sdelay $0x1  }
0x2b3: {  	v3 =	vtrunc.f32 v3  }
0x2b4: {  	v3 =	vcvt.f32.s32 v3;
	_ =	sdelay $0x1  }
0x2b5: {  	v60 =	vmov s30;
	v61 =	vshrl.u32 v3, $0x3  }
0x2b6: {  	v4 =	vshll.u32 v60, $0x3;
	v5 =	vmul.u32 $0x3800, v61  }
0x2b7: {  	v4 =	vand.u32 $0x7C00, v4;
	v62 =	vshll.u32 v3, $0x7  }
0x2b8: {  	v63 =	vor.u32 s30, v1;
	v6 =	vand.u32 $0x380, v62;
	v4 =	vadd.s32 v4, v5  }
0x2b9: {  	v5 =	vand.u32 $0x7F, v63;
	v4 =	vor.u32 v6, v4  }
0x2ba: {  	v4 =	vor.u32 v5, v4  }
0x2bb: {  	p0 =	slt.u32 s24, $0x69  }
.Ltmp2:
0x2bc: {  	_ = 	snop;
	(pc) =	sbr.rel @p0 .LBB2_6-.Ltmp2, $3  }
0x2bd: {  	_ =	sdelay $0x1  }
0x2be: {  	s23 =	sadd.s32 $0x7, s23;
	s22 =	sadd.s32 $0x380, s22;
	[tilespmem:v4+s15+$0x0] =	vst.idx.msk $0xffff, v2  }
0x2bf: {  	s0 =	sadd.s32 $0x70, s0;
	s1 =	smov.u32 s24;
	[tilespmem:s21+$0x30] =	vst v3;
	s21 =	sadd.s32 $0x70, s21  }
0x2c0: {  	[hbm4b:s8+s16] =	stream.strided.scatter [tilespmem:s15], [sflag:$0x3], $0x7000, s17, s16, $0x38;
	[tilespmem:$0x19600] =	vst v63  }
0x2c1: {  	s1 =	simm.s32 $0xFFFFFFF9;
	s0 =	simm.s32 $0x0  }
0x2c2: {  	s21 =	simm.s32 $0xAF30;
	s22 =	simm.s32 $0x0;
	s23 =	simm.s32 $0x0  }
.LBB2_8:
0x2c3: {  	s3 =	sshrl.u32 s23, $0x1  }
0x2c4: {  	s3 =	smulhi.u32 $0x92492493, s3  }
0x2c5: {  	s24 =	sadd.s32 $0x7, s1  }
0x2c6: {  	s5 =	sand.u32 $0xFE, s24;
	s25 =	sshrl.u32 s3, $0x2  }
0x2c7: {  	s3 =	sshrl.u32 s5, $0x1;
	s26 =	smul.u32 $0x700, s25  }
0x2c8: {  	s3 =	smul.u32 $0x93, s3;
	_ =	sdelay $0x1  }
0x2c9: {  	s28 =	smul.u32 $0xFFFFFF20, s25;
	s26 =	ssub.s32 s22, s26;
	s29 =	sshrl.u32 s3, $0x2  }
0x2ca: {  	s3 =	sshrl.u32 s3, $0x3;
	s29 =	sand.u32 $0x800, s29;
	s30 =	sand.u32 $0xFFFFFC00, s26  }
0x2cb: {  	s28 =	sadd.s32 s28, s0;
	s3 =	sand.u32 $0x380, s3;
	s29 =	sadd.s32 s30, s29  }
0x2cc: {  	s6 =	sand.u32 $0x70, s28;
	s3 =	sor.u32 s3, s29  }
0x2cd: {  	s3 =	sor.u32 s6, s3  }
0x2ce: {  	v3 =	vld [tilespmem:s3+$0x800];
	_ =	sdelay $0x4  }
0x2cf: {  	v3 =	vsub.f32 $1.000000000e+00, v3;
	_ =	sdelay $0x1  }
0x2d0: {  	v3 =	vmul.f32 $1.500000000e+01, v3;
	_ =	sdelay $0x1  }
0x2d1: {  	v3 =	vtrunc.f32 v3  }
0x2d2: {  	v3 =	vcvt.f32.s32 v3;
	_ =	sdelay $0x1  }
0x2d3: {  	v4 =	vmov s0;
	v5 =	vshrl.u32 v3, $0x3  }
0x2d4: {  	v4 =	vshll.u32 v4, $0x3;
	v5 =	vmul.u32 $0x3800, v5  }
0x2d5: {  	v4 =	vand.u32 $0x3C00, v4;
	s30 =	sadd.s32 $0x8, s1;
	v6 =	vshll.u32 v3, $0x7  }
0x2d6: {  	v39 =	vor.u32 s0, v1;
	s3 =	sand.u32 $0xFE, s30;
	v6 =	vand.u32 $0x380, v6;
	v4 =	vadd.s32 v4, v5  }
0x2d7: {  	s3 =	sshrl.u32 s3, $0x1;
	v5 =	vand.u32 $0x7F, v39;
	v4 =	vor.u32 v6, v4  }
0x2d8: {  	s3 =	smul.u32 $0x93, s3;
	v4 =	vor.u32 v5, v4;
	_ =	sdelay $0x1  }
0x2d9: {  	s4 =	sadd.s32 $0x80, s26;
	s31 =	sshrl.u32 s3, $0x2  }
0x2da: {  	s30 =	sand.u32 $0xFFFFFC00, s4;
	s3 =	sshrl.u32 s3, $0x3;
	s29 =	sand.u32 $0x1800, s31  }
0x2db: {  	s31 =	sadd.s32 $0x10, s28;
	s3 =	sand.u32 $0x380, s3;
	s29 =	sadd.s32 s30, s29  }
0x2dc: {  	s5 =	sand.u32 $0x70, s31;
	s3 =	sor.u32 s3, s29;
	[tilespmem:v4+s18+$0x0] =	vst.idx.msk $0xffff, v2  }
0x2dd: {  	s3 =	sor.u32 s5, s3;
	[tilespmem:s21+$0xFFFFFFD0] =	vst v3  }
0x2de: {  	v3 =	vld [tilespmem:s3+$0x800];
	_ =	sdelay $0x4  }
0x2df: {  	v3 =	vsub.f32 $1.000000000e+00, v3;
	_ =	sdelay $0x1  }
0x2e0: {  	v3 =	vmul.f32 $1.500000000e+01, v3;
	_ =	sdelay $0x1  }
0x2e1: {  	v3 =	vtrunc.f32 v3  }
0x2e2: {  	v3 =	vcvt.f32.s32 v3  }
0x2e3: {  	s6 =	sadd.s32 $0x10, s0  }
0x2e4: {  	v40 =	vmov s6;
	v41 =	vshrl.u32 v3, $0x3  }
0x2e5: {  	v4 =	vshll.u32 v40, $0x3;
	v5 =	vmul.u32 $0x3800, v41  }
0x2e6: {  	s30 =	sadd.s32 $0x9, s1;
	v4 =	vand.u32 $0x7C00, v4;
	v42 =	vshll.u32 v3, $0x7  }
0x2e7: {  	v43 =	vor.u32 s6, v1;
	s31 =	sand.u32 $0xFE, s30;
	v6 =	vand.u32 $0x380, v42;
	v4 =	vadd.s32 v4, v5  }
0x2e8: {  	s3 =	sshrl.u32 s31, $0x1;
	v5 =	vand.u32 $0x7F, v43;
	v4 =	vor.u32 v6, v4  }
0x2e9: {  	s3 =	smul.u32 $0x93, s3;
	v4 =	vor.u32 v5, v4;
	_ =	sdelay $0x1  }
0x2ea: {  	s5 =	sadd.s32 $0x100, s26;
	s4 =	sshrl.u32 s3, $0x2  }
0x2eb: {  	s30 =	sand.u32 $0xFFFFFC00, s5;
	s3 =	sshrl.u32 s3, $0x3;
	s29 =	sand.u32 $0x1800, s4  }
0x2ec: {  	s6 =	sadd.s32 $0x20, s28;
	s3 =	sand.u32 $0x380, s3;
	s29 =	sadd.s32 s30, s29  }
0x2ed: {  	s4 =	sand.u32 $0x70, s6;
	s3 =	sor.u32 s3, s29;
	[tilespmem:v4+s18+$0x0] =	vst.idx.msk $0xffff, v2  }
0x2ee: {  	s3 =	sor.u32 s4, s3;
	[tilespmem:s21+$0xFFFFFFE0] =	vst v3  }
0x2ef: {  	v3 =	vld [tilespmem:s3+$0x800];
	_ =	sdelay $0x4  }
0x2f0: {  	v3 =	vsub.f32 $1.000000000e+00, v3;
	_ =	sdelay $0x1  }
0x2f1: {  	v3 =	vmul.f32 $1.500000000e+01, v3;
	_ =	sdelay $0x1  }
0x2f2: {  	v3 =	vtrunc.f32 v3  }
0x2f3: {  	v3 =	vcvt.f32.s32 v3  }
0x2f4: {  	s5 =	sadd.s32 $0x20, s0  }
0x2f5: {  	v44 =	vmov s5;
	v45 =	vshrl.u32 v3, $0x3  }
0x2f6: {  	v4 =	vshll.u32 v44, $0x3;
	v5 =	vmul.u32 $0x3800, v45  }
0x2f7: {  	s6 =	sadd.s32 $0xA, s1;
	v4 =	vand.u32 $0x7C00, v4;
	v46 =	vshll.u32 v3, $0x7  }
0x2f8: {  	v47 =	vor.u32 s5, v1;
	s30 =	sand.u32 $0xFE, s6;
	v6 =	vand.u32 $0x380, v46;
	v4 =	vadd.s32 v4, v5  }
0x2f9: {  	s3 =	sshrl.u32 s30, $0x1;
	v5 =	vand.u32 $0x7F, v47;
	v4 =	vor.u32 v6, v4  }
0x2fa: {  	s3 =	smul.u32 $0x93, s3;
	v4 =	vor.u32 v5, v4;
	_ =	sdelay $0x1  }
0x2fb: {  	s4 =	sadd.s32 $0x180, s26;
	s31 =	sshrl.u32 s3, $0x2  }
0x2fc: {  	s30 =	sand.u32 $0xFFFFFC00, s4;
	s3 =	sshrl.u32 s3, $0x3;
	s29 =	sand.u32 $0x1800, s31  }
0x2fd: {  	s5 =	sadd.s32 $0x30, s28;
	s3 =	sand.u32 $0x380, s3;
	s29 =	sadd.s32 s30, s29  }
0x2fe: {  	s6 =	sand.u32 $0x70, s5;
	s3 =	sor.u32 s3, s29;
	[tilespmem:v4+s18+$0x0] =	vst.idx.msk $0xffff, v2  }
0x2ff: {  	s3 =	sor.u32 s6, s3;
	[tilespmem:s21+$0xFFFFFFF0] =	vst v3  }
0x300: {  	v3 =	vld [tilespmem:s3+$0x800];
	_ =	sdelay $0x4  }
0x301: {  	v3 =	vsub.f32 $1.000000000e+00, v3;
	_ =	sdelay $0x1  }
0x302: {  	v3 =	vmul.f32 $1.500000000e+01, v3;
	_ =	sdelay $0x1  }
0x303: {  	v3 =	vtrunc.f32 v3  }
0x304: {  	v3 =	vcvt.f32.s32 v3  }
0x305: {  	s31 =	sadd.s32 $0x30, s0  }
0x306: {  	v48 =	vmov s31;
	v49 =	vshrl.u32 v3, $0x3  }
0x307: {  	v4 =	vshll.u32 v48, $0x3;
	v5 =	vmul.u32 $0x3800, v49  }
0x308: {  	s4 =	sadd.s32 $0xB, s1;
	v4 =	vand.u32 $0x7C00, v4;
	v50 =	vshll.u32 v3, $0x7  }
0x309: {  	s5 =	sand.u32 $0xFE, s4;
	v51 =	vor.u32 s31, v1;
	v6 =	vand.u32 $0x380, v50;
	v4 =	vadd.s32 v4, v5  }
0x30a: {  	s3 =	sshrl.u32 s5, $0x1;
	v5 =	vand.u32 $0x7F, v51;
	v4 =	vor.u32 v6, v4  }
0x30b: {  	s3 =	smul.u32 $0x93, s3;
	v4 =	vor.u32 v5, v4;
	_ =	sdelay $0x1  }
0x30c: {  	s31 =	sadd.s32 $0x200, s26;
	s6 =	sshrl.u32 s3, $0x2  }
0x30d: {  	s30 =	sand.u32 $0xFFFFFC00, s31;
	s3 =	sshrl.u32 s3, $0x3;
	s29 =	sand.u32 $0x1800, s6  }
0x30e: {  	s4 =	sadd.s32 $0x40, s28;
	s3 =	sand.u32 $0x380, s3;
	s29 =	sadd.s32 s30, s29  }
0x30f: {  	s5 =	sand.u32 $0x70, s4;
	s3 =	sor.u32 s3, s29;
	[tilespmem:v4+s18+$0x0] =	vst.idx.msk $0xffff, v2  }
0x310: {  	s3 =	sor.u32 s5, s3;
	[tilespmem:s21+$0x0] =	vst v3  }
0x311: {  	v3 =	vld [tilespmem:s3+$0x800];
	_ =	sdelay $0x4  }
0x312: {  	v3 =	vsub.f32 $1.000000000e+00, v3;
	_ =	sdelay $0x1  }
0x313: {  	v3 =	vmul.f32 $1.500000000e+01, v3;
	_ =	sdelay $0x1  }
0x314: {  	v3 =	vtrunc.f32 v3  }
0x315: {  	v3 =	vcvt.f32.s32 v3  }
0x316: {  	s6 =	sadd.s32 $0x40, s0  }
0x317: {  	v52 =	vmov s6;
	v53 =	vshrl.u32 v3, $0x3  }
0x318: {  	v4 =	vshll.u32 v52, $0x3;
	v5 =	vmul.u32 $0x3800, v53  }
0x319: {  	s30 =	sadd.s32 $0xC, s1;
	v4 =	vand.u32 $0x7C00, v4;
	v54 =	vshll.u32 v3, $0x7  }
0x31a: {  	v55 =	vor.u32 s6, v1;
	s31 =	sand.u32 $0xFE, s30;
	v6 =	vand.u32 $0x380, v54;
	v4 =	vadd.s32 v4, v5  }
0x31b: {  	s3 =	sshrl.u32 s31, $0x1;
	v5 =	vand.u32 $0x7F, v55;
	v4 =	vor.u32 v6, v4  }
0x31c: {  	s3 =	smul.u32 $0x93, s3;
	v4 =	vor.u32 v5, v4;
	_ =	sdelay $0x1  }
0x31d: {  	s5 =	sadd.s32 $0x280, s26;
	s4 =	sshrl.u32 s3, $0x2  }
0x31e: {  	s30 =	sand.u32 $0xFFFFFC00, s5;
	s3 =	sshrl.u32 s3, $0x3;
	s29 =	sand.u32 $0x1800, s4  }
0x31f: {  	s28 =	sadd.s32 $0x50, s28;
	s3 =	sand.u32 $0x380, s3;
	s29 =	sadd.s32 s30, s29  }
0x320: {  	s28 =	sand.u32 $0x70, s28;
	s3 =	sor.u32 s3, s29;
	[tilespmem:v4+s18+$0x0] =	vst.idx.msk $0xffff, v2  }
0x321: {  	s3 =	sor.u32 s28, s3;
	[tilespmem:s21+$0x10] =	vst v3  }
0x322: {  	v3 =	vld [tilespmem:s3+$0x800];
	_ =	sdelay $0x4  }
0x323: {  	v3 =	vsub.f32 $1.000000000e+00, v3;
	_ =	sdelay $0x1  }
0x324: {  	v3 =	vmul.f32 $1.500000000e+01, v3;
	_ =	sdelay $0x1  }
0x325: {  	v3 =	vtrunc.f32 v3  }
0x326: {  	v3 =	vcvt.f32.s32 v3  }
0x327: {  	s6 =	sadd.s32 $0x50, s0  }
0x328: {  	v56 =	vmov s6;
	v57 =	vshrl.u32 v3, $0x3  }
0x329: {  	v4 =	vshll.u32 v56, $0x3;
	v5 =	vmul.u32 $0x3800, v57  }
0x32a: {  	s28 =	sadd.s32 $0xD, s1;
	v4 =	vand.u32 $0x7C00, v4;
	v58 =	vshll.u32 v3, $0x7  }
0x32b: {  	v59 =	vor.u32 s6, v1;
	s1 =	sand.u32 $0xFE, s28;
	v6 =	vand.u32 $0x380, v58;
	v4 =	vadd.s32 v4, v5  }
0x32c: {  	s1 =	sshrl.u32 s1, $0x1;
	v5 =	vand.u32 $0x7F, v59;
	v4 =	vor.u32 v6, v4  }
0x32d: {  	s1 =	smul.u32 $0x93, s1;
	v4 =	vor.u32 v5, v4  }
0x32e: {  	s26 =	sadd.s32 $0x300, s26  }
0x32f: {  	s26 =	sand.u32 $0xFFFFFC00, s26;
	s30 =	sadd.s32 $0x60, s0;
	s31 =	sshrl.u32 s1, $0x2  }
0x330: {  	s29 =	sshll.u32 s25, $0x5;
	s1 =	sshrl.u32 s1, $0x3;
	s28 =	sand.u32 $0x1800, s31  }
0x331: {  	s1 =	sand.u32 $0x380, s1;
	s26 =	sadd.s32 s26, s28;
	s3 =	sadd.s32 s29, s30  }
0x332: {  	s1 =	sor.u32 s1, s26;
	s3 =	sand.u32 $0x70, s3;
	[tilespmem:v4+s18+$0x0] =	vst.idx.msk $0xffff, v2  }
0x333: {  	s1 =	sor.u32 s3, s1;
	[tilespmem:s21+$0x20] =	vst v3  }
0x334: {  	v3 =	vld [tilespmem:s1+$0x800];
	_ =	sdelay $0x4  }
0x335: {  	v3 =	vsub.f32 $1.000000000e+00, v3;
	_ =	sdelay $0x1  }
0x336: {  	v3 =	vmul.f32 $1.500000000e+01, v3;
	_ =	sdelay $0x1  }
0x337: {  	v3 =	vtrunc.f32 v3  }
0x338: {  	v3 =	vcvt.f32.s32 v3;
	_ =	sdelay $0x1  }
0x339: {  	v60 =	vmov s30;
	v61 =	vshrl.u32 v3, $0x3  }
0x33a: {  	v4 =	vshll.u32 v60, $0x3;
	v5 =	vmul.u32 $0x3800, v61  }
0x33b: {  	v4 =	vand.u32 $0x7C00, v4;
	v62 =	vshll.u32 v3, $0x7  }
0x33c: {  	v63 =	vor.u32 s30, v1;
	v6 =	vand.u32 $0x380, v62;
	v4 =	vadd.s32 v4, v5  }
0x33d: {  	v5 =	vand.u32 $0x7F, v63;
	v4 =	vor.u32 v6, v4  }
0x33e: {  	v4 =	vor.u32 v5, v4  }
0x33f: {  	p0 =	slt.u32 s24, $0x69  }
.Ltmp3:
0x340: {  	_ = 	snop;
	(pc) =	sbr.rel @p0 .LBB2_8-.Ltmp3, $3  }
0x341: {  	_ =	sdelay $0x1  }
0x342: {  	s23 =	sadd.s32 $0x7, s23;
	s22 =	sadd.s32 $0x380, s22;
	[tilespmem:v4+s18+$0x0] =	vst.idx.msk $0xffff, v2  }
0x343: {  	s0 =	sadd.s32 $0x70, s0;
	s1 =	smov.u32 s24;
	[tilespmem:s21+$0x30] =	vst v3;
	s21 =	sadd.s32 $0x70, s21  }
0x344: {  	[hbm4b:s10+s16] =	stream.strided.scatter [tilespmem:s18], [sflag:$0x4], $0x7000, s17, s16, $0x38;
	[tilespmem:$0x19600] =	vst v63  }
0x345: {  	s21 =	simm.s32 $0x0  }
.LBB2_10:
0x346: {  	_ =	swait.ge [sflag:s19], $0x7000  }
0x347: {  	s21 =	sadd.s32 $0x1, s21;
	s29 =	simm.s32 $0xFFFFFFF9;
	s23 =	simm.s32 $0xA830  }
0x348: {  	s24 =	simm.s32 $0x0;
	s25 =	simm.s32 $0x0;
	[sflag:s19] =	ssyncset.done $0x0  }
0x349: {  	s26 =	simm.s32 $0x0;
	s22 =	sshll.u32 s21, $0x4;
	[sflag:s19] =	ssyncadd.s32 $0xFFFF9000  }
.LBB2_11:
0x34a: {  	v3 =	vld [tilespmem:s23+$0xFFFFFFD0];
	_ =	sdelay $0x3  }
0x34b: {  	s28 =	sadd.s32 $0x7, s29  }
0x34c: {  	s0 =	sshrl.u32 s26, $0x1;
	v4 =	vmov s24;
	s1 =	sand.u32 $0xFE, s28;
	v5 =	vshrl.u32 v3, $0x3  }
0x34d: {  	s0 =	smulhi.u32 $0x92492493, s0;
	v4 =	vshll.u32 v4, $0x3;
	s1 =	sshrl.u32 s1, $0x1;
	v5 =	vmul.u32 $0x3800, v5  }
0x34e: {  	v4 =	vand.u32 $0x3C00, v4;
	s1 =	smul.u32 $0x93, s1;
	v3 =	vshll.u32 v3, $0x7  }
0x34f: {  	v6 =	vor.u32 s24, v1;
	s30 =	sshrl.u32 s0, $0x2;
	v3 =	vand.u32 $0x380, v3;
	v5 =	vadd.s32 v4, v5  }
0x350: {  	v6 =	vand.u32 $0x7F, v6;
	s0 =	smul.u32 $0x700, s30;
	s3 =	sshrl.u32 s1, $0xA;
	v3 =	vor.u32 v3, v5  }
0x351: {  	s3 =	sadd.s32 s3, s22;
	v3 =	vor.u32 v6, v3  }
0x352: {  	s5 =	smul.u32 $0xFFFFFF20, s30;
	s31 =	ssub.s32 s25, s0;
	s3 =	sshll.u32 s3, $0x8  }
0x353: {  	s1 =	sshrl.u32 s1, $0x3;
	s4 =	sand.u32 $0xFFFFFC00, s31;
	s3 =	sand.u32 $0x1F800, s3  }
0x354: {  	s0 =	sadd.s32 s5, s24;
	s1 =	sand.u32 $0x380, s1;
	s3 =	sadd.s32 s4, s3  }
0x355: {  	s6 =	sand.u32 $0x70, s0;
	s1 =	sor.u32 s1, s3  }
0x356: {  	s1 =	sor.u32 s6, s1;
	[tilespmem:v3+s15+$0x0] =	vst.idx.msk $0xffff, v0  }
0x357: {  	v3 =	vld [tilespmem:s1+$0x0];
	_ =	sdelay $0x4  }
0x358: {  	v3 =	vsub.f32 $1.000000000e+00, v3;
	_ =	sdelay $0x1  }
0x359: {  	v3 =	vmul.f32 $1.500000000e+01, v3;
	_ =	sdelay $0x1  }
0x35a: {  	v3 =	vtrunc.f32 v3  }
0x35b: {  	v3 =	vcvt.f32.s32 v3;
	_ =	sdelay $0x1  }
0x35c: {  	v26 =	vshrl.u32 v3, $0x3  }
0x35d: {  	v5 =	vmul.u32 $0x3800, v26  }
0x35e: {  	v7 =	vshll.u32 v3, $0x7  }
0x35f: {  	v27 =	vand.u32 $0x380, v7;
	v4 =	vadd.s32 v4, v5  }
0x360: {  	v4 =	vor.u32 v27, v4  }
0x361: {  	v4 =	vor.u32 v6, v4;
	_ =	sdelay $0x4  }
0x362: {  	[tilespmem:v4+s15+$0x0] =	vst.idx.msk $0xffff, v2  }
0x363: {  	[tilespmem:s23+$0xFFFFFFD0] =	vst v3;
	v3 =	vld [tilespmem:s23+$0xFFFFFFE0];
	_ =	sdelay $0x3  }
0x364: {  	s5 =	sadd.s32 $0x10, s24;
	s6 =	sadd.s32 $0x8, s29  }
0x365: {  	v28 =	vmov s5;
	s3 =	sand.u32 $0xFE, s6;
	v29 =	vshrl.u32 v3, $0x3  }
0x366: {  	s3 =	sshrl.u32 s3, $0x1;
	v4 =	vshll.u32 v28, $0x3;
	v5 =	vmul.u32 $0x3800, v29  }
0x367: {  	s3 =	smul.u32 $0x93, s3;
	v4 =	vand.u32 $0x7C00, v4;
	v3 =	vshll.u32 v3, $0x7  }
0x368: {  	v30 =	vor.u32 s5, v1;
	v3 =	vand.u32 $0x380, v3;
	v5 =	vadd.s32 v4, v5  }
0x369: {  	s4 =	sshrl.u32 s3, $0xA;
	v6 =	vand.u32 $0x7F, v30;
	v3 =	vor.u32 v3, v5  }
0x36a: {  	s1 =	sadd.s32 s4, s22;
	v3 =	vor.u32 v6, v3  }
0x36b: {  	s5 =	sadd.s32 $0x80, s31;
	s1 =	sshll.u32 s1, $0x8  }
0x36c: {  	s3 =	sshrl.u32 s3, $0x3;
	s4 =	sand.u32 $0xFFFFFC00, s5;
	s1 =	sand.u32 $0x3F800, s1  }
0x36d: {  	s5 =	sadd.s32 $0x10, s0;
	s3 =	sand.u32 $0x380, s3;
	s1 =	sadd.s32 s4, s1  }
0x36e: {  	s6 =	sand.u32 $0x70, s5;
	s1 =	sor.u32 s3, s1  }
0x36f: {  	s1 =	sor.u32 s6, s1;
	[tilespmem:v3+s15+$0x0] =	vst.idx.msk $0xffff, v0  }
0x370: {  	v3 =	vld [tilespmem:s1+$0x0];
	_ =	sdelay $0x4  }
0x371: {  	v3 =	vsub.f32 $1.000000000e+00, v3;
	_ =	sdelay $0x1  }
0x372: {  	v3 =	vmul.f32 $1.500000000e+01, v3;
	_ =	sdelay $0x1  }
0x373: {  	v3 =	vtrunc.f32 v3  }
0x374: {  	v3 =	vcvt.f32.s32 v3;
	_ =	sdelay $0x1  }
0x375: {  	v31 =	vshrl.u32 v3, $0x3  }
0x376: {  	v5 =	vmul.u32 $0x3800, v31  }
0x377: {  	v32 =	vshll.u32 v3, $0x7  }
0x378: {  	v33 =	vand.u32 $0x380, v32;
	v4 =	vadd.s32 v4, v5  }
0x379: {  	v4 =	vor.u32 v33, v4  }
0x37a: {  	v4 =	vor.u32 v6, v4;
	_ =	sdelay $0x4  }
0x37b: {  	[tilespmem:v4+s15+$0x0] =	vst.idx.msk $0xffff, v2  }
0x37c: {  	[tilespmem:s23+$0xFFFFFFE0] =	vst v3;
	v3 =	vld [tilespmem:s23+$0xFFFFFFF0];
	_ =	sdelay $0x3  }
0x37d: {  	s5 =	sadd.s32 $0x20, s24;
	s6 =	sadd.s32 $0x9, s29  }
0x37e: {  	v34 =	vmov s5;
	s3 =	sand.u32 $0xFE, s6;
	v35 =	vshrl.u32 v3, $0x3  }
0x37f: {  	s3 =	sshrl.u32 s3, $0x1;
	v4 =	vshll.u32 v34, $0x3;
	v5 =	vmul.u32 $0x3800, v35  }
0x380: {  	s3 =	smul.u32 $0x93, s3;
	v4 =	vand.u32 $0x7C00, v4;
	v3 =	vshll.u32 v3, $0x7  }
0x381: {  	v36 =	vor.u32 s5, v1;
	v3 =	vand.u32 $0x380, v3;
	v5 =	vadd.s32 v4, v5  }
0x382: {  	s4 =	sshrl.u32 s3, $0xA;
	v6 =	vand.u32 $0x7F, v36;
	v3 =	vor.u32 v3, v5  }
0x383: {  	s1 =	sadd.s32 s4, s22;
	v3 =	vor.u32 v6, v3  }
0x384: {  	s5 =	sadd.s32 $0x100, s31;
	s1 =	sshll.u32 s1, $0x8  }
0x385: {  	s3 =	sshrl.u32 s3, $0x3;
	s4 =	sand.u32 $0xFFFFFC00, s5;
	s1 =	sand.u32 $0x3F800, s1  }
0x386: {  	s6 =	sadd.s32 $0x20, s0;
	s3 =	sand.u32 $0x380, s3;
	s1 =	sadd.s32 s4, s1  }
0x387: {  	s6 =	sand.u32 $0x70, s6;
	s1 =	sor.u32 s3, s1  }
0x388: {  	s1 =	sor.u32 s6, s1;
	[tilespmem:v3+s15+$0x0] =	vst.idx.msk $0xffff, v0  }
0x389: {  	v3 =	vld [tilespmem:s1+$0x0];
	_ =	sdelay $0x4  }
0x38a: {  	v3 =	vsub.f32 $1.000000000e+00, v3;
	_ =	sdelay $0x1  }
0x38b: {  	v3 =	vmul.f32 $1.500000000e+01, v3;
	_ =	sdelay $0x1  }
0x38c: {  	v3 =	vtrunc.f32 v3  }
0x38d: {  	v3 =	vcvt.f32.s32 v3;
	_ =	sdelay $0x1  }
0x38e: {  	v37 =	vshrl.u32 v3, $0x3  }
0x38f: {  	v5 =	vmul.u32 $0x3800, v37  }
0x390: {  	v38 =	vshll.u32 v3, $0x7  }
0x391: {  	v39 =	vand.u32 $0x380, v38;
	v4 =	vadd.s32 v4, v5  }
0x392: {  	v4 =	vor.u32 v39, v4  }
0x393: {  	v4 =	vor.u32 v6, v4;
	_ =	sdelay $0x4  }
0x394: {  	[tilespmem:v4+s15+$0x0] =	vst.idx.msk $0xffff, v2  }
0x395: {  	[tilespmem:s23+$0xFFFFFFF0] =	vst v3;
	v3 =	vld [tilespmem:s23+$0x0];
	_ =	sdelay $0x3  }
0x396: {  	s5 =	sadd.s32 $0x30, s24;
	s6 =	sadd.s32 $0xA, s29  }
0x397: {  	v40 =	vmov s5;
	s3 =	sand.u32 $0xFE, s6;
	v41 =	vshrl.u32 v3, $0x3  }
0x398: {  	s3 =	sshrl.u32 s3, $0x1;
	v4 =	vshll.u32 v40, $0x3;
	v5 =	vmul.u32 $0x3800, v41  }
0x399: {  	s3 =	smul.u32 $0x93, s3;
	v4 =	vand.u32 $0x7C00, v4;
	v3 =	vshll.u32 v3, $0x7  }
0x39a: {  	v42 =	vor.u32 s5, v1;
	v3 =	vand.u32 $0x380, v3;
	v5 =	vadd.s32 v4, v5  }
0x39b: {  	s4 =	sshrl.u32 s3, $0xA;
	v6 =	vand.u32 $0x7F, v42;
	v3 =	vor.u32 v3, v5  }
0x39c: {  	s1 =	sadd.s32 s4, s22;
	v3 =	vor.u32 v6, v3  }
0x39d: {  	s5 =	sadd.s32 $0x180, s31;
	s1 =	sshll.u32 s1, $0x8  }
0x39e: {  	s3 =	sshrl.u32 s3, $0x3;
	s4 =	sand.u32 $0xFFFFFC00, s5;
	s1 =	sand.u32 $0x3F800, s1  }
0x39f: {  	s6 =	sadd.s32 $0x30, s0;
	s3 =	sand.u32 $0x380, s3;
	s1 =	sadd.s32 s4, s1  }
0x3a0: {  	s6 =	sand.u32 $0x70, s6;
	s1 =	sor.u32 s3, s1  }
0x3a1: {  	s1 =	sor.u32 s6, s1;
	[tilespmem:v3+s15+$0x0] =	vst.idx.msk $0xffff, v0  }
0x3a2: {  	v3 =	vld [tilespmem:s1+$0x0];
	_ =	sdelay $0x4  }
0x3a3: {  	v3 =	vsub.f32 $1.000000000e+00, v3;
	_ =	sdelay $0x1  }
0x3a4: {  	v3 =	vmul.f32 $1.500000000e+01, v3;
	_ =	sdelay $0x1  }
0x3a5: {  	v3 =	vtrunc.f32 v3  }
0x3a6: {  	v3 =	vcvt.f32.s32 v3;
	_ =	sdelay $0x1  }
0x3a7: {  	v43 =	vshrl.u32 v3, $0x3  }
0x3a8: {  	v5 =	vmul.u32 $0x3800, v43  }
0x3a9: {  	v44 =	vshll.u32 v3, $0x7  }
0x3aa: {  	v45 =	vand.u32 $0x380, v44;
	v4 =	vadd.s32 v4, v5  }
0x3ab: {  	v4 =	vor.u32 v45, v4  }
0x3ac: {  	v4 =	vor.u32 v6, v4;
	_ =	sdelay $0x4  }
0x3ad: {  	[tilespmem:v4+s15+$0x0] =	vst.idx.msk $0xffff, v2  }
0x3ae: {  	[tilespmem:s23+$0x0] =	vst v3;
	v3 =	vld [tilespmem:s23+$0x10];
	_ =	sdelay $0x3  }
0x3af: {  	s5 =	sadd.s32 $0x40, s24;
	s6 =	sadd.s32 $0xB, s29  }
0x3b0: {  	v46 =	vmov s5;
	s3 =	sand.u32 $0xFE, s6;
	v47 =	vshrl.u32 v3, $0x3  }
0x3b1: {  	s3 =	sshrl.u32 s3, $0x1;
	v4 =	vshll.u32 v46, $0x3;
	v5 =	vmul.u32 $0x3800, v47  }
0x3b2: {  	s3 =	smul.u32 $0x93, s3;
	v4 =	vand.u32 $0x7C00, v4;
	v3 =	vshll.u32 v3, $0x7  }
0x3b3: {  	v48 =	vor.u32 s5, v1;
	v3 =	vand.u32 $0x380, v3;
	v5 =	vadd.s32 v4, v5  }
0x3b4: {  	s4 =	sshrl.u32 s3, $0xA;
	v6 =	vand.u32 $0x7F, v48;
	v3 =	vor.u32 v3, v5  }
0x3b5: {  	s1 =	sadd.s32 s4, s22;
	v3 =	vor.u32 v6, v3  }
0x3b6: {  	s5 =	sadd.s32 $0x200, s31;
	s1 =	sshll.u32 s1, $0x8  }
0x3b7: {  	s3 =	sshrl.u32 s3, $0x3;
	s4 =	sand.u32 $0xFFFFFC00, s5;
	s1 =	sand.u32 $0x3F800, s1  }
0x3b8: {  	s6 =	sadd.s32 $0x40, s0;
	s3 =	sand.u32 $0x380, s3;
	s1 =	sadd.s32 s4, s1  }
0x3b9: {  	s5 =	sand.u32 $0x70, s6;
	s1 =	sor.u32 s3, s1  }
0x3ba: {  	s1 =	sor.u32 s5, s1;
	[tilespmem:v3+s15+$0x0] =	vst.idx.msk $0xffff, v0  }
0x3bb: {  	v3 =	vld [tilespmem:s1+$0x0];
	_ =	sdelay $0x4  }
0x3bc: {  	v3 =	vsub.f32 $1.000000000e+00, v3;
	_ =	sdelay $0x1  }
0x3bd: {  	v3 =	vmul.f32 $1.500000000e+01, v3;
	_ =	sdelay $0x1  }
0x3be: {  	v3 =	vtrunc.f32 v3  }
0x3bf: {  	v3 =	vcvt.f32.s32 v3;
	_ =	sdelay $0x1  }
0x3c0: {  	v49 =	vshrl.u32 v3, $0x3  }
0x3c1: {  	v5 =	vmul.u32 $0x3800, v49  }
0x3c2: {  	v50 =	vshll.u32 v3, $0x7  }
0x3c3: {  	v51 =	vand.u32 $0x380, v50;
	v4 =	vadd.s32 v4, v5  }
0x3c4: {  	v4 =	vor.u32 v51, v4  }
0x3c5: {  	v4 =	vor.u32 v6, v4;
	_ =	sdelay $0x4  }
0x3c6: {  	[tilespmem:v4+s15+$0x0] =	vst.idx.msk $0xffff, v2  }
0x3c7: {  	[tilespmem:s23+$0x10] =	vst v3;
	v3 =	vld [tilespmem:s23+$0x20];
	_ =	sdelay $0x3  }
0x3c8: {  	s6 =	sadd.s32 $0x50, s24;
	s4 =	sadd.s32 $0xC, s29  }
0x3c9: {  	v52 =	vmov s6;
	s3 =	sand.u32 $0xFE, s4;
	v53 =	vshrl.u32 v3, $0x3  }
0x3ca: {  	s3 =	sshrl.u32 s3, $0x1;
	v4 =	vshll.u32 v52, $0x3;
	v5 =	vmul.u32 $0x3800, v53  }
0x3cb: {  	s3 =	smul.u32 $0x93, s3;
	v4 =	vand.u32 $0x7C00, v4;
	v3 =	vshll.u32 v3, $0x7  }
0x3cc: {  	v54 =	vor.u32 s6, v1;
	v3 =	vand.u32 $0x380, v3;
	v5 =	vadd.s32 v4, v5  }
0x3cd: {  	s5 =	sshrl.u32 s3, $0xA;
	v6 =	vand.u32 $0x7F, v54;
	v3 =	vor.u32 v3, v5  }
0x3ce: {  	s1 =	sadd.s32 s5, s22;
	v3 =	vor.u32 v6, v3  }
0x3cf: {  	s6 =	sadd.s32 $0x280, s31;
	s1 =	sshll.u32 s1, $0x8  }
0x3d0: {  	s4 =	sand.u32 $0xFFFFFC00, s6;
	s3 =	sshrl.u32 s3, $0x3;
	s1 =	sand.u32 $0x3F800, s1  }
0x3d1: {  	s0 =	sadd.s32 $0x50, s0;
	s3 =	sand.u32 $0x380, s3;
	s1 =	sadd.s32 s4, s1  }
0x3d2: {  	s0 =	sand.u32 $0x70, s0;
	s1 =	sor.u32 s3, s1  }
0x3d3: {  	s0 =	sor.u32 s0, s1;
	[tilespmem:v3+s15+$0x0] =	vst.idx.msk $0xffff, v0  }
0x3d4: {  	v3 =	vld [tilespmem:s0+$0x0];
	_ =	sdelay $0x4  }
0x3d5: {  	v3 =	vsub.f32 $1.000000000e+00, v3;
	_ =	sdelay $0x1  }
0x3d6: {  	v3 =	vmul.f32 $1.500000000e+01, v3;
	_ =	sdelay $0x1  }
0x3d7: {  	v3 =	vtrunc.f32 v3  }
0x3d8: {  	v3 =	vcvt.f32.s32 v3;
	_ =	sdelay $0x1  }
0x3d9: {  	v55 =	vshrl.u32 v3, $0x3  }
0x3da: {  	v5 =	vmul.u32 $0x3800, v55  }
0x3db: {  	v56 =	vshll.u32 v3, $0x7  }
0x3dc: {  	v57 =	vand.u32 $0x380, v56;
	v4 =	vadd.s32 v4, v5  }
0x3dd: {  	v4 =	vor.u32 v57, v4  }
0x3de: {  	v4 =	vor.u32 v6, v4;
	_ =	sdelay $0x4  }
0x3df: {  	[tilespmem:v4+s15+$0x0] =	vst.idx.msk $0xffff, v2  }
0x3e0: {  	[tilespmem:s23+$0x20] =	vst v3;
	v3 =	vld [tilespmem:s23+$0x30];
	_ =	sdelay $0x3  }
0x3e1: {  	s5 =	sadd.s32 $0xD, s29;
	s4 =	sadd.s32 $0x60, s24  }
0x3e2: {  	v58 =	vmov s4;
	s1 =	sand.u32 $0xFE, s5;
	v59 =	vshrl.u32 v3, $0x3  }
0x3e3: {  	s1 =	sshrl.u32 s1, $0x1;
	v4 =	vshll.u32 v58, $0x3;
	v5 =	vmul.u32 $0x3800, v59  }
0x3e4: {  	s1 =	smul.u32 $0x93, s1;
	v4 =	vand.u32 $0x7C00, v4;
	v3 =	vshll.u32 v3, $0x7  }
0x3e5: {  	v60 =	vor.u32 s4, v1;
	v3 =	vand.u32 $0x380, v3;
	v5 =	vadd.s32 v4, v5  }
0x3e6: {  	s6 =	sshrl.u32 s1, $0xA;
	v6 =	vand.u32 $0x7F, v60;
	v3 =	vor.u32 v3, v5  }
0x3e7: {  	s3 =	sadd.s32 s6, s22;
	v3 =	vor.u32 v6, v3  }
0x3e8: {  	s30 =	sshll.u32 s30, $0x5;
	s31 =	sadd.s32 $0x300, s31;
	s3 =	sshll.u32 s3, $0x8  }
0x3e9: {  	s5 =	sand.u32 $0xFFFFFC00, s31;
	s1 =	sshrl.u32 s1, $0x3;
	s3 =	sand.u32 $0x3F800, s3  }
0x3ea: {  	s1 =	sand.u32 $0x380, s1;
	s3 =	sadd.s32 s5, s3;
	s0 =	sadd.s32 s30, s4  }
0x3eb: {  	s1 =	sor.u32 s1, s3;
	s0 =	sand.u32 $0x70, s0  }
0x3ec: {  	s0 =	sor.u32 s0, s1;
	[tilespmem:v3+s15+$0x0] =	vst.idx.msk $0xffff, v0  }
0x3ed: {  	v3 =	vld [tilespmem:s0+$0x0];
	_ =	sdelay $0x4  }
0x3ee: {  	v3 =	vsub.f32 $1.000000000e+00, v3;
	_ =	sdelay $0x1  }
0x3ef: {  	v3 =	vmul.f32 $1.500000000e+01, v3;
	_ =	sdelay $0x1  }
0x3f0: {  	v3 =	vtrunc.f32 v3  }
0x3f1: {  	v3 =	vcvt.f32.s32 v3;
	_ =	sdelay $0x1  }
0x3f2: {  	v61 =	vshrl.u32 v3, $0x3  }
0x3f3: {  	v5 =	vmul.u32 $0x3800, v61  }
0x3f4: {  	v62 =	vshll.u32 v3, $0x7  }
0x3f5: {  	v63 =	vand.u32 $0x380, v62;
	v4 =	vadd.s32 v4, v5  }
0x3f6: {  	v4 =	vor.u32 v63, v4  }
0x3f7: {  	v4 =	vor.u32 v6, v4  }
0x3f8: {  	p0 =	slt.u32 s28, $0x69  }
.Ltmp4:
0x3f9: {  	_ = 	snop;
	(pc) =	sbr.rel @p0 .LBB2_11-.Ltmp4, $3  }
0x3fa: {  	_ =	sdelay $0x1  }
0x3fb: {  	s26 =	sadd.s32 $0x7, s26;
	s25 =	sadd.s32 $0x380, s25;
	[tilespmem:v4+s15+$0x0] =	vst.idx.msk $0xffff, v2  }
0x3fc: {  	s29 =	smov.u32 s28;
	s24 =	sadd.s32 $0x70, s24;
	[tilespmem:s23+$0x30] =	vst v3;
	s23 =	sadd.s32 $0x70, s23  }
0x3fd: {  	s0 =	smul.u32 $0xE00, s21;
	_ =	sdelay $0x1  }
0x3fe: {  	s22 =	sshllo.u32 s21, $0x1;
	s0 =	sadd.s32 s0, s11  }
0x3ff: {  	[hbm4b:s0+s16] =	stream.strided.scatter [tilespmem:s15], [sflag:$0x3], $0x7000, s17, s16, $0x38;
	[tilespmem:$0x19600] =	vst v63  }
0x400: {  	s30 =	simm.s32 $0xFFFFFFF9;
	s24 =	simm.s32 $0x0;
	_ =	swait.ge [sflag:s20], $0x7000  }
0x401: {  	s25 =	simm.s32 $0xAF30;
	s26 =	simm.s32 $0x0;
	[sflag:s20] =	ssyncset.done $0x0  }
0x402: {  	s28 =	simm.s32 $0x0;
	s23 =	sshll.u32 s22, $0x3;
	[sflag:s20] =	ssyncadd.s32 $0xFFFF9000  }
.LBB2_13:
0x403: {  	v3 =	vld [tilespmem:s25+$0xFFFFFFD0];
	_ =	sdelay $0x3  }
0x404: {  	s29 =	sadd.s32 $0x7, s30  }
0x405: {  	s0 =	sshrl.u32 s28, $0x1;
	v4 =	vmov s24;
	s1 =	sand.u32 $0xFE, s29;
	v5 =	vshrl.u32 v3, $0x3  }
0x406: {  	s0 =	smulhi.u32 $0x92492493, s0;
	v4 =	vshll.u32 v4, $0x3;
	s1 =	sshrl.u32 s1, $0x1;
	v5 =	vmul.u32 $0x3800, v5  }
0x407: {  	v4 =	vand.u32 $0x3C00, v4;
	s1 =	smul.u32 $0x93, s1;
	v3 =	vshll.u32 v3, $0x7  }
0x408: {  	v6 =	vor.u32 s24, v1;
	s31 =	sshrl.u32 s0, $0x2;
	v3 =	vand.u32 $0x380, v3;
	v5 =	vadd.s32 v4, v5  }
0x409: {  	v6 =	vand.u32 $0x7F, v6;
	s0 =	smul.u32 $0x700, s31;
	s3 =	sshrl.u32 s1, $0xA;
	v3 =	vor.u32 v3, v5  }
0x40a: {  	s3 =	sadd.s32 s3, s23;
	v3 =	vor.u32 v6, v3  }
0x40b: {  	s4 =	smul.u32 $0xFFFFFF20, s31;
	s0 =	ssub.s32 s26, s0;
	s3 =	sshll.u32 s3, $0x8  }
0x40c: {  	s6 =	sshrl.u32 s1, $0x3;
	s5 =	sand.u32 $0xFFFFFC00, s0;
	s3 =	sand.u32 $0x7FFFF800, s3  }
0x40d: {  	s1 =	sadd.s32 s4, s24;
	s4 =	sand.u32 $0x380, s6;
	s3 =	sadd.s32 s5, s3  }
0x40e: {  	s6 =	sand.u32 $0x70, s1;
	s3 =	sor.u32 s4, s3  }
0x40f: {  	s3 =	sor.u32 s6, s3;
	[tilespmem:v3+s18+$0x0] =	vst.idx.msk $0xffff, v0  }
0x410: {  	v3 =	vld [tilespmem:s3+$0x0];
	_ =	sdelay $0x4  }
0x411: {  	v3 =	vsub.f32 $1.000000000e+00, v3;
	_ =	sdelay $0x1  }
0x412: {  	v3 =	vmul.f32 $1.500000000e+01, v3;
	_ =	sdelay $0x1  }
0x413: {  	v3 =	vtrunc.f32 v3  }
0x414: {  	v3 =	vcvt.f32.s32 v3;
	_ =	sdelay $0x1  }
0x415: {  	v26 =	vshrl.u32 v3, $0x3  }
0x416: {  	v5 =	vmul.u32 $0x3800, v26  }
0x417: {  	v7 =	vshll.u32 v3, $0x7  }
0x418: {  	v27 =	vand.u32 $0x380, v7;
	v4 =	vadd.s32 v4, v5  }
0x419: {  	v4 =	vor.u32 v27, v4  }
0x41a: {  	v4 =	vor.u32 v6, v4;
	_ =	sdelay $0x4  }
0x41b: {  	[tilespmem:v4+s18+$0x0] =	vst.idx.msk $0xffff, v2  }
0x41c: {  	[tilespmem:s25+$0xFFFFFFD0] =	vst v3;
	v3 =	vld [tilespmem:s25+$0xFFFFFFE0];
	_ =	sdelay $0x3  }
0x41d: {  	s5 =	sadd.s32 $0x10, s24;
	s6 =	sadd.s32 $0x8, s30  }
0x41e: {  	v28 =	vmov s5;
	s4 =	sand.u32 $0xFE, s6;
	v29 =	vshrl.u32 v3, $0x3  }
0x41f: {  	s4 =	sshrl.u32 s4, $0x1;
	v4 =	vshll.u32 v28, $0x3;
	v5 =	vmul.u32 $0x3800, v29  }
0x420: {  	s4 =	smul.u32 $0x93, s4;
	v4 =	vand.u32 $0x7C00, v4;
	v3 =	vshll.u32 v3, $0x7  }
0x421: {  	v30 =	vor.u32 s5, v1;
	v3 =	vand.u32 $0x380, v3;
	v5 =	vadd.s32 v4, v5  }
0x422: {  	s5 =	sshrl.u32 s4, $0xA;
	v6 =	vand.u32 $0x7F, v30;
	v3 =	vor.u32 v3, v5  }
0x423: {  	s3 =	sadd.s32 s5, s23;
	v3 =	vor.u32 v6, v3  }
0x424: {  	s6 =	sadd.s32 $0x80, s0;
	s3 =	sshll.u32 s3, $0x8  }
0x425: {  	s4 =	sshrl.u32 s4, $0x3;
	s5 =	sand.u32 $0xFFFFFC00, s6;
	s3 =	sand.u32 $0x7FFFF800, s3  }
0x426: {  	s6 =	sadd.s32 $0x10, s1;
	s4 =	sand.u32 $0x380, s4;
	s3 =	sadd.s32 s5, s3  }
0x427: {  	s6 =	sand.u32 $0x70, s6;
	s3 =	sor.u32 s4, s3  }
0x428: {  	s3 =	sor.u32 s6, s3;
	[tilespmem:v3+s18+$0x0] =	vst.idx.msk $0xffff, v0  }
0x429: {  	v3 =	vld [tilespmem:s3+$0x0];
	_ =	sdelay $0x4  }
0x42a: {  	v3 =	vsub.f32 $1.000000000e+00, v3;
	_ =	sdelay $0x1  }
0x42b: {  	v3 =	vmul.f32 $1.500000000e+01, v3;
	_ =	sdelay $0x1  }
0x42c: {  	v3 =	vtrunc.f32 v3  }
0x42d: {  	v3 =	vcvt.f32.s32 v3;
	_ =	sdelay $0x1  }
0x42e: {  	v31 =	vshrl.u32 v3, $0x3  }
0x42f: {  	v5 =	vmul.u32 $0x3800, v31  }
0x430: {  	v32 =	vshll.u32 v3, $0x7  }
0x431: {  	v33 =	vand.u32 $0x380, v32;
	v4 =	vadd.s32 v4, v5  }
0x432: {  	v4 =	vor.u32 v33, v4  }
0x433: {  	v4 =	vor.u32 v6, v4;
	_ =	sdelay $0x4  }
0x434: {  	[tilespmem:v4+s18+$0x0] =	vst.idx.msk $0xffff, v2  }
0x435: {  	[tilespmem:s25+$0xFFFFFFE0] =	vst v3;
	v3 =	vld [tilespmem:s25+$0xFFFFFFF0];
	_ =	sdelay $0x3  }
0x436: {  	s5 =	sadd.s32 $0x20, s24;
	s6 =	sadd.s32 $0x9, s30  }
0x437: {  	v34 =	vmov s5;
	s4 =	sand.u32 $0xFE, s6;
	v35 =	vshrl.u32 v3, $0x3  }
0x438: {  	s4 =	sshrl.u32 s4, $0x1;
	v4 =	vshll.u32 v34, $0x3;
	v5 =	vmul.u32 $0x3800, v35  }
0x439: {  	s4 =	smul.u32 $0x93, s4;
	v4 =	vand.u32 $0x7C00, v4;
	v3 =	vshll.u32 v3, $0x7  }
0x43a: {  	v36 =	vor.u32 s5, v1;
	v3 =	vand.u32 $0x380, v3;
	v5 =	vadd.s32 v4, v5  }
0x43b: {  	s5 =	sshrl.u32 s4, $0xA;
	v6 =	vand.u32 $0x7F, v36;
	v3 =	vor.u32 v3, v5  }
0x43c: {  	s3 =	sadd.s32 s5, s23;
	v3 =	vor.u32 v6, v3  }
0x43d: {  	s6 =	sadd.s32 $0x100, s0;
	s3 =	sshll.u32 s3, $0x8  }
0x43e: {  	s4 =	sshrl.u32 s4, $0x3;
	s5 =	sand.u32 $0xFFFFFC00, s6;
	s3 =	sand.u32 $0x7FFFF800, s3  }
0x43f: {  	s4 =	sand.u32 $0x380, s4;
	s6 =	sadd.s32 $0x20, s1;
	s3 =	sadd.s32 s5, s3  }
0x440: {  	s6 =	sand.u32 $0x70, s6;
	s3 =	sor.u32 s4, s3  }
0x441: {  	s3 =	sor.u32 s6, s3;
	[tilespmem:v3+s18+$0x0] =	vst.idx.msk $0xffff, v0  }
0x442: {  	v3 =	vld [tilespmem:s3+$0x0];
	_ =	sdelay $0x4  }
0x443: {  	v3 =	vsub.f32 $1.000000000e+00, v3;
	_ =	sdelay $0x1  }
0x444: {  	v3 =	vmul.f32 $1.500000000e+01, v3;
	_ =	sdelay $0x1  }
0x445: {  	v3 =	vtrunc.f32 v3  }
0x446: {  	v3 =	vcvt.f32.s32 v3;
	_ =	sdelay $0x1  }
0x447: {  	v37 =	vshrl.u32 v3, $0x3  }
0x448: {  	v5 =	vmul.u32 $0x3800, v37  }
0x449: {  	v38 =	vshll.u32 v3, $0x7  }
0x44a: {  	v39 =	vand.u32 $0x380, v38;
	v4 =	vadd.s32 v4, v5  }
0x44b: {  	v4 =	vor.u32 v39, v4  }
0x44c: {  	v4 =	vor.u32 v6, v4;
	_ =	sdelay $0x4  }
0x44d: {  	[tilespmem:v4+s18+$0x0] =	vst.idx.msk $0xffff, v2  }
0x44e: {  	[tilespmem:s25+$0xFFFFFFF0] =	vst v3;
	v3 =	vld [tilespmem:s25+$0x0];
	_ =	sdelay $0x3  }
0x44f: {  	s5 =	sadd.s32 $0x30, s24;
	s6 =	sadd.s32 $0xA, s30  }
0x450: {  	v40 =	vmov s5;
	s4 =	sand.u32 $0xFE, s6;
	v41 =	vshrl.u32 v3, $0x3  }
0x451: {  	s4 =	sshrl.u32 s4, $0x1;
	v4 =	vshll.u32 v40, $0x3;
	v5 =	vmul.u32 $0x3800, v41  }
0x452: {  	s4 =	smul.u32 $0x93, s4;
	v4 =	vand.u32 $0x7C00, v4;
	v3 =	vshll.u32 v3, $0x7  }
0x453: {  	v42 =	vor.u32 s5, v1;
	v3 =	vand.u32 $0x380, v3;
	v5 =	vadd.s32 v4, v5  }
0x454: {  	s5 =	sshrl.u32 s4, $0xA;
	v6 =	vand.u32 $0x7F, v42;
	v3 =	vor.u32 v3, v5  }
0x455: {  	s3 =	sadd.s32 s5, s23;
	v3 =	vor.u32 v6, v3  }
0x456: {  	s6 =	sadd.s32 $0x180, s0;
	s3 =	sshll.u32 s3, $0x8  }
0x457: {  	s4 =	sshrl.u32 s4, $0x3;
	s5 =	sand.u32 $0xFFFFFC00, s6;
	s3 =	sand.u32 $0x7FFFF800, s3  }
0x458: {  	s4 =	sand.u32 $0x380, s4;
	s6 =	sadd.s32 $0x30, s1;
	s3 =	sadd.s32 s5, s3  }
0x459: {  	s6 =	sand.u32 $0x70, s6;
	s3 =	sor.u32 s4, s3  }
0x45a: {  	s3 =	sor.u32 s6, s3;
	[tilespmem:v3+s18+$0x0] =	vst.idx.msk $0xffff, v0  }
0x45b: {  	v3 =	vld [tilespmem:s3+$0x0];
	_ =	sdelay $0x4  }
0x45c: {  	v3 =	vsub.f32 $1.000000000e+00, v3;
	_ =	sdelay $0x1  }
0x45d: {  	v3 =	vmul.f32 $1.500000000e+01, v3;
	_ =	sdelay $0x1  }
0x45e: {  	v3 =	vtrunc.f32 v3  }
0x45f: {  	v3 =	vcvt.f32.s32 v3;
	_ =	sdelay $0x1  }
0x460: {  	v43 =	vshrl.u32 v3, $0x3  }
0x461: {  	v5 =	vmul.u32 $0x3800, v43  }
0x462: {  	v44 =	vshll.u32 v3, $0x7  }
0x463: {  	v45 =	vand.u32 $0x380, v44;
	v4 =	vadd.s32 v4, v5  }
0x464: {  	v4 =	vor.u32 v45, v4  }
0x465: {  	v4 =	vor.u32 v6, v4;
	_ =	sdelay $0x4  }
0x466: {  	[tilespmem:v4+s18+$0x0] =	vst.idx.msk $0xffff, v2  }
0x467: {  	[tilespmem:s25+$0x0] =	vst v3;
	v3 =	vld [tilespmem:s25+$0x10];
	_ =	sdelay $0x3  }
0x468: {  	s5 =	sadd.s32 $0x40, s24;
	s6 =	sadd.s32 $0xB, s30  }
0x469: {  	v46 =	vmov s5;
	s4 =	sand.u32 $0xFE, s6;
	v47 =	vshrl.u32 v3, $0x3  }
0x46a: {  	s4 =	sshrl.u32 s4, $0x1;
	v4 =	vshll.u32 v46, $0x3;
	v5 =	vmul.u32 $0x3800, v47  }
0x46b: {  	s4 =	smul.u32 $0x93, s4;
	v4 =	vand.u32 $0x7C00, v4;
	v3 =	vshll.u32 v3, $0x7  }
0x46c: {  	v48 =	vor.u32 s5, v1;
	v3 =	vand.u32 $0x380, v3;
	v5 =	vadd.s32 v4, v5  }
0x46d: {  	s5 =	sshrl.u32 s4, $0xA;
	v6 =	vand.u32 $0x7F, v48;
	v3 =	vor.u32 v3, v5  }
0x46e: {  	s3 =	sadd.s32 s5, s23;
	v3 =	vor.u32 v6, v3  }
0x46f: {  	s6 =	sadd.s32 $0x200, s0;
	s3 =	sshll.u32 s3, $0x8  }
0x470: {  	s4 =	sshrl.u32 s4, $0x3;
	s5 =	sand.u32 $0xFFFFFC00, s6;
	s3 =	sand.u32 $0x7FFFF800, s3  }
0x471: {  	s4 =	sand.u32 $0x380, s4;
	s6 =	sadd.s32 $0x40, s1;
	s3 =	sadd.s32 s5, s3  }
0x472: {  	s6 =	sand.u32 $0x70, s6;
	s3 =	sor.u32 s4, s3  }
0x473: {  	s3 =	sor.u32 s6, s3;
	[tilespmem:v3+s18+$0x0] =	vst.idx.msk $0xffff, v0  }
0x474: {  	v3 =	vld [tilespmem:s3+$0x0];
	_ =	sdelay $0x4  }
0x475: {  	v3 =	vsub.f32 $1.000000000e+00, v3;
	_ =	sdelay $0x1  }
0x476: {  	v3 =	vmul.f32 $1.500000000e+01, v3;
	_ =	sdelay $0x1  }
0x477: {  	v3 =	vtrunc.f32 v3  }
0x478: {  	v3 =	vcvt.f32.s32 v3;
	_ =	sdelay $0x1  }
0x479: {  	v49 =	vshrl.u32 v3, $0x3  }
0x47a: {  	v5 =	vmul.u32 $0x3800, v49  }
0x47b: {  	v50 =	vshll.u32 v3, $0x7  }
0x47c: {  	v51 =	vand.u32 $0x380, v50;
	v4 =	vadd.s32 v4, v5  }
0x47d: {  	v4 =	vor.u32 v51, v4  }
0x47e: {  	v4 =	vor.u32 v6, v4;
	_ =	sdelay $0x4  }
0x47f: {  	[tilespmem:v4+s18+$0x0] =	vst.idx.msk $0xffff, v2  }
0x480: {  	[tilespmem:s25+$0x10] =	vst v3;
	v3 =	vld [tilespmem:s25+$0x20];
	_ =	sdelay $0x3  }
0x481: {  	s5 =	sadd.s32 $0x50, s24;
	s6 =	sadd.s32 $0xC, s30  }
0x482: {  	v52 =	vmov s5;
	s4 =	sand.u32 $0xFE, s6;
	v53 =	vshrl.u32 v3, $0x3  }
0x483: {  	s4 =	sshrl.u32 s4, $0x1;
	v4 =	vshll.u32 v52, $0x3;
	v5 =	vmul.u32 $0x3800, v53  }
0x484: {  	s4 =	smul.u32 $0x93, s4;
	v4 =	vand.u32 $0x7C00, v4;
	v3 =	vshll.u32 v3, $0x7  }
0x485: {  	v54 =	vor.u32 s5, v1;
	v3 =	vand.u32 $0x380, v3;
	v5 =	vadd.s32 v4, v5  }
0x486: {  	s5 =	sshrl.u32 s4, $0xA;
	v6 =	vand.u32 $0x7F, v54;
	v3 =	vor.u32 v3, v5  }
0x487: {  	s3 =	sadd.s32 s5, s23;
	v3 =	vor.u32 v6, v3  }
0x488: {  	s6 =	sadd.s32 $0x280, s0;
	s3 =	sshll.u32 s3, $0x8  }
0x489: {  	s4 =	sshrl.u32 s4, $0x3;
	s5 =	sand.u32 $0xFFFFFC00, s6;
	s3 =	sand.u32 $0x7FFFF800, s3  }
0x48a: {  	s1 =	sadd.s32 $0x50, s1;
	s4 =	sand.u32 $0x380, s4;
	s3 =	sadd.s32 s5, s3  }
0x48b: {  	s1 =	sand.u32 $0x70, s1;
	s3 =	sor.u32 s4, s3  }
0x48c: {  	s1 =	sor.u32 s1, s3;
	[tilespmem:v3+s18+$0x0] =	vst.idx.msk $0xffff, v0  }
0x48d: {  	v3 =	vld [tilespmem:s1+$0x0];
	_ =	sdelay $0x4  }
0x48e: {  	v3 =	vsub.f32 $1.000000000e+00, v3;
	_ =	sdelay $0x1  }
0x48f: {  	v3 =	vmul.f32 $1.500000000e+01, v3;
	_ =	sdelay $0x1  }
0x490: {  	v3 =	vtrunc.f32 v3  }
0x491: {  	v3 =	vcvt.f32.s32 v3;
	_ =	sdelay $0x1  }
0x492: {  	v55 =	vshrl.u32 v3, $0x3  }
0x493: {  	v5 =	vmul.u32 $0x3800, v55  }
0x494: {  	v56 =	vshll.u32 v3, $0x7  }
0x495: {  	v57 =	vand.u32 $0x380, v56;
	v4 =	vadd.s32 v4, v5  }
0x496: {  	v4 =	vor.u32 v57, v4  }
0x497: {  	v4 =	vor.u32 v6, v4;
	_ =	sdelay $0x4  }
0x498: {  	[tilespmem:v4+s18+$0x0] =	vst.idx.msk $0xffff, v2  }
0x499: {  	[tilespmem:s25+$0x20] =	vst v3;
	v3 =	vld [tilespmem:s25+$0x30];
	_ =	sdelay $0x3  }
0x49a: {  	s5 =	sadd.s32 $0xD, s30;
	s1 =	sadd.s32 $0x60, s24  }
0x49b: {  	s3 =	sand.u32 $0xFE, s5;
	v58 =	vmov s1;
	v59 =	vshrl.u32 v3, $0x3  }
0x49c: {  	s3 =	sshrl.u32 s3, $0x1;
	v4 =	vshll.u32 v58, $0x3;
	v5 =	vmul.u32 $0x3800, v59  }
0x49d: {  	s3 =	smul.u32 $0x93, s3;
	v4 =	vand.u32 $0x7C00, v4;
	v3 =	vshll.u32 v3, $0x7  }
0x49e: {  	v60 =	vor.u32 s1, v1;
	v3 =	vand.u32 $0x380, v3;
	v5 =	vadd.s32 v4, v5  }
0x49f: {  	s6 =	sshrl.u32 s3, $0xA;
	v6 =	vand.u32 $0x7F, v60;
	v3 =	vor.u32 v3, v5  }
0x4a0: {  	s4 =	sadd.s32 s6, s23;
	v3 =	vor.u32 v6, v3  }
0x4a1: {  	s31 =	sshll.u32 s31, $0x5;
	s0 =	sadd.s32 $0x300, s0;
	s4 =	sshll.u32 s4, $0x8  }
0x4a2: {  	s0 =	sand.u32 $0xFFFFFC00, s0;
	s3 =	sshrl.u32 s3, $0x3;
	s4 =	sand.u32 $0x7FFFF800, s4  }
0x4a3: {  	s3 =	sand.u32 $0x380, s3;
	s0 =	sadd.s32 s0, s4;
	s1 =	sadd.s32 s31, s1  }
0x4a4: {  	s0 =	sor.u32 s3, s0;
	s1 =	sand.u32 $0x70, s1  }
0x4a5: {  	s0 =	sor.u32 s1, s0;
	[tilespmem:v3+s18+$0x0] =	vst.idx.msk $0xffff, v0  }
0x4a6: {  	v3 =	vld [tilespmem:s0+$0x0];
	_ =	sdelay $0x4  }
0x4a7: {  	v3 =	vsub.f32 $1.000000000e+00, v3;
	_ =	sdelay $0x1  }
0x4a8: {  	v3 =	vmul.f32 $1.500000000e+01, v3;
	_ =	sdelay $0x1  }
0x4a9: {  	v3 =	vtrunc.f32 v3  }
0x4aa: {  	v3 =	vcvt.f32.s32 v3;
	_ =	sdelay $0x1  }
0x4ab: {  	v61 =	vshrl.u32 v3, $0x3  }
0x4ac: {  	v5 =	vmul.u32 $0x3800, v61  }
0x4ad: {  	v62 =	vshll.u32 v3, $0x7  }
0x4ae: {  	v63 =	vand.u32 $0x380, v62;
	v4 =	vadd.s32 v4, v5  }
0x4af: {  	v4 =	vor.u32 v63, v4  }
0x4b0: {  	v4 =	vor.u32 v6, v4  }
0x4b1: {  	p0 =	slt.u32 s29, $0x69  }
.Ltmp5:
0x4b2: {  	_ = 	snop;
	(pc) =	sbr.rel @p0 .LBB2_13-.Ltmp5, $3  }
0x4b3: {  	_ =	sdelay $0x1  }
0x4b4: {  	s28 =	sadd.s32 $0x7, s28;
	s26 =	sadd.s32 $0x380, s26;
	[tilespmem:v4+s18+$0x0] =	vst.idx.msk $0xffff, v2  }
0x4b5: {  	s30 =	smov.u32 s29;
	s24 =	sadd.s32 $0x70, s24;
	[tilespmem:s25+$0x30] =	vst v3;
	s25 =	sadd.s32 $0x70, s25  }
0x4b6: {  	p0 =	sne.s32 s21, $0x9  }
.Ltmp6:
0x4b7: {  	_ = 	snop;
	(pc) =	sbr.rel @p0 .LBB2_10-.Ltmp6, $3  }
0x4b8: {  	s0 =	smul.u32 $0x700, s22;
	_ =	sdelay $0x1  }
0x4b9: {  	s0 =	sadd.s32 s14, s0  }
0x4ba: {  	[hbm4b:s0+s16] =	stream.strided.scatter [tilespmem:s18], [sflag:$0x4], $0x7000, s17, s16, $0x38;
	[tilespmem:$0x19600] =	vst v63  }
0x4bb: {  	_ =	swait.ge [sflag:s19], $0x7000;
	s26 =	simm.s32 $0xFFFFFFF9  }
0x4bc: {  	s21 =	simm.s32 $0x0;
	s22 =	simm.s32 $0xA830;
	[sflag:s19] =	ssyncset.done $0x0  }
0x4bd: {  	s23 =	simm.s32 $0x0;
	s24 =	simm.s32 $0x0;
	[sflag:s19] =	ssyncadd.s32 $0xFFFF9000  }
.LBB2_16:
0x4be: {  	v3 =	vld [tilespmem:s22+$0xFFFFFFD0];
	_ =	sdelay $0x4  }
0x4bf: {  	s0 =	sshrl.u32 s24, $0x1;
	v4 =	vmov s21;
	s25 =	sadd.s32 $0x7, s26;
	v5 =	vshrl.u32 v3, $0x3  }
0x4c0: {  	s0 =	smulhi.u32 $0x92492493, s0;
	v4 =	vshll.u32 v4, $0x3;
	s1 =	sand.u32 $0xFE, s25;
	v5 =	vmul.u32 $0x3800, v5  }
0x4c1: {  	v4 =	vand.u32 $0x3C00, v4;
	s1 =	sshrl.u32 s1, $0x1;
	v3 =	vshll.u32 v3, $0x7  }
0x4c2: {  	v6 =	vor.u32 s21, v1;
	s0 =	sshrl.u32 s0, $0x2;
	s1 =	smul.u32 $0x93, s1;
	v3 =	vand.u32 $0x380, v3;
	v5 =	vadd.s32 v4, v5  }
0x4c3: {  	v6 =	vand.u32 $0x7F, v6;
	s3 =	smul.u32 $0x700, s0;
	v3 =	vor.u32 v3, v5  }
0x4c4: {  	v3 =	vor.u32 v6, v3  }
0x4c5: {  	s31 =	smul.u32 $0xFFFFFF20, s0;
	s4 =	sshrl.u32 s1, $0x2;
	s28 =	ssub.s32 s23, s3  }
0x4c6: {  	s6 =	sshrl.u32 s1, $0x3;
	s4 =	sand.u32 $0x800, s4;
	s5 =	sand.u32 $0xFFFFFC00, s28  }
0x4c7: {  	s1 =	sadd.s32 s31, s21;
	s29 =	sand.u32 $0x380, s6;
	s4 =	sadd.s32 s5, s4  }
0x4c8: {  	s30 =	sand.u32 $0x70, s1;
	s3 =	sor.u32 s29, s4  }
0x4c9: {  	s3 =	sor.u32 s30, s3;
	[tilespmem:v3+s15+$0x0] =	vst.idx.msk $0xffff, v0  }
0x4ca: {  	v3 =	vld [tilespmem:s3+$0xA000];
	_ =	sdelay $0x4  }
0x4cb: {  	v3 =	vsub.f32 $1.000000000e+00, v3;
	_ =	sdelay $0x1  }
0x4cc: {  	v3 =	vmul.f32 $1.500000000e+01, v3;
	_ =	sdelay $0x1  }
0x4cd: {  	v3 =	vtrunc.f32 v3  }
0x4ce: {  	v3 =	vcvt.f32.s32 v3;
	_ =	sdelay $0x1  }
0x4cf: {  	v26 =	vshrl.u32 v3, $0x3  }
0x4d0: {  	v5 =	vmul.u32 $0x3800, v26  }
0x4d1: {  	v7 =	vshll.u32 v3, $0x7  }
0x4d2: {  	v27 =	vand.u32 $0x380, v7;
	v4 =	vadd.s32 v4, v5  }
0x4d3: {  	v4 =	vor.u32 v27, v4  }
0x4d4: {  	v4 =	vor.u32 v6, v4;
	_ =	sdelay $0x4  }
0x4d5: {  	[tilespmem:v4+s15+$0x0] =	vst.idx.msk $0xffff, v2  }
0x4d6: {  	[tilespmem:s22+$0xFFFFFFD0] =	vst v3;
	v3 =	vld [tilespmem:s22+$0xFFFFFFE0];
	_ =	sdelay $0x3  }
0x4d7: {  	s31 =	sadd.s32 $0x10, s21  }
0x4d8: {  	v28 =	vmov s31;
	v29 =	vshrl.u32 v3, $0x3  }
0x4d9: {  	s5 =	sadd.s32 $0x8, s26;
	v4 =	vshll.u32 v28, $0x3;
	v5 =	vmul.u32 $0x3800, v29  }
0x4da: {  	s4 =	sand.u32 $0xFE, s5;
	v4 =	vand.u32 $0x7C00, v4;
	v3 =	vshll.u32 v3, $0x7  }
0x4db: {  	v30 =	vor.u32 s31, v1;
	s6 =	sshrl.u32 s4, $0x1;
	v3 =	vand.u32 $0x380, v3;
	v5 =	vadd.s32 v4, v5  }
0x4dc: {  	s3 =	smul.u32 $0x93, s6;
	v6 =	vand.u32 $0x7F, v30;
	v3 =	vor.u32 v3, v5  }
0x4dd: {  	v3 =	vor.u32 v6, v3  }
0x4de: {  	s30 =	sadd.s32 $0x80, s28;
	s29 =	sshrl.u32 s3, $0x2  }
0x4df: {  	s5 =	sand.u32 $0xFFFFFC00, s30;
	s3 =	sshrl.u32 s3, $0x3;
	s4 =	sand.u32 $0x1800, s29  }
0x4e0: {  	s31 =	sadd.s32 $0x10, s1;
	s3 =	sand.u32 $0x380, s3;
	s4 =	sadd.s32 s5, s4  }
0x4e1: {  	s29 =	sand.u32 $0x70, s31;
	s3 =	sor.u32 s3, s4  }
0x4e2: {  	s3 =	sor.u32 s29, s3;
	[tilespmem:v3+s15+$0x0] =	vst.idx.msk $0xffff, v0  }
0x4e3: {  	v3 =	vld [tilespmem:s3+$0xA000];
	_ =	sdelay $0x4  }
0x4e4: {  	v3 =	vsub.f32 $1.000000000e+00, v3;
	_ =	sdelay $0x1  }
0x4e5: {  	v3 =	vmul.f32 $1.500000000e+01, v3;
	_ =	sdelay $0x1  }
0x4e6: {  	v3 =	vtrunc.f32 v3  }
0x4e7: {  	v3 =	vcvt.f32.s32 v3;
	_ =	sdelay $0x1  }
0x4e8: {  	v31 =	vshrl.u32 v3, $0x3  }
0x4e9: {  	v5 =	vmul.u32 $0x3800, v31  }
0x4ea: {  	v32 =	vshll.u32 v3, $0x7  }
0x4eb: {  	v33 =	vand.u32 $0x380, v32;
	v4 =	vadd.s32 v4, v5  }
0x4ec: {  	v4 =	vor.u32 v33, v4  }
0x4ed: {  	v4 =	vor.u32 v6, v4;
	_ =	sdelay $0x4  }
0x4ee: {  	[tilespmem:v4+s15+$0x0] =	vst.idx.msk $0xffff, v2  }
0x4ef: {  	[tilespmem:s22+$0xFFFFFFE0] =	vst v3;
	v3 =	vld [tilespmem:s22+$0xFFFFFFF0];
	_ =	sdelay $0x3  }
0x4f0: {  	s30 =	sadd.s32 $0x20, s21  }
0x4f1: {  	v34 =	vmov s30;
	v35 =	vshrl.u32 v3, $0x3  }
0x4f2: {  	s31 =	sadd.s32 $0x9, s26;
	v4 =	vshll.u32 v34, $0x3;
	v5 =	vmul.u32 $0x3800, v35  }
0x4f3: {  	s4 =	sand.u32 $0xFE, s31;
	v4 =	vand.u32 $0x7C00, v4;
	v3 =	vshll.u32 v3, $0x7  }
0x4f4: {  	v36 =	vor.u32 s30, v1;
	s4 =	sshrl.u32 s4, $0x1;
	v3 =	vand.u32 $0x380, v3;
	v5 =	vadd.s32 v4, v5  }
0x4f5: {  	s3 =	smul.u32 $0x93, s4;
	v6 =	vand.u32 $0x7F, v36;
	v3 =	vor.u32 v3, v5  }
0x4f6: {  	v3 =	vor.u32 v6, v3  }
0x4f7: {  	s6 =	sadd.s32 $0x100, s28;
	s5 =	sshrl.u32 s3, $0x2  }
0x4f8: {  	s3 =	sshrl.u32 s3, $0x3;
	s4 =	sand.u32 $0x1800, s5;
	s5 =	sand.u32 $0xFFFFFC00, s6  }
0x4f9: {  	s29 =	sadd.s32 $0x20, s1;
	s3 =	sand.u32 $0x380, s3;
	s4 =	sadd.s32 s5, s4  }
0x4fa: {  	s30 =	sand.u32 $0x70, s29;
	s3 =	sor.u32 s3, s4  }
0x4fb: {  	s3 =	sor.u32 s30, s3;
	[tilespmem:v3+s15+$0x0] =	vst.idx.msk $0xffff, v0  }
0x4fc: {  	v3 =	vld [tilespmem:s3+$0xA000];
	_ =	sdelay $0x4  }
0x4fd: {  	v3 =	vsub.f32 $1.000000000e+00, v3;
	_ =	sdelay $0x1  }
0x4fe: {  	v3 =	vmul.f32 $1.500000000e+01, v3;
	_ =	sdelay $0x1  }
0x4ff: {  	v3 =	vtrunc.f32 v3  }
0x500: {  	v3 =	vcvt.f32.s32 v3;
	_ =	sdelay $0x1  }
0x501: {  	v37 =	vshrl.u32 v3, $0x3  }
0x502: {  	v5 =	vmul.u32 $0x3800, v37  }
0x503: {  	v38 =	vshll.u32 v3, $0x7  }
0x504: {  	v39 =	vand.u32 $0x380, v38;
	v4 =	vadd.s32 v4, v5  }
0x505: {  	v4 =	vor.u32 v39, v4  }
0x506: {  	v4 =	vor.u32 v6, v4;
	_ =	sdelay $0x4  }
0x507: {  	[tilespmem:v4+s15+$0x0] =	vst.idx.msk $0xffff, v2  }
0x508: {  	[tilespmem:s22+$0xFFFFFFF0] =	vst v3;
	v3 =	vld [tilespmem:s22+$0x0];
	_ =	sdelay $0x3  }
0x509: {  	s31 =	sadd.s32 $0x30, s21  }
0x50a: {  	v40 =	vmov s31;
	v41 =	vshrl.u32 v3, $0x3  }
0x50b: {  	s5 =	sadd.s32 $0xA, s26;
	v4 =	vshll.u32 v40, $0x3;
	v5 =	vmul.u32 $0x3800, v41  }
0x50c: {  	s4 =	sand.u32 $0xFE, s5;
	v4 =	vand.u32 $0x7C00, v4;
	v3 =	vshll.u32 v3, $0x7  }
0x50d: {  	v42 =	vor.u32 s31, v1;
	s6 =	sshrl.u32 s4, $0x1;
	v3 =	vand.u32 $0x380, v3;
	v5 =	vadd.s32 v4, v5  }
0x50e: {  	s3 =	smul.u32 $0x93, s6;
	v6 =	vand.u32 $0x7F, v42;
	v3 =	vor.u32 v3, v5  }
0x50f: {  	v3 =	vor.u32 v6, v3  }
0x510: {  	s30 =	sadd.s32 $0x180, s28;
	s29 =	sshrl.u32 s3, $0x2  }
0x511: {  	s5 =	sand.u32 $0xFFFFFC00, s30;
	s3 =	sshrl.u32 s3, $0x3;
	s4 =	sand.u32 $0x1800, s29  }
0x512: {  	s31 =	sadd.s32 $0x30, s1;
	s3 =	sand.u32 $0x380, s3;
	s4 =	sadd.s32 s5, s4  }
0x513: {  	s29 =	sand.u32 $0x70, s31;
	s3 =	sor.u32 s3, s4  }
0x514: {  	s3 =	sor.u32 s29, s3;
	[tilespmem:v3+s15+$0x0] =	vst.idx.msk $0xffff, v0  }
0x515: {  	v3 =	vld [tilespmem:s3+$0xA000];
	_ =	sdelay $0x4  }
0x516: {  	v3 =	vsub.f32 $1.000000000e+00, v3;
	_ =	sdelay $0x1  }
0x517: {  	v3 =	vmul.f32 $1.500000000e+01, v3;
	_ =	sdelay $0x1  }
0x518: {  	v3 =	vtrunc.f32 v3  }
0x519: {  	v3 =	vcvt.f32.s32 v3;
	_ =	sdelay $0x1  }
0x51a: {  	v43 =	vshrl.u32 v3, $0x3  }
0x51b: {  	v5 =	vmul.u32 $0x3800, v43  }
0x51c: {  	v44 =	vshll.u32 v3, $0x7  }
0x51d: {  	v45 =	vand.u32 $0x380, v44;
	v4 =	vadd.s32 v4, v5  }
0x51e: {  	v4 =	vor.u32 v45, v4  }
0x51f: {  	v4 =	vor.u32 v6, v4;
	_ =	sdelay $0x4  }
0x520: {  	[tilespmem:v4+s15+$0x0] =	vst.idx.msk $0xffff, v2  }
0x521: {  	[tilespmem:s22+$0x0] =	vst v3;
	v3 =	vld [tilespmem:s22+$0x10];
	_ =	sdelay $0x3  }
0x522: {  	s30 =	sadd.s32 $0x40, s21  }
0x523: {  	v46 =	vmov s30;
	v47 =	vshrl.u32 v3, $0x3  }
0x524: {  	s31 =	sadd.s32 $0xB, s26;
	v4 =	vshll.u32 v46, $0x3;
	v5 =	vmul.u32 $0x3800, v47  }
0x525: {  	s4 =	sand.u32 $0xFE, s31;
	v4 =	vand.u32 $0x7C00, v4;
	v3 =	vshll.u32 v3, $0x7  }
0x526: {  	v48 =	vor.u32 s30, v1;
	s4 =	sshrl.u32 s4, $0x1;
	v3 =	vand.u32 $0x380, v3;
	v5 =	vadd.s32 v4, v5  }
0x527: {  	s3 =	smul.u32 $0x93, s4;
	v6 =	vand.u32 $0x7F, v48;
	v3 =	vor.u32 v3, v5  }
0x528: {  	v3 =	vor.u32 v6, v3  }
0x529: {  	s6 =	sadd.s32 $0x200, s28;
	s5 =	sshrl.u32 s3, $0x2  }
0x52a: {  	s3 =	sshrl.u32 s3, $0x3;
	s4 =	sand.u32 $0x1800, s5;
	s5 =	sand.u32 $0xFFFFFC00, s6  }
0x52b: {  	s29 =	sadd.s32 $0x40, s1;
	s3 =	sand.u32 $0x380, s3;
	s4 =	sadd.s32 s5, s4  }
0x52c: {  	s30 =	sand.u32 $0x70, s29;
	s3 =	sor.u32 s3, s4  }
0x52d: {  	s3 =	sor.u32 s30, s3;
	[tilespmem:v3+s15+$0x0] =	vst.idx.msk $0xffff, v0  }
0x52e: {  	v3 =	vld [tilespmem:s3+$0xA000];
	_ =	sdelay $0x4  }
0x52f: {  	v3 =	vsub.f32 $1.000000000e+00, v3;
	_ =	sdelay $0x1  }
0x530: {  	v3 =	vmul.f32 $1.500000000e+01, v3;
	_ =	sdelay $0x1  }
0x531: {  	v3 =	vtrunc.f32 v3  }
0x532: {  	v3 =	vcvt.f32.s32 v3;
	_ =	sdelay $0x1  }
0x533: {  	v49 =	vshrl.u32 v3, $0x3  }
0x534: {  	v5 =	vmul.u32 $0x3800, v49  }
0x535: {  	v50 =	vshll.u32 v3, $0x7  }
0x536: {  	v51 =	vand.u32 $0x380, v50;
	v4 =	vadd.s32 v4, v5  }
0x537: {  	v4 =	vor.u32 v51, v4  }
0x538: {  	v4 =	vor.u32 v6, v4;
	_ =	sdelay $0x4  }
0x539: {  	[tilespmem:v4+s15+$0x0] =	vst.idx.msk $0xffff, v2  }
0x53a: {  	[tilespmem:s22+$0x10] =	vst v3;
	v3 =	vld [tilespmem:s22+$0x20];
	_ =	sdelay $0x3  }
0x53b: {  	s31 =	sadd.s32 $0x50, s21  }
0x53c: {  	v52 =	vmov s31;
	v53 =	vshrl.u32 v3, $0x3  }
0x53d: {  	s5 =	sadd.s32 $0xC, s26;
	v4 =	vshll.u32 v52, $0x3;
	v5 =	vmul.u32 $0x3800, v53  }
0x53e: {  	s4 =	sand.u32 $0xFE, s5;
	v4 =	vand.u32 $0x7C00, v4;
	v3 =	vshll.u32 v3, $0x7  }
0x53f: {  	v54 =	vor.u32 s31, v1;
	s6 =	sshrl.u32 s4, $0x1;
	v3 =	vand.u32 $0x380, v3;
	v5 =	vadd.s32 v4, v5  }
0x540: {  	s3 =	smul.u32 $0x93, s6;
	v6 =	vand.u32 $0x7F, v54;
	v3 =	vor.u32 v3, v5  }
0x541: {  	v3 =	vor.u32 v6, v3  }
0x542: {  	s30 =	sadd.s32 $0x280, s28;
	s29 =	sshrl.u32 s3, $0x2  }
0x543: {  	s5 =	sand.u32 $0xFFFFFC00, s30;
	s3 =	sshrl.u32 s3, $0x3;
	s4 =	sand.u32 $0x1800, s29  }
0x544: {  	s1 =	sadd.s32 $0x50, s1;
	s3 =	sand.u32 $0x380, s3;
	s4 =	sadd.s32 s5, s4  }
0x545: {  	s1 =	sand.u32 $0x70, s1;
	s3 =	sor.u32 s3, s4  }
0x546: {  	s1 =	sor.u32 s1, s3;
	[tilespmem:v3+s15+$0x0] =	vst.idx.msk $0xffff, v0  }
0x547: {  	v3 =	vld [tilespmem:s1+$0xA000];
	_ =	sdelay $0x4  }
0x548: {  	v3 =	vsub.f32 $1.000000000e+00, v3;
	_ =	sdelay $0x1  }
0x549: {  	v3 =	vmul.f32 $1.500000000e+01, v3;
	_ =	sdelay $0x1  }
0x54a: {  	v3 =	vtrunc.f32 v3  }
0x54b: {  	v3 =	vcvt.f32.s32 v3;
	_ =	sdelay $0x1  }
0x54c: {  	v55 =	vshrl.u32 v3, $0x3  }
0x54d: {  	v5 =	vmul.u32 $0x3800, v55  }
0x54e: {  	v56 =	vshll.u32 v3, $0x7  }
0x54f: {  	v57 =	vand.u32 $0x380, v56;
	v4 =	vadd.s32 v4, v5  }
0x550: {  	v4 =	vor.u32 v57, v4  }
0x551: {  	v4 =	vor.u32 v6, v4;
	_ =	sdelay $0x4  }
0x552: {  	[tilespmem:v4+s15+$0x0] =	vst.idx.msk $0xffff, v2  }
0x553: {  	[tilespmem:s22+$0x20] =	vst v3;
	v3 =	vld [tilespmem:s22+$0x30];
	_ =	sdelay $0x3  }
0x554: {  	s31 =	sadd.s32 $0x60, s21  }
0x555: {  	v58 =	vmov s31;
	v59 =	vshrl.u32 v3, $0x3  }
0x556: {  	s6 =	sadd.s32 $0xD, s26;
	v4 =	vshll.u32 v58, $0x3;
	v5 =	vmul.u32 $0x3800, v59  }
0x557: {  	s3 =	sand.u32 $0xFE, s6;
	v4 =	vand.u32 $0x7C00, v4;
	v3 =	vshll.u32 v3, $0x7  }
0x558: {  	v60 =	vor.u32 s31, v1;
	s3 =	sshrl.u32 s3, $0x1;
	v3 =	vand.u32 $0x380, v3;
	v5 =	vadd.s32 v4, v5  }
0x559: {  	s3 =	smul.u32 $0x93, s3;
	v6 =	vand.u32 $0x7F, v60;
	v3 =	vor.u32 v3, v5  }
0x55a: {  	v3 =	vor.u32 v6, v3  }
0x55b: {  	s0 =	sshll.u32 s0, $0x5;
	s29 =	sadd.s32 $0x300, s28;
	s26 =	sshrl.u32 s3, $0x2  }
0x55c: {  	s5 =	sand.u32 $0xFFFFFC00, s29;
	s3 =	sshrl.u32 s3, $0x3;
	s4 =	sand.u32 $0x1800, s26  }
0x55d: {  	s0 =	sadd.s32 s0, s31;
	s30 =	sand.u32 $0x380, s3;
	s31 =	sadd.s32 s5, s4  }
0x55e: {  	s0 =	sand.u32 $0x70, s0;
	s1 =	sor.u32 s30, s31  }
0x55f: {  	s0 =	sor.u32 s0, s1;
	[tilespmem:v3+s15+$0x0] =	vst.idx.msk $0xffff, v0  }
0x560: {  	v3 =	vld [tilespmem:s0+$0xA000];
	_ =	sdelay $0x4  }
0x561: {  	v3 =	vsub.f32 $1.000000000e+00, v3;
	_ =	sdelay $0x1  }
0x562: {  	v3 =	vmul.f32 $1.500000000e+01, v3;
	_ =	sdelay $0x1  }
0x563: {  	v3 =	vtrunc.f32 v3  }
0x564: {  	v3 =	vcvt.f32.s32 v3;
	_ =	sdelay $0x1  }
0x565: {  	v61 =	vshrl.u32 v3, $0x3  }
0x566: {  	v5 =	vmul.u32 $0x3800, v61  }
0x567: {  	v62 =	vshll.u32 v3, $0x7  }
0x568: {  	v63 =	vand.u32 $0x380, v62;
	v4 =	vadd.s32 v4, v5  }
0x569: {  	v4 =	vor.u32 v63, v4  }
0x56a: {  	v4 =	vor.u32 v6, v4  }
0x56b: {  	p0 =	slt.u32 s25, $0x69  }
.Ltmp7:
0x56c: {  	_ = 	snop;
	(pc) =	sbr.rel @p0 .LBB2_16-.Ltmp7, $3  }
0x56d: {  	_ =	sdelay $0x1  }
0x56e: {  	s24 =	sadd.s32 $0x7, s24;
	s23 =	sadd.s32 $0x380, s23;
	[tilespmem:v4+s15+$0x0] =	vst.idx.msk $0xffff, v2  }
0x56f: {  	s21 =	sadd.s32 $0x70, s21;
	s26 =	smov.u32 s25;
	[tilespmem:s22+$0x30] =	vst v3;
	s22 =	sadd.s32 $0x70, s22  }
0x570: {  	[hbm4b:s12+s16] =	stream.strided.scatter [tilespmem:s15], [sflag:$0x3], $0x7000, s17, s16, $0x38;
	[tilespmem:$0x19600] =	vst v63  }
0x571: {  	s2 =	sadd.s32 $0x1, s2  }
0x572: {  	_ =	swait.ge [sflag:s20], $0x7000;
	p0 =	sne.s32 s2, s13  }
.Ltmp8:
0x573: {  	[sflag:s20] =	ssyncset.done $0x0;
	(pc) =	sbr.rel @p0 .LBB2_1-.Ltmp8, $4  }
0x574: {  	[sflag:s20] =	ssyncadd.s32 $0xFFFF9000  }
0x575: {  	_ =	swait.ge [sflag:s19], $0x7000  }
0x576: {  	[sflag:s19] =	ssyncset.done $0x0  }
0x577: {  	[sflag:s19] =	ssyncadd.s32 $0xFFFF9000  }
0x578: {  	_ =	sfence.sel $0x180000  }
0x579: {  	[bflag:$0x0] =	sbarrier.arrive $0xFFFF  }
0x57a: {  	_ =	strace $0x90000047  }
0x57b: {  	s0 =	stileid.u32;
	[bflag:$0x2] =	sbarrier.arrive $0xFFFF  }
0x57c: {  	p0 =	sne.s32 s0, $0x0;
	s0 =	rddreg [dreg:$0x2]  }
0x57d: {  	s0 =	sadd.s32 @!p0 $0x100000, s0  }
0x57e: {  	[sflag:s0] =	ssyncadd.tile.s32 @!p0 $0x1;
	_ =	shalt  }
.Lfunc_end2:
_tile_overlayer_lowered:
.L_overlay_start_2:
0x57f: {  	(tag) =	ssettag $0x2  }
0x580: {  	s0 =	rddreg [dreg:$0x0];
	s2 =	stileid.u32  }
0x581: {  	s1 =	rddreg [dreg:$0x1];
	p0 =	sne.s32 s2, $0x0  }
0x582: {  	s3 =	rddreg [dreg:$0x2];
	[bflag:$0x3] =	sbarrier.arrive $0xFFFF;
	s2 =	simm.s32 @!p0 $0x1C05  }
0x583: {  	[timem:s3], [sflag:s2] =	dma.local @!p0 [hbm:s0], s1  }
0x584: {  	s0 =	simm.s32 @!p0 $0x5  }
0x585: {  	_ =	swait.ge @!p0 [sflag:s0], s1  }
0x586: {  	s1 =	ssub.s32 @!p0 $0x0, s1;
	[sflag:s0] =	ssyncset.done @!p0 $0x0  }
0x587: {  	[sflag:s0] =	ssyncadd.s32 @!p0 s1  }
0x588: {  	[bflag:$0x3] =	sbarrier.arrive $0xFFFF  }
0x589: {  	_ =	shalt  }

</sc_bundles>
